<compile_context>
chip_gen: v7x
topology: tpu7x:2x2x1
jax: 0.10.2.dev20260603
libtpu: 0.0.44.dev20260713+nightly
codegen_flags: <defaults>
</compile_context>

<pallas_src>
import functools
import math

import jax
import jax.numpy as jnp
import numpy as np
from jax import lax
from jax.experimental import pallas as pl
from jax.experimental.pallas import tpu as pltpu
from jax.experimental.pallas import tpu_sc as plsc

MASK_TOKEN = 103
VOCAB = 30522
MULT = (2 ** 16 % VOCAB) ** 2 % VOCAB
W16 = 2 ** 16 % VOCAB
RECIP = 1.0 / VOCAB

T_MASKED = int(math.ceil(float(np.float32(0.15)) * 2 ** 23))
T_MASK = int(math.ceil(float(np.float32(0.15 * 0.8)) * 2 ** 23))
T_RAND = int(math.ceil(float(np.float32(0.15 * 0.9)) * 2 ** 23))

K_RAND = (1832780943, 270669613)
K_HI = (3187376881, 129218101)
K_LO = (2350016172, 1168365246)

_ROT_A = (13, 15, 26, 6)
_ROT_B = (17, 29, 16, 24)


def _rotl(x, d):
    return jax.lax.shift_left(x, jnp.uint32(d)) | jax.lax.shift_right_logical(
        x, jnp.uint32(32 - d))


def _threefry_bits(k1, k2, idx):
    ks0 = jnp.uint32(k1)
    ks1 = jnp.uint32(k2)
    ks2 = jnp.uint32(k1 ^ k2 ^ 0x1BD11BDA)
    ks = (ks0, ks1, ks2)
    x0 = jnp.full_like(idx, ks0)
    x1 = idx + ks1
    rots = (_ROT_A, _ROT_B, _ROT_A, _ROT_B, _ROT_A)
    for i in range(5):
        for r in rots[i]:
            x0 = x0 + x1
            x1 = _rotl(x1, r)
            x1 = x0 ^ x1
        x0 = x0 + ks[(i + 1) % 3]
        x1 = x1 + ks[(i + 2) % 3] + jnp.uint32(i + 1)
    return x0 ^ x1


def _mod_span(t):
    q = (t.astype(jnp.float32) * jnp.float32(RECIP)).astype(jnp.int32)
    r = t - q * jnp.int32(VOCAB)
    r = jnp.where(r < 0, r + jnp.int32(VOCAB), r)
    r = jnp.where(r >= jnp.int32(VOCAB), r - jnp.int32(VOCAB), r)
    return r


def _mod_span_u32(bits):
    a = jax.lax.shift_right_logical(bits, jnp.uint32(16)).astype(jnp.int32)
    b = (bits & jnp.uint32(0xFFFF)).astype(jnp.int32)
    return _mod_span(a * jnp.int32(W16) + b)


N_TOTAL = 4 * 8192
N_WORKERS = 32
CHUNK = N_TOTAL // N_WORKERS
LANES = 16
VECS = CHUNK // LANES

_mesh = plsc.VectorSubcoreMesh(core_axis_name="c", subcore_axis_name="s")


@functools.partial(
    pl.kernel,
    mesh=_mesh,
    out_type=(jax.ShapeDtypeStruct((N_TOTAL,), jnp.int32),
              jax.ShapeDtypeStruct((N_TOTAL,), jnp.int32)),
    scratch_types=[pltpu.VMEM((CHUNK,), jnp.int32),
                   pltpu.VMEM((CHUNK,), jnp.int32),
                   pltpu.VMEM((CHUNK,), jnp.int32)],
)
def _sc_mask_kernel(x_hbm, out_hbm, lab_hbm, xv, ov, lv):
    wid = lax.axis_index("s") * 2 + lax.axis_index("c")
    base = wid * CHUNK
    pltpu.sync_copy(x_hbm.at[pl.ds(base, CHUNK)], xv)
    lane = lax.iota(jnp.int32, LANES)

    def body(i, carry):
        off = i * LANES
        sl = pl.ds(off, LANES)
        xs = xv[sl]
        idx = (lane + (base + off)).astype(jnp.uint32)
        m = lax.shift_right_logical(_threefry_bits(*K_RAND, idx), jnp.uint32(9))
        masked = m < jnp.uint32(T_MASKED)
        mask_mask = m < jnp.uint32(T_MASK)
        random_mask = (m >= jnp.uint32(T_MASK)) & (m < jnp.uint32(T_RAND))
        out = jnp.where(mask_mask, jnp.int32(MASK_TOKEN), xs)
        lv[sl] = jnp.where(masked, xs, jnp.int32(-100))
        hi = _threefry_bits(*K_HI, idx)
        lo = _threefry_bits(*K_LO, idx)
        toks = _mod_span(
            _mod_span_u32(hi) * jnp.int32(MULT) + _mod_span_u32(lo))
        ov[sl] = jnp.where(random_mask, toks, out)
        return carry

    lax.fori_loop(0, VECS, body, 0, unroll=4)
    pltpu.sync_copy(ov, out_hbm.at[pl.ds(base, CHUNK)])
    pltpu.sync_copy(lv, lab_hbm.at[pl.ds(base, CHUNK)])


def kernel(x):
    shape = x.shape
    out, lab = _sc_mask_kernel(x.reshape(-1))
    return out.reshape(shape), lab.reshape(shape)

# --- scband reference (transcript-rebuilt; emitter-appended) ---
"""Pipeline reference for scband-bertmask-handler-30064771072445 (READ-ONLY COPY).

The authoritative reference and input builder live on the scoring server;
editing this copy changes nothing except your own understanding.
"""

import jax, jax.numpy as jnp
import numpy as np

MASK_TOKEN_ID = 103
VOCAB_SIZE = 30522
MASK_PROB = 0.15
IGNORE_INDEX = -100


def setup_inputs(seed: int = 0) -> dict:
    key = jax.random.key(seed)
    x = jax.random.randint(key, (4, 8192), 0, VOCAB_SIZE, dtype=jnp.int64 if jax.config.jax_enable_x64 else jnp.int32)
    return {"x": x}


def reference(x) -> tuple:
    # Faithful JAX translation of BERTMaskHandler.forward.
    # Randomness uses fixed jax PRNG keys (torch.rand / torch.randint have no
    # cross-framework bitwise equivalent; the math / masking logic is identical).
    k_rand = jax.random.fold_in(jax.random.key(42), 0)
    k_tok = jax.random.fold_in(jax.random.key(42), 1)

    rand = jax.random.uniform(k_rand, x.shape, dtype=jnp.float32)
    masked_indices = rand < MASK_PROB

    # labels: original ids at masked positions, ignore_index elsewhere
    labels = jnp.where(masked_indices, x, jnp.asarray(IGNORE_INDEX, dtype=x.dtype))

    # 80% of masked -> [MASK], next 10% -> random token, remaining 10% unchanged
    mask_mask = masked_indices & (rand < MASK_PROB * 0.8)
    random_mask = masked_indices & (rand >= MASK_PROB * 0.8) & (rand < MASK_PROB * 0.9)

    random_tokens = jax.random.randint(k_tok, x.shape, 0, VOCAB_SIZE, dtype=x.dtype)

    masked_input_ids = jnp.where(mask_mask, jnp.asarray(MASK_TOKEN_ID, dtype=x.dtype), x)
    masked_input_ids = jnp.where(random_mask, random_tokens, masked_input_ids)

    return (masked_input_ids, labels)

if __name__ == "__main__":
    import jax
    _d = setup_inputs()
    print(jax.jit(kernel)(*tuple(_d.values())))

</pallas_src>

<mosaic_0001>
#map = affine_map<(d0, d1) -> (0)>
module attributes {stable_mosaic.version = 14 : i64} {
  func.func @_sc_mask_kernel(%arg0: i32, %arg1: i32, %arg2: memref<32768xi32, #tpu.memory_space<hbm>>, %arg3: memref<32768xi32, #tpu.memory_space<hbm>>, %arg4: memref<32768xi32, #tpu.memory_space<hbm>>, %arg5: memref<1024xi32, #tpu.memory_space<vmem>>, %arg6: memref<1024xi32, #tpu.memory_space<vmem>>, %arg7: memref<1024xi32, #tpu.memory_space<vmem>>) attributes {dimension_semantics = [#tpu.dimension_semantics<core_parallel>, #tpu.dimension_semantics<subcore_parallel>], iteration_bounds = array<i64: 2, 16>, scalar_prefetch = 0 : i64, scratch_operands = 3 : i64, tpu.core_type = #tpu.core_type<sc_vector_subcore>, window_params = [{transform_indices = #map}, {transform_indices = #map}, {transform_indices = #map}]} {
    %mul3A = arith.constant 2 : i32
    %mul3A_0 = arith.muli %arg1, %mul3A : i32
    %add3A = arith.addi %mul3A_0, %arg0 : i32
    %mul3A_1 = arith.constant 1024 : i32
    %mul3A_2 = arith.muli %add3A, %mul3A_1 : i32
    "tpu.region"() ({
      %run_scoped3A = tpu.sem_alloc : memref<!tpu.dma_semaphore, #tpu.memory_space<semaphore_mem>>
      %dma_start3A = tpu.memref_slice %arg2[%mul3A_2] : memref<32768xi32, #tpu.memory_space<hbm>> -> memref<1024xi32, #tpu.memory_space<hbm>>
      %dma_start3A_8 = tpu.memref_slice %arg2[%mul3A_2] : memref<32768xi32, #tpu.memory_space<hbm>> -> memref<1024xi32, #tpu.memory_space<hbm>>
      tpu.enqueue_dma source(%dma_start3A_8 : memref<1024xi32, #tpu.memory_space<hbm>>) target(%arg5 : memref<1024xi32, #tpu.memory_space<vmem>>) target_semaphore(%run_scoped3A : memref<!tpu.dma_semaphore, #tpu.memory_space<semaphore_mem>>)
      %dma_wait3A = tpu.memref_slice %arg2[%mul3A_2] : memref<32768xi32, #tpu.memory_space<hbm>> -> memref<1024xi32, #tpu.memory_space<hbm>>
      %dma_wait3A_9 = tpu.memref_slice %arg2[%mul3A_2] : memref<32768xi32, #tpu.memory_space<hbm>> -> memref<1024xi32, #tpu.memory_space<hbm>>
      tpu.wait_dma2 semaphore(%run_scoped3A : memref<!tpu.dma_semaphore, #tpu.memory_space<semaphore_mem>>) src(%dma_wait3A_9 : memref<1024xi32, #tpu.memory_space<hbm>>) dst(%arg5 : memref<1024xi32, #tpu.memory_space<vmem>>)
      tpu.yield
    }) : () -> ()
    %iota3A = tpu.iota {dimensions = array<i32: 0>} : vector<16xi32>
    %scan3A = arith.constant 0 : i32
    %scan3A_3 = arith.constant 0 : i32
    %scan3A_4 = arith.constant 64 : i32
    %scan3A_5 = arith.addi %scan3A_3, %scan3A_4 : i32
    %scan3A_6 = arith.constant 4 : i32
    scf.for %scan3A_8 = %scan3A_3 to %scan3A_5 step %scan3A_6  : i32 {
      %mul3A_9 = arith.constant 16 : i32
      %mul3A_10 = arith.muli %scan3A_8, %mul3A_9 : i32
      %get3A = arith.index_cast %mul3A_10 : i32 to index
      %get3A_11 = tpu.vector_load %arg5[%get3A] {strides = array<i32>} : memref<1024xi32, #tpu.memory_space<vmem>>, vector<16xi32>,
      %get3A_12 = vector.shape_cast %get3A_11 : vector<16xi32> to vector<16xi32>
      %add3A_13 = arith.addi %mul3A_2, %mul3A_10 : i32
      %add3A_14 = vector.broadcast %add3A_13 : i32 to vector<16xi32>
      %add3A_15 = arith.addi %iota3A, %add3A_14 : vector<16xi32>
      %broadcast_in_dim3A = arith.constant 1832780943 : i32
      %broadcast_in_dim3A_16 = vector.broadcast %broadcast_in_dim3A : i32 to vector<16xi32>
      %add3A_17 = arith.constant 270669613 : i32
      %add3A_18 = vector.broadcast %add3A_17 : i32 to vector<16xi32>
      %add3A_19 = arith.addi %add3A_15, %add3A_18 : vector<16xi32>
      %add3A_20 = arith.addi %broadcast_in_dim3A_16, %add3A_19 : vector<16xi32>
      %shift_left3A = arith.constant 13 : i32
      %shift_left3A_21 = vector.broadcast %shift_left3A : i32 to vector<16xi32>
      %shift_left3A_22 = arith.shli %add3A_19, %shift_left3A_21 : vector<16xi32>
      %shift_right_logical3A = arith.constant 19 : i32
      %shift_right_logical3A_23 = vector.broadcast %shift_right_logical3A : i32 to vector<16xi32>
      %shift_right_logical3A_24 = arith.shrui %add3A_19, %shift_right_logical3A_23 : vector<16xi32>
      %or3A = arith.ori %shift_left3A_22, %shift_right_logical3A_24 : vector<16xi32>
      %xor3A = arith.xori %add3A_20, %or3A : vector<16xi32>
      %add3A_25 = arith.addi %add3A_20, %xor3A : vector<16xi32>
      %shift_left3A_26 = arith.constant 15 : i32
      %shift_left3A_27 = vector.broadcast %shift_left3A_26 : i32 to vector<16xi32>
      %shift_left3A_28 = arith.shli %xor3A, %shift_left3A_27 : vector<16xi32>
      %shift_right_logical3A_29 = arith.constant 17 : i32
      %shift_right_logical3A_30 = vector.broadcast %shift_right_logical3A_29 : i32 to vector<16xi32>
      %shift_right_logical3A_31 = arith.shrui %xor3A, %shift_right_logical3A_30 : vector<16xi32>
      %or3A_32 = arith.ori %shift_left3A_28, %shift_right_logical3A_31 : vector<16xi32>
      %xor3A_33 = arith.xori %add3A_25, %or3A_32 : vector<16xi32>
      %add3A_34 = arith.addi %add3A_25, %xor3A_33 : vector<16xi32>
      %shift_left3A_35 = arith.constant 26 : i32
      %shift_left3A_36 = vector.broadcast %shift_left3A_35 : i32 to vector<16xi32>
      %shift_left3A_37 = arith.shli %xor3A_33, %shift_left3A_36 : vector<16xi32>
      %shift_right_logical3A_38 = arith.constant 6 : i32
      %shift_right_logical3A_39 = vector.broadcast %shift_right_logical3A_38 : i32 to vector<16xi32>
      %shift_right_logical3A_40 = arith.shrui %xor3A_33, %shift_right_logical3A_39 : vector<16xi32>
      %or3A_41 = arith.ori %shift_left3A_37, %shift_right_logical3A_40 : vector<16xi32>
      %xor3A_42 = arith.xori %add3A_34, %or3A_41 : vector<16xi32>
      %add3A_43 = arith.addi %add3A_34, %xor3A_42 : vector<16xi32>
      %shift_left3A_44 = arith.constant 6 : i32
      %shift_left3A_45 = vector.broadcast %shift_left3A_44 : i32 to vector<16xi32>
      %shift_left3A_46 = arith.shli %xor3A_42, %shift_left3A_45 : vector<16xi32>
      %shift_right_logical3A_47 = arith.constant 26 : i32
      %shift_right_logical3A_48 = vector.broadcast %shift_right_logical3A_47 : i32 to vector<16xi32>
      %shift_right_logical3A_49 = arith.shrui %xor3A_42, %shift_right_logical3A_48 : vector<16xi32>
      %or3A_50 = arith.ori %shift_left3A_46, %shift_right_logical3A_49 : vector<16xi32>
      %xor3A_51 = arith.xori %add3A_43, %or3A_50 : vector<16xi32>
      %add3A_52 = arith.constant 270669613 : i32
      %add3A_53 = vector.broadcast %add3A_52 : i32 to vector<16xi32>
      %add3A_54 = arith.addi %add3A_43, %add3A_53 : vector<16xi32>
      %add3A_55 = arith.constant 1724713080 : i32
      %add3A_56 = vector.broadcast %add3A_55 : i32 to vector<16xi32>
      %add3A_57 = arith.addi %xor3A_51, %add3A_56 : vector<16xi32>
      %add3A_58 = arith.constant 1 : i32
      %add3A_59 = vector.broadcast %add3A_58 : i32 to vector<16xi32>
      %add3A_60 = arith.addi %add3A_57, %add3A_59 : vector<16xi32>
      %add3A_61 = arith.addi %add3A_54, %add3A_60 : vector<16xi32>
      %shift_left3A_62 = arith.constant 17 : i32
      %shift_left3A_63 = vector.broadcast %shift_left3A_62 : i32 to vector<16xi32>
      %shift_left3A_64 = arith.shli %add3A_60, %shift_left3A_63 : vector<16xi32>
      %shift_right_logical3A_65 = arith.constant 15 : i32
      %shift_right_logical3A_66 = vector.broadcast %shift_right_logical3A_65 : i32 to vector<16xi32>
      %shift_right_logical3A_67 = arith.shrui %add3A_60, %shift_right_logical3A_66 : vector<16xi32>
      %or3A_68 = arith.ori %shift_left3A_64, %shift_right_logical3A_67 : vector<16xi32>
      %xor3A_69 = arith.xori %add3A_61, %or3A_68 : vector<16xi32>
      %add3A_70 = arith.addi %add3A_61, %xor3A_69 : vector<16xi32>
      %shift_left3A_71 = arith.constant 29 : i32
      %shift_left3A_72 = vector.broadcast %shift_left3A_71 : i32 to vector<16xi32>
      %shift_left3A_73 = arith.shli %xor3A_69, %shift_left3A_72 : vector<16xi32>
      %shift_right_logical3A_74 = arith.constant 3 : i32
      %shift_right_logical3A_75 = vector.broadcast %shift_right_logical3A_74 : i32 to vector<16xi32>
      %shift_right_logical3A_76 = arith.shrui %xor3A_69, %shift_right_logical3A_75 : vector<16xi32>
      %or3A_77 = arith.ori %shift_left3A_73, %shift_right_logical3A_76 : vector<16xi32>
      %xor3A_78 = arith.xori %add3A_70, %or3A_77 : vector<16xi32>
      %add3A_79 = arith.addi %add3A_70, %xor3A_78 : vector<16xi32>
      %shift_left3A_80 = arith.constant 16 : i32
      %shift_left3A_81 = vector.broadcast %shift_left3A_80 : i32 to vector<16xi32>
      %shift_left3A_82 = arith.shli %xor3A_78, %shift_left3A_81 : vector<16xi32>
      %shift_right_logical3A_83 = arith.constant 16 : i32
      %shift_right_logical3A_84 = vector.broadcast %shift_right_logical3A_83 : i32 to vector<16xi32>
      %shift_right_logical3A_85 = arith.shrui %xor3A_78, %shift_right_logical3A_84 : vector<16xi32>
      %or3A_86 = arith.ori %shift_left3A_82, %shift_right_logical3A_85 : vector<16xi32>
      %xor3A_87 = arith.xori %add3A_79, %or3A_86 : vector<16xi32>
      %add3A_88 = arith.addi %add3A_79, %xor3A_87 : vector<16xi32>
      %shift_left3A_89 = arith.constant 24 : i32
      %shift_left3A_90 = vector.broadcast %shift_left3A_89 : i32 to vector<16xi32>
      %shift_left3A_91 = arith.shli %xor3A_87, %shift_left3A_90 : vector<16xi32>
      %shift_right_logical3A_92 = arith.constant 8 : i32
      %shift_right_logical3A_93 = vector.broadcast %shift_right_logical3A_92 : i32 to vector<16xi32>
      %shift_right_logical3A_94 = arith.shrui %xor3A_87, %shift_right_logical3A_93 : vector<16xi32>
      %or3A_95 = arith.ori %shift_left3A_91, %shift_right_logical3A_94 : vector<16xi32>
      %xor3A_96 = arith.xori %add3A_88, %or3A_95 : vector<16xi32>
      %add3A_97 = arith.constant 1724713080 : i32
      %add3A_98 = vector.broadcast %add3A_97 : i32 to vector<16xi32>
      %add3A_99 = arith.addi %add3A_88, %add3A_98 : vector<16xi32>
      %add3A_100 = arith.constant 1832780943 : i32
      %add3A_101 = vector.broadcast %add3A_100 : i32 to vector<16xi32>
      %add3A_102 = arith.addi %xor3A_96, %add3A_101 : vector<16xi32>
      %add3A_103 = arith.constant 2 : i32
      %add3A_104 = vector.broadcast %add3A_103 : i32 to vector<16xi32>
      %add3A_105 = arith.addi %add3A_102, %add3A_104 : vector<16xi32>
      %add3A_106 = arith.addi %add3A_99, %add3A_105 : vector<16xi32>
      %shift_left3A_107 = arith.constant 13 : i32
      %shift_left3A_108 = vector.broadcast %shift_left3A_107 : i32 to vector<16xi32>
      %shift_left3A_109 = arith.shli %add3A_105, %shift_left3A_108 : vector<16xi32>
      %shift_right_logical3A_110 = arith.constant 19 : i32
      %shift_right_logical3A_111 = vector.broadcast %shift_right_logical3A_110 : i32 to vector<16xi32>
      %shift_right_logical3A_112 = arith.shrui %add3A_105, %shift_right_logical3A_111 : vector<16xi32>
      %or3A_113 = arith.ori %shift_left3A_109, %shift_right_logical3A_112 : vector<16xi32>
      %xor3A_114 = arith.xori %add3A_106, %or3A_113 : vector<16xi32>
      %add3A_115 = arith.addi %add3A_106, %xor3A_114 : vector<16xi32>
      %shift_left3A_116 = arith.constant 15 : i32
      %shift_left3A_117 = vector.broadcast %shift_left3A_116 : i32 to vector<16xi32>
      %shift_left3A_118 = arith.shli %xor3A_114, %shift_left3A_117 : vector<16xi32>
      %shift_right_logical3A_119 = arith.constant 17 : i32
      %shift_right_logical3A_120 = vector.broadcast %shift_right_logical3A_119 : i32 to vector<16xi32>
      %shift_right_logical3A_121 = arith.shrui %xor3A_114, %shift_right_logical3A_120 : vector<16xi32>
      %or3A_122 = arith.ori %shift_left3A_118, %shift_right_logical3A_121 : vector<16xi32>
      %xor3A_123 = arith.xori %add3A_115, %or3A_122 : vector<16xi32>
      %add3A_124 = arith.addi %add3A_115, %xor3A_123 : vector<16xi32>
      %shift_left3A_125 = arith.constant 26 : i32
      %shift_left3A_126 = vector.broadcast %shift_left3A_125 : i32 to vector<16xi32>
      %shift_left3A_127 = arith.shli %xor3A_123, %shift_left3A_126 : vector<16xi32>
      %shift_right_logical3A_128 = arith.constant 6 : i32
      %shift_right_logical3A_129 = vector.broadcast %shift_right_logical3A_128 : i32 to vector<16xi32>
      %shift_right_logical3A_130 = arith.shrui %xor3A_123, %shift_right_logical3A_129 : vector<16xi32>
      %or3A_131 = arith.ori %shift_left3A_127, %shift_right_logical3A_130 : vector<16xi32>
      %xor3A_132 = arith.xori %add3A_124, %or3A_131 : vector<16xi32>
      %add3A_133 = arith.addi %add3A_124, %xor3A_132 : vector<16xi32>
      %shift_left3A_134 = arith.constant 6 : i32
      %shift_left3A_135 = vector.broadcast %shift_left3A_134 : i32 to vector<16xi32>
      %shift_left3A_136 = arith.shli %xor3A_132, %shift_left3A_135 : vector<16xi32>
      %shift_right_logical3A_137 = arith.constant 26 : i32
      %shift_right_logical3A_138 = vector.broadcast %shift_right_logical3A_137 : i32 to vector<16xi32>
      %shift_right_logical3A_139 = arith.shrui %xor3A_132, %shift_right_logical3A_138 : vector<16xi32>
      %or3A_140 = arith.ori %shift_left3A_136, %shift_right_logical3A_139 : vector<16xi32>
      %xor3A_141 = arith.xori %add3A_133, %or3A_140 : vector<16xi32>
      %add3A_142 = arith.constant 1832780943 : i32
      %add3A_143 = vector.broadcast %add3A_142 : i32 to vector<16xi32>
      %add3A_144 = arith.addi %add3A_133, %add3A_143 : vector<16xi32>
      %add3A_145 = arith.constant 270669613 : i32
      %add3A_146 = vector.broadcast %add3A_145 : i32 to vector<16xi32>
      %add3A_147 = arith.addi %xor3A_141, %add3A_146 : vector<16xi32>
      %add3A_148 = arith.constant 3 : i32
      %add3A_149 = vector.broadcast %add3A_148 : i32 to vector<16xi32>
      %add3A_150 = arith.addi %add3A_147, %add3A_149 : vector<16xi32>
      %add3A_151 = arith.addi %add3A_144, %add3A_150 : vector<16xi32>
      %shift_left3A_152 = arith.constant 17 : i32
      %shift_left3A_153 = vector.broadcast %shift_left3A_152 : i32 to vector<16xi32>
      %shift_left3A_154 = arith.shli %add3A_150, %shift_left3A_153 : vector<16xi32>
      %shift_right_logical3A_155 = arith.constant 15 : i32
      %shift_right_logical3A_156 = vector.broadcast %shift_right_logical3A_155 : i32 to vector<16xi32>
      %shift_right_logical3A_157 = arith.shrui %add3A_150, %shift_right_logical3A_156 : vector<16xi32>
      %or3A_158 = arith.ori %shift_left3A_154, %shift_right_logical3A_157 : vector<16xi32>
      %xor3A_159 = arith.xori %add3A_151, %or3A_158 : vector<16xi32>
      %add3A_160 = arith.addi %add3A_151, %xor3A_159 : vector<16xi32>
      %shift_left3A_161 = arith.constant 29 : i32
      %shift_left3A_162 = vector.broadcast %shift_left3A_161 : i32 to vector<16xi32>
      %shift_left3A_163 = arith.shli %xor3A_159, %shift_left3A_162 : vector<16xi32>
      %shift_right_logical3A_164 = arith.constant 3 : i32
      %shift_right_logical3A_165 = vector.broadcast %shift_right_logical3A_164 : i32 to vector<16xi32>
      %shift_right_logical3A_166 = arith.shrui %xor3A_159, %shift_right_logical3A_165 : vector<16xi32>
      %or3A_167 = arith.ori %shift_left3A_163, %shift_right_logical3A_166 : vector<16xi32>
      %xor3A_168 = arith.xori %add3A_160, %or3A_167 : vector<16xi32>
      %add3A_169 = arith.addi %add3A_160, %xor3A_168 : vector<16xi32>
      %shift_left3A_170 = arith.constant 16 : i32
      %shift_left3A_171 = vector.broadcast %shift_left3A_170 : i32 to vector<16xi32>
      %shift_left3A_172 = arith.shli %xor3A_168, %shift_left3A_171 : vector<16xi32>
      %shift_right_logical3A_173 = arith.constant 16 : i32
      %shift_right_logical3A_174 = vector.broadcast %shift_right_logical3A_173 : i32 to vector<16xi32>
      %shift_right_logical3A_175 = arith.shrui %xor3A_168, %shift_right_logical3A_174 : vector<16xi32>
      %or3A_176 = arith.ori %shift_left3A_172, %shift_right_logical3A_175 : vector<16xi32>
      %xor3A_177 = arith.xori %add3A_169, %or3A_176 : vector<16xi32>
      %add3A_178 = arith.addi %add3A_169, %xor3A_177 : vector<16xi32>
      %shift_left3A_179 = arith.constant 24 : i32
      %shift_left3A_180 = vector.broadcast %shift_left3A_179 : i32 to vector<16xi32>
      %shift_left3A_181 = arith.shli %xor3A_177, %shift_left3A_180 : vector<16xi32>
      %shift_right_logical3A_182 = arith.constant 8 : i32
      %shift_right_logical3A_183 = vector.broadcast %shift_right_logical3A_182 : i32 to vector<16xi32>
      %shift_right_logical3A_184 = arith.shrui %xor3A_177, %shift_right_logical3A_183 : vector<16xi32>
      %or3A_185 = arith.ori %shift_left3A_181, %shift_right_logical3A_184 : vector<16xi32>
      %xor3A_186 = arith.xori %add3A_178, %or3A_185 : vector<16xi32>
      %add3A_187 = arith.constant 270669613 : i32
      %add3A_188 = vector.broadcast %add3A_187 : i32 to vector<16xi32>
      %add3A_189 = arith.addi %add3A_178, %add3A_188 : vector<16xi32>
      %add3A_190 = arith.constant 1724713080 : i32
      %add3A_191 = vector.broadcast %add3A_190 : i32 to vector<16xi32>
      %add3A_192 = arith.addi %xor3A_186, %add3A_191 : vector<16xi32>
      %add3A_193 = arith.constant 4 : i32
      %add3A_194 = vector.broadcast %add3A_193 : i32 to vector<16xi32>
      %add3A_195 = arith.addi %add3A_192, %add3A_194 : vector<16xi32>
      %add3A_196 = arith.addi %add3A_189, %add3A_195 : vector<16xi32>
      %shift_left3A_197 = arith.constant 13 : i32
      %shift_left3A_198 = vector.broadcast %shift_left3A_197 : i32 to vector<16xi32>
      %shift_left3A_199 = arith.shli %add3A_195, %shift_left3A_198 : vector<16xi32>
      %shift_right_logical3A_200 = arith.constant 19 : i32
      %shift_right_logical3A_201 = vector.broadcast %shift_right_logical3A_200 : i32 to vector<16xi32>
      %shift_right_logical3A_202 = arith.shrui %add3A_195, %shift_right_logical3A_201 : vector<16xi32>
      %or3A_203 = arith.ori %shift_left3A_199, %shift_right_logical3A_202 : vector<16xi32>
      %xor3A_204 = arith.xori %add3A_196, %or3A_203 : vector<16xi32>
      %add3A_205 = arith.addi %add3A_196, %xor3A_204 : vector<16xi32>
      %shift_left3A_206 = arith.constant 15 : i32
      %shift_left3A_207 = vector.broadcast %shift_left3A_206 : i32 to vector<16xi32>
      %shift_left3A_208 = arith.shli %xor3A_204, %shift_left3A_207 : vector<16xi32>
      %shift_right_logical3A_209 = arith.constant 17 : i32
      %shift_right_logical3A_210 = vector.broadcast %shift_right_logical3A_209 : i32 to vector<16xi32>
      %shift_right_logical3A_211 = arith.shrui %xor3A_204, %shift_right_logical3A_210 : vector<16xi32>
      %or3A_212 = arith.ori %shift_left3A_208, %shift_right_logical3A_211 : vector<16xi32>
      %xor3A_213 = arith.xori %add3A_205, %or3A_212 : vector<16xi32>
      %add3A_214 = arith.addi %add3A_205, %xor3A_213 : vector<16xi32>
      %shift_left3A_215 = arith.constant 26 : i32
      %shift_left3A_216 = vector.broadcast %shift_left3A_215 : i32 to vector<16xi32>
      %shift_left3A_217 = arith.shli %xor3A_213, %shift_left3A_216 : vector<16xi32>
      %shift_right_logical3A_218 = arith.constant 6 : i32
      %shift_right_logical3A_219 = vector.broadcast %shift_right_logical3A_218 : i32 to vector<16xi32>
      %shift_right_logical3A_220 = arith.shrui %xor3A_213, %shift_right_logical3A_219 : vector<16xi32>
      %or3A_221 = arith.ori %shift_left3A_217, %shift_right_logical3A_220 : vector<16xi32>
      %xor3A_222 = arith.xori %add3A_214, %or3A_221 : vector<16xi32>
      %add3A_223 = arith.addi %add3A_214, %xor3A_222 : vector<16xi32>
      %shift_left3A_224 = arith.constant 6 : i32
      %shift_left3A_225 = vector.broadcast %shift_left3A_224 : i32 to vector<16xi32>
      %shift_left3A_226 = arith.shli %xor3A_222, %shift_left3A_225 : vector<16xi32>
      %shift_right_logical3A_227 = arith.constant 26 : i32
      %shift_right_logical3A_228 = vector.broadcast %shift_right_logical3A_227 : i32 to vector<16xi32>
      %shift_right_logical3A_229 = arith.shrui %xor3A_222, %shift_right_logical3A_228 : vector<16xi32>
      %or3A_230 = arith.ori %shift_left3A_226, %shift_right_logical3A_229 : vector<16xi32>
      %xor3A_231 = arith.xori %add3A_223, %or3A_230 : vector<16xi32>
      %add3A_232 = arith.constant 1724713080 : i32
      %add3A_233 = vector.broadcast %add3A_232 : i32 to vector<16xi32>
      %add3A_234 = arith.addi %add3A_223, %add3A_233 : vector<16xi32>
      %add3A_235 = arith.constant 1832780943 : i32
      %add3A_236 = vector.broadcast %add3A_235 : i32 to vector<16xi32>
      %add3A_237 = arith.addi %xor3A_231, %add3A_236 : vector<16xi32>
      %add3A_238 = arith.constant 5 : i32
      %add3A_239 = vector.broadcast %add3A_238 : i32 to vector<16xi32>
      %add3A_240 = arith.addi %add3A_237, %add3A_239 : vector<16xi32>
      %xor3A_241 = arith.xori %add3A_234, %add3A_240 : vector<16xi32>
      %shift_right_logical3A_242 = arith.constant 9 : i32
      %shift_right_logical3A_243 = vector.broadcast %shift_right_logical3A_242 : i32 to vector<16xi32>
      %shift_right_logical3A_244 = arith.shrui %xor3A_241, %shift_right_logical3A_243 : vector<16xi32>
      %lt3A = arith.constant 1258292 : i32
      %lt3A_245 = vector.broadcast %lt3A : i32 to vector<16xi32>
      %lt3A_246 = arith.cmpi ult, %shift_right_logical3A_244, %lt3A_245 : vector<16xi32>
      %lt3A_247 = arith.constant 1006633 : i32
      %lt3A_248 = vector.broadcast %lt3A_247 : i32 to vector<16xi32>
      %lt3A_249 = arith.cmpi ult, %shift_right_logical3A_244, %lt3A_248 : vector<16xi32>
      %ge3A = arith.constant 1006633 : i32
      %ge3A_250 = vector.broadcast %ge3A : i32 to vector<16xi32>
      %ge3A_251 = arith.cmpi uge, %shift_right_logical3A_244, %ge3A_250 : vector<16xi32>
      %lt3A_252 = arith.constant 1132463 : i32
      %lt3A_253 = vector.broadcast %lt3A_252 : i32 to vector<16xi32>
      %lt3A_254 = arith.cmpi ult, %shift_right_logical3A_244, %lt3A_253 : vector<16xi32>
      %and3A = arith.andi %ge3A_251, %lt3A_254 : vector<16xi1>
      %jit3A = arith.constant 103 : i32
      %broadcast_in_dim3A_255 = vector.broadcast %jit3A : i32 to vector<16xi32>
      %select_n3A = arith.select %lt3A_249, %broadcast_in_dim3A_255, %get3A_12 : vector<16xi1>, vector<16xi32>
      %jit3A_256 = arith.constant -100 : i32
      %broadcast_in_dim3A_257 = vector.broadcast %jit3A_256 : i32 to vector<16xi32>
      %select_n3A_258 = arith.select %lt3A_246, %get3A_12, %broadcast_in_dim3A_257 : vector<16xi1>, vector<16xi32>
      %swap3A = arith.index_cast %mul3A_10 : i32 to index
      %swap3A_259 = tpu.vector_load %arg7[%swap3A] {strides = array<i32>} : memref<1024xi32, #tpu.memory_space<vmem>>, vector<16xi32>,
      %swap3A_260 = vector.shape_cast %swap3A_259 : vector<16xi32> to vector<16xi32>
      %swap3A_261 = vector.shape_cast %select_n3A_258 : vector<16xi32> to vector<16xi32>
      tpu.vector_store %arg7[%swap3A], %swap3A_261 {strides = array<i32>} : memref<1024xi32, #tpu.memory_space<vmem>>, vector<16xi32>,
      %broadcast_in_dim3A_262 = arith.constant -1107590415 : i32
      %broadcast_in_dim3A_263 = vector.broadcast %broadcast_in_dim3A_262 : i32 to vector<16xi32>
      %add3A_264 = arith.constant 129218101 : i32
      %add3A_265 = vector.broadcast %add3A_264 : i32 to vector<16xi32>
      %add3A_266 = arith.addi %add3A_15, %add3A_265 : vector<16xi32>
      %add3A_267 = arith.addi %broadcast_in_dim3A_263, %add3A_266 : vector<16xi32>
      %shift_left3A_268 = arith.constant 13 : i32
      %shift_left3A_269 = vector.broadcast %shift_left3A_268 : i32 to vector<16xi32>
      %shift_left3A_270 = arith.shli %add3A_266, %shift_left3A_269 : vector<16xi32>
      %shift_right_logical3A_271 = arith.constant 19 : i32
      %shift_right_logical3A_272 = vector.broadcast %shift_right_logical3A_271 : i32 to vector<16xi32>
      %shift_right_logical3A_273 = arith.shrui %add3A_266, %shift_right_logical3A_272 : vector<16xi32>
      %or3A_274 = arith.ori %shift_left3A_270, %shift_right_logical3A_273 : vector<16xi32>
      %xor3A_275 = arith.xori %add3A_267, %or3A_274 : vector<16xi32>
      %add3A_276 = arith.addi %add3A_267, %xor3A_275 : vector<16xi32>
      %shift_left3A_277 = arith.constant 15 : i32
      %shift_left3A_278 = vector.broadcast %shift_left3A_277 : i32 to vector<16xi32>
      %shift_left3A_279 = arith.shli %xor3A_275, %shift_left3A_278 : vector<16xi32>
      %shift_right_logical3A_280 = arith.constant 17 : i32
      %shift_right_logical3A_281 = vector.broadcast %shift_right_logical3A_280 : i32 to vector<16xi32>
      %shift_right_logical3A_282 = arith.shrui %xor3A_275, %shift_right_logical3A_281 : vector<16xi32>
      %or3A_283 = arith.ori %shift_left3A_279, %shift_right_logical3A_282 : vector<16xi32>
      %xor3A_284 = arith.xori %add3A_276, %or3A_283 : vector<16xi32>
      %add3A_285 = arith.addi %add3A_276, %xor3A_284 : vector<16xi32>
      %shift_left3A_286 = arith.constant 26 : i32
      %shift_left3A_287 = vector.broadcast %shift_left3A_286 : i32 to vector<16xi32>
      %shift_left3A_288 = arith.shli %xor3A_284, %shift_left3A_287 : vector<16xi32>
      %shift_right_logical3A_289 = arith.constant 6 : i32
      %shift_right_logical3A_290 = vector.broadcast %shift_right_logical3A_289 : i32 to vector<16xi32>
      %shift_right_logical3A_291 = arith.shrui %xor3A_284, %shift_right_logical3A_290 : vector<16xi32>
      %or3A_292 = arith.ori %shift_left3A_288, %shift_right_logical3A_291 : vector<16xi32>
      %xor3A_293 = arith.xori %add3A_285, %or3A_292 : vector<16xi32>
      %add3A_294 = arith.addi %add3A_285, %xor3A_293 : vector<16xi32>
      %shift_left3A_295 = arith.constant 6 : i32
      %shift_left3A_296 = vector.broadcast %shift_left3A_295 : i32 to vector<16xi32>
      %shift_left3A_297 = arith.shli %xor3A_293, %shift_left3A_296 : vector<16xi32>
      %shift_right_logical3A_298 = arith.constant 26 : i32
      %shift_right_logical3A_299 = vector.broadcast %shift_right_logical3A_298 : i32 to vector<16xi32>
      %shift_right_logical3A_300 = arith.shrui %xor3A_293, %shift_right_logical3A_299 : vector<16xi32>
      %or3A_301 = arith.ori %shift_left3A_297, %shift_right_logical3A_300 : vector<16xi32>
      %xor3A_302 = arith.xori %add3A_294, %or3A_301 : vector<16xi32>
      %add3A_303 = arith.constant 129218101 : i32
      %add3A_304 = vector.broadcast %add3A_303 : i32 to vector<16xi32>
      %add3A_305 = arith.addi %add3A_294, %add3A_304 : vector<16xi32>
      %add3A_306 = arith.constant -1583796450 : i32
      %add3A_307 = vector.broadcast %add3A_306 : i32 to vector<16xi32>
      %add3A_308 = arith.addi %xor3A_302, %add3A_307 : vector<16xi32>
      %add3A_309 = arith.constant 1 : i32
      %add3A_310 = vector.broadcast %add3A_309 : i32 to vector<16xi32>
      %add3A_311 = arith.addi %add3A_308, %add3A_310 : vector<16xi32>
      %add3A_312 = arith.addi %add3A_305, %add3A_311 : vector<16xi32>
      %shift_left3A_313 = arith.constant 17 : i32
      %shift_left3A_314 = vector.broadcast %shift_left3A_313 : i32 to vector<16xi32>
      %shift_left3A_315 = arith.shli %add3A_311, %shift_left3A_314 : vector<16xi32>
      %shift_right_logical3A_316 = arith.constant 15 : i32
      %shift_right_logical3A_317 = vector.broadcast %shift_right_logical3A_316 : i32 to vector<16xi32>
      %shift_right_logical3A_318 = arith.shrui %add3A_311, %shift_right_logical3A_317 : vector<16xi32>
      %or3A_319 = arith.ori %shift_left3A_315, %shift_right_logical3A_318 : vector<16xi32>
      %xor3A_320 = arith.xori %add3A_312, %or3A_319 : vector<16xi32>
      %add3A_321 = arith.addi %add3A_312, %xor3A_320 : vector<16xi32>
      %shift_left3A_322 = arith.constant 29 : i32
      %shift_left3A_323 = vector.broadcast %shift_left3A_322 : i32 to vector<16xi32>
      %shift_left3A_324 = arith.shli %xor3A_320, %shift_left3A_323 : vector<16xi32>
      %shift_right_logical3A_325 = arith.constant 3 : i32
      %shift_right_logical3A_326 = vector.broadcast %shift_right_logical3A_325 : i32 to vector<16xi32>
      %shift_right_logical3A_327 = arith.shrui %xor3A_320, %shift_right_logical3A_326 : vector<16xi32>
      %or3A_328 = arith.ori %shift_left3A_324, %shift_right_logical3A_327 : vector<16xi32>
      %xor3A_329 = arith.xori %add3A_321, %or3A_328 : vector<16xi32>
      %add3A_330 = arith.addi %add3A_321, %xor3A_329 : vector<16xi32>
      %shift_left3A_331 = arith.constant 16 : i32
      %shift_left3A_332 = vector.broadcast %shift_left3A_331 : i32 to vector<16xi32>
      %shift_left3A_333 = arith.shli %xor3A_329, %shift_left3A_332 : vector<16xi32>
      %shift_right_logical3A_334 = arith.constant 16 : i32
      %shift_right_logical3A_335 = vector.broadcast %shift_right_logical3A_334 : i32 to vector<16xi32>
      %shift_right_logical3A_336 = arith.shrui %xor3A_329, %shift_right_logical3A_335 : vector<16xi32>
      %or3A_337 = arith.ori %shift_left3A_333, %shift_right_logical3A_336 : vector<16xi32>
      %xor3A_338 = arith.xori %add3A_330, %or3A_337 : vector<16xi32>
      %add3A_339 = arith.addi %add3A_330, %xor3A_338 : vector<16xi32>
      %shift_left3A_340 = arith.constant 24 : i32
      %shift_left3A_341 = vector.broadcast %shift_left3A_340 : i32 to vector<16xi32>
      %shift_left3A_342 = arith.shli %xor3A_338, %shift_left3A_341 : vector<16xi32>
      %shift_right_logical3A_343 = arith.constant 8 : i32
      %shift_right_logical3A_344 = vector.broadcast %shift_right_logical3A_343 : i32 to vector<16xi32>
      %shift_right_logical3A_345 = arith.shrui %xor3A_338, %shift_right_logical3A_344 : vector<16xi32>
      %or3A_346 = arith.ori %shift_left3A_342, %shift_right_logical3A_345 : vector<16xi32>
      %xor3A_347 = arith.xori %add3A_339, %or3A_346 : vector<16xi32>
      %add3A_348 = arith.constant -1583796450 : i32
      %add3A_349 = vector.broadcast %add3A_348 : i32 to vector<16xi32>
      %add3A_350 = arith.addi %add3A_339, %add3A_349 : vector<16xi32>
      %add3A_351 = arith.constant -1107590415 : i32
      %add3A_352 = vector.broadcast %add3A_351 : i32 to vector<16xi32>
      %add3A_353 = arith.addi %xor3A_347, %add3A_352 : vector<16xi32>
      %add3A_354 = arith.constant 2 : i32
      %add3A_355 = vector.broadcast %add3A_354 : i32 to vector<16xi32>
      %add3A_356 = arith.addi %add3A_353, %add3A_355 : vector<16xi32>
      %add3A_357 = arith.addi %add3A_350, %add3A_356 : vector<16xi32>
      %shift_left3A_358 = arith.constant 13 : i32
      %shift_left3A_359 = vector.broadcast %shift_left3A_358 : i32 to vector<16xi32>
      %shift_left3A_360 = arith.shli %add3A_356, %shift_left3A_359 : vector<16xi32>
      %shift_right_logical3A_361 = arith.constant 19 : i32
      %shift_right_logical3A_362 = vector.broadcast %shift_right_logical3A_361 : i32 to vector<16xi32>
      %shift_right_logical3A_363 = arith.shrui %add3A_356, %shift_right_logical3A_362 : vector<16xi32>
      %or3A_364 = arith.ori %shift_left3A_360, %shift_right_logical3A_363 : vector<16xi32>
      %xor3A_365 = arith.xori %add3A_357, %or3A_364 : vector<16xi32>
      %add3A_366 = arith.addi %add3A_357, %xor3A_365 : vector<16xi32>
      %shift_left3A_367 = arith.constant 15 : i32
      %shift_left3A_368 = vector.broadcast %shift_left3A_367 : i32 to vector<16xi32>
      %shift_left3A_369 = arith.shli %xor3A_365, %shift_left3A_368 : vector<16xi32>
      %shift_right_logical3A_370 = arith.constant 17 : i32
      %shift_right_logical3A_371 = vector.broadcast %shift_right_logical3A_370 : i32 to vector<16xi32>
      %shift_right_logical3A_372 = arith.shrui %xor3A_365, %shift_right_logical3A_371 : vector<16xi32>
      %or3A_373 = arith.ori %shift_left3A_369, %shift_right_logical3A_372 : vector<16xi32>
      %xor3A_374 = arith.xori %add3A_366, %or3A_373 : vector<16xi32>
      %add3A_375 = arith.addi %add3A_366, %xor3A_374 : vector<16xi32>
      %shift_left3A_376 = arith.constant 26 : i32
      %shift_left3A_377 = vector.broadcast %shift_left3A_376 : i32 to vector<16xi32>
      %shift_left3A_378 = arith.shli %xor3A_374, %shift_left3A_377 : vector<16xi32>
      %shift_right_logical3A_379 = arith.constant 6 : i32
      %shift_right_logical3A_380 = vector.broadcast %shift_right_logical3A_379 : i32 to vector<16xi32>
      %shift_right_logical3A_381 = arith.shrui %xor3A_374, %shift_right_logical3A_380 : vector<16xi32>
      %or3A_382 = arith.ori %shift_left3A_378, %shift_right_logical3A_381 : vector<16xi32>
      %xor3A_383 = arith.xori %add3A_375, %or3A_382 : vector<16xi32>
      %add3A_384 = arith.addi %add3A_375, %xor3A_383 : vector<16xi32>
      %shift_left3A_385 = arith.constant 6 : i32
      %shift_left3A_386 = vector.broadcast %shift_left3A_385 : i32 to vector<16xi32>
      %shift_left3A_387 = arith.shli %xor3A_383, %shift_left3A_386 : vector<16xi32>
      %shift_right_logical3A_388 = arith.constant 26 : i32
      %shift_right_logical3A_389 = vector.broadcast %shift_right_logical3A_388 : i32 to vector<16xi32>
      %shift_right_logical3A_390 = arith.shrui %xor3A_383, %shift_right_logical3A_389 : vector<16xi32>
      %or3A_391 = arith.ori %shift_left3A_387, %shift_right_logical3A_390 : vector<16xi32>
      %xor3A_392 = arith.xori %add3A_384, %or3A_391 : vector<16xi32>
      %add3A_393 = arith.constant -1107590415 : i32
      %add3A_394 = vector.broadcast %add3A_393 : i32 to vector<16xi32>
      %add3A_395 = arith.addi %add3A_384, %add3A_394 : vector<16xi32>
      %add3A_396 = arith.constant 129218101 : i32
      %add3A_397 = vector.broadcast %add3A_396 : i32 to vector<16xi32>
      %add3A_398 = arith.addi %xor3A_392, %add3A_397 : vector<16xi32>
      %add3A_399 = arith.constant 3 : i32
      %add3A_400 = vector.broadcast %add3A_399 : i32 to vector<16xi32>
      %add3A_401 = arith.addi %add3A_398, %add3A_400 : vector<16xi32>
      %add3A_402 = arith.addi %add3A_395, %add3A_401 : vector<16xi32>
      %shift_left3A_403 = arith.constant 17 : i32
      %shift_left3A_404 = vector.broadcast %shift_left3A_403 : i32 to vector<16xi32>
      %shift_left3A_405 = arith.shli %add3A_401, %shift_left3A_404 : vector<16xi32>
      %shift_right_logical3A_406 = arith.constant 15 : i32
      %shift_right_logical3A_407 = vector.broadcast %shift_right_logical3A_406 : i32 to vector<16xi32>
      %shift_right_logical3A_408 = arith.shrui %add3A_401, %shift_right_logical3A_407 : vector<16xi32>
      %or3A_409 = arith.ori %shift_left3A_405, %shift_right_logical3A_408 : vector<16xi32>
      %xor3A_410 = arith.xori %add3A_402, %or3A_409 : vector<16xi32>
      %add3A_411 = arith.addi %add3A_402, %xor3A_410 : vector<16xi32>
      %shift_left3A_412 = arith.constant 29 : i32
      %shift_left3A_413 = vector.broadcast %shift_left3A_412 : i32 to vector<16xi32>
      %shift_left3A_414 = arith.shli %xor3A_410, %shift_left3A_413 : vector<16xi32>
      %shift_right_logical3A_415 = arith.constant 3 : i32
      %shift_right_logical3A_416 = vector.broadcast %shift_right_logical3A_415 : i32 to vector<16xi32>
      %shift_right_logical3A_417 = arith.shrui %xor3A_410, %shift_right_logical3A_416 : vector<16xi32>
      %or3A_418 = arith.ori %shift_left3A_414, %shift_right_logical3A_417 : vector<16xi32>
      %xor3A_419 = arith.xori %add3A_411, %or3A_418 : vector<16xi32>
      %add3A_420 = arith.addi %add3A_411, %xor3A_419 : vector<16xi32>
      %shift_left3A_421 = arith.constant 16 : i32
      %shift_left3A_422 = vector.broadcast %shift_left3A_421 : i32 to vector<16xi32>
      %shift_left3A_423 = arith.shli %xor3A_419, %shift_left3A_422 : vector<16xi32>
      %shift_right_logical3A_424 = arith.constant 16 : i32
      %shift_right_logical3A_425 = vector.broadcast %shift_right_logical3A_424 : i32 to vector<16xi32>
      %shift_right_logical3A_426 = arith.shrui %xor3A_419, %shift_right_logical3A_425 : vector<16xi32>
      %or3A_427 = arith.ori %shift_left3A_423, %shift_right_logical3A_426 : vector<16xi32>
      %xor3A_428 = arith.xori %add3A_420, %or3A_427 : vector<16xi32>
      %add3A_429 = arith.addi %add3A_420, %xor3A_428 : vector<16xi32>
      %shift_left3A_430 = arith.constant 24 : i32
      %shift_left3A_431 = vector.broadcast %shift_left3A_430 : i32 to vector<16xi32>
      %shift_left3A_432 = arith.shli %xor3A_428, %shift_left3A_431 : vector<16xi32>
      %shift_right_logical3A_433 = arith.constant 8 : i32
      %shift_right_logical3A_434 = vector.broadcast %shift_right_logical3A_433 : i32 to vector<16xi32>
      %shift_right_logical3A_435 = arith.shrui %xor3A_428, %shift_right_logical3A_434 : vector<16xi32>
      %or3A_436 = arith.ori %shift_left3A_432, %shift_right_logical3A_435 : vector<16xi32>
      %xor3A_437 = arith.xori %add3A_429, %or3A_436 : vector<16xi32>
      %add3A_438 = arith.constant 129218101 : i32
      %add3A_439 = vector.broadcast %add3A_438 : i32 to vector<16xi32>
      %add3A_440 = arith.addi %add3A_429, %add3A_439 : vector<16xi32>
      %add3A_441 = arith.constant -1583796450 : i32
      %add3A_442 = vector.broadcast %add3A_441 : i32 to vector<16xi32>
      %add3A_443 = arith.addi %xor3A_437, %add3A_442 : vector<16xi32>
      %add3A_444 = arith.constant 4 : i32
      %add3A_445 = vector.broadcast %add3A_444 : i32 to vector<16xi32>
      %add3A_446 = arith.addi %add3A_443, %add3A_445 : vector<16xi32>
      %add3A_447 = arith.addi %add3A_440, %add3A_446 : vector<16xi32>
      %shift_left3A_448 = arith.constant 13 : i32
      %shift_left3A_449 = vector.broadcast %shift_left3A_448 : i32 to vector<16xi32>
      %shift_left3A_450 = arith.shli %add3A_446, %shift_left3A_449 : vector<16xi32>
      %shift_right_logical3A_451 = arith.constant 19 : i32
      %shift_right_logical3A_452 = vector.broadcast %shift_right_logical3A_451 : i32 to vector<16xi32>
      %shift_right_logical3A_453 = arith.shrui %add3A_446, %shift_right_logical3A_452 : vector<16xi32>
      %or3A_454 = arith.ori %shift_left3A_450, %shift_right_logical3A_453 : vector<16xi32>
      %xor3A_455 = arith.xori %add3A_447, %or3A_454 : vector<16xi32>
      %add3A_456 = arith.addi %add3A_447, %xor3A_455 : vector<16xi32>
      %shift_left3A_457 = arith.constant 15 : i32
      %shift_left3A_458 = vector.broadcast %shift_left3A_457 : i32 to vector<16xi32>
      %shift_left3A_459 = arith.shli %xor3A_455, %shift_left3A_458 : vector<16xi32>
      %shift_right_logical3A_460 = arith.constant 17 : i32
      %shift_right_logical3A_461 = vector.broadcast %shift_right_logical3A_460 : i32 to vector<16xi32>
      %shift_right_logical3A_462 = arith.shrui %xor3A_455, %shift_right_logical3A_461 : vector<16xi32>
      %or3A_463 = arith.ori %shift_left3A_459, %shift_right_logical3A_462 : vector<16xi32>
      %xor3A_464 = arith.xori %add3A_456, %or3A_463 : vector<16xi32>
      %add3A_465 = arith.addi %add3A_456, %xor3A_464 : vector<16xi32>
      %shift_left3A_466 = arith.constant 26 : i32
      %shift_left3A_467 = vector.broadcast %shift_left3A_466 : i32 to vector<16xi32>
      %shift_left3A_468 = arith.shli %xor3A_464, %shift_left3A_467 : vector<16xi32>
      %shift_right_logical3A_469 = arith.constant 6 : i32
      %shift_right_logical3A_470 = vector.broadcast %shift_right_logical3A_469 : i32 to vector<16xi32>
      %shift_right_logical3A_471 = arith.shrui %xor3A_464, %shift_right_logical3A_470 : vector<16xi32>
      %or3A_472 = arith.ori %shift_left3A_468, %shift_right_logical3A_471 : vector<16xi32>
      %xor3A_473 = arith.xori %add3A_465, %or3A_472 : vector<16xi32>
      %add3A_474 = arith.addi %add3A_465, %xor3A_473 : vector<16xi32>
      %shift_left3A_475 = arith.constant 6 : i32
      %shift_left3A_476 = vector.broadcast %shift_left3A_475 : i32 to vector<16xi32>
      %shift_left3A_477 = arith.shli %xor3A_473, %shift_left3A_476 : vector<16xi32>
      %shift_right_logical3A_478 = arith.constant 26 : i32
      %shift_right_logical3A_479 = vector.broadcast %shift_right_logical3A_478 : i32 to vector<16xi32>
      %shift_right_logical3A_480 = arith.shrui %xor3A_473, %shift_right_logical3A_479 : vector<16xi32>
      %or3A_481 = arith.ori %shift_left3A_477, %shift_right_logical3A_480 : vector<16xi32>
      %xor3A_482 = arith.xori %add3A_474, %or3A_481 : vector<16xi32>
      %add3A_483 = arith.constant -1583796450 : i32
      %add3A_484 = vector.broadcast %add3A_483 : i32 to vector<16xi32>
      %add3A_485 = arith.addi %add3A_474, %add3A_484 : vector<16xi32>
      %add3A_486 = arith.constant -1107590415 : i32
      %add3A_487 = vector.broadcast %add3A_486 : i32 to vector<16xi32>
      %add3A_488 = arith.addi %xor3A_482, %add3A_487 : vector<16xi32>
      %add3A_489 = arith.constant 5 : i32
      %add3A_490 = vector.broadcast %add3A_489 : i32 to vector<16xi32>
      %add3A_491 = arith.addi %add3A_488, %add3A_490 : vector<16xi32>
      %xor3A_492 = arith.xori %add3A_485, %add3A_491 : vector<16xi32>
      %broadcast_in_dim3A_493 = arith.constant -1944951124 : i32
      %broadcast_in_dim3A_494 = vector.broadcast %broadcast_in_dim3A_493 : i32 to vector<16xi32>
      %add3A_495 = arith.constant 1168365246 : i32
      %add3A_496 = vector.broadcast %add3A_495 : i32 to vector<16xi32>
      %add3A_497 = arith.addi %add3A_15, %add3A_496 : vector<16xi32>
      %add3A_498 = arith.addi %broadcast_in_dim3A_494, %add3A_497 : vector<16xi32>
      %shift_left3A_499 = arith.constant 13 : i32
      %shift_left3A_500 = vector.broadcast %shift_left3A_499 : i32 to vector<16xi32>
      %shift_left3A_501 = arith.shli %add3A_497, %shift_left3A_500 : vector<16xi32>
      %shift_right_logical3A_502 = arith.constant 19 : i32
      %shift_right_logical3A_503 = vector.broadcast %shift_right_logical3A_502 : i32 to vector<16xi32>
      %shift_right_logical3A_504 = arith.shrui %add3A_497, %shift_right_logical3A_503 : vector<16xi32>
      %or3A_505 = arith.ori %shift_left3A_501, %shift_right_logical3A_504 : vector<16xi32>
      %xor3A_506 = arith.xori %add3A_498, %or3A_505 : vector<16xi32>
      %add3A_507 = arith.addi %add3A_498, %xor3A_506 : vector<16xi32>
      %shift_left3A_508 = arith.constant 15 : i32
      %shift_left3A_509 = vector.broadcast %shift_left3A_508 : i32 to vector<16xi32>
      %shift_left3A_510 = arith.shli %xor3A_506, %shift_left3A_509 : vector<16xi32>
      %shift_right_logical3A_511 = arith.constant 17 : i32
      %shift_right_logical3A_512 = vector.broadcast %shift_right_logical3A_511 : i32 to vector<16xi32>
      %shift_right_logical3A_513 = arith.shrui %xor3A_506, %shift_right_logical3A_512 : vector<16xi32>
      %or3A_514 = arith.ori %shift_left3A_510, %shift_right_logical3A_513 : vector<16xi32>
      %xor3A_515 = arith.xori %add3A_507, %or3A_514 : vector<16xi32>
      %add3A_516 = arith.addi %add3A_507, %xor3A_515 : vector<16xi32>
      %shift_left3A_517 = arith.constant 26 : i32
      %shift_left3A_518 = vector.broadcast %shift_left3A_517 : i32 to vector<16xi32>
      %shift_left3A_519 = arith.shli %xor3A_515, %shift_left3A_518 : vector<16xi32>
      %shift_right_logical3A_520 = arith.constant 6 : i32
      %shift_right_logical3A_521 = vector.broadcast %shift_right_logical3A_520 : i32 to vector<16xi32>
      %shift_right_logical3A_522 = arith.shrui %xor3A_515, %shift_right_logical3A_521 : vector<16xi32>
      %or3A_523 = arith.ori %shift_left3A_519, %shift_right_logical3A_522 : vector<16xi32>
      %xor3A_524 = arith.xori %add3A_516, %or3A_523 : vector<16xi32>
      %add3A_525 = arith.addi %add3A_516, %xor3A_524 : vector<16xi32>
      %shift_left3A_526 = arith.constant 6 : i32
      %shift_left3A_527 = vector.broadcast %shift_left3A_526 : i32 to vector<16xi32>
      %shift_left3A_528 = arith.shli %xor3A_524, %shift_left3A_527 : vector<16xi32>
      %shift_right_logical3A_529 = arith.constant 26 : i32
      %shift_right_logical3A_530 = vector.broadcast %shift_right_logical3A_529 : i32 to vector<16xi32>
      %shift_right_logical3A_531 = arith.shrui %xor3A_524, %shift_right_logical3A_530 : vector<16xi32>
      %or3A_532 = arith.ori %shift_left3A_528, %shift_right_logical3A_531 : vector<16xi32>
      %xor3A_533 = arith.xori %add3A_525, %or3A_532 : vector<16xi32>
      %add3A_534 = arith.constant 1168365246 : i32
      %add3A_535 = vector.broadcast %add3A_534 : i32 to vector<16xi32>
      %add3A_536 = arith.addi %add3A_525, %add3A_535 : vector<16xi32>
      %add3A_537 = arith.constant -765416504 : i32
      %add3A_538 = vector.broadcast %add3A_537 : i32 to vector<16xi32>
      %add3A_539 = arith.addi %xor3A_533, %add3A_538 : vector<16xi32>
      %add3A_540 = arith.constant 1 : i32
      %add3A_541 = vector.broadcast %add3A_540 : i32 to vector<16xi32>
      %add3A_542 = arith.addi %add3A_539, %add3A_541 : vector<16xi32>
      %add3A_543 = arith.addi %add3A_536, %add3A_542 : vector<16xi32>
      %shift_left3A_544 = arith.constant 17 : i32
      %shift_left3A_545 = vector.broadcast %shift_left3A_544 : i32 to vector<16xi32>
      %shift_left3A_546 = arith.shli %add3A_542, %shift_left3A_545 : vector<16xi32>
      %shift_right_logical3A_547 = arith.constant 15 : i32
      %shift_right_logical3A_548 = vector.broadcast %shift_right_logical3A_547 : i32 to vector<16xi32>
      %shift_right_logical3A_549 = arith.shrui %add3A_542, %shift_right_logical3A_548 : vector<16xi32>
      %or3A_550 = arith.ori %shift_left3A_546, %shift_right_logical3A_549 : vector<16xi32>
      %xor3A_551 = arith.xori %add3A_543, %or3A_550 : vector<16xi32>
      %add3A_552 = arith.addi %add3A_543, %xor3A_551 : vector<16xi32>
      %shift_left3A_553 = arith.constant 29 : i32
      %shift_left3A_554 = vector.broadcast %shift_left3A_553 : i32 to vector<16xi32>
      %shift_left3A_555 = arith.shli %xor3A_551, %shift_left3A_554 : vector<16xi32>
      %shift_right_logical3A_556 = arith.constant 3 : i32
      %shift_right_logical3A_557 = vector.broadcast %shift_right_logical3A_556 : i32 to vector<16xi32>
      %shift_right_logical3A_558 = arith.shrui %xor3A_551, %shift_right_logical3A_557 : vector<16xi32>
      %or3A_559 = arith.ori %shift_left3A_555, %shift_right_logical3A_558 : vector<16xi32>
      %xor3A_560 = arith.xori %add3A_552, %or3A_559 : vector<16xi32>
      %add3A_561 = arith.addi %add3A_552, %xor3A_560 : vector<16xi32>
      %shift_left3A_562 = arith.constant 16 : i32
      %shift_left3A_563 = vector.broadcast %shift_left3A_562 : i32 to vector<16xi32>
      %shift_left3A_564 = arith.shli %xor3A_560, %shift_left3A_563 : vector<16xi32>
      %shift_right_logical3A_565 = arith.constant 16 : i32
      %shift_right_logical3A_566 = vector.broadcast %shift_right_logical3A_565 : i32 to vector<16xi32>
      %shift_right_logical3A_567 = arith.shrui %xor3A_560, %shift_right_logical3A_566 : vector<16xi32>
      %or3A_568 = arith.ori %shift_left3A_564, %shift_right_logical3A_567 : vector<16xi32>
      %xor3A_569 = arith.xori %add3A_561, %or3A_568 : vector<16xi32>
      %add3A_570 = arith.addi %add3A_561, %xor3A_569 : vector<16xi32>
      %shift_left3A_571 = arith.constant 24 : i32
      %shift_left3A_572 = vector.broadcast %shift_left3A_571 : i32 to vector<16xi32>
      %shift_left3A_573 = arith.shli %xor3A_569, %shift_left3A_572 : vector<16xi32>
      %shift_right_logical3A_574 = arith.constant 8 : i32
      %shift_right_logical3A_575 = vector.broadcast %shift_right_logical3A_574 : i32 to vector<16xi32>
      %shift_right_logical3A_576 = arith.shrui %xor3A_569, %shift_right_logical3A_575 : vector<16xi32>
      %or3A_577 = arith.ori %shift_left3A_573, %shift_right_logical3A_576 : vector<16xi32>
      %xor3A_578 = arith.xori %add3A_570, %or3A_577 : vector<16xi32>
      %add3A_579 = arith.constant -765416504 : i32
      %add3A_580 = vector.broadcast %add3A_579 : i32 to vector<16xi32>
      %add3A_581 = arith.addi %add3A_570, %add3A_580 : vector<16xi32>
      %add3A_582 = arith.constant -1944951124 : i32
      %add3A_583 = vector.broadcast %add3A_582 : i32 to vector<16xi32>
      %add3A_584 = arith.addi %xor3A_578, %add3A_583 : vector<16xi32>
      %add3A_585 = arith.constant 2 : i32
      %add3A_586 = vector.broadcast %add3A_585 : i32 to vector<16xi32>
      %add3A_587 = arith.addi %add3A_584, %add3A_586 : vector<16xi32>
      %add3A_588 = arith.addi %add3A_581, %add3A_587 : vector<16xi32>
      %shift_left3A_589 = arith.constant 13 : i32
      %shift_left3A_590 = vector.broadcast %shift_left3A_589 : i32 to vector<16xi32>
      %shift_left3A_591 = arith.shli %add3A_587, %shift_left3A_590 : vector<16xi32>
      %shift_right_logical3A_592 = arith.constant 19 : i32
      %shift_right_logical3A_593 = vector.broadcast %shift_right_logical3A_592 : i32 to vector<16xi32>
      %shift_right_logical3A_594 = arith.shrui %add3A_587, %shift_right_logical3A_593 : vector<16xi32>
      %or3A_595 = arith.ori %shift_left3A_591, %shift_right_logical3A_594 : vector<16xi32>
      %xor3A_596 = arith.xori %add3A_588, %or3A_595 : vector<16xi32>
      %add3A_597 = arith.addi %add3A_588, %xor3A_596 : vector<16xi32>
      %shift_left3A_598 = arith.constant 15 : i32
      %shift_left3A_599 = vector.broadcast %shift_left3A_598 : i32 to vector<16xi32>
      %shift_left3A_600 = arith.shli %xor3A_596, %shift_left3A_599 : vector<16xi32>
      %shift_right_logical3A_601 = arith.constant 17 : i32
      %shift_right_logical3A_602 = vector.broadcast %shift_right_logical3A_601 : i32 to vector<16xi32>
      %shift_right_logical3A_603 = arith.shrui %xor3A_596, %shift_right_logical3A_602 : vector<16xi32>
      %or3A_604 = arith.ori %shift_left3A_600, %shift_right_logical3A_603 : vector<16xi32>
      %xor3A_605 = arith.xori %add3A_597, %or3A_604 : vector<16xi32>
      %add3A_606 = arith.addi %add3A_597, %xor3A_605 : vector<16xi32>
      %shift_left3A_607 = arith.constant 26 : i32
      %shift_left3A_608 = vector.broadcast %shift_left3A_607 : i32 to vector<16xi32>
      %shift_left3A_609 = arith.shli %xor3A_605, %shift_left3A_608 : vector<16xi32>
      %shift_right_logical3A_610 = arith.constant 6 : i32
      %shift_right_logical3A_611 = vector.broadcast %shift_right_logical3A_610 : i32 to vector<16xi32>
      %shift_right_logical3A_612 = arith.shrui %xor3A_605, %shift_right_logical3A_611 : vector<16xi32>
      %or3A_613 = arith.ori %shift_left3A_609, %shift_right_logical3A_612 : vector<16xi32>
      %xor3A_614 = arith.xori %add3A_606, %or3A_613 : vector<16xi32>
      %add3A_615 = arith.addi %add3A_606, %xor3A_614 : vector<16xi32>
      %shift_left3A_616 = arith.constant 6 : i32
      %shift_left3A_617 = vector.broadcast %shift_left3A_616 : i32 to vector<16xi32>
      %shift_left3A_618 = arith.shli %xor3A_614, %shift_left3A_617 : vector<16xi32>
      %shift_right_logical3A_619 = arith.constant 26 : i32
      %shift_right_logical3A_620 = vector.broadcast %shift_right_logical3A_619 : i32 to vector<16xi32>
      %shift_right_logical3A_621 = arith.shrui %xor3A_614, %shift_right_logical3A_620 : vector<16xi32>
      %or3A_622 = arith.ori %shift_left3A_618, %shift_right_logical3A_621 : vector<16xi32>
      %xor3A_623 = arith.xori %add3A_615, %or3A_622 : vector<16xi32>
      %add3A_624 = arith.constant -1944951124 : i32
      %add3A_625 = vector.broadcast %add3A_624 : i32 to vector<16xi32>
      %add3A_626 = arith.addi %add3A_615, %add3A_625 : vector<16xi32>
      %add3A_627 = arith.constant 1168365246 : i32
      %add3A_628 = vector.broadcast %add3A_627 : i32 to vector<16xi32>
      %add3A_629 = arith.addi %xor3A_623, %add3A_628 : vector<16xi32>
      %add3A_630 = arith.constant 3 : i32
      %add3A_631 = vector.broadcast %add3A_630 : i32 to vector<16xi32>
      %add3A_632 = arith.addi %add3A_629, %add3A_631 : vector<16xi32>
      %add3A_633 = arith.addi %add3A_626, %add3A_632 : vector<16xi32>
      %shift_left3A_634 = arith.constant 17 : i32
      %shift_left3A_635 = vector.broadcast %shift_left3A_634 : i32 to vector<16xi32>
      %shift_left3A_636 = arith.shli %add3A_632, %shift_left3A_635 : vector<16xi32>
      %shift_right_logical3A_637 = arith.constant 15 : i32
      %shift_right_logical3A_638 = vector.broadcast %shift_right_logical3A_637 : i32 to vector<16xi32>
      %shift_right_logical3A_639 = arith.shrui %add3A_632, %shift_right_logical3A_638 : vector<16xi32>
      %or3A_640 = arith.ori %shift_left3A_636, %shift_right_logical3A_639 : vector<16xi32>
      %xor3A_641 = arith.xori %add3A_633, %or3A_640 : vector<16xi32>
      %add3A_642 = arith.addi %add3A_633, %xor3A_641 : vector<16xi32>
      %shift_left3A_643 = arith.constant 29 : i32
      %shift_left3A_644 = vector.broadcast %shift_left3A_643 : i32 to vector<16xi32>
      %shift_left3A_645 = arith.shli %xor3A_641, %shift_left3A_644 : vector<16xi32>
      %shift_right_logical3A_646 = arith.constant 3 : i32
      %shift_right_logical3A_647 = vector.broadcast %shift_right_logical3A_646 : i32 to vector<16xi32>
      %shift_right_logical3A_648 = arith.shrui %xor3A_641, %shift_right_logical3A_647 : vector<16xi32>
      %or3A_649 = arith.ori %shift_left3A_645, %shift_right_logical3A_648 : vector<16xi32>
      %xor3A_650 = arith.xori %add3A_642, %or3A_649 : vector<16xi32>
      %add3A_651 = arith.addi %add3A_642, %xor3A_650 : vector<16xi32>
      %shift_left3A_652 = arith.constant 16 : i32
      %shift_left3A_653 = vector.broadcast %shift_left3A_652 : i32 to vector<16xi32>
      %shift_left3A_654 = arith.shli %xor3A_650, %shift_left3A_653 : vector<16xi32>
      %shift_right_logical3A_655 = arith.constant 16 : i32
      %shift_right_logical3A_656 = vector.broadcast %shift_right_logical3A_655 : i32 to vector<16xi32>
      %shift_right_logical3A_657 = arith.shrui %xor3A_650, %shift_right_logical3A_656 : vector<16xi32>
      %or3A_658 = arith.ori %shift_left3A_654, %shift_right_logical3A_657 : vector<16xi32>
      %xor3A_659 = arith.xori %add3A_651, %or3A_658 : vector<16xi32>
      %add3A_660 = arith.addi %add3A_651, %xor3A_659 : vector<16xi32>
      %shift_left3A_661 = arith.constant 24 : i32
      %shift_left3A_662 = vector.broadcast %shift_left3A_661 : i32 to vector<16xi32>
      %shift_left3A_663 = arith.shli %xor3A_659, %shift_left3A_662 : vector<16xi32>
      %shift_right_logical3A_664 = arith.constant 8 : i32
      %shift_right_logical3A_665 = vector.broadcast %shift_right_logical3A_664 : i32 to vector<16xi32>
      %shift_right_logical3A_666 = arith.shrui %xor3A_659, %shift_right_logical3A_665 : vector<16xi32>
      %or3A_667 = arith.ori %shift_left3A_663, %shift_right_logical3A_666 : vector<16xi32>
      %xor3A_668 = arith.xori %add3A_660, %or3A_667 : vector<16xi32>
      %add3A_669 = arith.constant 1168365246 : i32
      %add3A_670 = vector.broadcast %add3A_669 : i32 to vector<16xi32>
      %add3A_671 = arith.addi %add3A_660, %add3A_670 : vector<16xi32>
      %add3A_672 = arith.constant -765416504 : i32
      %add3A_673 = vector.broadcast %add3A_672 : i32 to vector<16xi32>
      %add3A_674 = arith.addi %xor3A_668, %add3A_673 : vector<16xi32>
      %add3A_675 = arith.constant 4 : i32
      %add3A_676 = vector.broadcast %add3A_675 : i32 to vector<16xi32>
      %add3A_677 = arith.addi %add3A_674, %add3A_676 : vector<16xi32>
      %add3A_678 = arith.addi %add3A_671, %add3A_677 : vector<16xi32>
      %shift_left3A_679 = arith.constant 13 : i32
      %shift_left3A_680 = vector.broadcast %shift_left3A_679 : i32 to vector<16xi32>
      %shift_left3A_681 = arith.shli %add3A_677, %shift_left3A_680 : vector<16xi32>
      %shift_right_logical3A_682 = arith.constant 19 : i32
      %shift_right_logical3A_683 = vector.broadcast %shift_right_logical3A_682 : i32 to vector<16xi32>
      %shift_right_logical3A_684 = arith.shrui %add3A_677, %shift_right_logical3A_683 : vector<16xi32>
      %or3A_685 = arith.ori %shift_left3A_681, %shift_right_logical3A_684 : vector<16xi32>
      %xor3A_686 = arith.xori %add3A_678, %or3A_685 : vector<16xi32>
      %add3A_687 = arith.addi %add3A_678, %xor3A_686 : vector<16xi32>
      %shift_left3A_688 = arith.constant 15 : i32
      %shift_left3A_689 = vector.broadcast %shift_left3A_688 : i32 to vector<16xi32>
      %shift_left3A_690 = arith.shli %xor3A_686, %shift_left3A_689 : vector<16xi32>
      %shift_right_logical3A_691 = arith.constant 17 : i32
      %shift_right_logical3A_692 = vector.broadcast %shift_right_logical3A_691 : i32 to vector<16xi32>
      %shift_right_logical3A_693 = arith.shrui %xor3A_686, %shift_right_logical3A_692 : vector<16xi32>
      %or3A_694 = arith.ori %shift_left3A_690, %shift_right_logical3A_693 : vector<16xi32>
      %xor3A_695 = arith.xori %add3A_687, %or3A_694 : vector<16xi32>
      %add3A_696 = arith.addi %add3A_687, %xor3A_695 : vector<16xi32>
      %shift_left3A_697 = arith.constant 26 : i32
      %shift_left3A_698 = vector.broadcast %shift_left3A_697 : i32 to vector<16xi32>
      %shift_left3A_699 = arith.shli %xor3A_695, %shift_left3A_698 : vector<16xi32>
      %shift_right_logical3A_700 = arith.constant 6 : i32
      %shift_right_logical3A_701 = vector.broadcast %shift_right_logical3A_700 : i32 to vector<16xi32>
      %shift_right_logical3A_702 = arith.shrui %xor3A_695, %shift_right_logical3A_701 : vector<16xi32>
      %or3A_703 = arith.ori %shift_left3A_699, %shift_right_logical3A_702 : vector<16xi32>
      %xor3A_704 = arith.xori %add3A_696, %or3A_703 : vector<16xi32>
      %add3A_705 = arith.addi %add3A_696, %xor3A_704 : vector<16xi32>
      %shift_left3A_706 = arith.constant 6 : i32
      %shift_left3A_707 = vector.broadcast %shift_left3A_706 : i32 to vector<16xi32>
      %shift_left3A_708 = arith.shli %xor3A_704, %shift_left3A_707 : vector<16xi32>
      %shift_right_logical3A_709 = arith.constant 26 : i32
      %shift_right_logical3A_710 = vector.broadcast %shift_right_logical3A_709 : i32 to vector<16xi32>
      %shift_right_logical3A_711 = arith.shrui %xor3A_704, %shift_right_logical3A_710 : vector<16xi32>
      %or3A_712 = arith.ori %shift_left3A_708, %shift_right_logical3A_711 : vector<16xi32>
      %xor3A_713 = arith.xori %add3A_705, %or3A_712 : vector<16xi32>
      %add3A_714 = arith.constant -765416504 : i32
      %add3A_715 = vector.broadcast %add3A_714 : i32 to vector<16xi32>
      %add3A_716 = arith.addi %add3A_705, %add3A_715 : vector<16xi32>
      %add3A_717 = arith.constant -1944951124 : i32
      %add3A_718 = vector.broadcast %add3A_717 : i32 to vector<16xi32>
      %add3A_719 = arith.addi %xor3A_713, %add3A_718 : vector<16xi32>
      %add3A_720 = arith.constant 5 : i32
      %add3A_721 = vector.broadcast %add3A_720 : i32 to vector<16xi32>
      %add3A_722 = arith.addi %add3A_719, %add3A_721 : vector<16xi32>
      %xor3A_723 = arith.xori %add3A_716, %add3A_722 : vector<16xi32>
      %shift_right_logical3A_724 = arith.constant 16 : i32
      %shift_right_logical3A_725 = vector.broadcast %shift_right_logical3A_724 : i32 to vector<16xi32>
      %shift_right_logical3A_726 = arith.shrui %xor3A_492, %shift_right_logical3A_725 : vector<16xi32>
      %and3A_727 = arith.constant 65535 : i32
      %and3A_728 = vector.broadcast %and3A_727 : i32 to vector<16xi32>
      %and3A_729 = arith.andi %xor3A_492, %and3A_728 : vector<16xi32>
      %mul3A_730 = arith.constant 4492 : i32
      %mul3A_731 = vector.broadcast %mul3A_730 : i32 to vector<16xi32>
      %mul3A_732 = arith.muli %shift_right_logical3A_726, %mul3A_731 : vector<16xi32>
      %add3A_733 = arith.addi %mul3A_732, %and3A_729 : vector<16xi32>
      %convert_element_type3A = arith.sitofp %add3A_733 : vector<16xi32> to vector<16xf32>
      %mul3A_734 = arith.constant 3.27632515E-5 : f32
      %mul3A_735 = vector.broadcast %mul3A_734 : f32 to vector<16xf32>
      %mul3A_736 = arith.mulf %convert_element_type3A, %mul3A_735 : vector<16xf32>
      %convert_element_type3A_737 = arith.fptosi %mul3A_736 : vector<16xf32> to vector<16xi32>
      %mul3A_738 = arith.constant 30522 : i32
      %mul3A_739 = vector.broadcast %mul3A_738 : i32 to vector<16xi32>
      %mul3A_740 = arith.muli %convert_element_type3A_737, %mul3A_739 : vector<16xi32>
      %sub3A = arith.subi %add3A_733, %mul3A_740 : vector<16xi32>
      %lt3A_741 = arith.constant 0 : i32
      %lt3A_742 = vector.broadcast %lt3A_741 : i32 to vector<16xi32>
      %lt3A_743 = arith.cmpi slt, %sub3A, %lt3A_742 : vector<16xi32>
      %add3A_744 = arith.constant 30522 : i32
      %add3A_745 = vector.broadcast %add3A_744 : i32 to vector<16xi32>
      %add3A_746 = arith.addi %sub3A, %add3A_745 : vector<16xi32>
      %select_n3A_747 = arith.select %lt3A_743, %add3A_746, %sub3A : vector<16xi1>, vector<16xi32>
      %ge3A_748 = arith.constant 30522 : i32
      %ge3A_749 = vector.broadcast %ge3A_748 : i32 to vector<16xi32>
      %ge3A_750 = arith.cmpi sge, %select_n3A_747, %ge3A_749 : vector<16xi32>
      %sub3A_751 = arith.constant 30522 : i32
      %sub3A_752 = vector.broadcast %sub3A_751 : i32 to vector<16xi32>
      %sub3A_753 = arith.subi %select_n3A_747, %sub3A_752 : vector<16xi32>
      %select_n3A_754 = arith.select %ge3A_750, %sub3A_753, %select_n3A_747 : vector<16xi1>, vector<16xi32>
      %mul3A_755 = arith.constant 3022 : i32
      %mul3A_756 = vector.broadcast %mul3A_755 : i32 to vector<16xi32>
      %mul3A_757 = arith.muli %select_n3A_754, %mul3A_756 : vector<16xi32>
      %shift_right_logical3A_758 = arith.constant 16 : i32
      %shift_right_logical3A_759 = vector.broadcast %shift_right_logical3A_758 : i32 to vector<16xi32>
      %shift_right_logical3A_760 = arith.shrui %xor3A_723, %shift_right_logical3A_759 : vector<16xi32>
      %and3A_761 = arith.constant 65535 : i32
      %and3A_762 = vector.broadcast %and3A_761 : i32 to vector<16xi32>
      %and3A_763 = arith.andi %xor3A_723, %and3A_762 : vector<16xi32>
      %mul3A_764 = arith.constant 4492 : i32
      %mul3A_765 = vector.broadcast %mul3A_764 : i32 to vector<16xi32>
      %mul3A_766 = arith.muli %shift_right_logical3A_760, %mul3A_765 : vector<16xi32>
      %add3A_767 = arith.addi %mul3A_766, %and3A_763 : vector<16xi32>
      %convert_element_type3A_768 = arith.sitofp %add3A_767 : vector<16xi32> to vector<16xf32>
      %mul3A_769 = arith.constant 3.27632515E-5 : f32
      %mul3A_770 = vector.broadcast %mul3A_769 : f32 to vector<16xf32>
      %mul3A_771 = arith.mulf %convert_element_type3A_768, %mul3A_770 : vector<16xf32>
      %convert_element_type3A_772 = arith.fptosi %mul3A_771 : vector<16xf32> to vector<16xi32>
      %mul3A_773 = arith.constant 30522 : i32
      %mul3A_774 = vector.broadcast %mul3A_773 : i32 to vector<16xi32>
      %mul3A_775 = arith.muli %convert_element_type3A_772, %mul3A_774 : vector<16xi32>
      %sub3A_776 = arith.subi %add3A_767, %mul3A_775 : vector<16xi32>
      %lt3A_777 = arith.constant 0 : i32
      %lt3A_778 = vector.broadcast %lt3A_777 : i32 to vector<16xi32>
      %lt3A_779 = arith.cmpi slt, %sub3A_776, %lt3A_778 : vector<16xi32>
      %add3A_780 = arith.constant 30522 : i32
      %add3A_781 = vector.broadcast %add3A_780 : i32 to vector<16xi32>
      %add3A_782 = arith.addi %sub3A_776, %add3A_781 : vector<16xi32>
      %select_n3A_783 = arith.select %lt3A_779, %add3A_782, %sub3A_776 : vector<16xi1>, vector<16xi32>
      %ge3A_784 = arith.constant 30522 : i32
      %ge3A_785 = vector.broadcast %ge3A_784 : i32 to vector<16xi32>
      %ge3A_786 = arith.cmpi sge, %select_n3A_783, %ge3A_785 : vector<16xi32>
      %sub3A_787 = arith.constant 30522 : i32
      %sub3A_788 = vector.broadcast %sub3A_787 : i32 to vector<16xi32>
      %sub3A_789 = arith.subi %select_n3A_783, %sub3A_788 : vector<16xi32>
      %select_n3A_790 = arith.select %ge3A_786, %sub3A_789, %select_n3A_783 : vector<16xi1>, vector<16xi32>
      %add3A_791 = arith.addi %mul3A_757, %select_n3A_790 : vector<16xi32>
      %convert_element_type3A_792 = arith.sitofp %add3A_791 : vector<16xi32> to vector<16xf32>
      %mul3A_793 = arith.constant 3.27632515E-5 : f32
      %mul3A_794 = vector.broadcast %mul3A_793 : f32 to vector<16xf32>
      %mul3A_795 = arith.mulf %convert_element_type3A_792, %mul3A_794 : vector<16xf32>
      %convert_element_type3A_796 = arith.fptosi %mul3A_795 : vector<16xf32> to vector<16xi32>
      %mul3A_797 = arith.constant 30522 : i32
      %mul3A_798 = vector.broadcast %mul3A_797 : i32 to vector<16xi32>
      %mul3A_799 = arith.muli %convert_element_type3A_796, %mul3A_798 : vector<16xi32>
      %sub3A_800 = arith.subi %add3A_791, %mul3A_799 : vector<16xi32>
      %lt3A_801 = arith.constant 0 : i32
      %lt3A_802 = vector.broadcast %lt3A_801 : i32 to vector<16xi32>
      %lt3A_803 = arith.cmpi slt, %sub3A_800, %lt3A_802 : vector<16xi32>
      %add3A_804 = arith.constant 30522 : i32
      %add3A_805 = vector.broadcast %add3A_804 : i32 to vector<16xi32>
      %add3A_806 = arith.addi %sub3A_800, %add3A_805 : vector<16xi32>
      %select_n3A_807 = arith.select %lt3A_803, %add3A_806, %sub3A_800 : vector<16xi1>, vector<16xi32>
      %ge3A_808 = arith.constant 30522 : i32
      %ge3A_809 = vector.broadcast %ge3A_808 : i32 to vector<16xi32>
      %ge3A_810 = arith.cmpi sge, %select_n3A_807, %ge3A_809 : vector<16xi32>
      %sub3A_811 = arith.constant 30522 : i32
      %sub3A_812 = vector.broadcast %sub3A_811 : i32 to vector<16xi32>
      %sub3A_813 = arith.subi %select_n3A_807, %sub3A_812 : vector<16xi32>
      %select_n3A_814 = arith.select %ge3A_810, %sub3A_813, %select_n3A_807 : vector<16xi1>, vector<16xi32>
      %select_n3A_815 = arith.select %and3A, %select_n3A_814, %select_n3A : vector<16xi1>, vector<16xi32>
      %swap3A_816 = arith.index_cast %mul3A_10 : i32 to index
      %swap3A_817 = tpu.vector_load %arg6[%swap3A_816] {strides = array<i32>} : memref<1024xi32, #tpu.memory_space<vmem>>, vector<16xi32>,
      %swap3A_818 = vector.shape_cast %swap3A_817 : vector<16xi32> to vector<16xi32>
      %swap3A_819 = vector.shape_cast %select_n3A_815 : vector<16xi32> to vector<16xi32>
      tpu.vector_store %arg6[%swap3A_816], %swap3A_819 {strides = array<i32>} : memref<1024xi32, #tpu.memory_space<vmem>>, vector<16xi32>,
      %scan3A_820 = arith.constant 1 : i32
      %scan3A_821 = arith.addi %scan3A_8, %scan3A_820 : i32
      %mul3A_822 = arith.constant 16 : i32
      %mul3A_823 = arith.muli %scan3A_821, %mul3A_822 : i32
      %get3A_824 = arith.index_cast %mul3A_823 : i32 to index
      %get3A_825 = tpu.vector_load %arg5[%get3A_824] {strides = array<i32>} : memref<1024xi32, #tpu.memory_space<vmem>>, vector<16xi32>,
      %get3A_826 = vector.shape_cast %get3A_825 : vector<16xi32> to vector<16xi32>
      %add3A_827 = arith.addi %mul3A_2, %mul3A_823 : i32
      %add3A_828 = vector.broadcast %add3A_827 : i32 to vector<16xi32>
      %add3A_829 = arith.addi %iota3A, %add3A_828 : vector<16xi32>
      %broadcast_in_dim3A_830 = arith.constant 1832780943 : i32
      %broadcast_in_dim3A_831 = vector.broadcast %broadcast_in_dim3A_830 : i32 to vector<16xi32>
      %add3A_832 = arith.constant 270669613 : i32
      %add3A_833 = vector.broadcast %add3A_832 : i32 to vector<16xi32>
      %add3A_834 = arith.addi %add3A_829, %add3A_833 : vector<16xi32>
      %add3A_835 = arith.addi %broadcast_in_dim3A_831, %add3A_834 : vector<16xi32>
      %shift_left3A_836 = arith.constant 13 : i32
      %shift_left3A_837 = vector.broadcast %shift_left3A_836 : i32 to vector<16xi32>
      %shift_left3A_838 = arith.shli %add3A_834, %shift_left3A_837 : vector<16xi32>
      %shift_right_logical3A_839 = arith.constant 19 : i32
      %shift_right_logical3A_840 = vector.broadcast %shift_right_logical3A_839 : i32 to vector<16xi32>
      %shift_right_logical3A_841 = arith.shrui %add3A_834, %shift_right_logical3A_840 : vector<16xi32>
      %or3A_842 = arith.ori %shift_left3A_838, %shift_right_logical3A_841 : vector<16xi32>
      %xor3A_843 = arith.xori %add3A_835, %or3A_842 : vector<16xi32>
      %add3A_844 = arith.addi %add3A_835, %xor3A_843 : vector<16xi32>
      %shift_left3A_845 = arith.constant 15 : i32
      %shift_left3A_846 = vector.broadcast %shift_left3A_845 : i32 to vector<16xi32>
      %shift_left3A_847 = arith.shli %xor3A_843, %shift_left3A_846 : vector<16xi32>
      %shift_right_logical3A_848 = arith.constant 17 : i32
      %shift_right_logical3A_849 = vector.broadcast %shift_right_logical3A_848 : i32 to vector<16xi32>
      %shift_right_logical3A_850 = arith.shrui %xor3A_843, %shift_right_logical3A_849 : vector<16xi32>
      %or3A_851 = arith.ori %shift_left3A_847, %shift_right_logical3A_850 : vector<16xi32>
      %xor3A_852 = arith.xori %add3A_844, %or3A_851 : vector<16xi32>
      %add3A_853 = arith.addi %add3A_844, %xor3A_852 : vector<16xi32>
      %shift_left3A_854 = arith.constant 26 : i32
      %shift_left3A_855 = vector.broadcast %shift_left3A_854 : i32 to vector<16xi32>
      %shift_left3A_856 = arith.shli %xor3A_852, %shift_left3A_855 : vector<16xi32>
      %shift_right_logical3A_857 = arith.constant 6 : i32
      %shift_right_logical3A_858 = vector.broadcast %shift_right_logical3A_857 : i32 to vector<16xi32>
      %shift_right_logical3A_859 = arith.shrui %xor3A_852, %shift_right_logical3A_858 : vector<16xi32>
      %or3A_860 = arith.ori %shift_left3A_856, %shift_right_logical3A_859 : vector<16xi32>
      %xor3A_861 = arith.xori %add3A_853, %or3A_860 : vector<16xi32>
      %add3A_862 = arith.addi %add3A_853, %xor3A_861 : vector<16xi32>
      %shift_left3A_863 = arith.constant 6 : i32
      %shift_left3A_864 = vector.broadcast %shift_left3A_863 : i32 to vector<16xi32>
      %shift_left3A_865 = arith.shli %xor3A_861, %shift_left3A_864 : vector<16xi32>
      %shift_right_logical3A_866 = arith.constant 26 : i32
      %shift_right_logical3A_867 = vector.broadcast %shift_right_logical3A_866 : i32 to vector<16xi32>
      %shift_right_logical3A_868 = arith.shrui %xor3A_861, %shift_right_logical3A_867 : vector<16xi32>
      %or3A_869 = arith.ori %shift_left3A_865, %shift_right_logical3A_868 : vector<16xi32>
      %xor3A_870 = arith.xori %add3A_862, %or3A_869 : vector<16xi32>
      %add3A_871 = arith.constant 270669613 : i32
      %add3A_872 = vector.broadcast %add3A_871 : i32 to vector<16xi32>
      %add3A_873 = arith.addi %add3A_862, %add3A_872 : vector<16xi32>
      %add3A_874 = arith.constant 1724713080 : i32
      %add3A_875 = vector.broadcast %add3A_874 : i32 to vector<16xi32>
      %add3A_876 = arith.addi %xor3A_870, %add3A_875 : vector<16xi32>
      %add3A_877 = arith.constant 1 : i32
      %add3A_878 = vector.broadcast %add3A_877 : i32 to vector<16xi32>
      %add3A_879 = arith.addi %add3A_876, %add3A_878 : vector<16xi32>
      %add3A_880 = arith.addi %add3A_873, %add3A_879 : vector<16xi32>
      %shift_left3A_881 = arith.constant 17 : i32
      %shift_left3A_882 = vector.broadcast %shift_left3A_881 : i32 to vector<16xi32>
      %shift_left3A_883 = arith.shli %add3A_879, %shift_left3A_882 : vector<16xi32>
      %shift_right_logical3A_884 = arith.constant 15 : i32
      %shift_right_logical3A_885 = vector.broadcast %shift_right_logical3A_884 : i32 to vector<16xi32>
      %shift_right_logical3A_886 = arith.shrui %add3A_879, %shift_right_logical3A_885 : vector<16xi32>
      %or3A_887 = arith.ori %shift_left3A_883, %shift_right_logical3A_886 : vector<16xi32>
      %xor3A_888 = arith.xori %add3A_880, %or3A_887 : vector<16xi32>
      %add3A_889 = arith.addi %add3A_880, %xor3A_888 : vector<16xi32>
      %shift_left3A_890 = arith.constant 29 : i32
      %shift_left3A_891 = vector.broadcast %shift_left3A_890 : i32 to vector<16xi32>
      %shift_left3A_892 = arith.shli %xor3A_888, %shift_left3A_891 : vector<16xi32>
      %shift_right_logical3A_893 = arith.constant 3 : i32
      %shift_right_logical3A_894 = vector.broadcast %shift_right_logical3A_893 : i32 to vector<16xi32>
      %shift_right_logical3A_895 = arith.shrui %xor3A_888, %shift_right_logical3A_894 : vector<16xi32>
      %or3A_896 = arith.ori %shift_left3A_892, %shift_right_logical3A_895 : vector<16xi32>
      %xor3A_897 = arith.xori %add3A_889, %or3A_896 : vector<16xi32>
      %add3A_898 = arith.addi %add3A_889, %xor3A_897 : vector<16xi32>
      %shift_left3A_899 = arith.constant 16 : i32
      %shift_left3A_900 = vector.broadcast %shift_left3A_899 : i32 to vector<16xi32>
      %shift_left3A_901 = arith.shli %xor3A_897, %shift_left3A_900 : vector<16xi32>
      %shift_right_logical3A_902 = arith.constant 16 : i32
      %shift_right_logical3A_903 = vector.broadcast %shift_right_logical3A_902 : i32 to vector<16xi32>
      %shift_right_logical3A_904 = arith.shrui %xor3A_897, %shift_right_logical3A_903 : vector<16xi32>
      %or3A_905 = arith.ori %shift_left3A_901, %shift_right_logical3A_904 : vector<16xi32>
      %xor3A_906 = arith.xori %add3A_898, %or3A_905 : vector<16xi32>
      %add3A_907 = arith.addi %add3A_898, %xor3A_906 : vector<16xi32>
      %shift_left3A_908 = arith.constant 24 : i32
      %shift_left3A_909 = vector.broadcast %shift_left3A_908 : i32 to vector<16xi32>
      %shift_left3A_910 = arith.shli %xor3A_906, %shift_left3A_909 : vector<16xi32>
      %shift_right_logical3A_911 = arith.constant 8 : i32
      %shift_right_logical3A_912 = vector.broadcast %shift_right_logical3A_911 : i32 to vector<16xi32>
      %shift_right_logical3A_913 = arith.shrui %xor3A_906, %shift_right_logical3A_912 : vector<16xi32>
      %or3A_914 = arith.ori %shift_left3A_910, %shift_right_logical3A_913 : vector<16xi32>
      %xor3A_915 = arith.xori %add3A_907, %or3A_914 : vector<16xi32>
      %add3A_916 = arith.constant 1724713080 : i32
      %add3A_917 = vector.broadcast %add3A_916 : i32 to vector<16xi32>
      %add3A_918 = arith.addi %add3A_907, %add3A_917 : vector<16xi32>
      %add3A_919 = arith.constant 1832780943 : i32
      %add3A_920 = vector.broadcast %add3A_919 : i32 to vector<16xi32>
      %add3A_921 = arith.addi %xor3A_915, %add3A_920 : vector<16xi32>
      %add3A_922 = arith.constant 2 : i32
      %add3A_923 = vector.broadcast %add3A_922 : i32 to vector<16xi32>
      %add3A_924 = arith.addi %add3A_921, %add3A_923 : vector<16xi32>
      %add3A_925 = arith.addi %add3A_918, %add3A_924 : vector<16xi32>
      %shift_left3A_926 = arith.constant 13 : i32
      %shift_left3A_927 = vector.broadcast %shift_left3A_926 : i32 to vector<16xi32>
      %shift_left3A_928 = arith.shli %add3A_924, %shift_left3A_927 : vector<16xi32>
      %shift_right_logical3A_929 = arith.constant 19 : i32
      %shift_right_logical3A_930 = vector.broadcast %shift_right_logical3A_929 : i32 to vector<16xi32>
      %shift_right_logical3A_931 = arith.shrui %add3A_924, %shift_right_logical3A_930 : vector<16xi32>
      %or3A_932 = arith.ori %shift_left3A_928, %shift_right_logical3A_931 : vector<16xi32>
      %xor3A_933 = arith.xori %add3A_925, %or3A_932 : vector<16xi32>
      %add3A_934 = arith.addi %add3A_925, %xor3A_933 : vector<16xi32>
      %shift_left3A_935 = arith.constant 15 : i32
      %shift_left3A_936 = vector.broadcast %shift_left3A_935 : i32 to vector<16xi32>
      %shift_left3A_937 = arith.shli %xor3A_933, %shift_left3A_936 : vector<16xi32>
      %shift_right_logical3A_938 = arith.constant 17 : i32
      %shift_right_logical3A_939 = vector.broadcast %shift_right_logical3A_938 : i32 to vector<16xi32>
      %shift_right_logical3A_940 = arith.shrui %xor3A_933, %shift_right_logical3A_939 : vector<16xi32>
      %or3A_941 = arith.ori %shift_left3A_937, %shift_right_logical3A_940 : vector<16xi32>
      %xor3A_942 = arith.xori %add3A_934, %or3A_941 : vector<16xi32>
      %add3A_943 = arith.addi %add3A_934, %xor3A_942 : vector<16xi32>
      %shift_left3A_944 = arith.constant 26 : i32
      %shift_left3A_945 = vector.broadcast %shift_left3A_944 : i32 to vector<16xi32>
      %shift_left3A_946 = arith.shli %xor3A_942, %shift_left3A_945 : vector<16xi32>
      %shift_right_logical3A_947 = arith.constant 6 : i32
      %shift_right_logical3A_948 = vector.broadcast %shift_right_logical3A_947 : i32 to vector<16xi32>
      %shift_right_logical3A_949 = arith.shrui %xor3A_942, %shift_right_logical3A_948 : vector<16xi32>
      %or3A_950 = arith.ori %shift_left3A_946, %shift_right_logical3A_949 : vector<16xi32>
      %xor3A_951 = arith.xori %add3A_943, %or3A_950 : vector<16xi32>
      %add3A_952 = arith.addi %add3A_943, %xor3A_951 : vector<16xi32>
      %shift_left3A_953 = arith.constant 6 : i32
      %shift_left3A_954 = vector.broadcast %shift_left3A_953 : i32 to vector<16xi32>
      %shift_left3A_955 = arith.shli %xor3A_951, %shift_left3A_954 : vector<16xi32>
      %shift_right_logical3A_956 = arith.constant 26 : i32
      %shift_right_logical3A_957 = vector.broadcast %shift_right_logical3A_956 : i32 to vector<16xi32>
      %shift_right_logical3A_958 = arith.shrui %xor3A_951, %shift_right_logical3A_957 : vector<16xi32>
      %or3A_959 = arith.ori %shift_left3A_955, %shift_right_logical3A_958 : vector<16xi32>
      %xor3A_960 = arith.xori %add3A_952, %or3A_959 : vector<16xi32>
      %add3A_961 = arith.constant 1832780943 : i32
      %add3A_962 = vector.broadcast %add3A_961 : i32 to vector<16xi32>
      %add3A_963 = arith.addi %add3A_952, %add3A_962 : vector<16xi32>
      %add3A_964 = arith.constant 270669613 : i32
      %add3A_965 = vector.broadcast %add3A_964 : i32 to vector<16xi32>
      %add3A_966 = arith.addi %xor3A_960, %add3A_965 : vector<16xi32>
      %add3A_967 = arith.constant 3 : i32
      %add3A_968 = vector.broadcast %add3A_967 : i32 to vector<16xi32>
      %add3A_969 = arith.addi %add3A_966, %add3A_968 : vector<16xi32>
      %add3A_970 = arith.addi %add3A_963, %add3A_969 : vector<16xi32>
      %shift_left3A_971 = arith.constant 17 : i32
      %shift_left3A_972 = vector.broadcast %shift_left3A_971 : i32 to vector<16xi32>
      %shift_left3A_973 = arith.shli %add3A_969, %shift_left3A_972 : vector<16xi32>
      %shift_right_logical3A_974 = arith.constant 15 : i32
      %shift_right_logical3A_975 = vector.broadcast %shift_right_logical3A_974 : i32 to vector<16xi32>
      %shift_right_logical3A_976 = arith.shrui %add3A_969, %shift_right_logical3A_975 : vector<16xi32>
      %or3A_977 = arith.ori %shift_left3A_973, %shift_right_logical3A_976 : vector<16xi32>
      %xor3A_978 = arith.xori %add3A_970, %or3A_977 : vector<16xi32>
      %add3A_979 = arith.addi %add3A_970, %xor3A_978 : vector<16xi32>
      %shift_left3A_980 = arith.constant 29 : i32
      %shift_left3A_981 = vector.broadcast %shift_left3A_980 : i32 to vector<16xi32>
      %shift_left3A_982 = arith.shli %xor3A_978, %shift_left3A_981 : vector<16xi32>
      %shift_right_logical3A_983 = arith.constant 3 : i32
      %shift_right_logical3A_984 = vector.broadcast %shift_right_logical3A_983 : i32 to vector<16xi32>
      %shift_right_logical3A_985 = arith.shrui %xor3A_978, %shift_right_logical3A_984 : vector<16xi32>
      %or3A_986 = arith.ori %shift_left3A_982, %shift_right_logical3A_985 : vector<16xi32>
      %xor3A_987 = arith.xori %add3A_979, %or3A_986 : vector<16xi32>
      %add3A_988 = arith.addi %add3A_979, %xor3A_987 : vector<16xi32>
      %shift_left3A_989 = arith.constant 16 : i32
      %shift_left3A_990 = vector.broadcast %shift_left3A_989 : i32 to vector<16xi32>
      %shift_left3A_991 = arith.shli %xor3A_987, %shift_left3A_990 : vector<16xi32>
      %shift_right_logical3A_992 = arith.constant 16 : i32
      %shift_right_logical3A_993 = vector.broadcast %shift_right_logical3A_992 : i32 to vector<16xi32>
      %shift_right_logical3A_994 = arith.shrui %xor3A_987, %shift_right_logical3A_993 : vector<16xi32>
      %or3A_995 = arith.ori %shift_left3A_991, %shift_right_logical3A_994 : vector<16xi32>
      %xor3A_996 = arith.xori %add3A_988, %or3A_995 : vector<16xi32>
      %add3A_997 = arith.addi %add3A_988, %xor3A_996 : vector<16xi32>
      %shift_left3A_998 = arith.constant 24 : i32
      %shift_left3A_999 = vector.broadcast %shift_left3A_998 : i32 to vector<16xi32>
      %shift_left3A_1000 = arith.shli %xor3A_996, %shift_left3A_999 : vector<16xi32>
      %shift_right_logical3A_1001 = arith.constant 8 : i32
      %shift_right_logical3A_1002 = vector.broadcast %shift_right_logical3A_1001 : i32 to vector<16xi32>
      %shift_right_logical3A_1003 = arith.shrui %xor3A_996, %shift_right_logical3A_1002 : vector<16xi32>
      %or3A_1004 = arith.ori %shift_left3A_1000, %shift_right_logical3A_1003 : vector<16xi32>
      %xor3A_1005 = arith.xori %add3A_997, %or3A_1004 : vector<16xi32>
      %add3A_1006 = arith.constant 270669613 : i32
      %add3A_1007 = vector.broadcast %add3A_1006 : i32 to vector<16xi32>
      %add3A_1008 = arith.addi %add3A_997, %add3A_1007 : vector<16xi32>
      %add3A_1009 = arith.constant 1724713080 : i32
      %add3A_1010 = vector.broadcast %add3A_1009 : i32 to vector<16xi32>
      %add3A_1011 = arith.addi %xor3A_1005, %add3A_1010 : vector<16xi32>
      %add3A_1012 = arith.constant 4 : i32
      %add3A_1013 = vector.broadcast %add3A_1012 : i32 to vector<16xi32>
      %add3A_1014 = arith.addi %add3A_1011, %add3A_1013 : vector<16xi32>
      %add3A_1015 = arith.addi %add3A_1008, %add3A_1014 : vector<16xi32>
      %shift_left3A_1016 = arith.constant 13 : i32
      %shift_left3A_1017 = vector.broadcast %shift_left3A_1016 : i32 to vector<16xi32>
      %shift_left3A_1018 = arith.shli %add3A_1014, %shift_left3A_1017 : vector<16xi32>
      %shift_right_logical3A_1019 = arith.constant 19 : i32
      %shift_right_logical3A_1020 = vector.broadcast %shift_right_logical3A_1019 : i32 to vector<16xi32>
      %shift_right_logical3A_1021 = arith.shrui %add3A_1014, %shift_right_logical3A_1020 : vector<16xi32>
      %or3A_1022 = arith.ori %shift_left3A_1018, %shift_right_logical3A_1021 : vector<16xi32>
      %xor3A_1023 = arith.xori %add3A_1015, %or3A_1022 : vector<16xi32>
      %add3A_1024 = arith.addi %add3A_1015, %xor3A_1023 : vector<16xi32>
      %shift_left3A_1025 = arith.constant 15 : i32
      %shift_left3A_1026 = vector.broadcast %shift_left3A_1025 : i32 to vector<16xi32>
      %shift_left3A_1027 = arith.shli %xor3A_1023, %shift_left3A_1026 : vector<16xi32>
      %shift_right_logical3A_1028 = arith.constant 17 : i32
      %shift_right_logical3A_1029 = vector.broadcast %shift_right_logical3A_1028 : i32 to vector<16xi32>
      %shift_right_logical3A_1030 = arith.shrui %xor3A_1023, %shift_right_logical3A_1029 : vector<16xi32>
      %or3A_1031 = arith.ori %shift_left3A_1027, %shift_right_logical3A_1030 : vector<16xi32>
      %xor3A_1032 = arith.xori %add3A_1024, %or3A_1031 : vector<16xi32>
      %add3A_1033 = arith.addi %add3A_1024, %xor3A_1032 : vector<16xi32>
      %shift_left3A_1034 = arith.constant 26 : i32
      %shift_left3A_1035 = vector.broadcast %shift_left3A_1034 : i32 to vector<16xi32>
      %shift_left3A_1036 = arith.shli %xor3A_1032, %shift_left3A_1035 : vector<16xi32>
      %shift_right_logical3A_1037 = arith.constant 6 : i32
      %shift_right_logical3A_1038 = vector.broadcast %shift_right_logical3A_1037 : i32 to vector<16xi32>
      %shift_right_logical3A_1039 = arith.shrui %xor3A_1032, %shift_right_logical3A_1038 : vector<16xi32>
      %or3A_1040 = arith.ori %shift_left3A_1036, %shift_right_logical3A_1039 : vector<16xi32>
      %xor3A_1041 = arith.xori %add3A_1033, %or3A_1040 : vector<16xi32>
      %add3A_1042 = arith.addi %add3A_1033, %xor3A_1041 : vector<16xi32>
      %shift_left3A_1043 = arith.constant 6 : i32
      %shift_left3A_1044 = vector.broadcast %shift_left3A_1043 : i32 to vector<16xi32>
      %shift_left3A_1045 = arith.shli %xor3A_1041, %shift_left3A_1044 : vector<16xi32>
      %shift_right_logical3A_1046 = arith.constant 26 : i32
      %shift_right_logical3A_1047 = vector.broadcast %shift_right_logical3A_1046 : i32 to vector<16xi32>
      %shift_right_logical3A_1048 = arith.shrui %xor3A_1041, %shift_right_logical3A_1047 : vector<16xi32>
      %or3A_1049 = arith.ori %shift_left3A_1045, %shift_right_logical3A_1048 : vector<16xi32>
      %xor3A_1050 = arith.xori %add3A_1042, %or3A_1049 : vector<16xi32>
      %add3A_1051 = arith.constant 1724713080 : i32
      %add3A_1052 = vector.broadcast %add3A_1051 : i32 to vector<16xi32>
      %add3A_1053 = arith.addi %add3A_1042, %add3A_1052 : vector<16xi32>
      %add3A_1054 = arith.constant 1832780943 : i32
      %add3A_1055 = vector.broadcast %add3A_1054 : i32 to vector<16xi32>
      %add3A_1056 = arith.addi %xor3A_1050, %add3A_1055 : vector<16xi32>
      %add3A_1057 = arith.constant 5 : i32
      %add3A_1058 = vector.broadcast %add3A_1057 : i32 to vector<16xi32>
      %add3A_1059 = arith.addi %add3A_1056, %add3A_1058 : vector<16xi32>
      %xor3A_1060 = arith.xori %add3A_1053, %add3A_1059 : vector<16xi32>
      %shift_right_logical3A_1061 = arith.constant 9 : i32
      %shift_right_logical3A_1062 = vector.broadcast %shift_right_logical3A_1061 : i32 to vector<16xi32>
      %shift_right_logical3A_1063 = arith.shrui %xor3A_1060, %shift_right_logical3A_1062 : vector<16xi32>
      %lt3A_1064 = arith.constant 1258292 : i32
      %lt3A_1065 = vector.broadcast %lt3A_1064 : i32 to vector<16xi32>
      %lt3A_1066 = arith.cmpi ult, %shift_right_logical3A_1063, %lt3A_1065 : vector<16xi32>
      %lt3A_1067 = arith.constant 1006633 : i32
      %lt3A_1068 = vector.broadcast %lt3A_1067 : i32 to vector<16xi32>
      %lt3A_1069 = arith.cmpi ult, %shift_right_logical3A_1063, %lt3A_1068 : vector<16xi32>
      %ge3A_1070 = arith.constant 1006633 : i32
      %ge3A_1071 = vector.broadcast %ge3A_1070 : i32 to vector<16xi32>
      %ge3A_1072 = arith.cmpi uge, %shift_right_logical3A_1063, %ge3A_1071 : vector<16xi32>
      %lt3A_1073 = arith.constant 1132463 : i32
      %lt3A_1074 = vector.broadcast %lt3A_1073 : i32 to vector<16xi32>
      %lt3A_1075 = arith.cmpi ult, %shift_right_logical3A_1063, %lt3A_1074 : vector<16xi32>
      %and3A_1076 = arith.andi %ge3A_1072, %lt3A_1075 : vector<16xi1>
      %jit3A_1077 = arith.constant 103 : i32
      %broadcast_in_dim3A_1078 = vector.broadcast %jit3A_1077 : i32 to vector<16xi32>
      %select_n3A_1079 = arith.select %lt3A_1069, %broadcast_in_dim3A_1078, %get3A_826 : vector<16xi1>, vector<16xi32>
      %jit3A_1080 = arith.constant -100 : i32
      %broadcast_in_dim3A_1081 = vector.broadcast %jit3A_1080 : i32 to vector<16xi32>
      %select_n3A_1082 = arith.select %lt3A_1066, %get3A_826, %broadcast_in_dim3A_1081 : vector<16xi1>, vector<16xi32>
      %swap3A_1083 = arith.index_cast %mul3A_823 : i32 to index
      %swap3A_1084 = tpu.vector_load %arg7[%swap3A_1083] {strides = array<i32>} : memref<1024xi32, #tpu.memory_space<vmem>>, vector<16xi32>,
      %swap3A_1085 = vector.shape_cast %swap3A_1084 : vector<16xi32> to vector<16xi32>
      %swap3A_1086 = vector.shape_cast %select_n3A_1082 : vector<16xi32> to vector<16xi32>
      tpu.vector_store %arg7[%swap3A_1083], %swap3A_1086 {strides = array<i32>} : memref<1024xi32, #tpu.memory_space<vmem>>, vector<16xi32>,
      %broadcast_in_dim3A_1087 = arith.constant -1107590415 : i32
      %broadcast_in_dim3A_1088 = vector.broadcast %broadcast_in_dim3A_1087 : i32 to vector<16xi32>
      %add3A_1089 = arith.constant 129218101 : i32
      %add3A_1090 = vector.broadcast %add3A_1089 : i32 to vector<16xi32>
      %add3A_1091 = arith.addi %add3A_829, %add3A_1090 : vector<16xi32>
      %add3A_1092 = arith.addi %broadcast_in_dim3A_1088, %add3A_1091 : vector<16xi32>
      %shift_left3A_1093 = arith.constant 13 : i32
      %shift_left3A_1094 = vector.broadcast %shift_left3A_1093 : i32 to vector<16xi32>
      %shift_left3A_1095 = arith.shli %add3A_1091, %shift_left3A_1094 : vector<16xi32>
      %shift_right_logical3A_1096 = arith.constant 19 : i32
      %shift_right_logical3A_1097 = vector.broadcast %shift_right_logical3A_1096 : i32 to vector<16xi32>
      %shift_right_logical3A_1098 = arith.shrui %add3A_1091, %shift_right_logical3A_1097 : vector<16xi32>
      %or3A_1099 = arith.ori %shift_left3A_1095, %shift_right_logical3A_1098 : vector<16xi32>
      %xor3A_1100 = arith.xori %add3A_1092, %or3A_1099 : vector<16xi32>
      %add3A_1101 = arith.addi %add3A_1092, %xor3A_1100 : vector<16xi32>
      %shift_left3A_1102 = arith.constant 15 : i32
      %shift_left3A_1103 = vector.broadcast %shift_left3A_1102 : i32 to vector<16xi32>
      %shift_left3A_1104 = arith.shli %xor3A_1100, %shift_left3A_1103 : vector<16xi32>
      %shift_right_logical3A_1105 = arith.constant 17 : i32
      %shift_right_logical3A_1106 = vector.broadcast %shift_right_logical3A_1105 : i32 to vector<16xi32>
      %shift_right_logical3A_1107 = arith.shrui %xor3A_1100, %shift_right_logical3A_1106 : vector<16xi32>
      %or3A_1108 = arith.ori %shift_left3A_1104, %shift_right_logical3A_1107 : vector<16xi32>
      %xor3A_1109 = arith.xori %add3A_1101, %or3A_1108 : vector<16xi32>
      %add3A_1110 = arith.addi %add3A_1101, %xor3A_1109 : vector<16xi32>
      %shift_left3A_1111 = arith.constant 26 : i32
      %shift_left3A_1112 = vector.broadcast %shift_left3A_1111 : i32 to vector<16xi32>
      %shift_left3A_1113 = arith.shli %xor3A_1109, %shift_left3A_1112 : vector<16xi32>
      %shift_right_logical3A_1114 = arith.constant 6 : i32
      %shift_right_logical3A_1115 = vector.broadcast %shift_right_logical3A_1114 : i32 to vector<16xi32>
      %shift_right_logical3A_1116 = arith.shrui %xor3A_1109, %shift_right_logical3A_1115 : vector<16xi32>
      %or3A_1117 = arith.ori %shift_left3A_1113, %shift_right_logical3A_1116 : vector<16xi32>
      %xor3A_1118 = arith.xori %add3A_1110, %or3A_1117 : vector<16xi32>
      %add3A_1119 = arith.addi %add3A_1110, %xor3A_1118 : vector<16xi32>
      %shift_left3A_1120 = arith.constant 6 : i32
      %shift_left3A_1121 = vector.broadcast %shift_left3A_1120 : i32 to vector<16xi32>
      %shift_left3A_1122 = arith.shli %xor3A_1118, %shift_left3A_1121 : vector<16xi32>
      %shift_right_logical3A_1123 = arith.constant 26 : i32
      %shift_right_logical3A_1124 = vector.broadcast %shift_right_logical3A_1123 : i32 to vector<16xi32>
      %shift_right_logical3A_1125 = arith.shrui %xor3A_1118, %shift_right_logical3A_1124 : vector<16xi32>
      %or3A_1126 = arith.ori %shift_left3A_1122, %shift_right_logical3A_1125 : vector<16xi32>
      %xor3A_1127 = arith.xori %add3A_1119, %or3A_1126 : vector<16xi32>
      %add3A_1128 = arith.constant 129218101 : i32
      %add3A_1129 = vector.broadcast %add3A_1128 : i32 to vector<16xi32>
      %add3A_1130 = arith.addi %add3A_1119, %add3A_1129 : vector<16xi32>
      %add3A_1131 = arith.constant -1583796450 : i32
      %add3A_1132 = vector.broadcast %add3A_1131 : i32 to vector<16xi32>
      %add3A_1133 = arith.addi %xor3A_1127, %add3A_1132 : vector<16xi32>
      %add3A_1134 = arith.constant 1 : i32
      %add3A_1135 = vector.broadcast %add3A_1134 : i32 to vector<16xi32>
      %add3A_1136 = arith.addi %add3A_1133, %add3A_1135 : vector<16xi32>
      %add3A_1137 = arith.addi %add3A_1130, %add3A_1136 : vector<16xi32>
      %shift_left3A_1138 = arith.constant 17 : i32
      %shift_left3A_1139 = vector.broadcast %shift_left3A_1138 : i32 to vector<16xi32>
      %shift_left3A_1140 = arith.shli %add3A_1136, %shift_left3A_1139 : vector<16xi32>
      %shift_right_logical3A_1141 = arith.constant 15 : i32
      %shift_right_logical3A_1142 = vector.broadcast %shift_right_logical3A_1141 : i32 to vector<16xi32>
      %shift_right_logical3A_1143 = arith.shrui %add3A_1136, %shift_right_logical3A_1142 : vector<16xi32>
      %or3A_1144 = arith.ori %shift_left3A_1140, %shift_right_logical3A_1143 : vector<16xi32>
      %xor3A_1145 = arith.xori %add3A_1137, %or3A_1144 : vector<16xi32>
      %add3A_1146 = arith.addi %add3A_1137, %xor3A_1145 : vector<16xi32>
      %shift_left3A_1147 = arith.constant 29 : i32
      %shift_left3A_1148 = vector.broadcast %shift_left3A_1147 : i32 to vector<16xi32>
      %shift_left3A_1149 = arith.shli %xor3A_1145, %shift_left3A_1148 : vector<16xi32>
      %shift_right_logical3A_1150 = arith.constant 3 : i32
      %shift_right_logical3A_1151 = vector.broadcast %shift_right_logical3A_1150 : i32 to vector<16xi32>
      %shift_right_logical3A_1152 = arith.shrui %xor3A_1145, %shift_right_logical3A_1151 : vector<16xi32>
      %or3A_1153 = arith.ori %shift_left3A_1149, %shift_right_logical3A_1152 : vector<16xi32>
      %xor3A_1154 = arith.xori %add3A_1146, %or3A_1153 : vector<16xi32>
      %add3A_1155 = arith.addi %add3A_1146, %xor3A_1154 : vector<16xi32>
      %shift_left3A_1156 = arith.constant 16 : i32
      %shift_left3A_1157 = vector.broadcast %shift_left3A_1156 : i32 to vector<16xi32>
      %shift_left3A_1158 = arith.shli %xor3A_1154, %shift_left3A_1157 : vector<16xi32>
      %shift_right_logical3A_1159 = arith.constant 16 : i32
      %shift_right_logical3A_1160 = vector.broadcast %shift_right_logical3A_1159 : i32 to vector<16xi32>
      %shift_right_logical3A_1161 = arith.shrui %xor3A_1154, %shift_right_logical3A_1160 : vector<16xi32>
      %or3A_1162 = arith.ori %shift_left3A_1158, %shift_right_logical3A_1161 : vector<16xi32>
      %xor3A_1163 = arith.xori %add3A_1155, %or3A_1162 : vector<16xi32>
      %add3A_1164 = arith.addi %add3A_1155, %xor3A_1163 : vector<16xi32>
      %shift_left3A_1165 = arith.constant 24 : i32
      %shift_left3A_1166 = vector.broadcast %shift_left3A_1165 : i32 to vector<16xi32>
      %shift_left3A_1167 = arith.shli %xor3A_1163, %shift_left3A_1166 : vector<16xi32>
      %shift_right_logical3A_1168 = arith.constant 8 : i32
      %shift_right_logical3A_1169 = vector.broadcast %shift_right_logical3A_1168 : i32 to vector<16xi32>
      %shift_right_logical3A_1170 = arith.shrui %xor3A_1163, %shift_right_logical3A_1169 : vector<16xi32>
      %or3A_1171 = arith.ori %shift_left3A_1167, %shift_right_logical3A_1170 : vector<16xi32>
      %xor3A_1172 = arith.xori %add3A_1164, %or3A_1171 : vector<16xi32>
      %add3A_1173 = arith.constant -1583796450 : i32
      %add3A_1174 = vector.broadcast %add3A_1173 : i32 to vector<16xi32>
      %add3A_1175 = arith.addi %add3A_1164, %add3A_1174 : vector<16xi32>
      %add3A_1176 = arith.constant -1107590415 : i32
      %add3A_1177 = vector.broadcast %add3A_1176 : i32 to vector<16xi32>
      %add3A_1178 = arith.addi %xor3A_1172, %add3A_1177 : vector<16xi32>
      %add3A_1179 = arith.constant 2 : i32
      %add3A_1180 = vector.broadcast %add3A_1179 : i32 to vector<16xi32>
      %add3A_1181 = arith.addi %add3A_1178, %add3A_1180 : vector<16xi32>
      %add3A_1182 = arith.addi %add3A_1175, %add3A_1181 : vector<16xi32>
      %shift_left3A_1183 = arith.constant 13 : i32
      %shift_left3A_1184 = vector.broadcast %shift_left3A_1183 : i32 to vector<16xi32>
      %shift_left3A_1185 = arith.shli %add3A_1181, %shift_left3A_1184 : vector<16xi32>
      %shift_right_logical3A_1186 = arith.constant 19 : i32
      %shift_right_logical3A_1187 = vector.broadcast %shift_right_logical3A_1186 : i32 to vector<16xi32>
      %shift_right_logical3A_1188 = arith.shrui %add3A_1181, %shift_right_logical3A_1187 : vector<16xi32>
      %or3A_1189 = arith.ori %shift_left3A_1185, %shift_right_logical3A_1188 : vector<16xi32>
      %xor3A_1190 = arith.xori %add3A_1182, %or3A_1189 : vector<16xi32>
      %add3A_1191 = arith.addi %add3A_1182, %xor3A_1190 : vector<16xi32>
      %shift_left3A_1192 = arith.constant 15 : i32
      %shift_left3A_1193 = vector.broadcast %shift_left3A_1192 : i32 to vector<16xi32>
      %shift_left3A_1194 = arith.shli %xor3A_1190, %shift_left3A_1193 : vector<16xi32>
      %shift_right_logical3A_1195 = arith.constant 17 : i32
      %shift_right_logical3A_1196 = vector.broadcast %shift_right_logical3A_1195 : i32 to vector<16xi32>
      %shift_right_logical3A_1197 = arith.shrui %xor3A_1190, %shift_right_logical3A_1196 : vector<16xi32>
      %or3A_1198 = arith.ori %shift_left3A_1194, %shift_right_logical3A_1197 : vector<16xi32>
      %xor3A_1199 = arith.xori %add3A_1191, %or3A_1198 : vector<16xi32>
      %add3A_1200 = arith.addi %add3A_1191, %xor3A_1199 : vector<16xi32>
      %shift_left3A_1201 = arith.constant 26 : i32
      %shift_left3A_1202 = vector.broadcast %shift_left3A_1201 : i32 to vector<16xi32>
      %shift_left3A_1203 = arith.shli %xor3A_1199, %shift_left3A_1202 : vector<16xi32>
      %shift_right_logical3A_1204 = arith.constant 6 : i32
      %shift_right_logical3A_1205 = vector.broadcast %shift_right_logical3A_1204 : i32 to vector<16xi32>
      %shift_right_logical3A_1206 = arith.shrui %xor3A_1199, %shift_right_logical3A_1205 : vector<16xi32>
      %or3A_1207 = arith.ori %shift_left3A_1203, %shift_right_logical3A_1206 : vector<16xi32>
      %xor3A_1208 = arith.xori %add3A_1200, %or3A_1207 : vector<16xi32>
      %add3A_1209 = arith.addi %add3A_1200, %xor3A_1208 : vector<16xi32>
      %shift_left3A_1210 = arith.constant 6 : i32
      %shift_left3A_1211 = vector.broadcast %shift_left3A_1210 : i32 to vector<16xi32>
      %shift_left3A_1212 = arith.shli %xor3A_1208, %shift_left3A_1211 : vector<16xi32>
      %shift_right_logical3A_1213 = arith.constant 26 : i32
      %shift_right_logical3A_1214 = vector.broadcast %shift_right_logical3A_1213 : i32 to vector<16xi32>
      %shift_right_logical3A_1215 = arith.shrui %xor3A_1208, %shift_right_logical3A_1214 : vector<16xi32>
      %or3A_1216 = arith.ori %shift_left3A_1212, %shift_right_logical3A_1215 : vector<16xi32>
      %xor3A_1217 = arith.xori %add3A_1209, %or3A_1216 : vector<16xi32>
      %add3A_1218 = arith.constant -1107590415 : i32
      %add3A_1219 = vector.broadcast %add3A_1218 : i32 to vector<16xi32>
      %add3A_1220 = arith.addi %add3A_1209, %add3A_1219 : vector<16xi32>
      %add3A_1221 = arith.constant 129218101 : i32
      %add3A_1222 = vector.broadcast %add3A_1221 : i32 to vector<16xi32>
      %add3A_1223 = arith.addi %xor3A_1217, %add3A_1222 : vector<16xi32>
      %add3A_1224 = arith.constant 3 : i32
      %add3A_1225 = vector.broadcast %add3A_1224 : i32 to vector<16xi32>
      %add3A_1226 = arith.addi %add3A_1223, %add3A_1225 : vector<16xi32>
      %add3A_1227 = arith.addi %add3A_1220, %add3A_1226 : vector<16xi32>
      %shift_left3A_1228 = arith.constant 17 : i32
      %shift_left3A_1229 = vector.broadcast %shift_left3A_1228 : i32 to vector<16xi32>
      %shift_left3A_1230 = arith.shli %add3A_1226, %shift_left3A_1229 : vector<16xi32>
      %shift_right_logical3A_1231 = arith.constant 15 : i32
      %shift_right_logical3A_1232 = vector.broadcast %shift_right_logical3A_1231 : i32 to vector<16xi32>
      %shift_right_logical3A_1233 = arith.shrui %add3A_1226, %shift_right_logical3A_1232 : vector<16xi32>
      %or3A_1234 = arith.ori %shift_left3A_1230, %shift_right_logical3A_1233 : vector<16xi32>
      %xor3A_1235 = arith.xori %add3A_1227, %or3A_1234 : vector<16xi32>
      %add3A_1236 = arith.addi %add3A_1227, %xor3A_1235 : vector<16xi32>
      %shift_left3A_1237 = arith.constant 29 : i32
      %shift_left3A_1238 = vector.broadcast %shift_left3A_1237 : i32 to vector<16xi32>
      %shift_left3A_1239 = arith.shli %xor3A_1235, %shift_left3A_1238 : vector<16xi32>
      %shift_right_logical3A_1240 = arith.constant 3 : i32
      %shift_right_logical3A_1241 = vector.broadcast %shift_right_logical3A_1240 : i32 to vector<16xi32>
      %shift_right_logical3A_1242 = arith.shrui %xor3A_1235, %shift_right_logical3A_1241 : vector<16xi32>
      %or3A_1243 = arith.ori %shift_left3A_1239, %shift_right_logical3A_1242 : vector<16xi32>
      %xor3A_1244 = arith.xori %add3A_1236, %or3A_1243 : vector<16xi32>
      %add3A_1245 = arith.addi %add3A_1236, %xor3A_1244 : vector<16xi32>
      %shift_left3A_1246 = arith.constant 16 : i32
      %shift_left3A_1247 = vector.broadcast %shift_left3A_1246 : i32 to vector<16xi32>
      %shift_left3A_1248 = arith.shli %xor3A_1244, %shift_left3A_1247 : vector<16xi32>
      %shift_right_logical3A_1249 = arith.constant 16 : i32
      %shift_right_logical3A_1250 = vector.broadcast %shift_right_logical3A_1249 : i32 to vector<16xi32>
      %shift_right_logical3A_1251 = arith.shrui %xor3A_1244, %shift_right_logical3A_1250 : vector<16xi32>
      %or3A_1252 = arith.ori %shift_left3A_1248, %shift_right_logical3A_1251 : vector<16xi32>
      %xor3A_1253 = arith.xori %add3A_1245, %or3A_1252 : vector<16xi32>
      %add3A_1254 = arith.addi %add3A_1245, %xor3A_1253 : vector<16xi32>
      %shift_left3A_1255 = arith.constant 24 : i32
      %shift_left3A_1256 = vector.broadcast %shift_left3A_1255 : i32 to vector<16xi32>
      %shift_left3A_1257 = arith.shli %xor3A_1253, %shift_left3A_1256 : vector<16xi32>
      %shift_right_logical3A_1258 = arith.constant 8 : i32
      %shift_right_logical3A_1259 = vector.broadcast %shift_right_logical3A_1258 : i32 to vector<16xi32>
      %shift_right_logical3A_1260 = arith.shrui %xor3A_1253, %shift_right_logical3A_1259 : vector<16xi32>
      %or3A_1261 = arith.ori %shift_left3A_1257, %shift_right_logical3A_1260 : vector<16xi32>
      %xor3A_1262 = arith.xori %add3A_1254, %or3A_1261 : vector<16xi32>
      %add3A_1263 = arith.constant 129218101 : i32
      %add3A_1264 = vector.broadcast %add3A_1263 : i32 to vector<16xi32>
      %add3A_1265 = arith.addi %add3A_1254, %add3A_1264 : vector<16xi32>
      %add3A_1266 = arith.constant -1583796450 : i32
      %add3A_1267 = vector.broadcast %add3A_1266 : i32 to vector<16xi32>
      %add3A_1268 = arith.addi %xor3A_1262, %add3A_1267 : vector<16xi32>
      %add3A_1269 = arith.constant 4 : i32
      %add3A_1270 = vector.broadcast %add3A_1269 : i32 to vector<16xi32>
      %add3A_1271 = arith.addi %add3A_1268, %add3A_1270 : vector<16xi32>
      %add3A_1272 = arith.addi %add3A_1265, %add3A_1271 : vector<16xi32>
      %shift_left3A_1273 = arith.constant 13 : i32
      %shift_left3A_1274 = vector.broadcast %shift_left3A_1273 : i32 to vector<16xi32>
      %shift_left3A_1275 = arith.shli %add3A_1271, %shift_left3A_1274 : vector<16xi32>
      %shift_right_logical3A_1276 = arith.constant 19 : i32
      %shift_right_logical3A_1277 = vector.broadcast %shift_right_logical3A_1276 : i32 to vector<16xi32>
      %shift_right_logical3A_1278 = arith.shrui %add3A_1271, %shift_right_logical3A_1277 : vector<16xi32>
      %or3A_1279 = arith.ori %shift_left3A_1275, %shift_right_logical3A_1278 : vector<16xi32>
      %xor3A_1280 = arith.xori %add3A_1272, %or3A_1279 : vector<16xi32>
      %add3A_1281 = arith.addi %add3A_1272, %xor3A_1280 : vector<16xi32>
      %shift_left3A_1282 = arith.constant 15 : i32
      %shift_left3A_1283 = vector.broadcast %shift_left3A_1282 : i32 to vector<16xi32>
      %shift_left3A_1284 = arith.shli %xor3A_1280, %shift_left3A_1283 : vector<16xi32>
      %shift_right_logical3A_1285 = arith.constant 17 : i32
      %shift_right_logical3A_1286 = vector.broadcast %shift_right_logical3A_1285 : i32 to vector<16xi32>
      %shift_right_logical3A_1287 = arith.shrui %xor3A_1280, %shift_right_logical3A_1286 : vector<16xi32>
      %or3A_1288 = arith.ori %shift_left3A_1284, %shift_right_logical3A_1287 : vector<16xi32>
      %xor3A_1289 = arith.xori %add3A_1281, %or3A_1288 : vector<16xi32>
      %add3A_1290 = arith.addi %add3A_1281, %xor3A_1289 : vector<16xi32>
      %shift_left3A_1291 = arith.constant 26 : i32
      %shift_left3A_1292 = vector.broadcast %shift_left3A_1291 : i32 to vector<16xi32>
      %shift_left3A_1293 = arith.shli %xor3A_1289, %shift_left3A_1292 : vector<16xi32>
      %shift_right_logical3A_1294 = arith.constant 6 : i32
      %shift_right_logical3A_1295 = vector.broadcast %shift_right_logical3A_1294 : i32 to vector<16xi32>
      %shift_right_logical3A_1296 = arith.shrui %xor3A_1289, %shift_right_logical3A_1295 : vector<16xi32>
      %or3A_1297 = arith.ori %shift_left3A_1293, %shift_right_logical3A_1296 : vector<16xi32>
      %xor3A_1298 = arith.xori %add3A_1290, %or3A_1297 : vector<16xi32>
      %add3A_1299 = arith.addi %add3A_1290, %xor3A_1298 : vector<16xi32>
      %shift_left3A_1300 = arith.constant 6 : i32
      %shift_left3A_1301 = vector.broadcast %shift_left3A_1300 : i32 to vector<16xi32>
      %shift_left3A_1302 = arith.shli %xor3A_1298, %shift_left3A_1301 : vector<16xi32>
      %shift_right_logical3A_1303 = arith.constant 26 : i32
      %shift_right_logical3A_1304 = vector.broadcast %shift_right_logical3A_1303 : i32 to vector<16xi32>
      %shift_right_logical3A_1305 = arith.shrui %xor3A_1298, %shift_right_logical3A_1304 : vector<16xi32>
      %or3A_1306 = arith.ori %shift_left3A_1302, %shift_right_logical3A_1305 : vector<16xi32>
      %xor3A_1307 = arith.xori %add3A_1299, %or3A_1306 : vector<16xi32>
      %add3A_1308 = arith.constant -1583796450 : i32
      %add3A_1309 = vector.broadcast %add3A_1308 : i32 to vector<16xi32>
      %add3A_1310 = arith.addi %add3A_1299, %add3A_1309 : vector<16xi32>
      %add3A_1311 = arith.constant -1107590415 : i32
      %add3A_1312 = vector.broadcast %add3A_1311 : i32 to vector<16xi32>
      %add3A_1313 = arith.addi %xor3A_1307, %add3A_1312 : vector<16xi32>
      %add3A_1314 = arith.constant 5 : i32
      %add3A_1315 = vector.broadcast %add3A_1314 : i32 to vector<16xi32>
      %add3A_1316 = arith.addi %add3A_1313, %add3A_1315 : vector<16xi32>
      %xor3A_1317 = arith.xori %add3A_1310, %add3A_1316 : vector<16xi32>
      %broadcast_in_dim3A_1318 = arith.constant -1944951124 : i32
      %broadcast_in_dim3A_1319 = vector.broadcast %broadcast_in_dim3A_1318 : i32 to vector<16xi32>
      %add3A_1320 = arith.constant 1168365246 : i32
      %add3A_1321 = vector.broadcast %add3A_1320 : i32 to vector<16xi32>
      %add3A_1322 = arith.addi %add3A_829, %add3A_1321 : vector<16xi32>
      %add3A_1323 = arith.addi %broadcast_in_dim3A_1319, %add3A_1322 : vector<16xi32>
      %shift_left3A_1324 = arith.constant 13 : i32
      %shift_left3A_1325 = vector.broadcast %shift_left3A_1324 : i32 to vector<16xi32>
      %shift_left3A_1326 = arith.shli %add3A_1322, %shift_left3A_1325 : vector<16xi32>
      %shift_right_logical3A_1327 = arith.constant 19 : i32
      %shift_right_logical3A_1328 = vector.broadcast %shift_right_logical3A_1327 : i32 to vector<16xi32>
      %shift_right_logical3A_1329 = arith.shrui %add3A_1322, %shift_right_logical3A_1328 : vector<16xi32>
      %or3A_1330 = arith.ori %shift_left3A_1326, %shift_right_logical3A_1329 : vector<16xi32>
      %xor3A_1331 = arith.xori %add3A_1323, %or3A_1330 : vector<16xi32>
      %add3A_1332 = arith.addi %add3A_1323, %xor3A_1331 : vector<16xi32>
      %shift_left3A_1333 = arith.constant 15 : i32
      %shift_left3A_1334 = vector.broadcast %shift_left3A_1333 : i32 to vector<16xi32>
      %shift_left3A_1335 = arith.shli %xor3A_1331, %shift_left3A_1334 : vector<16xi32>
      %shift_right_logical3A_1336 = arith.constant 17 : i32
      %shift_right_logical3A_1337 = vector.broadcast %shift_right_logical3A_1336 : i32 to vector<16xi32>
      %shift_right_logical3A_1338 = arith.shrui %xor3A_1331, %shift_right_logical3A_1337 : vector<16xi32>
      %or3A_1339 = arith.ori %shift_left3A_1335, %shift_right_logical3A_1338 : vector<16xi32>
      %xor3A_1340 = arith.xori %add3A_1332, %or3A_1339 : vector<16xi32>
      %add3A_1341 = arith.addi %add3A_1332, %xor3A_1340 : vector<16xi32>
      %shift_left3A_1342 = arith.constant 26 : i32
      %shift_left3A_1343 = vector.broadcast %shift_left3A_1342 : i32 to vector<16xi32>
      %shift_left3A_1344 = arith.shli %xor3A_1340, %shift_left3A_1343 : vector<16xi32>
      %shift_right_logical3A_1345 = arith.constant 6 : i32
      %shift_right_logical3A_1346 = vector.broadcast %shift_right_logical3A_1345 : i32 to vector<16xi32>
      %shift_right_logical3A_1347 = arith.shrui %xor3A_1340, %shift_right_logical3A_1346 : vector<16xi32>
      %or3A_1348 = arith.ori %shift_left3A_1344, %shift_right_logical3A_1347 : vector<16xi32>
      %xor3A_1349 = arith.xori %add3A_1341, %or3A_1348 : vector<16xi32>
      %add3A_1350 = arith.addi %add3A_1341, %xor3A_1349 : vector<16xi32>
      %shift_left3A_1351 = arith.constant 6 : i32
      %shift_left3A_1352 = vector.broadcast %shift_left3A_1351 : i32 to vector<16xi32>
      %shift_left3A_1353 = arith.shli %xor3A_1349, %shift_left3A_1352 : vector<16xi32>
      %shift_right_logical3A_1354 = arith.constant 26 : i32
      %shift_right_logical3A_1355 = vector.broadcast %shift_right_logical3A_1354 : i32 to vector<16xi32>
      %shift_right_logical3A_1356 = arith.shrui %xor3A_1349, %shift_right_logical3A_1355 : vector<16xi32>
      %or3A_1357 = arith.ori %shift_left3A_1353, %shift_right_logical3A_1356 : vector<16xi32>
      %xor3A_1358 = arith.xori %add3A_1350, %or3A_1357 : vector<16xi32>
      %add3A_1359 = arith.constant 1168365246 : i32
      %add3A_1360 = vector.broadcast %add3A_1359 : i32 to vector<16xi32>
      %add3A_1361 = arith.addi %add3A_1350, %add3A_1360 : vector<16xi32>
      %add3A_1362 = arith.constant -765416504 : i32
      %add3A_1363 = vector.broadcast %add3A_1362 : i32 to vector<16xi32>
      %add3A_1364 = arith.addi %xor3A_1358, %add3A_1363 : vector<16xi32>
      %add3A_1365 = arith.constant 1 : i32
      %add3A_1366 = vector.broadcast %add3A_1365 : i32 to vector<16xi32>
      %add3A_1367 = arith.addi %add3A_1364, %add3A_1366 : vector<16xi32>
      %add3A_1368 = arith.addi %add3A_1361, %add3A_1367 : vector<16xi32>
      %shift_left3A_1369 = arith.constant 17 : i32
      %shift_left3A_1370 = vector.broadcast %shift_left3A_1369 : i32 to vector<16xi32>
      %shift_left3A_1371 = arith.shli %add3A_1367, %shift_left3A_1370 : vector<16xi32>
      %shift_right_logical3A_1372 = arith.constant 15 : i32
      %shift_right_logical3A_1373 = vector.broadcast %shift_right_logical3A_1372 : i32 to vector<16xi32>
      %shift_right_logical3A_1374 = arith.shrui %add3A_1367, %shift_right_logical3A_1373 : vector<16xi32>
      %or3A_1375 = arith.ori %shift_left3A_1371, %shift_right_logical3A_1374 : vector<16xi32>
      %xor3A_1376 = arith.xori %add3A_1368, %or3A_1375 : vector<16xi32>
      %add3A_1377 = arith.addi %add3A_1368, %xor3A_1376 : vector<16xi32>
      %shift_left3A_1378 = arith.constant 29 : i32
      %shift_left3A_1379 = vector.broadcast %shift_left3A_1378 : i32 to vector<16xi32>
      %shift_left3A_1380 = arith.shli %xor3A_1376, %shift_left3A_1379 : vector<16xi32>
      %shift_right_logical3A_1381 = arith.constant 3 : i32
      %shift_right_logical3A_1382 = vector.broadcast %shift_right_logical3A_1381 : i32 to vector<16xi32>
      %shift_right_logical3A_1383 = arith.shrui %xor3A_1376, %shift_right_logical3A_1382 : vector<16xi32>
      %or3A_1384 = arith.ori %shift_left3A_1380, %shift_right_logical3A_1383 : vector<16xi32>
      %xor3A_1385 = arith.xori %add3A_1377, %or3A_1384 : vector<16xi32>
      %add3A_1386 = arith.addi %add3A_1377, %xor3A_1385 : vector<16xi32>
      %shift_left3A_1387 = arith.constant 16 : i32
      %shift_left3A_1388 = vector.broadcast %shift_left3A_1387 : i32 to vector<16xi32>
      %shift_left3A_1389 = arith.shli %xor3A_1385, %shift_left3A_1388 : vector<16xi32>
      %shift_right_logical3A_1390 = arith.constant 16 : i32
      %shift_right_logical3A_1391 = vector.broadcast %shift_right_logical3A_1390 : i32 to vector<16xi32>
      %shift_right_logical3A_1392 = arith.shrui %xor3A_1385, %shift_right_logical3A_1391 : vector<16xi32>
      %or3A_1393 = arith.ori %shift_left3A_1389, %shift_right_logical3A_1392 : vector<16xi32>
      %xor3A_1394 = arith.xori %add3A_1386, %or3A_1393 : vector<16xi32>
      %add3A_1395 = arith.addi %add3A_1386, %xor3A_1394 : vector<16xi32>
      %shift_left3A_1396 = arith.constant 24 : i32
      %shift_left3A_1397 = vector.broadcast %shift_left3A_1396 : i32 to vector<16xi32>
      %shift_left3A_1398 = arith.shli %xor3A_1394, %shift_left3A_1397 : vector<16xi32>
      %shift_right_logical3A_1399 = arith.constant 8 : i32
      %shift_right_logical3A_1400 = vector.broadcast %shift_right_logical3A_1399 : i32 to vector<16xi32>
      %shift_right_logical3A_1401 = arith.shrui %xor3A_1394, %shift_right_logical3A_1400 : vector<16xi32>
      %or3A_1402 = arith.ori %shift_left3A_1398, %shift_right_logical3A_1401 : vector<16xi32>
      %xor3A_1403 = arith.xori %add3A_1395, %or3A_1402 : vector<16xi32>
      %add3A_1404 = arith.constant -765416504 : i32
      %add3A_1405 = vector.broadcast %add3A_1404 : i32 to vector<16xi32>
      %add3A_1406 = arith.addi %add3A_1395, %add3A_1405 : vector<16xi32>
      %add3A_1407 = arith.constant -1944951124 : i32
      %add3A_1408 = vector.broadcast %add3A_1407 : i32 to vector<16xi32>
      %add3A_1409 = arith.addi %xor3A_1403, %add3A_1408 : vector<16xi32>
      %add3A_1410 = arith.constant 2 : i32
      %add3A_1411 = vector.broadcast %add3A_1410 : i32 to vector<16xi32>
      %add3A_1412 = arith.addi %add3A_1409, %add3A_1411 : vector<16xi32>
      %add3A_1413 = arith.addi %add3A_1406, %add3A_1412 : vector<16xi32>
      %shift_left3A_1414 = arith.constant 13 : i32
      %shift_left3A_1415 = vector.broadcast %shift_left3A_1414 : i32 to vector<16xi32>
      %shift_left3A_1416 = arith.shli %add3A_1412, %shift_left3A_1415 : vector<16xi32>
      %shift_right_logical3A_1417 = arith.constant 19 : i32
      %shift_right_logical3A_1418 = vector.broadcast %shift_right_logical3A_1417 : i32 to vector<16xi32>
      %shift_right_logical3A_1419 = arith.shrui %add3A_1412, %shift_right_logical3A_1418 : vector<16xi32>
      %or3A_1420 = arith.ori %shift_left3A_1416, %shift_right_logical3A_1419 : vector<16xi32>
      %xor3A_1421 = arith.xori %add3A_1413, %or3A_1420 : vector<16xi32>
      %add3A_1422 = arith.addi %add3A_1413, %xor3A_1421 : vector<16xi32>
      %shift_left3A_1423 = arith.constant 15 : i32
      %shift_left3A_1424 = vector.broadcast %shift_left3A_1423 : i32 to vector<16xi32>
      %shift_left3A_1425 = arith.shli %xor3A_1421, %shift_left3A_1424 : vector<16xi32>
      %shift_right_logical3A_1426 = arith.constant 17 : i32
      %shift_right_logical3A_1427 = vector.broadcast %shift_right_logical3A_1426 : i32 to vector<16xi32>
      %shift_right_logical3A_1428 = arith.shrui %xor3A_1421, %shift_right_logical3A_1427 : vector<16xi32>
      %or3A_1429 = arith.ori %shift_left3A_1425, %shift_right_logical3A_1428 : vector<16xi32>
      %xor3A_1430 = arith.xori %add3A_1422, %or3A_1429 : vector<16xi32>
      %add3A_1431 = arith.addi %add3A_1422, %xor3A_1430 : vector<16xi32>
      %shift_left3A_1432 = arith.constant 26 : i32
      %shift_left3A_1433 = vector.broadcast %shift_left3A_1432 : i32 to vector<16xi32>
      %shift_left3A_1434 = arith.shli %xor3A_1430, %shift_left3A_1433 : vector<16xi32>
      %shift_right_logical3A_1435 = arith.constant 6 : i32
      %shift_right_logical3A_1436 = vector.broadcast %shift_right_logical3A_1435 : i32 to vector<16xi32>
      %shift_right_logical3A_1437 = arith.shrui %xor3A_1430, %shift_right_logical3A_1436 : vector<16xi32>
      %or3A_1438 = arith.ori %shift_left3A_1434, %shift_right_logical3A_1437 : vector<16xi32>
      %xor3A_1439 = arith.xori %add3A_1431, %or3A_1438 : vector<16xi32>
      %add3A_1440 = arith.addi %add3A_1431, %xor3A_1439 : vector<16xi32>
      %shift_left3A_1441 = arith.constant 6 : i32
      %shift_left3A_1442 = vector.broadcast %shift_left3A_1441 : i32 to vector<16xi32>
      %shift_left3A_1443 = arith.shli %xor3A_1439, %shift_left3A_1442 : vector<16xi32>
      %shift_right_logical3A_1444 = arith.constant 26 : i32
      %shift_right_logical3A_1445 = vector.broadcast %shift_right_logical3A_1444 : i32 to vector<16xi32>
      %shift_right_logical3A_1446 = arith.shrui %xor3A_1439, %shift_right_logical3A_1445 : vector<16xi32>
      %or3A_1447 = arith.ori %shift_left3A_1443, %shift_right_logical3A_1446 : vector<16xi32>
      %xor3A_1448 = arith.xori %add3A_1440, %or3A_1447 : vector<16xi32>
      %add3A_1449 = arith.constant -1944951124 : i32
      %add3A_1450 = vector.broadcast %add3A_1449 : i32 to vector<16xi32>
      %add3A_1451 = arith.addi %add3A_1440, %add3A_1450 : vector<16xi32>
      %add3A_1452 = arith.constant 1168365246 : i32
      %add3A_1453 = vector.broadcast %add3A_1452 : i32 to vector<16xi32>
      %add3A_1454 = arith.addi %xor3A_1448, %add3A_1453 : vector<16xi32>
      %add3A_1455 = arith.constant 3 : i32
      %add3A_1456 = vector.broadcast %add3A_1455 : i32 to vector<16xi32>
      %add3A_1457 = arith.addi %add3A_1454, %add3A_1456 : vector<16xi32>
      %add3A_1458 = arith.addi %add3A_1451, %add3A_1457 : vector<16xi32>
      %shift_left3A_1459 = arith.constant 17 : i32
      %shift_left3A_1460 = vector.broadcast %shift_left3A_1459 : i32 to vector<16xi32>
      %shift_left3A_1461 = arith.shli %add3A_1457, %shift_left3A_1460 : vector<16xi32>
      %shift_right_logical3A_1462 = arith.constant 15 : i32
      %shift_right_logical3A_1463 = vector.broadcast %shift_right_logical3A_1462 : i32 to vector<16xi32>
      %shift_right_logical3A_1464 = arith.shrui %add3A_1457, %shift_right_logical3A_1463 : vector<16xi32>
      %or3A_1465 = arith.ori %shift_left3A_1461, %shift_right_logical3A_1464 : vector<16xi32>
      %xor3A_1466 = arith.xori %add3A_1458, %or3A_1465 : vector<16xi32>
      %add3A_1467 = arith.addi %add3A_1458, %xor3A_1466 : vector<16xi32>
      %shift_left3A_1468 = arith.constant 29 : i32
      %shift_left3A_1469 = vector.broadcast %shift_left3A_1468 : i32 to vector<16xi32>
      %shift_left3A_1470 = arith.shli %xor3A_1466, %shift_left3A_1469 : vector<16xi32>
      %shift_right_logical3A_1471 = arith.constant 3 : i32
      %shift_right_logical3A_1472 = vector.broadcast %shift_right_logical3A_1471 : i32 to vector<16xi32>
      %shift_right_logical3A_1473 = arith.shrui %xor3A_1466, %shift_right_logical3A_1472 : vector<16xi32>
      %or3A_1474 = arith.ori %shift_left3A_1470, %shift_right_logical3A_1473 : vector<16xi32>
      %xor3A_1475 = arith.xori %add3A_1467, %or3A_1474 : vector<16xi32>
      %add3A_1476 = arith.addi %add3A_1467, %xor3A_1475 : vector<16xi32>
      %shift_left3A_1477 = arith.constant 16 : i32
      %shift_left3A_1478 = vector.broadcast %shift_left3A_1477 : i32 to vector<16xi32>
      %shift_left3A_1479 = arith.shli %xor3A_1475, %shift_left3A_1478 : vector<16xi32>
      %shift_right_logical3A_1480 = arith.constant 16 : i32
      %shift_right_logical3A_1481 = vector.broadcast %shift_right_logical3A_1480 : i32 to vector<16xi32>
      %shift_right_logical3A_1482 = arith.shrui %xor3A_1475, %shift_right_logical3A_1481 : vector<16xi32>
      %or3A_1483 = arith.ori %shift_left3A_1479, %shift_right_logical3A_1482 : vector<16xi32>
      %xor3A_1484 = arith.xori %add3A_1476, %or3A_1483 : vector<16xi32>
      %add3A_1485 = arith.addi %add3A_1476, %xor3A_1484 : vector<16xi32>
      %shift_left3A_1486 = arith.constant 24 : i32
      %shift_left3A_1487 = vector.broadcast %shift_left3A_1486 : i32 to vector<16xi32>
      %shift_left3A_1488 = arith.shli %xor3A_1484, %shift_left3A_1487 : vector<16xi32>
      %shift_right_logical3A_1489 = arith.constant 8 : i32
      %shift_right_logical3A_1490 = vector.broadcast %shift_right_logical3A_1489 : i32 to vector<16xi32>
      %shift_right_logical3A_1491 = arith.shrui %xor3A_1484, %shift_right_logical3A_1490 : vector<16xi32>
      %or3A_1492 = arith.ori %shift_left3A_1488, %shift_right_logical3A_1491 : vector<16xi32>
      %xor3A_1493 = arith.xori %add3A_1485, %or3A_1492 : vector<16xi32>
      %add3A_1494 = arith.constant 1168365246 : i32
      %add3A_1495 = vector.broadcast %add3A_1494 : i32 to vector<16xi32>
      %add3A_1496 = arith.addi %add3A_1485, %add3A_1495 : vector<16xi32>
      %add3A_1497 = arith.constant -765416504 : i32
      %add3A_1498 = vector.broadcast %add3A_1497 : i32 to vector<16xi32>
      %add3A_1499 = arith.addi %xor3A_1493, %add3A_1498 : vector<16xi32>
      %add3A_1500 = arith.constant 4 : i32
      %add3A_1501 = vector.broadcast %add3A_1500 : i32 to vector<16xi32>
      %add3A_1502 = arith.addi %add3A_1499, %add3A_1501 : vector<16xi32>
      %add3A_1503 = arith.addi %add3A_1496, %add3A_1502 : vector<16xi32>
      %shift_left3A_1504 = arith.constant 13 : i32
      %shift_left3A_1505 = vector.broadcast %shift_left3A_1504 : i32 to vector<16xi32>
      %shift_left3A_1506 = arith.shli %add3A_1502, %shift_left3A_1505 : vector<16xi32>
      %shift_right_logical3A_1507 = arith.constant 19 : i32
      %shift_right_logical3A_1508 = vector.broadcast %shift_right_logical3A_1507 : i32 to vector<16xi32>
      %shift_right_logical3A_1509 = arith.shrui %add3A_1502, %shift_right_logical3A_1508 : vector<16xi32>
      %or3A_1510 = arith.ori %shift_left3A_1506, %shift_right_logical3A_1509 : vector<16xi32>
      %xor3A_1511 = arith.xori %add3A_1503, %or3A_1510 : vector<16xi32>
      %add3A_1512 = arith.addi %add3A_1503, %xor3A_1511 : vector<16xi32>
      %shift_left3A_1513 = arith.constant 15 : i32
      %shift_left3A_1514 = vector.broadcast %shift_left3A_1513 : i32 to vector<16xi32>
      %shift_left3A_1515 = arith.shli %xor3A_1511, %shift_left3A_1514 : vector<16xi32>
      %shift_right_logical3A_1516 = arith.constant 17 : i32
      %shift_right_logical3A_1517 = vector.broadcast %shift_right_logical3A_1516 : i32 to vector<16xi32>
      %shift_right_logical3A_1518 = arith.shrui %xor3A_1511, %shift_right_logical3A_1517 : vector<16xi32>
      %or3A_1519 = arith.ori %shift_left3A_1515, %shift_right_logical3A_1518 : vector<16xi32>
      %xor3A_1520 = arith.xori %add3A_1512, %or3A_1519 : vector<16xi32>
      %add3A_1521 = arith.addi %add3A_1512, %xor3A_1520 : vector<16xi32>
      %shift_left3A_1522 = arith.constant 26 : i32
      %shift_left3A_1523 = vector.broadcast %shift_left3A_1522 : i32 to vector<16xi32>
      %shift_left3A_1524 = arith.shli %xor3A_1520, %shift_left3A_1523 : vector<16xi32>
      %shift_right_logical3A_1525 = arith.constant 6 : i32
      %shift_right_logical3A_1526 = vector.broadcast %shift_right_logical3A_1525 : i32 to vector<16xi32>
      %shift_right_logical3A_1527 = arith.shrui %xor3A_1520, %shift_right_logical3A_1526 : vector<16xi32>
      %or3A_1528 = arith.ori %shift_left3A_1524, %shift_right_logical3A_1527 : vector<16xi32>
      %xor3A_1529 = arith.xori %add3A_1521, %or3A_1528 : vector<16xi32>
      %add3A_1530 = arith.addi %add3A_1521, %xor3A_1529 : vector<16xi32>
      %shift_left3A_1531 = arith.constant 6 : i32
      %shift_left3A_1532 = vector.broadcast %shift_left3A_1531 : i32 to vector<16xi32>
      %shift_left3A_1533 = arith.shli %xor3A_1529, %shift_left3A_1532 : vector<16xi32>
      %shift_right_logical3A_1534 = arith.constant 26 : i32
      %shift_right_logical3A_1535 = vector.broadcast %shift_right_logical3A_1534 : i32 to vector<16xi32>
      %shift_right_logical3A_1536 = arith.shrui %xor3A_1529, %shift_right_logical3A_1535 : vector<16xi32>
      %or3A_1537 = arith.ori %shift_left3A_1533, %shift_right_logical3A_1536 : vector<16xi32>
      %xor3A_1538 = arith.xori %add3A_1530, %or3A_1537 : vector<16xi32>
      %add3A_1539 = arith.constant -765416504 : i32
      %add3A_1540 = vector.broadcast %add3A_1539 : i32 to vector<16xi32>
      %add3A_1541 = arith.addi %add3A_1530, %add3A_1540 : vector<16xi32>
      %add3A_1542 = arith.constant -1944951124 : i32
      %add3A_1543 = vector.broadcast %add3A_1542 : i32 to vector<16xi32>
      %add3A_1544 = arith.addi %xor3A_1538, %add3A_1543 : vector<16xi32>
      %add3A_1545 = arith.constant 5 : i32
      %add3A_1546 = vector.broadcast %add3A_1545 : i32 to vector<16xi32>
      %add3A_1547 = arith.addi %add3A_1544, %add3A_1546 : vector<16xi32>
      %xor3A_1548 = arith.xori %add3A_1541, %add3A_1547 : vector<16xi32>
      %shift_right_logical3A_1549 = arith.constant 16 : i32
      %shift_right_logical3A_1550 = vector.broadcast %shift_right_logical3A_1549 : i32 to vector<16xi32>
      %shift_right_logical3A_1551 = arith.shrui %xor3A_1317, %shift_right_logical3A_1550 : vector<16xi32>
      %and3A_1552 = arith.constant 65535 : i32
      %and3A_1553 = vector.broadcast %and3A_1552 : i32 to vector<16xi32>
      %and3A_1554 = arith.andi %xor3A_1317, %and3A_1553 : vector<16xi32>
      %mul3A_1555 = arith.constant 4492 : i32
      %mul3A_1556 = vector.broadcast %mul3A_1555 : i32 to vector<16xi32>
      %mul3A_1557 = arith.muli %shift_right_logical3A_1551, %mul3A_1556 : vector<16xi32>
      %add3A_1558 = arith.addi %mul3A_1557, %and3A_1554 : vector<16xi32>
      %convert_element_type3A_1559 = arith.sitofp %add3A_1558 : vector<16xi32> to vector<16xf32>
      %mul3A_1560 = arith.constant 3.27632515E-5 : f32
      %mul3A_1561 = vector.broadcast %mul3A_1560 : f32 to vector<16xf32>
      %mul3A_1562 = arith.mulf %convert_element_type3A_1559, %mul3A_1561 : vector<16xf32>
      %convert_element_type3A_1563 = arith.fptosi %mul3A_1562 : vector<16xf32> to vector<16xi32>
      %mul3A_1564 = arith.constant 30522 : i32
      %mul3A_1565 = vector.broadcast %mul3A_1564 : i32 to vector<16xi32>
      %mul3A_1566 = arith.muli %convert_element_type3A_1563, %mul3A_1565 : vector<16xi32>
      %sub3A_1567 = arith.subi %add3A_1558, %mul3A_1566 : vector<16xi32>
      %lt3A_1568 = arith.constant 0 : i32
      %lt3A_1569 = vector.broadcast %lt3A_1568 : i32 to vector<16xi32>
      %lt3A_1570 = arith.cmpi slt, %sub3A_1567, %lt3A_1569 : vector<16xi32>
      %add3A_1571 = arith.constant 30522 : i32
      %add3A_1572 = vector.broadcast %add3A_1571 : i32 to vector<16xi32>
      %add3A_1573 = arith.addi %sub3A_1567, %add3A_1572 : vector<16xi32>
      %select_n3A_1574 = arith.select %lt3A_1570, %add3A_1573, %sub3A_1567 : vector<16xi1>, vector<16xi32>
      %ge3A_1575 = arith.constant 30522 : i32
      %ge3A_1576 = vector.broadcast %ge3A_1575 : i32 to vector<16xi32>
      %ge3A_1577 = arith.cmpi sge, %select_n3A_1574, %ge3A_1576 : vector<16xi32>
      %sub3A_1578 = arith.constant 30522 : i32
      %sub3A_1579 = vector.broadcast %sub3A_1578 : i32 to vector<16xi32>
      %sub3A_1580 = arith.subi %select_n3A_1574, %sub3A_1579 : vector<16xi32>
      %select_n3A_1581 = arith.select %ge3A_1577, %sub3A_1580, %select_n3A_1574 : vector<16xi1>, vector<16xi32>
      %mul3A_1582 = arith.constant 3022 : i32
      %mul3A_1583 = vector.broadcast %mul3A_1582 : i32 to vector<16xi32>
      %mul3A_1584 = arith.muli %select_n3A_1581, %mul3A_1583 : vector<16xi32>
      %shift_right_logical3A_1585 = arith.constant 16 : i32
      %shift_right_logical3A_1586 = vector.broadcast %shift_right_logical3A_1585 : i32 to vector<16xi32>
      %shift_right_logical3A_1587 = arith.shrui %xor3A_1548, %shift_right_logical3A_1586 : vector<16xi32>
      %and3A_1588 = arith.constant 65535 : i32
      %and3A_1589 = vector.broadcast %and3A_1588 : i32 to vector<16xi32>
      %and3A_1590 = arith.andi %xor3A_1548, %and3A_1589 : vector<16xi32>
      %mul3A_1591 = arith.constant 4492 : i32
      %mul3A_1592 = vector.broadcast %mul3A_1591 : i32 to vector<16xi32>
      %mul3A_1593 = arith.muli %shift_right_logical3A_1587, %mul3A_1592 : vector<16xi32>
      %add3A_1594 = arith.addi %mul3A_1593, %and3A_1590 : vector<16xi32>
      %convert_element_type3A_1595 = arith.sitofp %add3A_1594 : vector<16xi32> to vector<16xf32>
      %mul3A_1596 = arith.constant 3.27632515E-5 : f32
      %mul3A_1597 = vector.broadcast %mul3A_1596 : f32 to vector<16xf32>
      %mul3A_1598 = arith.mulf %convert_element_type3A_1595, %mul3A_1597 : vector<16xf32>
      %convert_element_type3A_1599 = arith.fptosi %mul3A_1598 : vector<16xf32> to vector<16xi32>
      %mul3A_1600 = arith.constant 30522 : i32
      %mul3A_1601 = vector.broadcast %mul3A_1600 : i32 to vector<16xi32>
      %mul3A_1602 = arith.muli %convert_element_type3A_1599, %mul3A_1601 : vector<16xi32>
      %sub3A_1603 = arith.subi %add3A_1594, %mul3A_1602 : vector<16xi32>
      %lt3A_1604 = arith.constant 0 : i32
      %lt3A_1605 = vector.broadcast %lt3A_1604 : i32 to vector<16xi32>
      %lt3A_1606 = arith.cmpi slt, %sub3A_1603, %lt3A_1605 : vector<16xi32>
      %add3A_1607 = arith.constant 30522 : i32
      %add3A_1608 = vector.broadcast %add3A_1607 : i32 to vector<16xi32>
      %add3A_1609 = arith.addi %sub3A_1603, %add3A_1608 : vector<16xi32>
      %select_n3A_1610 = arith.select %lt3A_1606, %add3A_1609, %sub3A_1603 : vector<16xi1>, vector<16xi32>
      %ge3A_1611 = arith.constant 30522 : i32
      %ge3A_1612 = vector.broadcast %ge3A_1611 : i32 to vector<16xi32>
      %ge3A_1613 = arith.cmpi sge, %select_n3A_1610, %ge3A_1612 : vector<16xi32>
      %sub3A_1614 = arith.constant 30522 : i32
      %sub3A_1615 = vector.broadcast %sub3A_1614 : i32 to vector<16xi32>
      %sub3A_1616 = arith.subi %select_n3A_1610, %sub3A_1615 : vector<16xi32>
      %select_n3A_1617 = arith.select %ge3A_1613, %sub3A_1616, %select_n3A_1610 : vector<16xi1>, vector<16xi32>
      %add3A_1618 = arith.addi %mul3A_1584, %select_n3A_1617 : vector<16xi32>
      %convert_element_type3A_1619 = arith.sitofp %add3A_1618 : vector<16xi32> to vector<16xf32>
      %mul3A_1620 = arith.constant 3.27632515E-5 : f32
      %mul3A_1621 = vector.broadcast %mul3A_1620 : f32 to vector<16xf32>
      %mul3A_1622 = arith.mulf %convert_element_type3A_1619, %mul3A_1621 : vector<16xf32>
      %convert_element_type3A_1623 = arith.fptosi %mul3A_1622 : vector<16xf32> to vector<16xi32>
      %mul3A_1624 = arith.constant 30522 : i32
      %mul3A_1625 = vector.broadcast %mul3A_1624 : i32 to vector<16xi32>
      %mul3A_1626 = arith.muli %convert_element_type3A_1623, %mul3A_1625 : vector<16xi32>
      %sub3A_1627 = arith.subi %add3A_1618, %mul3A_1626 : vector<16xi32>
      %lt3A_1628 = arith.constant 0 : i32
      %lt3A_1629 = vector.broadcast %lt3A_1628 : i32 to vector<16xi32>
      %lt3A_1630 = arith.cmpi slt, %sub3A_1627, %lt3A_1629 : vector<16xi32>
      %add3A_1631 = arith.constant 30522 : i32
      %add3A_1632 = vector.broadcast %add3A_1631 : i32 to vector<16xi32>
      %add3A_1633 = arith.addi %sub3A_1627, %add3A_1632 : vector<16xi32>
      %select_n3A_1634 = arith.select %lt3A_1630, %add3A_1633, %sub3A_1627 : vector<16xi1>, vector<16xi32>
      %ge3A_1635 = arith.constant 30522 : i32
      %ge3A_1636 = vector.broadcast %ge3A_1635 : i32 to vector<16xi32>
      %ge3A_1637 = arith.cmpi sge, %select_n3A_1634, %ge3A_1636 : vector<16xi32>
      %sub3A_1638 = arith.constant 30522 : i32
      %sub3A_1639 = vector.broadcast %sub3A_1638 : i32 to vector<16xi32>
      %sub3A_1640 = arith.subi %select_n3A_1634, %sub3A_1639 : vector<16xi32>
      %select_n3A_1641 = arith.select %ge3A_1637, %sub3A_1640, %select_n3A_1634 : vector<16xi1>, vector<16xi32>
      %select_n3A_1642 = arith.select %and3A_1076, %select_n3A_1641, %select_n3A_1079 : vector<16xi1>, vector<16xi32>
      %swap3A_1643 = arith.index_cast %mul3A_823 : i32 to index
      %swap3A_1644 = tpu.vector_load %arg6[%swap3A_1643] {strides = array<i32>} : memref<1024xi32, #tpu.memory_space<vmem>>, vector<16xi32>,
      %swap3A_1645 = vector.shape_cast %swap3A_1644 : vector<16xi32> to vector<16xi32>
      %swap3A_1646 = vector.shape_cast %select_n3A_1642 : vector<16xi32> to vector<16xi32>
      tpu.vector_store %arg6[%swap3A_1643], %swap3A_1646 {strides = array<i32>} : memref<1024xi32, #tpu.memory_space<vmem>>, vector<16xi32>,
      %scan3A_1647 = arith.constant 2 : i32
      %scan3A_1648 = arith.addi %scan3A_8, %scan3A_1647 : i32
      %mul3A_1649 = arith.constant 16 : i32
      %mul3A_1650 = arith.muli %scan3A_1648, %mul3A_1649 : i32
      %get3A_1651 = arith.index_cast %mul3A_1650 : i32 to index
      %get3A_1652 = tpu.vector_load %arg5[%get3A_1651] {strides = array<i32>} : memref<1024xi32, #tpu.memory_space<vmem>>, vector<16xi32>,
      %get3A_1653 = vector.shape_cast %get3A_1652 : vector<16xi32> to vector<16xi32>
      %add3A_1654 = arith.addi %mul3A_2, %mul3A_1650 : i32
      %add3A_1655 = vector.broadcast %add3A_1654 : i32 to vector<16xi32>
      %add3A_1656 = arith.addi %iota3A, %add3A_1655 : vector<16xi32>
      %broadcast_in_dim3A_1657 = arith.constant 1832780943 : i32
      %broadcast_in_dim3A_1658 = vector.broadcast %broadcast_in_dim3A_1657 : i32 to vector<16xi32>
      %add3A_1659 = arith.constant 270669613 : i32
      %add3A_1660 = vector.broadcast %add3A_1659 : i32 to vector<16xi32>
      %add3A_1661 = arith.addi %add3A_1656, %add3A_1660 : vector<16xi32>
      %add3A_1662 = arith.addi %broadcast_in_dim3A_1658, %add3A_1661 : vector<16xi32>
      %shift_left3A_1663 = arith.constant 13 : i32
      %shift_left3A_1664 = vector.broadcast %shift_left3A_1663 : i32 to vector<16xi32>
      %shift_left3A_1665 = arith.shli %add3A_1661, %shift_left3A_1664 : vector<16xi32>
      %shift_right_logical3A_1666 = arith.constant 19 : i32
      %shift_right_logical3A_1667 = vector.broadcast %shift_right_logical3A_1666 : i32 to vector<16xi32>
      %shift_right_logical3A_1668 = arith.shrui %add3A_1661, %shift_right_logical3A_1667 : vector<16xi32>
      %or3A_1669 = arith.ori %shift_left3A_1665, %shift_right_logical3A_1668 : vector<16xi32>
      %xor3A_1670 = arith.xori %add3A_1662, %or3A_1669 : vector<16xi32>
      %add3A_1671 = arith.addi %add3A_1662, %xor3A_1670 : vector<16xi32>
      %shift_left3A_1672 = arith.constant 15 : i32
      %shift_left3A_1673 = vector.broadcast %shift_left3A_1672 : i32 to vector<16xi32>
      %shift_left3A_1674 = arith.shli %xor3A_1670, %shift_left3A_1673 : vector<16xi32>
      %shift_right_logical3A_1675 = arith.constant 17 : i32
      %shift_right_logical3A_1676 = vector.broadcast %shift_right_logical3A_1675 : i32 to vector<16xi32>
      %shift_right_logical3A_1677 = arith.shrui %xor3A_1670, %shift_right_logical3A_1676 : vector<16xi32>
      %or3A_1678 = arith.ori %shift_left3A_1674, %shift_right_logical3A_1677 : vector<16xi32>
      %xor3A_1679 = arith.xori %add3A_1671, %or3A_1678 : vector<16xi32>
      %add3A_1680 = arith.addi %add3A_1671, %xor3A_1679 : vector<16xi32>
      %shift_left3A_1681 = arith.constant 26 : i32
      %shift_left3A_1682 = vector.broadcast %shift_left3A_1681 : i32 to vector<16xi32>
      %shift_left3A_1683 = arith.shli %xor3A_1679, %shift_left3A_1682 : vector<16xi32>
      %shift_right_logical3A_1684 = arith.constant 6 : i32
      %shift_right_logical3A_1685 = vector.broadcast %shift_right_logical3A_1684 : i32 to vector<16xi32>
      %shift_right_logical3A_1686 = arith.shrui %xor3A_1679, %shift_right_logical3A_1685 : vector<16xi32>
      %or3A_1687 = arith.ori %shift_left3A_1683, %shift_right_logical3A_1686 : vector<16xi32>
      %xor3A_1688 = arith.xori %add3A_1680, %or3A_1687 : vector<16xi32>
      %add3A_1689 = arith.addi %add3A_1680, %xor3A_1688 : vector<16xi32>
      %shift_left3A_1690 = arith.constant 6 : i32
      %shift_left3A_1691 = vector.broadcast %shift_left3A_1690 : i32 to vector<16xi32>
      %shift_left3A_1692 = arith.shli %xor3A_1688, %shift_left3A_1691 : vector<16xi32>
      %shift_right_logical3A_1693 = arith.constant 26 : i32
      %shift_right_logical3A_1694 = vector.broadcast %shift_right_logical3A_1693 : i32 to vector<16xi32>
      %shift_right_logical3A_1695 = arith.shrui %xor3A_1688, %shift_right_logical3A_1694 : vector<16xi32>
      %or3A_1696 = arith.ori %shift_left3A_1692, %shift_right_logical3A_1695 : vector<16xi32>
      %xor3A_1697 = arith.xori %add3A_1689, %or3A_1696 : vector<16xi32>
      %add3A_1698 = arith.constant 270669613 : i32
      %add3A_1699 = vector.broadcast %add3A_1698 : i32 to vector<16xi32>
      %add3A_1700 = arith.addi %add3A_1689, %add3A_1699 : vector<16xi32>
      %add3A_1701 = arith.constant 1724713080 : i32
      %add3A_1702 = vector.broadcast %add3A_1701 : i32 to vector<16xi32>
      %add3A_1703 = arith.addi %xor3A_1697, %add3A_1702 : vector<16xi32>
      %add3A_1704 = arith.constant 1 : i32
      %add3A_1705 = vector.broadcast %add3A_1704 : i32 to vector<16xi32>
      %add3A_1706 = arith.addi %add3A_1703, %add3A_1705 : vector<16xi32>
      %add3A_1707 = arith.addi %add3A_1700, %add3A_1706 : vector<16xi32>
      %shift_left3A_1708 = arith.constant 17 : i32
      %shift_left3A_1709 = vector.broadcast %shift_left3A_1708 : i32 to vector<16xi32>
      %shift_left3A_1710 = arith.shli %add3A_1706, %shift_left3A_1709 : vector<16xi32>
      %shift_right_logical3A_1711 = arith.constant 15 : i32
      %shift_right_logical3A_1712 = vector.broadcast %shift_right_logical3A_1711 : i32 to vector<16xi32>
      %shift_right_logical3A_1713 = arith.shrui %add3A_1706, %shift_right_logical3A_1712 : vector<16xi32>
      %or3A_1714 = arith.ori %shift_left3A_1710, %shift_right_logical3A_1713 : vector<16xi32>
      %xor3A_1715 = arith.xori %add3A_1707, %or3A_1714 : vector<16xi32>
      %add3A_1716 = arith.addi %add3A_1707, %xor3A_1715 : vector<16xi32>
      %shift_left3A_1717 = arith.constant 29 : i32
      %shift_left3A_1718 = vector.broadcast %shift_left3A_1717 : i32 to vector<16xi32>
      %shift_left3A_1719 = arith.shli %xor3A_1715, %shift_left3A_1718 : vector<16xi32>
      %shift_right_logical3A_1720 = arith.constant 3 : i32
      %shift_right_logical3A_1721 = vector.broadcast %shift_right_logical3A_1720 : i32 to vector<16xi32>
      %shift_right_logical3A_1722 = arith.shrui %xor3A_1715, %shift_right_logical3A_1721 : vector<16xi32>
      %or3A_1723 = arith.ori %shift_left3A_1719, %shift_right_logical3A_1722 : vector<16xi32>
      %xor3A_1724 = arith.xori %add3A_1716, %or3A_1723 : vector<16xi32>
      %add3A_1725 = arith.addi %add3A_1716, %xor3A_1724 : vector<16xi32>
      %shift_left3A_1726 = arith.constant 16 : i32
      %shift_left3A_1727 = vector.broadcast %shift_left3A_1726 : i32 to vector<16xi32>
      %shift_left3A_1728 = arith.shli %xor3A_1724, %shift_left3A_1727 : vector<16xi32>
      %shift_right_logical3A_1729 = arith.constant 16 : i32
      %shift_right_logical3A_1730 = vector.broadcast %shift_right_logical3A_1729 : i32 to vector<16xi32>
      %shift_right_logical3A_1731 = arith.shrui %xor3A_1724, %shift_right_logical3A_1730 : vector<16xi32>
      %or3A_1732 = arith.ori %shift_left3A_1728, %shift_right_logical3A_1731 : vector<16xi32>
      %xor3A_1733 = arith.xori %add3A_1725, %or3A_1732 : vector<16xi32>
      %add3A_1734 = arith.addi %add3A_1725, %xor3A_1733 : vector<16xi32>
      %shift_left3A_1735 = arith.constant 24 : i32
      %shift_left3A_1736 = vector.broadcast %shift_left3A_1735 : i32 to vector<16xi32>
      %shift_left3A_1737 = arith.shli %xor3A_1733, %shift_left3A_1736 : vector<16xi32>
      %shift_right_logical3A_1738 = arith.constant 8 : i32
      %shift_right_logical3A_1739 = vector.broadcast %shift_right_logical3A_1738 : i32 to vector<16xi32>
      %shift_right_logical3A_1740 = arith.shrui %xor3A_1733, %shift_right_logical3A_1739 : vector<16xi32>
      %or3A_1741 = arith.ori %shift_left3A_1737, %shift_right_logical3A_1740 : vector<16xi32>
      %xor3A_1742 = arith.xori %add3A_1734, %or3A_1741 : vector<16xi32>
      %add3A_1743 = arith.constant 1724713080 : i32
      %add3A_1744 = vector.broadcast %add3A_1743 : i32 to vector<16xi32>
      %add3A_1745 = arith.addi %add3A_1734, %add3A_1744 : vector<16xi32>
      %add3A_1746 = arith.constant 1832780943 : i32
      %add3A_1747 = vector.broadcast %add3A_1746 : i32 to vector<16xi32>
      %add3A_1748 = arith.addi %xor3A_1742, %add3A_1747 : vector<16xi32>
      %add3A_1749 = arith.constant 2 : i32
      %add3A_1750 = vector.broadcast %add3A_1749 : i32 to vector<16xi32>
      %add3A_1751 = arith.addi %add3A_1748, %add3A_1750 : vector<16xi32>
      %add3A_1752 = arith.addi %add3A_1745, %add3A_1751 : vector<16xi32>
      %shift_left3A_1753 = arith.constant 13 : i32
      %shift_left3A_1754 = vector.broadcast %shift_left3A_1753 : i32 to vector<16xi32>
      %shift_left3A_1755 = arith.shli %add3A_1751, %shift_left3A_1754 : vector<16xi32>
      %shift_right_logical3A_1756 = arith.constant 19 : i32
      %shift_right_logical3A_1757 = vector.broadcast %shift_right_logical3A_1756 : i32 to vector<16xi32>
      %shift_right_logical3A_1758 = arith.shrui %add3A_1751, %shift_right_logical3A_1757 : vector<16xi32>
      %or3A_1759 = arith.ori %shift_left3A_1755, %shift_right_logical3A_1758 : vector<16xi32>
      %xor3A_1760 = arith.xori %add3A_1752, %or3A_1759 : vector<16xi32>
      %add3A_1761 = arith.addi %add3A_1752, %xor3A_1760 : vector<16xi32>
      %shift_left3A_1762 = arith.constant 15 : i32
      %shift_left3A_1763 = vector.broadcast %shift_left3A_1762 : i32 to vector<16xi32>
      %shift_left3A_1764 = arith.shli %xor3A_1760, %shift_left3A_1763 : vector<16xi32>
      %shift_right_logical3A_1765 = arith.constant 17 : i32
      %shift_right_logical3A_1766 = vector.broadcast %shift_right_logical3A_1765 : i32 to vector<16xi32>
      %shift_right_logical3A_1767 = arith.shrui %xor3A_1760, %shift_right_logical3A_1766 : vector<16xi32>
      %or3A_1768 = arith.ori %shift_left3A_1764, %shift_right_logical3A_1767 : vector<16xi32>
      %xor3A_1769 = arith.xori %add3A_1761, %or3A_1768 : vector<16xi32>
      %add3A_1770 = arith.addi %add3A_1761, %xor3A_1769 : vector<16xi32>
      %shift_left3A_1771 = arith.constant 26 : i32
      %shift_left3A_1772 = vector.broadcast %shift_left3A_1771 : i32 to vector<16xi32>
      %shift_left3A_1773 = arith.shli %xor3A_1769, %shift_left3A_1772 : vector<16xi32>
      %shift_right_logical3A_1774 = arith.constant 6 : i32
      %shift_right_logical3A_1775 = vector.broadcast %shift_right_logical3A_1774 : i32 to vector<16xi32>
      %shift_right_logical3A_1776 = arith.shrui %xor3A_1769, %shift_right_logical3A_1775 : vector<16xi32>
      %or3A_1777 = arith.ori %shift_left3A_1773, %shift_right_logical3A_1776 : vector<16xi32>
      %xor3A_1778 = arith.xori %add3A_1770, %or3A_1777 : vector<16xi32>
      %add3A_1779 = arith.addi %add3A_1770, %xor3A_1778 : vector<16xi32>
      %shift_left3A_1780 = arith.constant 6 : i32
      %shift_left3A_1781 = vector.broadcast %shift_left3A_1780 : i32 to vector<16xi32>
      %shift_left3A_1782 = arith.shli %xor3A_1778, %shift_left3A_1781 : vector<16xi32>
      %shift_right_logical3A_1783 = arith.constant 26 : i32
      %shift_right_logical3A_1784 = vector.broadcast %shift_right_logical3A_1783 : i32 to vector<16xi32>
      %shift_right_logical3A_1785 = arith.shrui %xor3A_1778, %shift_right_logical3A_1784 : vector<16xi32>
      %or3A_1786 = arith.ori %shift_left3A_1782, %shift_right_logical3A_1785 : vector<16xi32>
      %xor3A_1787 = arith.xori %add3A_1779, %or3A_1786 : vector<16xi32>
      %add3A_1788 = arith.constant 1832780943 : i32
      %add3A_1789 = vector.broadcast %add3A_1788 : i32 to vector<16xi32>
      %add3A_1790 = arith.addi %add3A_1779, %add3A_1789 : vector<16xi32>
      %add3A_1791 = arith.constant 270669613 : i32
      %add3A_1792 = vector.broadcast %add3A_1791 : i32 to vector<16xi32>
      %add3A_1793 = arith.addi %xor3A_1787, %add3A_1792 : vector<16xi32>
      %add3A_1794 = arith.constant 3 : i32
      %add3A_1795 = vector.broadcast %add3A_1794 : i32 to vector<16xi32>
      %add3A_1796 = arith.addi %add3A_1793, %add3A_1795 : vector<16xi32>
      %add3A_1797 = arith.addi %add3A_1790, %add3A_1796 : vector<16xi32>
      %shift_left3A_1798 = arith.constant 17 : i32
      %shift_left3A_1799 = vector.broadcast %shift_left3A_1798 : i32 to vector<16xi32>
      %shift_left3A_1800 = arith.shli %add3A_1796, %shift_left3A_1799 : vector<16xi32>
      %shift_right_logical3A_1801 = arith.constant 15 : i32
      %shift_right_logical3A_1802 = vector.broadcast %shift_right_logical3A_1801 : i32 to vector<16xi32>
      %shift_right_logical3A_1803 = arith.shrui %add3A_1796, %shift_right_logical3A_1802 : vector<16xi32>
      %or3A_1804 = arith.ori %shift_left3A_1800, %shift_right_logical3A_1803 : vector<16xi32>
      %xor3A_1805 = arith.xori %add3A_1797, %or3A_1804 : vector<16xi32>
      %add3A_1806 = arith.addi %add3A_1797, %xor3A_1805 : vector<16xi32>
      %shift_left3A_1807 = arith.constant 29 : i32
      %shift_left3A_1808 = vector.broadcast %shift_left3A_1807 : i32 to vector<16xi32>
      %shift_left3A_1809 = arith.shli %xor3A_1805, %shift_left3A_1808 : vector<16xi32>
      %shift_right_logical3A_1810 = arith.constant 3 : i32
      %shift_right_logical3A_1811 = vector.broadcast %shift_right_logical3A_1810 : i32 to vector<16xi32>
      %shift_right_logical3A_1812 = arith.shrui %xor3A_1805, %shift_right_logical3A_1811 : vector<16xi32>
      %or3A_1813 = arith.ori %shift_left3A_1809, %shift_right_logical3A_1812 : vector<16xi32>
      %xor3A_1814 = arith.xori %add3A_1806, %or3A_1813 : vector<16xi32>
      %add3A_1815 = arith.addi %add3A_1806, %xor3A_1814 : vector<16xi32>
      %shift_left3A_1816 = arith.constant 16 : i32
      %shift_left3A_1817 = vector.broadcast %shift_left3A_1816 : i32 to vector<16xi32>
      %shift_left3A_1818 = arith.shli %xor3A_1814, %shift_left3A_1817 : vector<16xi32>
      %shift_right_logical3A_1819 = arith.constant 16 : i32
      %shift_right_logical3A_1820 = vector.broadcast %shift_right_logical3A_1819 : i32 to vector<16xi32>
      %shift_right_logical3A_1821 = arith.shrui %xor3A_1814, %shift_right_logical3A_1820 : vector<16xi32>
      %or3A_1822 = arith.ori %shift_left3A_1818, %shift_right_logical3A_1821 : vector<16xi32>
      %xor3A_1823 = arith.xori %add3A_1815, %or3A_1822 : vector<16xi32>
      %add3A_1824 = arith.addi %add3A_1815, %xor3A_1823 : vector<16xi32>
      %shift_left3A_1825 = arith.constant 24 : i32
      %shift_left3A_1826 = vector.broadcast %shift_left3A_1825 : i32 to vector<16xi32>
      %shift_left3A_1827 = arith.shli %xor3A_1823, %shift_left3A_1826 : vector<16xi32>
      %shift_right_logical3A_1828 = arith.constant 8 : i32
      %shift_right_logical3A_1829 = vector.broadcast %shift_right_logical3A_1828 : i32 to vector<16xi32>
      %shift_right_logical3A_1830 = arith.shrui %xor3A_1823, %shift_right_logical3A_1829 : vector<16xi32>
      %or3A_1831 = arith.ori %shift_left3A_1827, %shift_right_logical3A_1830 : vector<16xi32>
      %xor3A_1832 = arith.xori %add3A_1824, %or3A_1831 : vector<16xi32>
      %add3A_1833 = arith.constant 270669613 : i32
      %add3A_1834 = vector.broadcast %add3A_1833 : i32 to vector<16xi32>
      %add3A_1835 = arith.addi %add3A_1824, %add3A_1834 : vector<16xi32>
      %add3A_1836 = arith.constant 1724713080 : i32
      %add3A_1837 = vector.broadcast %add3A_1836 : i32 to vector<16xi32>
      %add3A_1838 = arith.addi %xor3A_1832, %add3A_1837 : vector<16xi32>
      %add3A_1839 = arith.constant 4 : i32
      %add3A_1840 = vector.broadcast %add3A_1839 : i32 to vector<16xi32>
      %add3A_1841 = arith.addi %add3A_1838, %add3A_1840 : vector<16xi32>
      %add3A_1842 = arith.addi %add3A_1835, %add3A_1841 : vector<16xi32>
      %shift_left3A_1843 = arith.constant 13 : i32
      %shift_left3A_1844 = vector.broadcast %shift_left3A_1843 : i32 to vector<16xi32>
      %shift_left3A_1845 = arith.shli %add3A_1841, %shift_left3A_1844 : vector<16xi32>
      %shift_right_logical3A_1846 = arith.constant 19 : i32
      %shift_right_logical3A_1847 = vector.broadcast %shift_right_logical3A_1846 : i32 to vector<16xi32>
      %shift_right_logical3A_1848 = arith.shrui %add3A_1841, %shift_right_logical3A_1847 : vector<16xi32>
      %or3A_1849 = arith.ori %shift_left3A_1845, %shift_right_logical3A_1848 : vector<16xi32>
      %xor3A_1850 = arith.xori %add3A_1842, %or3A_1849 : vector<16xi32>
      %add3A_1851 = arith.addi %add3A_1842, %xor3A_1850 : vector<16xi32>
      %shift_left3A_1852 = arith.constant 15 : i32
      %shift_left3A_1853 = vector.broadcast %shift_left3A_1852 : i32 to vector<16xi32>
      %shift_left3A_1854 = arith.shli %xor3A_1850, %shift_left3A_1853 : vector<16xi32>
      %shift_right_logical3A_1855 = arith.constant 17 : i32
      %shift_right_logical3A_1856 = vector.broadcast %shift_right_logical3A_1855 : i32 to vector<16xi32>
      %shift_right_logical3A_1857 = arith.shrui %xor3A_1850, %shift_right_logical3A_1856 : vector<16xi32>
      %or3A_1858 = arith.ori %shift_left3A_1854, %shift_right_logical3A_1857 : vector<16xi32>
      %xor3A_1859 = arith.xori %add3A_1851, %or3A_1858 : vector<16xi32>
      %add3A_1860 = arith.addi %add3A_1851, %xor3A_1859 : vector<16xi32>
      %shift_left3A_1861 = arith.constant 26 : i32
      %shift_left3A_1862 = vector.broadcast %shift_left3A_1861 : i32 to vector<16xi32>
      %shift_left3A_1863 = arith.shli %xor3A_1859, %shift_left3A_1862 : vector<16xi32>
      %shift_right_logical3A_1864 = arith.constant 6 : i32
      %shift_right_logical3A_1865 = vector.broadcast %shift_right_logical3A_1864 : i32 to vector<16xi32>
      %shift_right_logical3A_1866 = arith.shrui %xor3A_1859, %shift_right_logical3A_1865 : vector<16xi32>
      %or3A_1867 = arith.ori %shift_left3A_1863, %shift_right_logical3A_1866 : vector<16xi32>
      %xor3A_1868 = arith.xori %add3A_1860, %or3A_1867 : vector<16xi32>
      %add3A_1869 = arith.addi %add3A_1860, %xor3A_1868 : vector<16xi32>
      %shift_left3A_1870 = arith.constant 6 : i32
      %shift_left3A_1871 = vector.broadcast %shift_left3A_1870 : i32 to vector<16xi32>
      %shift_left3A_1872 = arith.shli %xor3A_1868, %shift_left3A_1871 : vector<16xi32>
      %shift_right_logical3A_1873 = arith.constant 26 : i32
      %shift_right_logical3A_1874 = vector.broadcast %shift_right_logical3A_1873 : i32 to vector<16xi32>
      %shift_right_logical3A_1875 = arith.shrui %xor3A_1868, %shift_right_logical3A_1874 : vector<16xi32>
      %or3A_1876 = arith.ori %shift_left3A_1872, %shift_right_logical3A_1875 : vector<16xi32>
      %xor3A_1877 = arith.xori %add3A_1869, %or3A_1876 : vector<16xi32>
      %add3A_1878 = arith.constant 1724713080 : i32
      %add3A_1879 = vector.broadcast %add3A_1878 : i32 to vector<16xi32>
      %add3A_1880 = arith.addi %add3A_1869, %add3A_1879 : vector<16xi32>
      %add3A_1881 = arith.constant 1832780943 : i32
      %add3A_1882 = vector.broadcast %add3A_1881 : i32 to vector<16xi32>
      %add3A_1883 = arith.addi %xor3A_1877, %add3A_1882 : vector<16xi32>
      %add3A_1884 = arith.constant 5 : i32
      %add3A_1885 = vector.broadcast %add3A_1884 : i32 to vector<16xi32>
      %add3A_1886 = arith.addi %add3A_1883, %add3A_1885 : vector<16xi32>
      %xor3A_1887 = arith.xori %add3A_1880, %add3A_1886 : vector<16xi32>
      %shift_right_logical3A_1888 = arith.constant 9 : i32
      %shift_right_logical3A_1889 = vector.broadcast %shift_right_logical3A_1888 : i32 to vector<16xi32>
      %shift_right_logical3A_1890 = arith.shrui %xor3A_1887, %shift_right_logical3A_1889 : vector<16xi32>
      %lt3A_1891 = arith.constant 1258292 : i32
      %lt3A_1892 = vector.broadcast %lt3A_1891 : i32 to vector<16xi32>
      %lt3A_1893 = arith.cmpi ult, %shift_right_logical3A_1890, %lt3A_1892 : vector<16xi32>
      %lt3A_1894 = arith.constant 1006633 : i32
      %lt3A_1895 = vector.broadcast %lt3A_1894 : i32 to vector<16xi32>
      %lt3A_1896 = arith.cmpi ult, %shift_right_logical3A_1890, %lt3A_1895 : vector<16xi32>
      %ge3A_1897 = arith.constant 1006633 : i32
      %ge3A_1898 = vector.broadcast %ge3A_1897 : i32 to vector<16xi32>
      %ge3A_1899 = arith.cmpi uge, %shift_right_logical3A_1890, %ge3A_1898 : vector<16xi32>
      %lt3A_1900 = arith.constant 1132463 : i32
      %lt3A_1901 = vector.broadcast %lt3A_1900 : i32 to vector<16xi32>
      %lt3A_1902 = arith.cmpi ult, %shift_right_logical3A_1890, %lt3A_1901 : vector<16xi32>
      %and3A_1903 = arith.andi %ge3A_1899, %lt3A_1902 : vector<16xi1>
      %jit3A_1904 = arith.constant 103 : i32
      %broadcast_in_dim3A_1905 = vector.broadcast %jit3A_1904 : i32 to vector<16xi32>
      %select_n3A_1906 = arith.select %lt3A_1896, %broadcast_in_dim3A_1905, %get3A_1653 : vector<16xi1>, vector<16xi32>
      %jit3A_1907 = arith.constant -100 : i32
      %broadcast_in_dim3A_1908 = vector.broadcast %jit3A_1907 : i32 to vector<16xi32>
      %select_n3A_1909 = arith.select %lt3A_1893, %get3A_1653, %broadcast_in_dim3A_1908 : vector<16xi1>, vector<16xi32>
      %swap3A_1910 = arith.index_cast %mul3A_1650 : i32 to index
      %swap3A_1911 = tpu.vector_load %arg7[%swap3A_1910] {strides = array<i32>} : memref<1024xi32, #tpu.memory_space<vmem>>, vector<16xi32>,
      %swap3A_1912 = vector.shape_cast %swap3A_1911 : vector<16xi32> to vector<16xi32>
      %swap3A_1913 = vector.shape_cast %select_n3A_1909 : vector<16xi32> to vector<16xi32>
      tpu.vector_store %arg7[%swap3A_1910], %swap3A_1913 {strides = array<i32>} : memref<1024xi32, #tpu.memory_space<vmem>>, vector<16xi32>,
      %broadcast_in_dim3A_1914 = arith.constant -1107590415 : i32
      %broadcast_in_dim3A_1915 = vector.broadcast %broadcast_in_dim3A_1914 : i32 to vector<16xi32>
      %add3A_1916 = arith.constant 129218101 : i32
      %add3A_1917 = vector.broadcast %add3A_1916 : i32 to vector<16xi32>
      %add3A_1918 = arith.addi %add3A_1656, %add3A_1917 : vector<16xi32>
      %add3A_1919 = arith.addi %broadcast_in_dim3A_1915, %add3A_1918 : vector<16xi32>
      %shift_left3A_1920 = arith.constant 13 : i32
      %shift_left3A_1921 = vector.broadcast %shift_left3A_1920 : i32 to vector<16xi32>
      %shift_left3A_1922 = arith.shli %add3A_1918, %shift_left3A_1921 : vector<16xi32>
      %shift_right_logical3A_1923 = arith.constant 19 : i32
      %shift_right_logical3A_1924 = vector.broadcast %shift_right_logical3A_1923 : i32 to vector<16xi32>
      %shift_right_logical3A_1925 = arith.shrui %add3A_1918, %shift_right_logical3A_1924 : vector<16xi32>
      %or3A_1926 = arith.ori %shift_left3A_1922, %shift_right_logical3A_1925 : vector<16xi32>
      %xor3A_1927 = arith.xori %add3A_1919, %or3A_1926 : vector<16xi32>
      %add3A_1928 = arith.addi %add3A_1919, %xor3A_1927 : vector<16xi32>
      %shift_left3A_1929 = arith.constant 15 : i32
      %shift_left3A_1930 = vector.broadcast %shift_left3A_1929 : i32 to vector<16xi32>
      %shift_left3A_1931 = arith.shli %xor3A_1927, %shift_left3A_1930 : vector<16xi32>
      %shift_right_logical3A_1932 = arith.constant 17 : i32
      %shift_right_logical3A_1933 = vector.broadcast %shift_right_logical3A_1932 : i32 to vector<16xi32>
      %shift_right_logical3A_1934 = arith.shrui %xor3A_1927, %shift_right_logical3A_1933 : vector<16xi32>
      %or3A_1935 = arith.ori %shift_left3A_1931, %shift_right_logical3A_1934 : vector<16xi32>
      %xor3A_1936 = arith.xori %add3A_1928, %or3A_1935 : vector<16xi32>
      %add3A_1937 = arith.addi %add3A_1928, %xor3A_1936 : vector<16xi32>
      %shift_left3A_1938 = arith.constant 26 : i32
      %shift_left3A_1939 = vector.broadcast %shift_left3A_1938 : i32 to vector<16xi32>
      %shift_left3A_1940 = arith.shli %xor3A_1936, %shift_left3A_1939 : vector<16xi32>
      %shift_right_logical3A_1941 = arith.constant 6 : i32
      %shift_right_logical3A_1942 = vector.broadcast %shift_right_logical3A_1941 : i32 to vector<16xi32>
      %shift_right_logical3A_1943 = arith.shrui %xor3A_1936, %shift_right_logical3A_1942 : vector<16xi32>
      %or3A_1944 = arith.ori %shift_left3A_1940, %shift_right_logical3A_1943 : vector<16xi32>
      %xor3A_1945 = arith.xori %add3A_1937, %or3A_1944 : vector<16xi32>
      %add3A_1946 = arith.addi %add3A_1937, %xor3A_1945 : vector<16xi32>
      %shift_left3A_1947 = arith.constant 6 : i32
      %shift_left3A_1948 = vector.broadcast %shift_left3A_1947 : i32 to vector<16xi32>
      %shift_left3A_1949 = arith.shli %xor3A_1945, %shift_left3A_1948 : vector<16xi32>
      %shift_right_logical3A_1950 = arith.constant 26 : i32
      %shift_right_logical3A_1951 = vector.broadcast %shift_right_logical3A_1950 : i32 to vector<16xi32>
      %shift_right_logical3A_1952 = arith.shrui %xor3A_1945, %shift_right_logical3A_1951 : vector<16xi32>
      %or3A_1953 = arith.ori %shift_left3A_1949, %shift_right_logical3A_1952 : vector<16xi32>
      %xor3A_1954 = arith.xori %add3A_1946, %or3A_1953 : vector<16xi32>
      %add3A_1955 = arith.constant 129218101 : i32
      %add3A_1956 = vector.broadcast %add3A_1955 : i32 to vector<16xi32>
      %add3A_1957 = arith.addi %add3A_1946, %add3A_1956 : vector<16xi32>
      %add3A_1958 = arith.constant -1583796450 : i32
      %add3A_1959 = vector.broadcast %add3A_1958 : i32 to vector<16xi32>
      %add3A_1960 = arith.addi %xor3A_1954, %add3A_1959 : vector<16xi32>
      %add3A_1961 = arith.constant 1 : i32
      %add3A_1962 = vector.broadcast %add3A_1961 : i32 to vector<16xi32>
      %add3A_1963 = arith.addi %add3A_1960, %add3A_1962 : vector<16xi32>
      %add3A_1964 = arith.addi %add3A_1957, %add3A_1963 : vector<16xi32>
      %shift_left3A_1965 = arith.constant 17 : i32
      %shift_left3A_1966 = vector.broadcast %shift_left3A_1965 : i32 to vector<16xi32>
      %shift_left3A_1967 = arith.shli %add3A_1963, %shift_left3A_1966 : vector<16xi32>
      %shift_right_logical3A_1968 = arith.constant 15 : i32
      %shift_right_logical3A_1969 = vector.broadcast %shift_right_logical3A_1968 : i32 to vector<16xi32>
      %shift_right_logical3A_1970 = arith.shrui %add3A_1963, %shift_right_logical3A_1969 : vector<16xi32>
      %or3A_1971 = arith.ori %shift_left3A_1967, %shift_right_logical3A_1970 : vector<16xi32>
      %xor3A_1972 = arith.xori %add3A_1964, %or3A_1971 : vector<16xi32>
      %add3A_1973 = arith.addi %add3A_1964, %xor3A_1972 : vector<16xi32>
      %shift_left3A_1974 = arith.constant 29 : i32
      %shift_left3A_1975 = vector.broadcast %shift_left3A_1974 : i32 to vector<16xi32>
      %shift_left3A_1976 = arith.shli %xor3A_1972, %shift_left3A_1975 : vector<16xi32>
      %shift_right_logical3A_1977 = arith.constant 3 : i32
      %shift_right_logical3A_1978 = vector.broadcast %shift_right_logical3A_1977 : i32 to vector<16xi32>
      %shift_right_logical3A_1979 = arith.shrui %xor3A_1972, %shift_right_logical3A_1978 : vector<16xi32>
      %or3A_1980 = arith.ori %shift_left3A_1976, %shift_right_logical3A_1979 : vector<16xi32>
      %xor3A_1981 = arith.xori %add3A_1973, %or3A_1980 : vector<16xi32>
      %add3A_1982 = arith.addi %add3A_1973, %xor3A_1981 : vector<16xi32>
      %shift_left3A_1983 = arith.constant 16 : i32
      %shift_left3A_1984 = vector.broadcast %shift_left3A_1983 : i32 to vector<16xi32>
      %shift_left3A_1985 = arith.shli %xor3A_1981, %shift_left3A_1984 : vector<16xi32>
      %shift_right_logical3A_1986 = arith.constant 16 : i32
      %shift_right_logical3A_1987 = vector.broadcast %shift_right_logical3A_1986 : i32 to vector<16xi32>
      %shift_right_logical3A_1988 = arith.shrui %xor3A_1981, %shift_right_logical3A_1987 : vector<16xi32>
      %or3A_1989 = arith.ori %shift_left3A_1985, %shift_right_logical3A_1988 : vector<16xi32>
      %xor3A_1990 = arith.xori %add3A_1982, %or3A_1989 : vector<16xi32>
      %add3A_1991 = arith.addi %add3A_1982, %xor3A_1990 : vector<16xi32>
      %shift_left3A_1992 = arith.constant 24 : i32
      %shift_left3A_1993 = vector.broadcast %shift_left3A_1992 : i32 to vector<16xi32>
      %shift_left3A_1994 = arith.shli %xor3A_1990, %shift_left3A_1993 : vector<16xi32>
      %shift_right_logical3A_1995 = arith.constant 8 : i32
      %shift_right_logical3A_1996 = vector.broadcast %shift_right_logical3A_1995 : i32 to vector<16xi32>
      %shift_right_logical3A_1997 = arith.shrui %xor3A_1990, %shift_right_logical3A_1996 : vector<16xi32>
      %or3A_1998 = arith.ori %shift_left3A_1994, %shift_right_logical3A_1997 : vector<16xi32>
      %xor3A_1999 = arith.xori %add3A_1991, %or3A_1998 : vector<16xi32>
      %add3A_2000 = arith.constant -1583796450 : i32
      %add3A_2001 = vector.broadcast %add3A_2000 : i32 to vector<16xi32>
      %add3A_2002 = arith.addi %add3A_1991, %add3A_2001 : vector<16xi32>
      %add3A_2003 = arith.constant -1107590415 : i32
      %add3A_2004 = vector.broadcast %add3A_2003 : i32 to vector<16xi32>
      %add3A_2005 = arith.addi %xor3A_1999, %add3A_2004 : vector<16xi32>
      %add3A_2006 = arith.constant 2 : i32
      %add3A_2007 = vector.broadcast %add3A_2006 : i32 to vector<16xi32>
      %add3A_2008 = arith.addi %add3A_2005, %add3A_2007 : vector<16xi32>
      %add3A_2009 = arith.addi %add3A_2002, %add3A_2008 : vector<16xi32>
      %shift_left3A_2010 = arith.constant 13 : i32
      %shift_left3A_2011 = vector.broadcast %shift_left3A_2010 : i32 to vector<16xi32>
      %shift_left3A_2012 = arith.shli %add3A_2008, %shift_left3A_2011 : vector<16xi32>
      %shift_right_logical3A_2013 = arith.constant 19 : i32
      %shift_right_logical3A_2014 = vector.broadcast %shift_right_logical3A_2013 : i32 to vector<16xi32>
      %shift_right_logical3A_2015 = arith.shrui %add3A_2008, %shift_right_logical3A_2014 : vector<16xi32>
      %or3A_2016 = arith.ori %shift_left3A_2012, %shift_right_logical3A_2015 : vector<16xi32>
      %xor3A_2017 = arith.xori %add3A_2009, %or3A_2016 : vector<16xi32>
      %add3A_2018 = arith.addi %add3A_2009, %xor3A_2017 : vector<16xi32>
      %shift_left3A_2019 = arith.constant 15 : i32
      %shift_left3A_2020 = vector.broadcast %shift_left3A_2019 : i32 to vector<16xi32>
      %shift_left3A_2021 = arith.shli %xor3A_2017, %shift_left3A_2020 : vector<16xi32>
      %shift_right_logical3A_2022 = arith.constant 17 : i32
      %shift_right_logical3A_2023 = vector.broadcast %shift_right_logical3A_2022 : i32 to vector<16xi32>
      %shift_right_logical3A_2024 = arith.shrui %xor3A_2017, %shift_right_logical3A_2023 : vector<16xi32>
      %or3A_2025 = arith.ori %shift_left3A_2021, %shift_right_logical3A_2024 : vector<16xi32>
      %xor3A_2026 = arith.xori %add3A_2018, %or3A_2025 : vector<16xi32>
      %add3A_2027 = arith.addi %add3A_2018, %xor3A_2026 : vector<16xi32>
      %shift_left3A_2028 = arith.constant 26 : i32
      %shift_left3A_2029 = vector.broadcast %shift_left3A_2028 : i32 to vector<16xi32>
      %shift_left3A_2030 = arith.shli %xor3A_2026, %shift_left3A_2029 : vector<16xi32>
      %shift_right_logical3A_2031 = arith.constant 6 : i32
      %shift_right_logical3A_2032 = vector.broadcast %shift_right_logical3A_2031 : i32 to vector<16xi32>
      %shift_right_logical3A_2033 = arith.shrui %xor3A_2026, %shift_right_logical3A_2032 : vector<16xi32>
      %or3A_2034 = arith.ori %shift_left3A_2030, %shift_right_logical3A_2033 : vector<16xi32>
      %xor3A_2035 = arith.xori %add3A_2027, %or3A_2034 : vector<16xi32>
      %add3A_2036 = arith.addi %add3A_2027, %xor3A_2035 : vector<16xi32>
      %shift_left3A_2037 = arith.constant 6 : i32
      %shift_left3A_2038 = vector.broadcast %shift_left3A_2037 : i32 to vector<16xi32>
      %shift_left3A_2039 = arith.shli %xor3A_2035, %shift_left3A_2038 : vector<16xi32>
      %shift_right_logical3A_2040 = arith.constant 26 : i32
      %shift_right_logical3A_2041 = vector.broadcast %shift_right_logical3A_2040 : i32 to vector<16xi32>
      %shift_right_logical3A_2042 = arith.shrui %xor3A_2035, %shift_right_logical3A_2041 : vector<16xi32>
      %or3A_2043 = arith.ori %shift_left3A_2039, %shift_right_logical3A_2042 : vector<16xi32>
      %xor3A_2044 = arith.xori %add3A_2036, %or3A_2043 : vector<16xi32>
      %add3A_2045 = arith.constant -1107590415 : i32
      %add3A_2046 = vector.broadcast %add3A_2045 : i32 to vector<16xi32>
      %add3A_2047 = arith.addi %add3A_2036, %add3A_2046 : vector<16xi32>
      %add3A_2048 = arith.constant 129218101 : i32
      %add3A_2049 = vector.broadcast %add3A_2048 : i32 to vector<16xi32>
      %add3A_2050 = arith.addi %xor3A_2044, %add3A_2049 : vector<16xi32>
      %add3A_2051 = arith.constant 3 : i32
      %add3A_2052 = vector.broadcast %add3A_2051 : i32 to vector<16xi32>
      %add3A_2053 = arith.addi %add3A_2050, %add3A_2052 : vector<16xi32>
      %add3A_2054 = arith.addi %add3A_2047, %add3A_2053 : vector<16xi32>
      %shift_left3A_2055 = arith.constant 17 : i32
      %shift_left3A_2056 = vector.broadcast %shift_left3A_2055 : i32 to vector<16xi32>
      %shift_left3A_2057 = arith.shli %add3A_2053, %shift_left3A_2056 : vector<16xi32>
      %shift_right_logical3A_2058 = arith.constant 15 : i32
      %shift_right_logical3A_2059 = vector.broadcast %shift_right_logical3A_2058 : i32 to vector<16xi32>
      %shift_right_logical3A_2060 = arith.shrui %add3A_2053, %shift_right_logical3A_2059 : vector<16xi32>
      %or3A_2061 = arith.ori %shift_left3A_2057, %shift_right_logical3A_2060 : vector<16xi32>
      %xor3A_2062 = arith.xori %add3A_2054, %or3A_2061 : vector<16xi32>
      %add3A_2063 = arith.addi %add3A_2054, %xor3A_2062 : vector<16xi32>
      %shift_left3A_2064 = arith.constant 29 : i32
      %shift_left3A_2065 = vector.broadcast %shift_left3A_2064 : i32 to vector<16xi32>
      %shift_left3A_2066 = arith.shli %xor3A_2062, %shift_left3A_2065 : vector<16xi32>
      %shift_right_logical3A_2067 = arith.constant 3 : i32
      %shift_right_logical3A_2068 = vector.broadcast %shift_right_logical3A_2067 : i32 to vector<16xi32>
      %shift_right_logical3A_2069 = arith.shrui %xor3A_2062, %shift_right_logical3A_2068 : vector<16xi32>
      %or3A_2070 = arith.ori %shift_left3A_2066, %shift_right_logical3A_2069 : vector<16xi32>
      %xor3A_2071 = arith.xori %add3A_2063, %or3A_2070 : vector<16xi32>
      %add3A_2072 = arith.addi %add3A_2063, %xor3A_2071 : vector<16xi32>
      %shift_left3A_2073 = arith.constant 16 : i32
      %shift_left3A_2074 = vector.broadcast %shift_left3A_2073 : i32 to vector<16xi32>
      %shift_left3A_2075 = arith.shli %xor3A_2071, %shift_left3A_2074 : vector<16xi32>
      %shift_right_logical3A_2076 = arith.constant 16 : i32
      %shift_right_logical3A_2077 = vector.broadcast %shift_right_logical3A_2076 : i32 to vector<16xi32>
      %shift_right_logical3A_2078 = arith.shrui %xor3A_2071, %shift_right_logical3A_2077 : vector<16xi32>
      %or3A_2079 = arith.ori %shift_left3A_2075, %shift_right_logical3A_2078 : vector<16xi32>
      %xor3A_2080 = arith.xori %add3A_2072, %or3A_2079 : vector<16xi32>
      %add3A_2081 = arith.addi %add3A_2072, %xor3A_2080 : vector<16xi32>
      %shift_left3A_2082 = arith.constant 24 : i32
      %shift_left3A_2083 = vector.broadcast %shift_left3A_2082 : i32 to vector<16xi32>
      %shift_left3A_2084 = arith.shli %xor3A_2080, %shift_left3A_2083 : vector<16xi32>
      %shift_right_logical3A_2085 = arith.constant 8 : i32
      %shift_right_logical3A_2086 = vector.broadcast %shift_right_logical3A_2085 : i32 to vector<16xi32>
      %shift_right_logical3A_2087 = arith.shrui %xor3A_2080, %shift_right_logical3A_2086 : vector<16xi32>
      %or3A_2088 = arith.ori %shift_left3A_2084, %shift_right_logical3A_2087 : vector<16xi32>
      %xor3A_2089 = arith.xori %add3A_2081, %or3A_2088 : vector<16xi32>
      %add3A_2090 = arith.constant 129218101 : i32
      %add3A_2091 = vector.broadcast %add3A_2090 : i32 to vector<16xi32>
      %add3A_2092 = arith.addi %add3A_2081, %add3A_2091 : vector<16xi32>
      %add3A_2093 = arith.constant -1583796450 : i32
      %add3A_2094 = vector.broadcast %add3A_2093 : i32 to vector<16xi32>
      %add3A_2095 = arith.addi %xor3A_2089, %add3A_2094 : vector<16xi32>
      %add3A_2096 = arith.constant 4 : i32
      %add3A_2097 = vector.broadcast %add3A_2096 : i32 to vector<16xi32>
      %add3A_2098 = arith.addi %add3A_2095, %add3A_2097 : vector<16xi32>
      %add3A_2099 = arith.addi %add3A_2092, %add3A_2098 : vector<16xi32>
      %shift_left3A_2100 = arith.constant 13 : i32
      %shift_left3A_2101 = vector.broadcast %shift_left3A_2100 : i32 to vector<16xi32>
      %shift_left3A_2102 = arith.shli %add3A_2098, %shift_left3A_2101 : vector<16xi32>
      %shift_right_logical3A_2103 = arith.constant 19 : i32
      %shift_right_logical3A_2104 = vector.broadcast %shift_right_logical3A_2103 : i32 to vector<16xi32>
      %shift_right_logical3A_2105 = arith.shrui %add3A_2098, %shift_right_logical3A_2104 : vector<16xi32>
      %or3A_2106 = arith.ori %shift_left3A_2102, %shift_right_logical3A_2105 : vector<16xi32>
      %xor3A_2107 = arith.xori %add3A_2099, %or3A_2106 : vector<16xi32>
      %add3A_2108 = arith.addi %add3A_2099, %xor3A_2107 : vector<16xi32>
      %shift_left3A_2109 = arith.constant 15 : i32
      %shift_left3A_2110 = vector.broadcast %shift_left3A_2109 : i32 to vector<16xi32>
      %shift_left3A_2111 = arith.shli %xor3A_2107, %shift_left3A_2110 : vector<16xi32>
      %shift_right_logical3A_2112 = arith.constant 17 : i32
      %shift_right_logical3A_2113 = vector.broadcast %shift_right_logical3A_2112 : i32 to vector<16xi32>
      %shift_right_logical3A_2114 = arith.shrui %xor3A_2107, %shift_right_logical3A_2113 : vector<16xi32>
      %or3A_2115 = arith.ori %shift_left3A_2111, %shift_right_logical3A_2114 : vector<16xi32>
      %xor3A_2116 = arith.xori %add3A_2108, %or3A_2115 : vector<16xi32>
      %add3A_2117 = arith.addi %add3A_2108, %xor3A_2116 : vector<16xi32>
      %shift_left3A_2118 = arith.constant 26 : i32
      %shift_left3A_2119 = vector.broadcast %shift_left3A_2118 : i32 to vector<16xi32>
      %shift_left3A_2120 = arith.shli %xor3A_2116, %shift_left3A_2119 : vector<16xi32>
      %shift_right_logical3A_2121 = arith.constant 6 : i32
      %shift_right_logical3A_2122 = vector.broadcast %shift_right_logical3A_2121 : i32 to vector<16xi32>
      %shift_right_logical3A_2123 = arith.shrui %xor3A_2116, %shift_right_logical3A_2122 : vector<16xi32>
      %or3A_2124 = arith.ori %shift_left3A_2120, %shift_right_logical3A_2123 : vector<16xi32>
      %xor3A_2125 = arith.xori %add3A_2117, %or3A_2124 : vector<16xi32>
      %add3A_2126 = arith.addi %add3A_2117, %xor3A_2125 : vector<16xi32>
      %shift_left3A_2127 = arith.constant 6 : i32
      %shift_left3A_2128 = vector.broadcast %shift_left3A_2127 : i32 to vector<16xi32>
      %shift_left3A_2129 = arith.shli %xor3A_2125, %shift_left3A_2128 : vector<16xi32>
      %shift_right_logical3A_2130 = arith.constant 26 : i32
      %shift_right_logical3A_2131 = vector.broadcast %shift_right_logical3A_2130 : i32 to vector<16xi32>
      %shift_right_logical3A_2132 = arith.shrui %xor3A_2125, %shift_right_logical3A_2131 : vector<16xi32>
      %or3A_2133 = arith.ori %shift_left3A_2129, %shift_right_logical3A_2132 : vector<16xi32>
      %xor3A_2134 = arith.xori %add3A_2126, %or3A_2133 : vector<16xi32>
      %add3A_2135 = arith.constant -1583796450 : i32
      %add3A_2136 = vector.broadcast %add3A_2135 : i32 to vector<16xi32>
      %add3A_2137 = arith.addi %add3A_2126, %add3A_2136 : vector<16xi32>
      %add3A_2138 = arith.constant -1107590415 : i32
      %add3A_2139 = vector.broadcast %add3A_2138 : i32 to vector<16xi32>
      %add3A_2140 = arith.addi %xor3A_2134, %add3A_2139 : vector<16xi32>
      %add3A_2141 = arith.constant 5 : i32
      %add3A_2142 = vector.broadcast %add3A_2141 : i32 to vector<16xi32>
      %add3A_2143 = arith.addi %add3A_2140, %add3A_2142 : vector<16xi32>
      %xor3A_2144 = arith.xori %add3A_2137, %add3A_2143 : vector<16xi32>
      %broadcast_in_dim3A_2145 = arith.constant -1944951124 : i32
      %broadcast_in_dim3A_2146 = vector.broadcast %broadcast_in_dim3A_2145 : i32 to vector<16xi32>
      %add3A_2147 = arith.constant 1168365246 : i32
      %add3A_2148 = vector.broadcast %add3A_2147 : i32 to vector<16xi32>
      %add3A_2149 = arith.addi %add3A_1656, %add3A_2148 : vector<16xi32>
      %add3A_2150 = arith.addi %broadcast_in_dim3A_2146, %add3A_2149 : vector<16xi32>
      %shift_left3A_2151 = arith.constant 13 : i32
      %shift_left3A_2152 = vector.broadcast %shift_left3A_2151 : i32 to vector<16xi32>
      %shift_left3A_2153 = arith.shli %add3A_2149, %shift_left3A_2152 : vector<16xi32>
      %shift_right_logical3A_2154 = arith.constant 19 : i32
      %shift_right_logical3A_2155 = vector.broadcast %shift_right_logical3A_2154 : i32 to vector<16xi32>
      %shift_right_logical3A_2156 = arith.shrui %add3A_2149, %shift_right_logical3A_2155 : vector<16xi32>
      %or3A_2157 = arith.ori %shift_left3A_2153, %shift_right_logical3A_2156 : vector<16xi32>
      %xor3A_2158 = arith.xori %add3A_2150, %or3A_2157 : vector<16xi32>
      %add3A_2159 = arith.addi %add3A_2150, %xor3A_2158 : vector<16xi32>
      %shift_left3A_2160 = arith.constant 15 : i32
      %shift_left3A_2161 = vector.broadcast %shift_left3A_2160 : i32 to vector<16xi32>
      %shift_left3A_2162 = arith.shli %xor3A_2158, %shift_left3A_2161 : vector<16xi32>
      %shift_right_logical3A_2163 = arith.constant 17 : i32
      %shift_right_logical3A_2164 = vector.broadcast %shift_right_logical3A_2163 : i32 to vector<16xi32>
      %shift_right_logical3A_2165 = arith.shrui %xor3A_2158, %shift_right_logical3A_2164 : vector<16xi32>
      %or3A_2166 = arith.ori %shift_left3A_2162, %shift_right_logical3A_2165 : vector<16xi32>
      %xor3A_2167 = arith.xori %add3A_2159, %or3A_2166 : vector<16xi32>
      %add3A_2168 = arith.addi %add3A_2159, %xor3A_2167 : vector<16xi32>
      %shift_left3A_2169 = arith.constant 26 : i32
      %shift_left3A_2170 = vector.broadcast %shift_left3A_2169 : i32 to vector<16xi32>
      %shift_left3A_2171 = arith.shli %xor3A_2167, %shift_left3A_2170 : vector<16xi32>
      %shift_right_logical3A_2172 = arith.constant 6 : i32
      %shift_right_logical3A_2173 = vector.broadcast %shift_right_logical3A_2172 : i32 to vector<16xi32>
      %shift_right_logical3A_2174 = arith.shrui %xor3A_2167, %shift_right_logical3A_2173 : vector<16xi32>
      %or3A_2175 = arith.ori %shift_left3A_2171, %shift_right_logical3A_2174 : vector<16xi32>
      %xor3A_2176 = arith.xori %add3A_2168, %or3A_2175 : vector<16xi32>
      %add3A_2177 = arith.addi %add3A_2168, %xor3A_2176 : vector<16xi32>
      %shift_left3A_2178 = arith.constant 6 : i32
      %shift_left3A_2179 = vector.broadcast %shift_left3A_2178 : i32 to vector<16xi32>
      %shift_left3A_2180 = arith.shli %xor3A_2176, %shift_left3A_2179 : vector<16xi32>
      %shift_right_logical3A_2181 = arith.constant 26 : i32
      %shift_right_logical3A_2182 = vector.broadcast %shift_right_logical3A_2181 : i32 to vector<16xi32>
      %shift_right_logical3A_2183 = arith.shrui %xor3A_2176, %shift_right_logical3A_2182 : vector<16xi32>
      %or3A_2184 = arith.ori %shift_left3A_2180, %shift_right_logical3A_2183 : vector<16xi32>
      %xor3A_2185 = arith.xori %add3A_2177, %or3A_2184 : vector<16xi32>
      %add3A_2186 = arith.constant 1168365246 : i32
      %add3A_2187 = vector.broadcast %add3A_2186 : i32 to vector<16xi32>
      %add3A_2188 = arith.addi %add3A_2177, %add3A_2187 : vector<16xi32>
      %add3A_2189 = arith.constant -765416504 : i32
      %add3A_2190 = vector.broadcast %add3A_2189 : i32 to vector<16xi32>
      %add3A_2191 = arith.addi %xor3A_2185, %add3A_2190 : vector<16xi32>
      %add3A_2192 = arith.constant 1 : i32
      %add3A_2193 = vector.broadcast %add3A_2192 : i32 to vector<16xi32>
      %add3A_2194 = arith.addi %add3A_2191, %add3A_2193 : vector<16xi32>
      %add3A_2195 = arith.addi %add3A_2188, %add3A_2194 : vector<16xi32>
      %shift_left3A_2196 = arith.constant 17 : i32
      %shift_left3A_2197 = vector.broadcast %shift_left3A_2196 : i32 to vector<16xi32>
      %shift_left3A_2198 = arith.shli %add3A_2194, %shift_left3A_2197 : vector<16xi32>
      %shift_right_logical3A_2199 = arith.constant 15 : i32
      %shift_right_logical3A_2200 = vector.broadcast %shift_right_logical3A_2199 : i32 to vector<16xi32>
      %shift_right_logical3A_2201 = arith.shrui %add3A_2194, %shift_right_logical3A_2200 : vector<16xi32>
      %or3A_2202 = arith.ori %shift_left3A_2198, %shift_right_logical3A_2201 : vector<16xi32>
      %xor3A_2203 = arith.xori %add3A_2195, %or3A_2202 : vector<16xi32>
      %add3A_2204 = arith.addi %add3A_2195, %xor3A_2203 : vector<16xi32>
      %shift_left3A_2205 = arith.constant 29 : i32
      %shift_left3A_2206 = vector.broadcast %shift_left3A_2205 : i32 to vector<16xi32>
      %shift_left3A_2207 = arith.shli %xor3A_2203, %shift_left3A_2206 : vector<16xi32>
      %shift_right_logical3A_2208 = arith.constant 3 : i32
      %shift_right_logical3A_2209 = vector.broadcast %shift_right_logical3A_2208 : i32 to vector<16xi32>
      %shift_right_logical3A_2210 = arith.shrui %xor3A_2203, %shift_right_logical3A_2209 : vector<16xi32>
      %or3A_2211 = arith.ori %shift_left3A_2207, %shift_right_logical3A_2210 : vector<16xi32>
      %xor3A_2212 = arith.xori %add3A_2204, %or3A_2211 : vector<16xi32>
      %add3A_2213 = arith.addi %add3A_2204, %xor3A_2212 : vector<16xi32>
      %shift_left3A_2214 = arith.constant 16 : i32
      %shift_left3A_2215 = vector.broadcast %shift_left3A_2214 : i32 to vector<16xi32>
      %shift_left3A_2216 = arith.shli %xor3A_2212, %shift_left3A_2215 : vector<16xi32>
      %shift_right_logical3A_2217 = arith.constant 16 : i32
      %shift_right_logical3A_2218 = vector.broadcast %shift_right_logical3A_2217 : i32 to vector<16xi32>
      %shift_right_logical3A_2219 = arith.shrui %xor3A_2212, %shift_right_logical3A_2218 : vector<16xi32>
      %or3A_2220 = arith.ori %shift_left3A_2216, %shift_right_logical3A_2219 : vector<16xi32>
      %xor3A_2221 = arith.xori %add3A_2213, %or3A_2220 : vector<16xi32>
      %add3A_2222 = arith.addi %add3A_2213, %xor3A_2221 : vector<16xi32>
      %shift_left3A_2223 = arith.constant 24 : i32
      %shift_left3A_2224 = vector.broadcast %shift_left3A_2223 : i32 to vector<16xi32>
      %shift_left3A_2225 = arith.shli %xor3A_2221, %shift_left3A_2224 : vector<16xi32>
      %shift_right_logical3A_2226 = arith.constant 8 : i32
      %shift_right_logical3A_2227 = vector.broadcast %shift_right_logical3A_2226 : i32 to vector<16xi32>
      %shift_right_logical3A_2228 = arith.shrui %xor3A_2221, %shift_right_logical3A_2227 : vector<16xi32>
      %or3A_2229 = arith.ori %shift_left3A_2225, %shift_right_logical3A_2228 : vector<16xi32>
      %xor3A_2230 = arith.xori %add3A_2222, %or3A_2229 : vector<16xi32>
      %add3A_2231 = arith.constant -765416504 : i32
      %add3A_2232 = vector.broadcast %add3A_2231 : i32 to vector<16xi32>
      %add3A_2233 = arith.addi %add3A_2222, %add3A_2232 : vector<16xi32>
      %add3A_2234 = arith.constant -1944951124 : i32
      %add3A_2235 = vector.broadcast %add3A_2234 : i32 to vector<16xi32>
      %add3A_2236 = arith.addi %xor3A_2230, %add3A_2235 : vector<16xi32>
      %add3A_2237 = arith.constant 2 : i32
      %add3A_2238 = vector.broadcast %add3A_2237 : i32 to vector<16xi32>
      %add3A_2239 = arith.addi %add3A_2236, %add3A_2238 : vector<16xi32>
      %add3A_2240 = arith.addi %add3A_2233, %add3A_2239 : vector<16xi32>
      %shift_left3A_2241 = arith.constant 13 : i32
      %shift_left3A_2242 = vector.broadcast %shift_left3A_2241 : i32 to vector<16xi32>
      %shift_left3A_2243 = arith.shli %add3A_2239, %shift_left3A_2242 : vector<16xi32>
      %shift_right_logical3A_2244 = arith.constant 19 : i32
      %shift_right_logical3A_2245 = vector.broadcast %shift_right_logical3A_2244 : i32 to vector<16xi32>
      %shift_right_logical3A_2246 = arith.shrui %add3A_2239, %shift_right_logical3A_2245 : vector<16xi32>
      %or3A_2247 = arith.ori %shift_left3A_2243, %shift_right_logical3A_2246 : vector<16xi32>
      %xor3A_2248 = arith.xori %add3A_2240, %or3A_2247 : vector<16xi32>
      %add3A_2249 = arith.addi %add3A_2240, %xor3A_2248 : vector<16xi32>
      %shift_left3A_2250 = arith.constant 15 : i32
      %shift_left3A_2251 = vector.broadcast %shift_left3A_2250 : i32 to vector<16xi32>
      %shift_left3A_2252 = arith.shli %xor3A_2248, %shift_left3A_2251 : vector<16xi32>
      %shift_right_logical3A_2253 = arith.constant 17 : i32
      %shift_right_logical3A_2254 = vector.broadcast %shift_right_logical3A_2253 : i32 to vector<16xi32>
      %shift_right_logical3A_2255 = arith.shrui %xor3A_2248, %shift_right_logical3A_2254 : vector<16xi32>
      %or3A_2256 = arith.ori %shift_left3A_2252, %shift_right_logical3A_2255 : vector<16xi32>
      %xor3A_2257 = arith.xori %add3A_2249, %or3A_2256 : vector<16xi32>
      %add3A_2258 = arith.addi %add3A_2249, %xor3A_2257 : vector<16xi32>
      %shift_left3A_2259 = arith.constant 26 : i32
      %shift_left3A_2260 = vector.broadcast %shift_left3A_2259 : i32 to vector<16xi32>
      %shift_left3A_2261 = arith.shli %xor3A_2257, %shift_left3A_2260 : vector<16xi32>
      %shift_right_logical3A_2262 = arith.constant 6 : i32
      %shift_right_logical3A_2263 = vector.broadcast %shift_right_logical3A_2262 : i32 to vector<16xi32>
      %shift_right_logical3A_2264 = arith.shrui %xor3A_2257, %shift_right_logical3A_2263 : vector<16xi32>
      %or3A_2265 = arith.ori %shift_left3A_2261, %shift_right_logical3A_2264 : vector<16xi32>
      %xor3A_2266 = arith.xori %add3A_2258, %or3A_2265 : vector<16xi32>
      %add3A_2267 = arith.addi %add3A_2258, %xor3A_2266 : vector<16xi32>
      %shift_left3A_2268 = arith.constant 6 : i32
      %shift_left3A_2269 = vector.broadcast %shift_left3A_2268 : i32 to vector<16xi32>
      %shift_left3A_2270 = arith.shli %xor3A_2266, %shift_left3A_2269 : vector<16xi32>
      %shift_right_logical3A_2271 = arith.constant 26 : i32
      %shift_right_logical3A_2272 = vector.broadcast %shift_right_logical3A_2271 : i32 to vector<16xi32>
      %shift_right_logical3A_2273 = arith.shrui %xor3A_2266, %shift_right_logical3A_2272 : vector<16xi32>
      %or3A_2274 = arith.ori %shift_left3A_2270, %shift_right_logical3A_2273 : vector<16xi32>
      %xor3A_2275 = arith.xori %add3A_2267, %or3A_2274 : vector<16xi32>
      %add3A_2276 = arith.constant -1944951124 : i32
      %add3A_2277 = vector.broadcast %add3A_2276 : i32 to vector<16xi32>
      %add3A_2278 = arith.addi %add3A_2267, %add3A_2277 : vector<16xi32>
      %add3A_2279 = arith.constant 1168365246 : i32
      %add3A_2280 = vector.broadcast %add3A_2279 : i32 to vector<16xi32>
      %add3A_2281 = arith.addi %xor3A_2275, %add3A_2280 : vector<16xi32>
      %add3A_2282 = arith.constant 3 : i32
      %add3A_2283 = vector.broadcast %add3A_2282 : i32 to vector<16xi32>
      %add3A_2284 = arith.addi %add3A_2281, %add3A_2283 : vector<16xi32>
      %add3A_2285 = arith.addi %add3A_2278, %add3A_2284 : vector<16xi32>
      %shift_left3A_2286 = arith.constant 17 : i32
      %shift_left3A_2287 = vector.broadcast %shift_left3A_2286 : i32 to vector<16xi32>
      %shift_left3A_2288 = arith.shli %add3A_2284, %shift_left3A_2287 : vector<16xi32>
      %shift_right_logical3A_2289 = arith.constant 15 : i32
      %shift_right_logical3A_2290 = vector.broadcast %shift_right_logical3A_2289 : i32 to vector<16xi32>
      %shift_right_logical3A_2291 = arith.shrui %add3A_2284, %shift_right_logical3A_2290 : vector<16xi32>
      %or3A_2292 = arith.ori %shift_left3A_2288, %shift_right_logical3A_2291 : vector<16xi32>
      %xor3A_2293 = arith.xori %add3A_2285, %or3A_2292 : vector<16xi32>
      %add3A_2294 = arith.addi %add3A_2285, %xor3A_2293 : vector<16xi32>
      %shift_left3A_2295 = arith.constant 29 : i32
      %shift_left3A_2296 = vector.broadcast %shift_left3A_2295 : i32 to vector<16xi32>
      %shift_left3A_2297 = arith.shli %xor3A_2293, %shift_left3A_2296 : vector<16xi32>
      %shift_right_logical3A_2298 = arith.constant 3 : i32
      %shift_right_logical3A_2299 = vector.broadcast %shift_right_logical3A_2298 : i32 to vector<16xi32>
      %shift_right_logical3A_2300 = arith.shrui %xor3A_2293, %shift_right_logical3A_2299 : vector<16xi32>
      %or3A_2301 = arith.ori %shift_left3A_2297, %shift_right_logical3A_2300 : vector<16xi32>
      %xor3A_2302 = arith.xori %add3A_2294, %or3A_2301 : vector<16xi32>
      %add3A_2303 = arith.addi %add3A_2294, %xor3A_2302 : vector<16xi32>
      %shift_left3A_2304 = arith.constant 16 : i32
      %shift_left3A_2305 = vector.broadcast %shift_left3A_2304 : i32 to vector<16xi32>
      %shift_left3A_2306 = arith.shli %xor3A_2302, %shift_left3A_2305 : vector<16xi32>
      %shift_right_logical3A_2307 = arith.constant 16 : i32
      %shift_right_logical3A_2308 = vector.broadcast %shift_right_logical3A_2307 : i32 to vector<16xi32>
      %shift_right_logical3A_2309 = arith.shrui %xor3A_2302, %shift_right_logical3A_2308 : vector<16xi32>
      %or3A_2310 = arith.ori %shift_left3A_2306, %shift_right_logical3A_2309 : vector<16xi32>
      %xor3A_2311 = arith.xori %add3A_2303, %or3A_2310 : vector<16xi32>
      %add3A_2312 = arith.addi %add3A_2303, %xor3A_2311 : vector<16xi32>
      %shift_left3A_2313 = arith.constant 24 : i32
      %shift_left3A_2314 = vector.broadcast %shift_left3A_2313 : i32 to vector<16xi32>
      %shift_left3A_2315 = arith.shli %xor3A_2311, %shift_left3A_2314 : vector<16xi32>
      %shift_right_logical3A_2316 = arith.constant 8 : i32
      %shift_right_logical3A_2317 = vector.broadcast %shift_right_logical3A_2316 : i32 to vector<16xi32>
      %shift_right_logical3A_2318 = arith.shrui %xor3A_2311, %shift_right_logical3A_2317 : vector<16xi32>
      %or3A_2319 = arith.ori %shift_left3A_2315, %shift_right_logical3A_2318 : vector<16xi32>
      %xor3A_2320 = arith.xori %add3A_2312, %or3A_2319 : vector<16xi32>
      %add3A_2321 = arith.constant 1168365246 : i32
      %add3A_2322 = vector.broadcast %add3A_2321 : i32 to vector<16xi32>
      %add3A_2323 = arith.addi %add3A_2312, %add3A_2322 : vector<16xi32>
      %add3A_2324 = arith.constant -765416504 : i32
      %add3A_2325 = vector.broadcast %add3A_2324 : i32 to vector<16xi32>
      %add3A_2326 = arith.addi %xor3A_2320, %add3A_2325 : vector<16xi32>
      %add3A_2327 = arith.constant 4 : i32
      %add3A_2328 = vector.broadcast %add3A_2327 : i32 to vector<16xi32>
      %add3A_2329 = arith.addi %add3A_2326, %add3A_2328 : vector<16xi32>
      %add3A_2330 = arith.addi %add3A_2323, %add3A_2329 : vector<16xi32>
      %shift_left3A_2331 = arith.constant 13 : i32
      %shift_left3A_2332 = vector.broadcast %shift_left3A_2331 : i32 to vector<16xi32>
      %shift_left3A_2333 = arith.shli %add3A_2329, %shift_left3A_2332 : vector<16xi32>
      %shift_right_logical3A_2334 = arith.constant 19 : i32
      %shift_right_logical3A_2335 = vector.broadcast %shift_right_logical3A_2334 : i32 to vector<16xi32>
      %shift_right_logical3A_2336 = arith.shrui %add3A_2329, %shift_right_logical3A_2335 : vector<16xi32>
      %or3A_2337 = arith.ori %shift_left3A_2333, %shift_right_logical3A_2336 : vector<16xi32>
      %xor3A_2338 = arith.xori %add3A_2330, %or3A_2337 : vector<16xi32>
      %add3A_2339 = arith.addi %add3A_2330, %xor3A_2338 : vector<16xi32>
      %shift_left3A_2340 = arith.constant 15 : i32
      %shift_left3A_2341 = vector.broadcast %shift_left3A_2340 : i32 to vector<16xi32>
      %shift_left3A_2342 = arith.shli %xor3A_2338, %shift_left3A_2341 : vector<16xi32>
      %shift_right_logical3A_2343 = arith.constant 17 : i32
      %shift_right_logical3A_2344 = vector.broadcast %shift_right_logical3A_2343 : i32 to vector<16xi32>
      %shift_right_logical3A_2345 = arith.shrui %xor3A_2338, %shift_right_logical3A_2344 : vector<16xi32>
      %or3A_2346 = arith.ori %shift_left3A_2342, %shift_right_logical3A_2345 : vector<16xi32>
      %xor3A_2347 = arith.xori %add3A_2339, %or3A_2346 : vector<16xi32>
      %add3A_2348 = arith.addi %add3A_2339, %xor3A_2347 : vector<16xi32>
      %shift_left3A_2349 = arith.constant 26 : i32
      %shift_left3A_2350 = vector.broadcast %shift_left3A_2349 : i32 to vector<16xi32>
      %shift_left3A_2351 = arith.shli %xor3A_2347, %shift_left3A_2350 : vector<16xi32>
      %shift_right_logical3A_2352 = arith.constant 6 : i32
      %shift_right_logical3A_2353 = vector.broadcast %shift_right_logical3A_2352 : i32 to vector<16xi32>
      %shift_right_logical3A_2354 = arith.shrui %xor3A_2347, %shift_right_logical3A_2353 : vector<16xi32>
      %or3A_2355 = arith.ori %shift_left3A_2351, %shift_right_logical3A_2354 : vector<16xi32>
      %xor3A_2356 = arith.xori %add3A_2348, %or3A_2355 : vector<16xi32>
      %add3A_2357 = arith.addi %add3A_2348, %xor3A_2356 : vector<16xi32>
      %shift_left3A_2358 = arith.constant 6 : i32
      %shift_left3A_2359 = vector.broadcast %shift_left3A_2358 : i32 to vector<16xi32>
      %shift_left3A_2360 = arith.shli %xor3A_2356, %shift_left3A_2359 : vector<16xi32>
      %shift_right_logical3A_2361 = arith.constant 26 : i32
      %shift_right_logical3A_2362 = vector.broadcast %shift_right_logical3A_2361 : i32 to vector<16xi32>
      %shift_right_logical3A_2363 = arith.shrui %xor3A_2356, %shift_right_logical3A_2362 : vector<16xi32>
      %or3A_2364 = arith.ori %shift_left3A_2360, %shift_right_logical3A_2363 : vector<16xi32>
      %xor3A_2365 = arith.xori %add3A_2357, %or3A_2364 : vector<16xi32>
      %add3A_2366 = arith.constant -765416504 : i32
      %add3A_2367 = vector.broadcast %add3A_2366 : i32 to vector<16xi32>
      %add3A_2368 = arith.addi %add3A_2357, %add3A_2367 : vector<16xi32>
      %add3A_2369 = arith.constant -1944951124 : i32
      %add3A_2370 = vector.broadcast %add3A_2369 : i32 to vector<16xi32>
      %add3A_2371 = arith.addi %xor3A_2365, %add3A_2370 : vector<16xi32>
      %add3A_2372 = arith.constant 5 : i32
      %add3A_2373 = vector.broadcast %add3A_2372 : i32 to vector<16xi32>
      %add3A_2374 = arith.addi %add3A_2371, %add3A_2373 : vector<16xi32>
      %xor3A_2375 = arith.xori %add3A_2368, %add3A_2374 : vector<16xi32>
      %shift_right_logical3A_2376 = arith.constant 16 : i32
      %shift_right_logical3A_2377 = vector.broadcast %shift_right_logical3A_2376 : i32 to vector<16xi32>
      %shift_right_logical3A_2378 = arith.shrui %xor3A_2144, %shift_right_logical3A_2377 : vector<16xi32>
      %and3A_2379 = arith.constant 65535 : i32
      %and3A_2380 = vector.broadcast %and3A_2379 : i32 to vector<16xi32>
      %and3A_2381 = arith.andi %xor3A_2144, %and3A_2380 : vector<16xi32>
      %mul3A_2382 = arith.constant 4492 : i32
      %mul3A_2383 = vector.broadcast %mul3A_2382 : i32 to vector<16xi32>
      %mul3A_2384 = arith.muli %shift_right_logical3A_2378, %mul3A_2383 : vector<16xi32>
      %add3A_2385 = arith.addi %mul3A_2384, %and3A_2381 : vector<16xi32>
      %convert_element_type3A_2386 = arith.sitofp %add3A_2385 : vector<16xi32> to vector<16xf32>
      %mul3A_2387 = arith.constant 3.27632515E-5 : f32
      %mul3A_2388 = vector.broadcast %mul3A_2387 : f32 to vector<16xf32>
      %mul3A_2389 = arith.mulf %convert_element_type3A_2386, %mul3A_2388 : vector<16xf32>
      %convert_element_type3A_2390 = arith.fptosi %mul3A_2389 : vector<16xf32> to vector<16xi32>
      %mul3A_2391 = arith.constant 30522 : i32
      %mul3A_2392 = vector.broadcast %mul3A_2391 : i32 to vector<16xi32>
      %mul3A_2393 = arith.muli %convert_element_type3A_2390, %mul3A_2392 : vector<16xi32>
      %sub3A_2394 = arith.subi %add3A_2385, %mul3A_2393 : vector<16xi32>
      %lt3A_2395 = arith.constant 0 : i32
      %lt3A_2396 = vector.broadcast %lt3A_2395 : i32 to vector<16xi32>
      %lt3A_2397 = arith.cmpi slt, %sub3A_2394, %lt3A_2396 : vector<16xi32>
      %add3A_2398 = arith.constant 30522 : i32
      %add3A_2399 = vector.broadcast %add3A_2398 : i32 to vector<16xi32>
      %add3A_2400 = arith.addi %sub3A_2394, %add3A_2399 : vector<16xi32>
      %select_n3A_2401 = arith.select %lt3A_2397, %add3A_2400, %sub3A_2394 : vector<16xi1>, vector<16xi32>
      %ge3A_2402 = arith.constant 30522 : i32
      %ge3A_2403 = vector.broadcast %ge3A_2402 : i32 to vector<16xi32>
      %ge3A_2404 = arith.cmpi sge, %select_n3A_2401, %ge3A_2403 : vector<16xi32>
      %sub3A_2405 = arith.constant 30522 : i32
      %sub3A_2406 = vector.broadcast %sub3A_2405 : i32 to vector<16xi32>
      %sub3A_2407 = arith.subi %select_n3A_2401, %sub3A_2406 : vector<16xi32>
      %select_n3A_2408 = arith.select %ge3A_2404, %sub3A_2407, %select_n3A_2401 : vector<16xi1>, vector<16xi32>
      %mul3A_2409 = arith.constant 3022 : i32
      %mul3A_2410 = vector.broadcast %mul3A_2409 : i32 to vector<16xi32>
      %mul3A_2411 = arith.muli %select_n3A_2408, %mul3A_2410 : vector<16xi32>
      %shift_right_logical3A_2412 = arith.constant 16 : i32
      %shift_right_logical3A_2413 = vector.broadcast %shift_right_logical3A_2412 : i32 to vector<16xi32>
      %shift_right_logical3A_2414 = arith.shrui %xor3A_2375, %shift_right_logical3A_2413 : vector<16xi32>
      %and3A_2415 = arith.constant 65535 : i32
      %and3A_2416 = vector.broadcast %and3A_2415 : i32 to vector<16xi32>
      %and3A_2417 = arith.andi %xor3A_2375, %and3A_2416 : vector<16xi32>
      %mul3A_2418 = arith.constant 4492 : i32
      %mul3A_2419 = vector.broadcast %mul3A_2418 : i32 to vector<16xi32>
      %mul3A_2420 = arith.muli %shift_right_logical3A_2414, %mul3A_2419 : vector<16xi32>
      %add3A_2421 = arith.addi %mul3A_2420, %and3A_2417 : vector<16xi32>
      %convert_element_type3A_2422 = arith.sitofp %add3A_2421 : vector<16xi32> to vector<16xf32>
      %mul3A_2423 = arith.constant 3.27632515E-5 : f32
      %mul3A_2424 = vector.broadcast %mul3A_2423 : f32 to vector<16xf32>
      %mul3A_2425 = arith.mulf %convert_element_type3A_2422, %mul3A_2424 : vector<16xf32>
      %convert_element_type3A_2426 = arith.fptosi %mul3A_2425 : vector<16xf32> to vector<16xi32>
      %mul3A_2427 = arith.constant 30522 : i32
      %mul3A_2428 = vector.broadcast %mul3A_2427 : i32 to vector<16xi32>
      %mul3A_2429 = arith.muli %convert_element_type3A_2426, %mul3A_2428 : vector<16xi32>
      %sub3A_2430 = arith.subi %add3A_2421, %mul3A_2429 : vector<16xi32>
      %lt3A_2431 = arith.constant 0 : i32
      %lt3A_2432 = vector.broadcast %lt3A_2431 : i32 to vector<16xi32>
      %lt3A_2433 = arith.cmpi slt, %sub3A_2430, %lt3A_2432 : vector<16xi32>
      %add3A_2434 = arith.constant 30522 : i32
      %add3A_2435 = vector.broadcast %add3A_2434 : i32 to vector<16xi32>
      %add3A_2436 = arith.addi %sub3A_2430, %add3A_2435 : vector<16xi32>
      %select_n3A_2437 = arith.select %lt3A_2433, %add3A_2436, %sub3A_2430 : vector<16xi1>, vector<16xi32>
      %ge3A_2438 = arith.constant 30522 : i32
      %ge3A_2439 = vector.broadcast %ge3A_2438 : i32 to vector<16xi32>
      %ge3A_2440 = arith.cmpi sge, %select_n3A_2437, %ge3A_2439 : vector<16xi32>
      %sub3A_2441 = arith.constant 30522 : i32
      %sub3A_2442 = vector.broadcast %sub3A_2441 : i32 to vector<16xi32>
      %sub3A_2443 = arith.subi %select_n3A_2437, %sub3A_2442 : vector<16xi32>
      %select_n3A_2444 = arith.select %ge3A_2440, %sub3A_2443, %select_n3A_2437 : vector<16xi1>, vector<16xi32>
      %add3A_2445 = arith.addi %mul3A_2411, %select_n3A_2444 : vector<16xi32>
      %convert_element_type3A_2446 = arith.sitofp %add3A_2445 : vector<16xi32> to vector<16xf32>
      %mul3A_2447 = arith.constant 3.27632515E-5 : f32
      %mul3A_2448 = vector.broadcast %mul3A_2447 : f32 to vector<16xf32>
      %mul3A_2449 = arith.mulf %convert_element_type3A_2446, %mul3A_2448 : vector<16xf32>
      %convert_element_type3A_2450 = arith.fptosi %mul3A_2449 : vector<16xf32> to vector<16xi32>
      %mul3A_2451 = arith.constant 30522 : i32
      %mul3A_2452 = vector.broadcast %mul3A_2451 : i32 to vector<16xi32>
      %mul3A_2453 = arith.muli %convert_element_type3A_2450, %mul3A_2452 : vector<16xi32>
      %sub3A_2454 = arith.subi %add3A_2445, %mul3A_2453 : vector<16xi32>
      %lt3A_2455 = arith.constant 0 : i32
      %lt3A_2456 = vector.broadcast %lt3A_2455 : i32 to vector<16xi32>
      %lt3A_2457 = arith.cmpi slt, %sub3A_2454, %lt3A_2456 : vector<16xi32>
      %add3A_2458 = arith.constant 30522 : i32
      %add3A_2459 = vector.broadcast %add3A_2458 : i32 to vector<16xi32>
      %add3A_2460 = arith.addi %sub3A_2454, %add3A_2459 : vector<16xi32>
      %select_n3A_2461 = arith.select %lt3A_2457, %add3A_2460, %sub3A_2454 : vector<16xi1>, vector<16xi32>
      %ge3A_2462 = arith.constant 30522 : i32
      %ge3A_2463 = vector.broadcast %ge3A_2462 : i32 to vector<16xi32>
      %ge3A_2464 = arith.cmpi sge, %select_n3A_2461, %ge3A_2463 : vector<16xi32>
      %sub3A_2465 = arith.constant 30522 : i32
      %sub3A_2466 = vector.broadcast %sub3A_2465 : i32 to vector<16xi32>
      %sub3A_2467 = arith.subi %select_n3A_2461, %sub3A_2466 : vector<16xi32>
      %select_n3A_2468 = arith.select %ge3A_2464, %sub3A_2467, %select_n3A_2461 : vector<16xi1>, vector<16xi32>
      %select_n3A_2469 = arith.select %and3A_1903, %select_n3A_2468, %select_n3A_1906 : vector<16xi1>, vector<16xi32>
      %swap3A_2470 = arith.index_cast %mul3A_1650 : i32 to index
      %swap3A_2471 = tpu.vector_load %arg6[%swap3A_2470] {strides = array<i32>} : memref<1024xi32, #tpu.memory_space<vmem>>, vector<16xi32>,
      %swap3A_2472 = vector.shape_cast %swap3A_2471 : vector<16xi32> to vector<16xi32>
      %swap3A_2473 = vector.shape_cast %select_n3A_2469 : vector<16xi32> to vector<16xi32>
      tpu.vector_store %arg6[%swap3A_2470], %swap3A_2473 {strides = array<i32>} : memref<1024xi32, #tpu.memory_space<vmem>>, vector<16xi32>,
      %scan3A_2474 = arith.constant 3 : i32
      %scan3A_2475 = arith.addi %scan3A_8, %scan3A_2474 : i32
      %mul3A_2476 = arith.constant 16 : i32
      %mul3A_2477 = arith.muli %scan3A_2475, %mul3A_2476 : i32
      %get3A_2478 = arith.index_cast %mul3A_2477 : i32 to index
      %get3A_2479 = tpu.vector_load %arg5[%get3A_2478] {strides = array<i32>} : memref<1024xi32, #tpu.memory_space<vmem>>, vector<16xi32>,
      %get3A_2480 = vector.shape_cast %get3A_2479 : vector<16xi32> to vector<16xi32>
      %add3A_2481 = arith.addi %mul3A_2, %mul3A_2477 : i32
      %add3A_2482 = vector.broadcast %add3A_2481 : i32 to vector<16xi32>
      %add3A_2483 = arith.addi %iota3A, %add3A_2482 : vector<16xi32>
      %broadcast_in_dim3A_2484 = arith.constant 1832780943 : i32
      %broadcast_in_dim3A_2485 = vector.broadcast %broadcast_in_dim3A_2484 : i32 to vector<16xi32>
      %add3A_2486 = arith.constant 270669613 : i32
      %add3A_2487 = vector.broadcast %add3A_2486 : i32 to vector<16xi32>
      %add3A_2488 = arith.addi %add3A_2483, %add3A_2487 : vector<16xi32>
      %add3A_2489 = arith.addi %broadcast_in_dim3A_2485, %add3A_2488 : vector<16xi32>
      %shift_left3A_2490 = arith.constant 13 : i32
      %shift_left3A_2491 = vector.broadcast %shift_left3A_2490 : i32 to vector<16xi32>
      %shift_left3A_2492 = arith.shli %add3A_2488, %shift_left3A_2491 : vector<16xi32>
      %shift_right_logical3A_2493 = arith.constant 19 : i32
      %shift_right_logical3A_2494 = vector.broadcast %shift_right_logical3A_2493 : i32 to vector<16xi32>
      %shift_right_logical3A_2495 = arith.shrui %add3A_2488, %shift_right_logical3A_2494 : vector<16xi32>
      %or3A_2496 = arith.ori %shift_left3A_2492, %shift_right_logical3A_2495 : vector<16xi32>
      %xor3A_2497 = arith.xori %add3A_2489, %or3A_2496 : vector<16xi32>
      %add3A_2498 = arith.addi %add3A_2489, %xor3A_2497 : vector<16xi32>
      %shift_left3A_2499 = arith.constant 15 : i32
      %shift_left3A_2500 = vector.broadcast %shift_left3A_2499 : i32 to vector<16xi32>
      %shift_left3A_2501 = arith.shli %xor3A_2497, %shift_left3A_2500 : vector<16xi32>
      %shift_right_logical3A_2502 = arith.constant 17 : i32
      %shift_right_logical3A_2503 = vector.broadcast %shift_right_logical3A_2502 : i32 to vector<16xi32>
      %shift_right_logical3A_2504 = arith.shrui %xor3A_2497, %shift_right_logical3A_2503 : vector<16xi32>
      %or3A_2505 = arith.ori %shift_left3A_2501, %shift_right_logical3A_2504 : vector<16xi32>
      %xor3A_2506 = arith.xori %add3A_2498, %or3A_2505 : vector<16xi32>
      %add3A_2507 = arith.addi %add3A_2498, %xor3A_2506 : vector<16xi32>
      %shift_left3A_2508 = arith.constant 26 : i32
      %shift_left3A_2509 = vector.broadcast %shift_left3A_2508 : i32 to vector<16xi32>
      %shift_left3A_2510 = arith.shli %xor3A_2506, %shift_left3A_2509 : vector<16xi32>
      %shift_right_logical3A_2511 = arith.constant 6 : i32
      %shift_right_logical3A_2512 = vector.broadcast %shift_right_logical3A_2511 : i32 to vector<16xi32>
      %shift_right_logical3A_2513 = arith.shrui %xor3A_2506, %shift_right_logical3A_2512 : vector<16xi32>
      %or3A_2514 = arith.ori %shift_left3A_2510, %shift_right_logical3A_2513 : vector<16xi32>
      %xor3A_2515 = arith.xori %add3A_2507, %or3A_2514 : vector<16xi32>
      %add3A_2516 = arith.addi %add3A_2507, %xor3A_2515 : vector<16xi32>
      %shift_left3A_2517 = arith.constant 6 : i32
      %shift_left3A_2518 = vector.broadcast %shift_left3A_2517 : i32 to vector<16xi32>
      %shift_left3A_2519 = arith.shli %xor3A_2515, %shift_left3A_2518 : vector<16xi32>
      %shift_right_logical3A_2520 = arith.constant 26 : i32
      %shift_right_logical3A_2521 = vector.broadcast %shift_right_logical3A_2520 : i32 to vector<16xi32>
      %shift_right_logical3A_2522 = arith.shrui %xor3A_2515, %shift_right_logical3A_2521 : vector<16xi32>
      %or3A_2523 = arith.ori %shift_left3A_2519, %shift_right_logical3A_2522 : vector<16xi32>
      %xor3A_2524 = arith.xori %add3A_2516, %or3A_2523 : vector<16xi32>
      %add3A_2525 = arith.constant 270669613 : i32
      %add3A_2526 = vector.broadcast %add3A_2525 : i32 to vector<16xi32>
      %add3A_2527 = arith.addi %add3A_2516, %add3A_2526 : vector<16xi32>
      %add3A_2528 = arith.constant 1724713080 : i32
      %add3A_2529 = vector.broadcast %add3A_2528 : i32 to vector<16xi32>
      %add3A_2530 = arith.addi %xor3A_2524, %add3A_2529 : vector<16xi32>
      %add3A_2531 = arith.constant 1 : i32
      %add3A_2532 = vector.broadcast %add3A_2531 : i32 to vector<16xi32>
      %add3A_2533 = arith.addi %add3A_2530, %add3A_2532 : vector<16xi32>
      %add3A_2534 = arith.addi %add3A_2527, %add3A_2533 : vector<16xi32>
      %shift_left3A_2535 = arith.constant 17 : i32
      %shift_left3A_2536 = vector.broadcast %shift_left3A_2535 : i32 to vector<16xi32>
      %shift_left3A_2537 = arith.shli %add3A_2533, %shift_left3A_2536 : vector<16xi32>
      %shift_right_logical3A_2538 = arith.constant 15 : i32
      %shift_right_logical3A_2539 = vector.broadcast %shift_right_logical3A_2538 : i32 to vector<16xi32>
      %shift_right_logical3A_2540 = arith.shrui %add3A_2533, %shift_right_logical3A_2539 : vector<16xi32>
      %or3A_2541 = arith.ori %shift_left3A_2537, %shift_right_logical3A_2540 : vector<16xi32>
      %xor3A_2542 = arith.xori %add3A_2534, %or3A_2541 : vector<16xi32>
      %add3A_2543 = arith.addi %add3A_2534, %xor3A_2542 : vector<16xi32>
      %shift_left3A_2544 = arith.constant 29 : i32
      %shift_left3A_2545 = vector.broadcast %shift_left3A_2544 : i32 to vector<16xi32>
      %shift_left3A_2546 = arith.shli %xor3A_2542, %shift_left3A_2545 : vector<16xi32>
      %shift_right_logical3A_2547 = arith.constant 3 : i32
      %shift_right_logical3A_2548 = vector.broadcast %shift_right_logical3A_2547 : i32 to vector<16xi32>
      %shift_right_logical3A_2549 = arith.shrui %xor3A_2542, %shift_right_logical3A_2548 : vector<16xi32>
      %or3A_2550 = arith.ori %shift_left3A_2546, %shift_right_logical3A_2549 : vector<16xi32>
      %xor3A_2551 = arith.xori %add3A_2543, %or3A_2550 : vector<16xi32>
      %add3A_2552 = arith.addi %add3A_2543, %xor3A_2551 : vector<16xi32>
      %shift_left3A_2553 = arith.constant 16 : i32
      %shift_left3A_2554 = vector.broadcast %shift_left3A_2553 : i32 to vector<16xi32>
      %shift_left3A_2555 = arith.shli %xor3A_2551, %shift_left3A_2554 : vector<16xi32>
      %shift_right_logical3A_2556 = arith.constant 16 : i32
      %shift_right_logical3A_2557 = vector.broadcast %shift_right_logical3A_2556 : i32 to vector<16xi32>
      %shift_right_logical3A_2558 = arith.shrui %xor3A_2551, %shift_right_logical3A_2557 : vector<16xi32>
      %or3A_2559 = arith.ori %shift_left3A_2555, %shift_right_logical3A_2558 : vector<16xi32>
      %xor3A_2560 = arith.xori %add3A_2552, %or3A_2559 : vector<16xi32>
      %add3A_2561 = arith.addi %add3A_2552, %xor3A_2560 : vector<16xi32>
      %shift_left3A_2562 = arith.constant 24 : i32
      %shift_left3A_2563 = vector.broadcast %shift_left3A_2562 : i32 to vector<16xi32>
      %shift_left3A_2564 = arith.shli %xor3A_2560, %shift_left3A_2563 : vector<16xi32>
      %shift_right_logical3A_2565 = arith.constant 8 : i32
      %shift_right_logical3A_2566 = vector.broadcast %shift_right_logical3A_2565 : i32 to vector<16xi32>
      %shift_right_logical3A_2567 = arith.shrui %xor3A_2560, %shift_right_logical3A_2566 : vector<16xi32>
      %or3A_2568 = arith.ori %shift_left3A_2564, %shift_right_logical3A_2567 : vector<16xi32>
      %xor3A_2569 = arith.xori %add3A_2561, %or3A_2568 : vector<16xi32>
      %add3A_2570 = arith.constant 1724713080 : i32
      %add3A_2571 = vector.broadcast %add3A_2570 : i32 to vector<16xi32>
      %add3A_2572 = arith.addi %add3A_2561, %add3A_2571 : vector<16xi32>
      %add3A_2573 = arith.constant 1832780943 : i32
      %add3A_2574 = vector.broadcast %add3A_2573 : i32 to vector<16xi32>
      %add3A_2575 = arith.addi %xor3A_2569, %add3A_2574 : vector<16xi32>
      %add3A_2576 = arith.constant 2 : i32
      %add3A_2577 = vector.broadcast %add3A_2576 : i32 to vector<16xi32>
      %add3A_2578 = arith.addi %add3A_2575, %add3A_2577 : vector<16xi32>
      %add3A_2579 = arith.addi %add3A_2572, %add3A_2578 : vector<16xi32>
      %shift_left3A_2580 = arith.constant 13 : i32
      %shift_left3A_2581 = vector.broadcast %shift_left3A_2580 : i32 to vector<16xi32>
      %shift_left3A_2582 = arith.shli %add3A_2578, %shift_left3A_2581 : vector<16xi32>
      %shift_right_logical3A_2583 = arith.constant 19 : i32
      %shift_right_logical3A_2584 = vector.broadcast %shift_right_logical3A_2583 : i32 to vector<16xi32>
      %shift_right_logical3A_2585 = arith.shrui %add3A_2578, %shift_right_logical3A_2584 : vector<16xi32>
      %or3A_2586 = arith.ori %shift_left3A_2582, %shift_right_logical3A_2585 : vector<16xi32>
      %xor3A_2587 = arith.xori %add3A_2579, %or3A_2586 : vector<16xi32>
      %add3A_2588 = arith.addi %add3A_2579, %xor3A_2587 : vector<16xi32>
      %shift_left3A_2589 = arith.constant 15 : i32
      %shift_left3A_2590 = vector.broadcast %shift_left3A_2589 : i32 to vector<16xi32>
      %shift_left3A_2591 = arith.shli %xor3A_2587, %shift_left3A_2590 : vector<16xi32>
      %shift_right_logical3A_2592 = arith.constant 17 : i32
      %shift_right_logical3A_2593 = vector.broadcast %shift_right_logical3A_2592 : i32 to vector<16xi32>
      %shift_right_logical3A_2594 = arith.shrui %xor3A_2587, %shift_right_logical3A_2593 : vector<16xi32>
      %or3A_2595 = arith.ori %shift_left3A_2591, %shift_right_logical3A_2594 : vector<16xi32>
      %xor3A_2596 = arith.xori %add3A_2588, %or3A_2595 : vector<16xi32>
      %add3A_2597 = arith.addi %add3A_2588, %xor3A_2596 : vector<16xi32>
      %shift_left3A_2598 = arith.constant 26 : i32
      %shift_left3A_2599 = vector.broadcast %shift_left3A_2598 : i32 to vector<16xi32>
      %shift_left3A_2600 = arith.shli %xor3A_2596, %shift_left3A_2599 : vector<16xi32>
      %shift_right_logical3A_2601 = arith.constant 6 : i32
      %shift_right_logical3A_2602 = vector.broadcast %shift_right_logical3A_2601 : i32 to vector<16xi32>
      %shift_right_logical3A_2603 = arith.shrui %xor3A_2596, %shift_right_logical3A_2602 : vector<16xi32>
      %or3A_2604 = arith.ori %shift_left3A_2600, %shift_right_logical3A_2603 : vector<16xi32>
      %xor3A_2605 = arith.xori %add3A_2597, %or3A_2604 : vector<16xi32>
      %add3A_2606 = arith.addi %add3A_2597, %xor3A_2605 : vector<16xi32>
      %shift_left3A_2607 = arith.constant 6 : i32
      %shift_left3A_2608 = vector.broadcast %shift_left3A_2607 : i32 to vector<16xi32>
      %shift_left3A_2609 = arith.shli %xor3A_2605, %shift_left3A_2608 : vector<16xi32>
      %shift_right_logical3A_2610 = arith.constant 26 : i32
      %shift_right_logical3A_2611 = vector.broadcast %shift_right_logical3A_2610 : i32 to vector<16xi32>
      %shift_right_logical3A_2612 = arith.shrui %xor3A_2605, %shift_right_logical3A_2611 : vector<16xi32>
      %or3A_2613 = arith.ori %shift_left3A_2609, %shift_right_logical3A_2612 : vector<16xi32>
      %xor3A_2614 = arith.xori %add3A_2606, %or3A_2613 : vector<16xi32>
      %add3A_2615 = arith.constant 1832780943 : i32
      %add3A_2616 = vector.broadcast %add3A_2615 : i32 to vector<16xi32>
      %add3A_2617 = arith.addi %add3A_2606, %add3A_2616 : vector<16xi32>
      %add3A_2618 = arith.constant 270669613 : i32
      %add3A_2619 = vector.broadcast %add3A_2618 : i32 to vector<16xi32>
      %add3A_2620 = arith.addi %xor3A_2614, %add3A_2619 : vector<16xi32>
      %add3A_2621 = arith.constant 3 : i32
      %add3A_2622 = vector.broadcast %add3A_2621 : i32 to vector<16xi32>
      %add3A_2623 = arith.addi %add3A_2620, %add3A_2622 : vector<16xi32>
      %add3A_2624 = arith.addi %add3A_2617, %add3A_2623 : vector<16xi32>
      %shift_left3A_2625 = arith.constant 17 : i32
      %shift_left3A_2626 = vector.broadcast %shift_left3A_2625 : i32 to vector<16xi32>
      %shift_left3A_2627 = arith.shli %add3A_2623, %shift_left3A_2626 : vector<16xi32>
      %shift_right_logical3A_2628 = arith.constant 15 : i32
      %shift_right_logical3A_2629 = vector.broadcast %shift_right_logical3A_2628 : i32 to vector<16xi32>
      %shift_right_logical3A_2630 = arith.shrui %add3A_2623, %shift_right_logical3A_2629 : vector<16xi32>
      %or3A_2631 = arith.ori %shift_left3A_2627, %shift_right_logical3A_2630 : vector<16xi32>
      %xor3A_2632 = arith.xori %add3A_2624, %or3A_2631 : vector<16xi32>
      %add3A_2633 = arith.addi %add3A_2624, %xor3A_2632 : vector<16xi32>
      %shift_left3A_2634 = arith.constant 29 : i32
      %shift_left3A_2635 = vector.broadcast %shift_left3A_2634 : i32 to vector<16xi32>
      %shift_left3A_2636 = arith.shli %xor3A_2632, %shift_left3A_2635 : vector<16xi32>
      %shift_right_logical3A_2637 = arith.constant 3 : i32
      %shift_right_logical3A_2638 = vector.broadcast %shift_right_logical3A_2637 : i32 to vector<16xi32>
      %shift_right_logical3A_2639 = arith.shrui %xor3A_2632, %shift_right_logical3A_2638 : vector<16xi32>
      %or3A_2640 = arith.ori %shift_left3A_2636, %shift_right_logical3A_2639 : vector<16xi32>
      %xor3A_2641 = arith.xori %add3A_2633, %or3A_2640 : vector<16xi32>
      %add3A_2642 = arith.addi %add3A_2633, %xor3A_2641 : vector<16xi32>
      %shift_left3A_2643 = arith.constant 16 : i32
      %shift_left3A_2644 = vector.broadcast %shift_left3A_2643 : i32 to vector<16xi32>
      %shift_left3A_2645 = arith.shli %xor3A_2641, %shift_left3A_2644 : vector<16xi32>
      %shift_right_logical3A_2646 = arith.constant 16 : i32
      %shift_right_logical3A_2647 = vector.broadcast %shift_right_logical3A_2646 : i32 to vector<16xi32>
      %shift_right_logical3A_2648 = arith.shrui %xor3A_2641, %shift_right_logical3A_2647 : vector<16xi32>
      %or3A_2649 = arith.ori %shift_left3A_2645, %shift_right_logical3A_2648 : vector<16xi32>
      %xor3A_2650 = arith.xori %add3A_2642, %or3A_2649 : vector<16xi32>
      %add3A_2651 = arith.addi %add3A_2642, %xor3A_2650 : vector<16xi32>
      %shift_left3A_2652 = arith.constant 24 : i32
      %shift_left3A_2653 = vector.broadcast %shift_left3A_2652 : i32 to vector<16xi32>
      %shift_left3A_2654 = arith.shli %xor3A_2650, %shift_left3A_2653 : vector<16xi32>
      %shift_right_logical3A_2655 = arith.constant 8 : i32
      %shift_right_logical3A_2656 = vector.broadcast %shift_right_logical3A_2655 : i32 to vector<16xi32>
      %shift_right_logical3A_2657 = arith.shrui %xor3A_2650, %shift_right_logical3A_2656 : vector<16xi32>
      %or3A_2658 = arith.ori %shift_left3A_2654, %shift_right_logical3A_2657 : vector<16xi32>
      %xor3A_2659 = arith.xori %add3A_2651, %or3A_2658 : vector<16xi32>
      %add3A_2660 = arith.constant 270669613 : i32
      %add3A_2661 = vector.broadcast %add3A_2660 : i32 to vector<16xi32>
      %add3A_2662 = arith.addi %add3A_2651, %add3A_2661 : vector<16xi32>
      %add3A_2663 = arith.constant 1724713080 : i32
      %add3A_2664 = vector.broadcast %add3A_2663 : i32 to vector<16xi32>
      %add3A_2665 = arith.addi %xor3A_2659, %add3A_2664 : vector<16xi32>
      %add3A_2666 = arith.constant 4 : i32
      %add3A_2667 = vector.broadcast %add3A_2666 : i32 to vector<16xi32>
      %add3A_2668 = arith.addi %add3A_2665, %add3A_2667 : vector<16xi32>
      %add3A_2669 = arith.addi %add3A_2662, %add3A_2668 : vector<16xi32>
      %shift_left3A_2670 = arith.constant 13 : i32
      %shift_left3A_2671 = vector.broadcast %shift_left3A_2670 : i32 to vector<16xi32>
      %shift_left3A_2672 = arith.shli %add3A_2668, %shift_left3A_2671 : vector<16xi32>
      %shift_right_logical3A_2673 = arith.constant 19 : i32
      %shift_right_logical3A_2674 = vector.broadcast %shift_right_logical3A_2673 : i32 to vector<16xi32>
      %shift_right_logical3A_2675 = arith.shrui %add3A_2668, %shift_right_logical3A_2674 : vector<16xi32>
      %or3A_2676 = arith.ori %shift_left3A_2672, %shift_right_logical3A_2675 : vector<16xi32>
      %xor3A_2677 = arith.xori %add3A_2669, %or3A_2676 : vector<16xi32>
      %add3A_2678 = arith.addi %add3A_2669, %xor3A_2677 : vector<16xi32>
      %shift_left3A_2679 = arith.constant 15 : i32
      %shift_left3A_2680 = vector.broadcast %shift_left3A_2679 : i32 to vector<16xi32>
      %shift_left3A_2681 = arith.shli %xor3A_2677, %shift_left3A_2680 : vector<16xi32>
      %shift_right_logical3A_2682 = arith.constant 17 : i32
      %shift_right_logical3A_2683 = vector.broadcast %shift_right_logical3A_2682 : i32 to vector<16xi32>
      %shift_right_logical3A_2684 = arith.shrui %xor3A_2677, %shift_right_logical3A_2683 : vector<16xi32>
      %or3A_2685 = arith.ori %shift_left3A_2681, %shift_right_logical3A_2684 : vector<16xi32>
      %xor3A_2686 = arith.xori %add3A_2678, %or3A_2685 : vector<16xi32>
      %add3A_2687 = arith.addi %add3A_2678, %xor3A_2686 : vector<16xi32>
      %shift_left3A_2688 = arith.constant 26 : i32
      %shift_left3A_2689 = vector.broadcast %shift_left3A_2688 : i32 to vector<16xi32>
      %shift_left3A_2690 = arith.shli %xor3A_2686, %shift_left3A_2689 : vector<16xi32>
      %shift_right_logical3A_2691 = arith.constant 6 : i32
      %shift_right_logical3A_2692 = vector.broadcast %shift_right_logical3A_2691 : i32 to vector<16xi32>
      %shift_right_logical3A_2693 = arith.shrui %xor3A_2686, %shift_right_logical3A_2692 : vector<16xi32>
      %or3A_2694 = arith.ori %shift_left3A_2690, %shift_right_logical3A_2693 : vector<16xi32>
      %xor3A_2695 = arith.xori %add3A_2687, %or3A_2694 : vector<16xi32>
      %add3A_2696 = arith.addi %add3A_2687, %xor3A_2695 : vector<16xi32>
      %shift_left3A_2697 = arith.constant 6 : i32
      %shift_left3A_2698 = vector.broadcast %shift_left3A_2697 : i32 to vector<16xi32>
      %shift_left3A_2699 = arith.shli %xor3A_2695, %shift_left3A_2698 : vector<16xi32>
      %shift_right_logical3A_2700 = arith.constant 26 : i32
      %shift_right_logical3A_2701 = vector.broadcast %shift_right_logical3A_2700 : i32 to vector<16xi32>
      %shift_right_logical3A_2702 = arith.shrui %xor3A_2695, %shift_right_logical3A_2701 : vector<16xi32>
      %or3A_2703 = arith.ori %shift_left3A_2699, %shift_right_logical3A_2702 : vector<16xi32>
      %xor3A_2704 = arith.xori %add3A_2696, %or3A_2703 : vector<16xi32>
      %add3A_2705 = arith.constant 1724713080 : i32
      %add3A_2706 = vector.broadcast %add3A_2705 : i32 to vector<16xi32>
      %add3A_2707 = arith.addi %add3A_2696, %add3A_2706 : vector<16xi32>
      %add3A_2708 = arith.constant 1832780943 : i32
      %add3A_2709 = vector.broadcast %add3A_2708 : i32 to vector<16xi32>
      %add3A_2710 = arith.addi %xor3A_2704, %add3A_2709 : vector<16xi32>
      %add3A_2711 = arith.constant 5 : i32
      %add3A_2712 = vector.broadcast %add3A_2711 : i32 to vector<16xi32>
      %add3A_2713 = arith.addi %add3A_2710, %add3A_2712 : vector<16xi32>
      %xor3A_2714 = arith.xori %add3A_2707, %add3A_2713 : vector<16xi32>
      %shift_right_logical3A_2715 = arith.constant 9 : i32
      %shift_right_logical3A_2716 = vector.broadcast %shift_right_logical3A_2715 : i32 to vector<16xi32>
      %shift_right_logical3A_2717 = arith.shrui %xor3A_2714, %shift_right_logical3A_2716 : vector<16xi32>
      %lt3A_2718 = arith.constant 1258292 : i32
      %lt3A_2719 = vector.broadcast %lt3A_2718 : i32 to vector<16xi32>
      %lt3A_2720 = arith.cmpi ult, %shift_right_logical3A_2717, %lt3A_2719 : vector<16xi32>
      %lt3A_2721 = arith.constant 1006633 : i32
      %lt3A_2722 = vector.broadcast %lt3A_2721 : i32 to vector<16xi32>
      %lt3A_2723 = arith.cmpi ult, %shift_right_logical3A_2717, %lt3A_2722 : vector<16xi32>
      %ge3A_2724 = arith.constant 1006633 : i32
      %ge3A_2725 = vector.broadcast %ge3A_2724 : i32 to vector<16xi32>
      %ge3A_2726 = arith.cmpi uge, %shift_right_logical3A_2717, %ge3A_2725 : vector<16xi32>
      %lt3A_2727 = arith.constant 1132463 : i32
      %lt3A_2728 = vector.broadcast %lt3A_2727 : i32 to vector<16xi32>
      %lt3A_2729 = arith.cmpi ult, %shift_right_logical3A_2717, %lt3A_2728 : vector<16xi32>
      %and3A_2730 = arith.andi %ge3A_2726, %lt3A_2729 : vector<16xi1>
      %jit3A_2731 = arith.constant 103 : i32
      %broadcast_in_dim3A_2732 = vector.broadcast %jit3A_2731 : i32 to vector<16xi32>
      %select_n3A_2733 = arith.select %lt3A_2723, %broadcast_in_dim3A_2732, %get3A_2480 : vector<16xi1>, vector<16xi32>
      %jit3A_2734 = arith.constant -100 : i32
      %broadcast_in_dim3A_2735 = vector.broadcast %jit3A_2734 : i32 to vector<16xi32>
      %select_n3A_2736 = arith.select %lt3A_2720, %get3A_2480, %broadcast_in_dim3A_2735 : vector<16xi1>, vector<16xi32>
      %swap3A_2737 = arith.index_cast %mul3A_2477 : i32 to index
      %swap3A_2738 = tpu.vector_load %arg7[%swap3A_2737] {strides = array<i32>} : memref<1024xi32, #tpu.memory_space<vmem>>, vector<16xi32>,
      %swap3A_2739 = vector.shape_cast %swap3A_2738 : vector<16xi32> to vector<16xi32>
      %swap3A_2740 = vector.shape_cast %select_n3A_2736 : vector<16xi32> to vector<16xi32>
      tpu.vector_store %arg7[%swap3A_2737], %swap3A_2740 {strides = array<i32>} : memref<1024xi32, #tpu.memory_space<vmem>>, vector<16xi32>,
      %broadcast_in_dim3A_2741 = arith.constant -1107590415 : i32
      %broadcast_in_dim3A_2742 = vector.broadcast %broadcast_in_dim3A_2741 : i32 to vector<16xi32>
      %add3A_2743 = arith.constant 129218101 : i32
      %add3A_2744 = vector.broadcast %add3A_2743 : i32 to vector<16xi32>
      %add3A_2745 = arith.addi %add3A_2483, %add3A_2744 : vector<16xi32>
      %add3A_2746 = arith.addi %broadcast_in_dim3A_2742, %add3A_2745 : vector<16xi32>
      %shift_left3A_2747 = arith.constant 13 : i32
      %shift_left3A_2748 = vector.broadcast %shift_left3A_2747 : i32 to vector<16xi32>
      %shift_left3A_2749 = arith.shli %add3A_2745, %shift_left3A_2748 : vector<16xi32>
      %shift_right_logical3A_2750 = arith.constant 19 : i32
      %shift_right_logical3A_2751 = vector.broadcast %shift_right_logical3A_2750 : i32 to vector<16xi32>
      %shift_right_logical3A_2752 = arith.shrui %add3A_2745, %shift_right_logical3A_2751 : vector<16xi32>
      %or3A_2753 = arith.ori %shift_left3A_2749, %shift_right_logical3A_2752 : vector<16xi32>
      %xor3A_2754 = arith.xori %add3A_2746, %or3A_2753 : vector<16xi32>
      %add3A_2755 = arith.addi %add3A_2746, %xor3A_2754 : vector<16xi32>
      %shift_left3A_2756 = arith.constant 15 : i32
      %shift_left3A_2757 = vector.broadcast %shift_left3A_2756 : i32 to vector<16xi32>
      %shift_left3A_2758 = arith.shli %xor3A_2754, %shift_left3A_2757 : vector<16xi32>
      %shift_right_logical3A_2759 = arith.constant 17 : i32
      %shift_right_logical3A_2760 = vector.broadcast %shift_right_logical3A_2759 : i32 to vector<16xi32>
      %shift_right_logical3A_2761 = arith.shrui %xor3A_2754, %shift_right_logical3A_2760 : vector<16xi32>
      %or3A_2762 = arith.ori %shift_left3A_2758, %shift_right_logical3A_2761 : vector<16xi32>
      %xor3A_2763 = arith.xori %add3A_2755, %or3A_2762 : vector<16xi32>
      %add3A_2764 = arith.addi %add3A_2755, %xor3A_2763 : vector<16xi32>
      %shift_left3A_2765 = arith.constant 26 : i32
      %shift_left3A_2766 = vector.broadcast %shift_left3A_2765 : i32 to vector<16xi32>
      %shift_left3A_2767 = arith.shli %xor3A_2763, %shift_left3A_2766 : vector<16xi32>
      %shift_right_logical3A_2768 = arith.constant 6 : i32
      %shift_right_logical3A_2769 = vector.broadcast %shift_right_logical3A_2768 : i32 to vector<16xi32>
      %shift_right_logical3A_2770 = arith.shrui %xor3A_2763, %shift_right_logical3A_2769 : vector<16xi32>
      %or3A_2771 = arith.ori %shift_left3A_2767, %shift_right_logical3A_2770 : vector<16xi32>
      %xor3A_2772 = arith.xori %add3A_2764, %or3A_2771 : vector<16xi32>
      %add3A_2773 = arith.addi %add3A_2764, %xor3A_2772 : vector<16xi32>
      %shift_left3A_2774 = arith.constant 6 : i32
      %shift_left3A_2775 = vector.broadcast %shift_left3A_2774 : i32 to vector<16xi32>
      %shift_left3A_2776 = arith.shli %xor3A_2772, %shift_left3A_2775 : vector<16xi32>
      %shift_right_logical3A_2777 = arith.constant 26 : i32
      %shift_right_logical3A_2778 = vector.broadcast %shift_right_logical3A_2777 : i32 to vector<16xi32>
      %shift_right_logical3A_2779 = arith.shrui %xor3A_2772, %shift_right_logical3A_2778 : vector<16xi32>
      %or3A_2780 = arith.ori %shift_left3A_2776, %shift_right_logical3A_2779 : vector<16xi32>
      %xor3A_2781 = arith.xori %add3A_2773, %or3A_2780 : vector<16xi32>
      %add3A_2782 = arith.constant 129218101 : i32
      %add3A_2783 = vector.broadcast %add3A_2782 : i32 to vector<16xi32>
      %add3A_2784 = arith.addi %add3A_2773, %add3A_2783 : vector<16xi32>
      %add3A_2785 = arith.constant -1583796450 : i32
      %add3A_2786 = vector.broadcast %add3A_2785 : i32 to vector<16xi32>
      %add3A_2787 = arith.addi %xor3A_2781, %add3A_2786 : vector<16xi32>
      %add3A_2788 = arith.constant 1 : i32
      %add3A_2789 = vector.broadcast %add3A_2788 : i32 to vector<16xi32>
      %add3A_2790 = arith.addi %add3A_2787, %add3A_2789 : vector<16xi32>
      %add3A_2791 = arith.addi %add3A_2784, %add3A_2790 : vector<16xi32>
      %shift_left3A_2792 = arith.constant 17 : i32
      %shift_left3A_2793 = vector.broadcast %shift_left3A_2792 : i32 to vector<16xi32>
      %shift_left3A_2794 = arith.shli %add3A_2790, %shift_left3A_2793 : vector<16xi32>
      %shift_right_logical3A_2795 = arith.constant 15 : i32
      %shift_right_logical3A_2796 = vector.broadcast %shift_right_logical3A_2795 : i32 to vector<16xi32>
      %shift_right_logical3A_2797 = arith.shrui %add3A_2790, %shift_right_logical3A_2796 : vector<16xi32>
      %or3A_2798 = arith.ori %shift_left3A_2794, %shift_right_logical3A_2797 : vector<16xi32>
      %xor3A_2799 = arith.xori %add3A_2791, %or3A_2798 : vector<16xi32>
      %add3A_2800 = arith.addi %add3A_2791, %xor3A_2799 : vector<16xi32>
      %shift_left3A_2801 = arith.constant 29 : i32
      %shift_left3A_2802 = vector.broadcast %shift_left3A_2801 : i32 to vector<16xi32>
      %shift_left3A_2803 = arith.shli %xor3A_2799, %shift_left3A_2802 : vector<16xi32>
      %shift_right_logical3A_2804 = arith.constant 3 : i32
      %shift_right_logical3A_2805 = vector.broadcast %shift_right_logical3A_2804 : i32 to vector<16xi32>
      %shift_right_logical3A_2806 = arith.shrui %xor3A_2799, %shift_right_logical3A_2805 : vector<16xi32>
      %or3A_2807 = arith.ori %shift_left3A_2803, %shift_right_logical3A_2806 : vector<16xi32>
      %xor3A_2808 = arith.xori %add3A_2800, %or3A_2807 : vector<16xi32>
      %add3A_2809 = arith.addi %add3A_2800, %xor3A_2808 : vector<16xi32>
      %shift_left3A_2810 = arith.constant 16 : i32
      %shift_left3A_2811 = vector.broadcast %shift_left3A_2810 : i32 to vector<16xi32>
      %shift_left3A_2812 = arith.shli %xor3A_2808, %shift_left3A_2811 : vector<16xi32>
      %shift_right_logical3A_2813 = arith.constant 16 : i32
      %shift_right_logical3A_2814 = vector.broadcast %shift_right_logical3A_2813 : i32 to vector<16xi32>
      %shift_right_logical3A_2815 = arith.shrui %xor3A_2808, %shift_right_logical3A_2814 : vector<16xi32>
      %or3A_2816 = arith.ori %shift_left3A_2812, %shift_right_logical3A_2815 : vector<16xi32>
      %xor3A_2817 = arith.xori %add3A_2809, %or3A_2816 : vector<16xi32>
      %add3A_2818 = arith.addi %add3A_2809, %xor3A_2817 : vector<16xi32>
      %shift_left3A_2819 = arith.constant 24 : i32
      %shift_left3A_2820 = vector.broadcast %shift_left3A_2819 : i32 to vector<16xi32>
      %shift_left3A_2821 = arith.shli %xor3A_2817, %shift_left3A_2820 : vector<16xi32>
      %shift_right_logical3A_2822 = arith.constant 8 : i32
      %shift_right_logical3A_2823 = vector.broadcast %shift_right_logical3A_2822 : i32 to vector<16xi32>
      %shift_right_logical3A_2824 = arith.shrui %xor3A_2817, %shift_right_logical3A_2823 : vector<16xi32>
      %or3A_2825 = arith.ori %shift_left3A_2821, %shift_right_logical3A_2824 : vector<16xi32>
      %xor3A_2826 = arith.xori %add3A_2818, %or3A_2825 : vector<16xi32>
      %add3A_2827 = arith.constant -1583796450 : i32
      %add3A_2828 = vector.broadcast %add3A_2827 : i32 to vector<16xi32>
      %add3A_2829 = arith.addi %add3A_2818, %add3A_2828 : vector<16xi32>
      %add3A_2830 = arith.constant -1107590415 : i32
      %add3A_2831 = vector.broadcast %add3A_2830 : i32 to vector<16xi32>
      %add3A_2832 = arith.addi %xor3A_2826, %add3A_2831 : vector<16xi32>
      %add3A_2833 = arith.constant 2 : i32
      %add3A_2834 = vector.broadcast %add3A_2833 : i32 to vector<16xi32>
      %add3A_2835 = arith.addi %add3A_2832, %add3A_2834 : vector<16xi32>
      %add3A_2836 = arith.addi %add3A_2829, %add3A_2835 : vector<16xi32>
      %shift_left3A_2837 = arith.constant 13 : i32
      %shift_left3A_2838 = vector.broadcast %shift_left3A_2837 : i32 to vector<16xi32>
      %shift_left3A_2839 = arith.shli %add3A_2835, %shift_left3A_2838 : vector<16xi32>
      %shift_right_logical3A_2840 = arith.constant 19 : i32
      %shift_right_logical3A_2841 = vector.broadcast %shift_right_logical3A_2840 : i32 to vector<16xi32>
      %shift_right_logical3A_2842 = arith.shrui %add3A_2835, %shift_right_logical3A_2841 : vector<16xi32>
      %or3A_2843 = arith.ori %shift_left3A_2839, %shift_right_logical3A_2842 : vector<16xi32>
      %xor3A_2844 = arith.xori %add3A_2836, %or3A_2843 : vector<16xi32>
      %add3A_2845 = arith.addi %add3A_2836, %xor3A_2844 : vector<16xi32>
      %shift_left3A_2846 = arith.constant 15 : i32
      %shift_left3A_2847 = vector.broadcast %shift_left3A_2846 : i32 to vector<16xi32>
      %shift_left3A_2848 = arith.shli %xor3A_2844, %shift_left3A_2847 : vector<16xi32>
      %shift_right_logical3A_2849 = arith.constant 17 : i32
      %shift_right_logical3A_2850 = vector.broadcast %shift_right_logical3A_2849 : i32 to vector<16xi32>
      %shift_right_logical3A_2851 = arith.shrui %xor3A_2844, %shift_right_logical3A_2850 : vector<16xi32>
      %or3A_2852 = arith.ori %shift_left3A_2848, %shift_right_logical3A_2851 : vector<16xi32>
      %xor3A_2853 = arith.xori %add3A_2845, %or3A_2852 : vector<16xi32>
      %add3A_2854 = arith.addi %add3A_2845, %xor3A_2853 : vector<16xi32>
      %shift_left3A_2855 = arith.constant 26 : i32
      %shift_left3A_2856 = vector.broadcast %shift_left3A_2855 : i32 to vector<16xi32>
      %shift_left3A_2857 = arith.shli %xor3A_2853, %shift_left3A_2856 : vector<16xi32>
      %shift_right_logical3A_2858 = arith.constant 6 : i32
      %shift_right_logical3A_2859 = vector.broadcast %shift_right_logical3A_2858 : i32 to vector<16xi32>
      %shift_right_logical3A_2860 = arith.shrui %xor3A_2853, %shift_right_logical3A_2859 : vector<16xi32>
      %or3A_2861 = arith.ori %shift_left3A_2857, %shift_right_logical3A_2860 : vector<16xi32>
      %xor3A_2862 = arith.xori %add3A_2854, %or3A_2861 : vector<16xi32>
      %add3A_2863 = arith.addi %add3A_2854, %xor3A_2862 : vector<16xi32>
      %shift_left3A_2864 = arith.constant 6 : i32
      %shift_left3A_2865 = vector.broadcast %shift_left3A_2864 : i32 to vector<16xi32>
      %shift_left3A_2866 = arith.shli %xor3A_2862, %shift_left3A_2865 : vector<16xi32>
      %shift_right_logical3A_2867 = arith.constant 26 : i32
      %shift_right_logical3A_2868 = vector.broadcast %shift_right_logical3A_2867 : i32 to vector<16xi32>
      %shift_right_logical3A_2869 = arith.shrui %xor3A_2862, %shift_right_logical3A_2868 : vector<16xi32>
      %or3A_2870 = arith.ori %shift_left3A_2866, %shift_right_logical3A_2869 : vector<16xi32>
      %xor3A_2871 = arith.xori %add3A_2863, %or3A_2870 : vector<16xi32>
      %add3A_2872 = arith.constant -1107590415 : i32
      %add3A_2873 = vector.broadcast %add3A_2872 : i32 to vector<16xi32>
      %add3A_2874 = arith.addi %add3A_2863, %add3A_2873 : vector<16xi32>
      %add3A_2875 = arith.constant 129218101 : i32
      %add3A_2876 = vector.broadcast %add3A_2875 : i32 to vector<16xi32>
      %add3A_2877 = arith.addi %xor3A_2871, %add3A_2876 : vector<16xi32>
      %add3A_2878 = arith.constant 3 : i32
      %add3A_2879 = vector.broadcast %add3A_2878 : i32 to vector<16xi32>
      %add3A_2880 = arith.addi %add3A_2877, %add3A_2879 : vector<16xi32>
      %add3A_2881 = arith.addi %add3A_2874, %add3A_2880 : vector<16xi32>
      %shift_left3A_2882 = arith.constant 17 : i32
      %shift_left3A_2883 = vector.broadcast %shift_left3A_2882 : i32 to vector<16xi32>
      %shift_left3A_2884 = arith.shli %add3A_2880, %shift_left3A_2883 : vector<16xi32>
      %shift_right_logical3A_2885 = arith.constant 15 : i32
      %shift_right_logical3A_2886 = vector.broadcast %shift_right_logical3A_2885 : i32 to vector<16xi32>
      %shift_right_logical3A_2887 = arith.shrui %add3A_2880, %shift_right_logical3A_2886 : vector<16xi32>
      %or3A_2888 = arith.ori %shift_left3A_2884, %shift_right_logical3A_2887 : vector<16xi32>
      %xor3A_2889 = arith.xori %add3A_2881, %or3A_2888 : vector<16xi32>
      %add3A_2890 = arith.addi %add3A_2881, %xor3A_2889 : vector<16xi32>
      %shift_left3A_2891 = arith.constant 29 : i32
      %shift_left3A_2892 = vector.broadcast %shift_left3A_2891 : i32 to vector<16xi32>
      %shift_left3A_2893 = arith.shli %xor3A_2889, %shift_left3A_2892 : vector<16xi32>
      %shift_right_logical3A_2894 = arith.constant 3 : i32
      %shift_right_logical3A_2895 = vector.broadcast %shift_right_logical3A_2894 : i32 to vector<16xi32>
      %shift_right_logical3A_2896 = arith.shrui %xor3A_2889, %shift_right_logical3A_2895 : vector<16xi32>
      %or3A_2897 = arith.ori %shift_left3A_2893, %shift_right_logical3A_2896 : vector<16xi32>
      %xor3A_2898 = arith.xori %add3A_2890, %or3A_2897 : vector<16xi32>
      %add3A_2899 = arith.addi %add3A_2890, %xor3A_2898 : vector<16xi32>
      %shift_left3A_2900 = arith.constant 16 : i32
      %shift_left3A_2901 = vector.broadcast %shift_left3A_2900 : i32 to vector<16xi32>
      %shift_left3A_2902 = arith.shli %xor3A_2898, %shift_left3A_2901 : vector<16xi32>
      %shift_right_logical3A_2903 = arith.constant 16 : i32
      %shift_right_logical3A_2904 = vector.broadcast %shift_right_logical3A_2903 : i32 to vector<16xi32>
      %shift_right_logical3A_2905 = arith.shrui %xor3A_2898, %shift_right_logical3A_2904 : vector<16xi32>
      %or3A_2906 = arith.ori %shift_left3A_2902, %shift_right_logical3A_2905 : vector<16xi32>
      %xor3A_2907 = arith.xori %add3A_2899, %or3A_2906 : vector<16xi32>
      %add3A_2908 = arith.addi %add3A_2899, %xor3A_2907 : vector<16xi32>
      %shift_left3A_2909 = arith.constant 24 : i32
      %shift_left3A_2910 = vector.broadcast %shift_left3A_2909 : i32 to vector<16xi32>
      %shift_left3A_2911 = arith.shli %xor3A_2907, %shift_left3A_2910 : vector<16xi32>
      %shift_right_logical3A_2912 = arith.constant 8 : i32
      %shift_right_logical3A_2913 = vector.broadcast %shift_right_logical3A_2912 : i32 to vector<16xi32>
      %shift_right_logical3A_2914 = arith.shrui %xor3A_2907, %shift_right_logical3A_2913 : vector<16xi32>
      %or3A_2915 = arith.ori %shift_left3A_2911, %shift_right_logical3A_2914 : vector<16xi32>
      %xor3A_2916 = arith.xori %add3A_2908, %or3A_2915 : vector<16xi32>
      %add3A_2917 = arith.constant 129218101 : i32
      %add3A_2918 = vector.broadcast %add3A_2917 : i32 to vector<16xi32>
      %add3A_2919 = arith.addi %add3A_2908, %add3A_2918 : vector<16xi32>
      %add3A_2920 = arith.constant -1583796450 : i32
      %add3A_2921 = vector.broadcast %add3A_2920 : i32 to vector<16xi32>
      %add3A_2922 = arith.addi %xor3A_2916, %add3A_2921 : vector<16xi32>
      %add3A_2923 = arith.constant 4 : i32
      %add3A_2924 = vector.broadcast %add3A_2923 : i32 to vector<16xi32>
      %add3A_2925 = arith.addi %add3A_2922, %add3A_2924 : vector<16xi32>
      %add3A_2926 = arith.addi %add3A_2919, %add3A_2925 : vector<16xi32>
      %shift_left3A_2927 = arith.constant 13 : i32
      %shift_left3A_2928 = vector.broadcast %shift_left3A_2927 : i32 to vector<16xi32>
      %shift_left3A_2929 = arith.shli %add3A_2925, %shift_left3A_2928 : vector<16xi32>
      %shift_right_logical3A_2930 = arith.constant 19 : i32
      %shift_right_logical3A_2931 = vector.broadcast %shift_right_logical3A_2930 : i32 to vector<16xi32>
      %shift_right_logical3A_2932 = arith.shrui %add3A_2925, %shift_right_logical3A_2931 : vector<16xi32>
      %or3A_2933 = arith.ori %shift_left3A_2929, %shift_right_logical3A_2932 : vector<16xi32>
      %xor3A_2934 = arith.xori %add3A_2926, %or3A_2933 : vector<16xi32>
      %add3A_2935 = arith.addi %add3A_2926, %xor3A_2934 : vector<16xi32>
      %shift_left3A_2936 = arith.constant 15 : i32
      %shift_left3A_2937 = vector.broadcast %shift_left3A_2936 : i32 to vector<16xi32>
      %shift_left3A_2938 = arith.shli %xor3A_2934, %shift_left3A_2937 : vector<16xi32>
      %shift_right_logical3A_2939 = arith.constant 17 : i32
      %shift_right_logical3A_2940 = vector.broadcast %shift_right_logical3A_2939 : i32 to vector<16xi32>
      %shift_right_logical3A_2941 = arith.shrui %xor3A_2934, %shift_right_logical3A_2940 : vector<16xi32>
      %or3A_2942 = arith.ori %shift_left3A_2938, %shift_right_logical3A_2941 : vector<16xi32>
      %xor3A_2943 = arith.xori %add3A_2935, %or3A_2942 : vector<16xi32>
      %add3A_2944 = arith.addi %add3A_2935, %xor3A_2943 : vector<16xi32>
      %shift_left3A_2945 = arith.constant 26 : i32
      %shift_left3A_2946 = vector.broadcast %shift_left3A_2945 : i32 to vector<16xi32>
      %shift_left3A_2947 = arith.shli %xor3A_2943, %shift_left3A_2946 : vector<16xi32>
      %shift_right_logical3A_2948 = arith.constant 6 : i32
      %shift_right_logical3A_2949 = vector.broadcast %shift_right_logical3A_2948 : i32 to vector<16xi32>
      %shift_right_logical3A_2950 = arith.shrui %xor3A_2943, %shift_right_logical3A_2949 : vector<16xi32>
      %or3A_2951 = arith.ori %shift_left3A_2947, %shift_right_logical3A_2950 : vector<16xi32>
      %xor3A_2952 = arith.xori %add3A_2944, %or3A_2951 : vector<16xi32>
      %add3A_2953 = arith.addi %add3A_2944, %xor3A_2952 : vector<16xi32>
      %shift_left3A_2954 = arith.constant 6 : i32
      %shift_left3A_2955 = vector.broadcast %shift_left3A_2954 : i32 to vector<16xi32>
      %shift_left3A_2956 = arith.shli %xor3A_2952, %shift_left3A_2955 : vector<16xi32>
      %shift_right_logical3A_2957 = arith.constant 26 : i32
      %shift_right_logical3A_2958 = vector.broadcast %shift_right_logical3A_2957 : i32 to vector<16xi32>
      %shift_right_logical3A_2959 = arith.shrui %xor3A_2952, %shift_right_logical3A_2958 : vector<16xi32>
      %or3A_2960 = arith.ori %shift_left3A_2956, %shift_right_logical3A_2959 : vector<16xi32>
      %xor3A_2961 = arith.xori %add3A_2953, %or3A_2960 : vector<16xi32>
      %add3A_2962 = arith.constant -1583796450 : i32
      %add3A_2963 = vector.broadcast %add3A_2962 : i32 to vector<16xi32>
      %add3A_2964 = arith.addi %add3A_2953, %add3A_2963 : vector<16xi32>
      %add3A_2965 = arith.constant -1107590415 : i32
      %add3A_2966 = vector.broadcast %add3A_2965 : i32 to vector<16xi32>
      %add3A_2967 = arith.addi %xor3A_2961, %add3A_2966 : vector<16xi32>
      %add3A_2968 = arith.constant 5 : i32
      %add3A_2969 = vector.broadcast %add3A_2968 : i32 to vector<16xi32>
      %add3A_2970 = arith.addi %add3A_2967, %add3A_2969 : vector<16xi32>
      %xor3A_2971 = arith.xori %add3A_2964, %add3A_2970 : vector<16xi32>
      %broadcast_in_dim3A_2972 = arith.constant -1944951124 : i32
      %broadcast_in_dim3A_2973 = vector.broadcast %broadcast_in_dim3A_2972 : i32 to vector<16xi32>
      %add3A_2974 = arith.constant 1168365246 : i32
      %add3A_2975 = vector.broadcast %add3A_2974 : i32 to vector<16xi32>
      %add3A_2976 = arith.addi %add3A_2483, %add3A_2975 : vector<16xi32>
      %add3A_2977 = arith.addi %broadcast_in_dim3A_2973, %add3A_2976 : vector<16xi32>
      %shift_left3A_2978 = arith.constant 13 : i32
      %shift_left3A_2979 = vector.broadcast %shift_left3A_2978 : i32 to vector<16xi32>
      %shift_left3A_2980 = arith.shli %add3A_2976, %shift_left3A_2979 : vector<16xi32>
      %shift_right_logical3A_2981 = arith.constant 19 : i32
      %shift_right_logical3A_2982 = vector.broadcast %shift_right_logical3A_2981 : i32 to vector<16xi32>
      %shift_right_logical3A_2983 = arith.shrui %add3A_2976, %shift_right_logical3A_2982 : vector<16xi32>
      %or3A_2984 = arith.ori %shift_left3A_2980, %shift_right_logical3A_2983 : vector<16xi32>
      %xor3A_2985 = arith.xori %add3A_2977, %or3A_2984 : vector<16xi32>
      %add3A_2986 = arith.addi %add3A_2977, %xor3A_2985 : vector<16xi32>
      %shift_left3A_2987 = arith.constant 15 : i32
      %shift_left3A_2988 = vector.broadcast %shift_left3A_2987 : i32 to vector<16xi32>
      %shift_left3A_2989 = arith.shli %xor3A_2985, %shift_left3A_2988 : vector<16xi32>
      %shift_right_logical3A_2990 = arith.constant 17 : i32
      %shift_right_logical3A_2991 = vector.broadcast %shift_right_logical3A_2990 : i32 to vector<16xi32>
      %shift_right_logical3A_2992 = arith.shrui %xor3A_2985, %shift_right_logical3A_2991 : vector<16xi32>
      %or3A_2993 = arith.ori %shift_left3A_2989, %shift_right_logical3A_2992 : vector<16xi32>
      %xor3A_2994 = arith.xori %add3A_2986, %or3A_2993 : vector<16xi32>
      %add3A_2995 = arith.addi %add3A_2986, %xor3A_2994 : vector<16xi32>
      %shift_left3A_2996 = arith.constant 26 : i32
      %shift_left3A_2997 = vector.broadcast %shift_left3A_2996 : i32 to vector<16xi32>
      %shift_left3A_2998 = arith.shli %xor3A_2994, %shift_left3A_2997 : vector<16xi32>
      %shift_right_logical3A_2999 = arith.constant 6 : i32
      %shift_right_logical3A_3000 = vector.broadcast %shift_right_logical3A_2999 : i32 to vector<16xi32>
      %shift_right_logical3A_3001 = arith.shrui %xor3A_2994, %shift_right_logical3A_3000 : vector<16xi32>
      %or3A_3002 = arith.ori %shift_left3A_2998, %shift_right_logical3A_3001 : vector<16xi32>
      %xor3A_3003 = arith.xori %add3A_2995, %or3A_3002 : vector<16xi32>
      %add3A_3004 = arith.addi %add3A_2995, %xor3A_3003 : vector<16xi32>
      %shift_left3A_3005 = arith.constant 6 : i32
      %shift_left3A_3006 = vector.broadcast %shift_left3A_3005 : i32 to vector<16xi32>
      %shift_left3A_3007 = arith.shli %xor3A_3003, %shift_left3A_3006 : vector<16xi32>
      %shift_right_logical3A_3008 = arith.constant 26 : i32
      %shift_right_logical3A_3009 = vector.broadcast %shift_right_logical3A_3008 : i32 to vector<16xi32>
      %shift_right_logical3A_3010 = arith.shrui %xor3A_3003, %shift_right_logical3A_3009 : vector<16xi32>
      %or3A_3011 = arith.ori %shift_left3A_3007, %shift_right_logical3A_3010 : vector<16xi32>
      %xor3A_3012 = arith.xori %add3A_3004, %or3A_3011 : vector<16xi32>
      %add3A_3013 = arith.constant 1168365246 : i32
      %add3A_3014 = vector.broadcast %add3A_3013 : i32 to vector<16xi32>
      %add3A_3015 = arith.addi %add3A_3004, %add3A_3014 : vector<16xi32>
      %add3A_3016 = arith.constant -765416504 : i32
      %add3A_3017 = vector.broadcast %add3A_3016 : i32 to vector<16xi32>
      %add3A_3018 = arith.addi %xor3A_3012, %add3A_3017 : vector<16xi32>
      %add3A_3019 = arith.constant 1 : i32
      %add3A_3020 = vector.broadcast %add3A_3019 : i32 to vector<16xi32>
      %add3A_3021 = arith.addi %add3A_3018, %add3A_3020 : vector<16xi32>
      %add3A_3022 = arith.addi %add3A_3015, %add3A_3021 : vector<16xi32>
      %shift_left3A_3023 = arith.constant 17 : i32
      %shift_left3A_3024 = vector.broadcast %shift_left3A_3023 : i32 to vector<16xi32>
      %shift_left3A_3025 = arith.shli %add3A_3021, %shift_left3A_3024 : vector<16xi32>
      %shift_right_logical3A_3026 = arith.constant 15 : i32
      %shift_right_logical3A_3027 = vector.broadcast %shift_right_logical3A_3026 : i32 to vector<16xi32>
      %shift_right_logical3A_3028 = arith.shrui %add3A_3021, %shift_right_logical3A_3027 : vector<16xi32>
      %or3A_3029 = arith.ori %shift_left3A_3025, %shift_right_logical3A_3028 : vector<16xi32>
      %xor3A_3030 = arith.xori %add3A_3022, %or3A_3029 : vector<16xi32>
      %add3A_3031 = arith.addi %add3A_3022, %xor3A_3030 : vector<16xi32>
      %shift_left3A_3032 = arith.constant 29 : i32
      %shift_left3A_3033 = vector.broadcast %shift_left3A_3032 : i32 to vector<16xi32>
      %shift_left3A_3034 = arith.shli %xor3A_3030, %shift_left3A_3033 : vector<16xi32>
      %shift_right_logical3A_3035 = arith.constant 3 : i32
      %shift_right_logical3A_3036 = vector.broadcast %shift_right_logical3A_3035 : i32 to vector<16xi32>
      %shift_right_logical3A_3037 = arith.shrui %xor3A_3030, %shift_right_logical3A_3036 : vector<16xi32>
      %or3A_3038 = arith.ori %shift_left3A_3034, %shift_right_logical3A_3037 : vector<16xi32>
      %xor3A_3039 = arith.xori %add3A_3031, %or3A_3038 : vector<16xi32>
      %add3A_3040 = arith.addi %add3A_3031, %xor3A_3039 : vector<16xi32>
      %shift_left3A_3041 = arith.constant 16 : i32
      %shift_left3A_3042 = vector.broadcast %shift_left3A_3041 : i32 to vector<16xi32>
      %shift_left3A_3043 = arith.shli %xor3A_3039, %shift_left3A_3042 : vector<16xi32>
      %shift_right_logical3A_3044 = arith.constant 16 : i32
      %shift_right_logical3A_3045 = vector.broadcast %shift_right_logical3A_3044 : i32 to vector<16xi32>
      %shift_right_logical3A_3046 = arith.shrui %xor3A_3039, %shift_right_logical3A_3045 : vector<16xi32>
      %or3A_3047 = arith.ori %shift_left3A_3043, %shift_right_logical3A_3046 : vector<16xi32>
      %xor3A_3048 = arith.xori %add3A_3040, %or3A_3047 : vector<16xi32>
      %add3A_3049 = arith.addi %add3A_3040, %xor3A_3048 : vector<16xi32>
      %shift_left3A_3050 = arith.constant 24 : i32
      %shift_left3A_3051 = vector.broadcast %shift_left3A_3050 : i32 to vector<16xi32>
      %shift_left3A_3052 = arith.shli %xor3A_3048, %shift_left3A_3051 : vector<16xi32>
      %shift_right_logical3A_3053 = arith.constant 8 : i32
      %shift_right_logical3A_3054 = vector.broadcast %shift_right_logical3A_3053 : i32 to vector<16xi32>
      %shift_right_logical3A_3055 = arith.shrui %xor3A_3048, %shift_right_logical3A_3054 : vector<16xi32>
      %or3A_3056 = arith.ori %shift_left3A_3052, %shift_right_logical3A_3055 : vector<16xi32>
      %xor3A_3057 = arith.xori %add3A_3049, %or3A_3056 : vector<16xi32>
      %add3A_3058 = arith.constant -765416504 : i32
      %add3A_3059 = vector.broadcast %add3A_3058 : i32 to vector<16xi32>
      %add3A_3060 = arith.addi %add3A_3049, %add3A_3059 : vector<16xi32>
      %add3A_3061 = arith.constant -1944951124 : i32
      %add3A_3062 = vector.broadcast %add3A_3061 : i32 to vector<16xi32>
      %add3A_3063 = arith.addi %xor3A_3057, %add3A_3062 : vector<16xi32>
      %add3A_3064 = arith.constant 2 : i32
      %add3A_3065 = vector.broadcast %add3A_3064 : i32 to vector<16xi32>
      %add3A_3066 = arith.addi %add3A_3063, %add3A_3065 : vector<16xi32>
      %add3A_3067 = arith.addi %add3A_3060, %add3A_3066 : vector<16xi32>
      %shift_left3A_3068 = arith.constant 13 : i32
      %shift_left3A_3069 = vector.broadcast %shift_left3A_3068 : i32 to vector<16xi32>
      %shift_left3A_3070 = arith.shli %add3A_3066, %shift_left3A_3069 : vector<16xi32>
      %shift_right_logical3A_3071 = arith.constant 19 : i32
      %shift_right_logical3A_3072 = vector.broadcast %shift_right_logical3A_3071 : i32 to vector<16xi32>
      %shift_right_logical3A_3073 = arith.shrui %add3A_3066, %shift_right_logical3A_3072 : vector<16xi32>
      %or3A_3074 = arith.ori %shift_left3A_3070, %shift_right_logical3A_3073 : vector<16xi32>
      %xor3A_3075 = arith.xori %add3A_3067, %or3A_3074 : vector<16xi32>
      %add3A_3076 = arith.addi %add3A_3067, %xor3A_3075 : vector<16xi32>
      %shift_left3A_3077 = arith.constant 15 : i32
      %shift_left3A_3078 = vector.broadcast %shift_left3A_3077 : i32 to vector<16xi32>
      %shift_left3A_3079 = arith.shli %xor3A_3075, %shift_left3A_3078 : vector<16xi32>
      %shift_right_logical3A_3080 = arith.constant 17 : i32
      %shift_right_logical3A_3081 = vector.broadcast %shift_right_logical3A_3080 : i32 to vector<16xi32>
      %shift_right_logical3A_3082 = arith.shrui %xor3A_3075, %shift_right_logical3A_3081 : vector<16xi32>
      %or3A_3083 = arith.ori %shift_left3A_3079, %shift_right_logical3A_3082 : vector<16xi32>
      %xor3A_3084 = arith.xori %add3A_3076, %or3A_3083 : vector<16xi32>
      %add3A_3085 = arith.addi %add3A_3076, %xor3A_3084 : vector<16xi32>
      %shift_left3A_3086 = arith.constant 26 : i32
      %shift_left3A_3087 = vector.broadcast %shift_left3A_3086 : i32 to vector<16xi32>
      %shift_left3A_3088 = arith.shli %xor3A_3084, %shift_left3A_3087 : vector<16xi32>
      %shift_right_logical3A_3089 = arith.constant 6 : i32
      %shift_right_logical3A_3090 = vector.broadcast %shift_right_logical3A_3089 : i32 to vector<16xi32>
      %shift_right_logical3A_3091 = arith.shrui %xor3A_3084, %shift_right_logical3A_3090 : vector<16xi32>
      %or3A_3092 = arith.ori %shift_left3A_3088, %shift_right_logical3A_3091 : vector<16xi32>
      %xor3A_3093 = arith.xori %add3A_3085, %or3A_3092 : vector<16xi32>
      %add3A_3094 = arith.addi %add3A_3085, %xor3A_3093 : vector<16xi32>
      %shift_left3A_3095 = arith.constant 6 : i32
      %shift_left3A_3096 = vector.broadcast %shift_left3A_3095 : i32 to vector<16xi32>
      %shift_left3A_3097 = arith.shli %xor3A_3093, %shift_left3A_3096 : vector<16xi32>
      %shift_right_logical3A_3098 = arith.constant 26 : i32
      %shift_right_logical3A_3099 = vector.broadcast %shift_right_logical3A_3098 : i32 to vector<16xi32>
      %shift_right_logical3A_3100 = arith.shrui %xor3A_3093, %shift_right_logical3A_3099 : vector<16xi32>
      %or3A_3101 = arith.ori %shift_left3A_3097, %shift_right_logical3A_3100 : vector<16xi32>
      %xor3A_3102 = arith.xori %add3A_3094, %or3A_3101 : vector<16xi32>
      %add3A_3103 = arith.constant -1944951124 : i32
      %add3A_3104 = vector.broadcast %add3A_3103 : i32 to vector<16xi32>
      %add3A_3105 = arith.addi %add3A_3094, %add3A_3104 : vector<16xi32>
      %add3A_3106 = arith.constant 1168365246 : i32
      %add3A_3107 = vector.broadcast %add3A_3106 : i32 to vector<16xi32>
      %add3A_3108 = arith.addi %xor3A_3102, %add3A_3107 : vector<16xi32>
      %add3A_3109 = arith.constant 3 : i32
      %add3A_3110 = vector.broadcast %add3A_3109 : i32 to vector<16xi32>
      %add3A_3111 = arith.addi %add3A_3108, %add3A_3110 : vector<16xi32>
      %add3A_3112 = arith.addi %add3A_3105, %add3A_3111 : vector<16xi32>
      %shift_left3A_3113 = arith.constant 17 : i32
      %shift_left3A_3114 = vector.broadcast %shift_left3A_3113 : i32 to vector<16xi32>
      %shift_left3A_3115 = arith.shli %add3A_3111, %shift_left3A_3114 : vector<16xi32>
      %shift_right_logical3A_3116 = arith.constant 15 : i32
      %shift_right_logical3A_3117 = vector.broadcast %shift_right_logical3A_3116 : i32 to vector<16xi32>
      %shift_right_logical3A_3118 = arith.shrui %add3A_3111, %shift_right_logical3A_3117 : vector<16xi32>
      %or3A_3119 = arith.ori %shift_left3A_3115, %shift_right_logical3A_3118 : vector<16xi32>
      %xor3A_3120 = arith.xori %add3A_3112, %or3A_3119 : vector<16xi32>
      %add3A_3121 = arith.addi %add3A_3112, %xor3A_3120 : vector<16xi32>
      %shift_left3A_3122 = arith.constant 29 : i32
      %shift_left3A_3123 = vector.broadcast %shift_left3A_3122 : i32 to vector<16xi32>
      %shift_left3A_3124 = arith.shli %xor3A_3120, %shift_left3A_3123 : vector<16xi32>
      %shift_right_logical3A_3125 = arith.constant 3 : i32
      %shift_right_logical3A_3126 = vector.broadcast %shift_right_logical3A_3125 : i32 to vector<16xi32>
      %shift_right_logical3A_3127 = arith.shrui %xor3A_3120, %shift_right_logical3A_3126 : vector<16xi32>
      %or3A_3128 = arith.ori %shift_left3A_3124, %shift_right_logical3A_3127 : vector<16xi32>
      %xor3A_3129 = arith.xori %add3A_3121, %or3A_3128 : vector<16xi32>
      %add3A_3130 = arith.addi %add3A_3121, %xor3A_3129 : vector<16xi32>
      %shift_left3A_3131 = arith.constant 16 : i32
      %shift_left3A_3132 = vector.broadcast %shift_left3A_3131 : i32 to vector<16xi32>
      %shift_left3A_3133 = arith.shli %xor3A_3129, %shift_left3A_3132 : vector<16xi32>
      %shift_right_logical3A_3134 = arith.constant 16 : i32
      %shift_right_logical3A_3135 = vector.broadcast %shift_right_logical3A_3134 : i32 to vector<16xi32>
      %shift_right_logical3A_3136 = arith.shrui %xor3A_3129, %shift_right_logical3A_3135 : vector<16xi32>
      %or3A_3137 = arith.ori %shift_left3A_3133, %shift_right_logical3A_3136 : vector<16xi32>
      %xor3A_3138 = arith.xori %add3A_3130, %or3A_3137 : vector<16xi32>
      %add3A_3139 = arith.addi %add3A_3130, %xor3A_3138 : vector<16xi32>
      %shift_left3A_3140 = arith.constant 24 : i32
      %shift_left3A_3141 = vector.broadcast %shift_left3A_3140 : i32 to vector<16xi32>
      %shift_left3A_3142 = arith.shli %xor3A_3138, %shift_left3A_3141 : vector<16xi32>
      %shift_right_logical3A_3143 = arith.constant 8 : i32
      %shift_right_logical3A_3144 = vector.broadcast %shift_right_logical3A_3143 : i32 to vector<16xi32>
      %shift_right_logical3A_3145 = arith.shrui %xor3A_3138, %shift_right_logical3A_3144 : vector<16xi32>
      %or3A_3146 = arith.ori %shift_left3A_3142, %shift_right_logical3A_3145 : vector<16xi32>
      %xor3A_3147 = arith.xori %add3A_3139, %or3A_3146 : vector<16xi32>
      %add3A_3148 = arith.constant 1168365246 : i32
      %add3A_3149 = vector.broadcast %add3A_3148 : i32 to vector<16xi32>
      %add3A_3150 = arith.addi %add3A_3139, %add3A_3149 : vector<16xi32>
      %add3A_3151 = arith.constant -765416504 : i32
      %add3A_3152 = vector.broadcast %add3A_3151 : i32 to vector<16xi32>
      %add3A_3153 = arith.addi %xor3A_3147, %add3A_3152 : vector<16xi32>
      %add3A_3154 = arith.constant 4 : i32
      %add3A_3155 = vector.broadcast %add3A_3154 : i32 to vector<16xi32>
      %add3A_3156 = arith.addi %add3A_3153, %add3A_3155 : vector<16xi32>
      %add3A_3157 = arith.addi %add3A_3150, %add3A_3156 : vector<16xi32>
      %shift_left3A_3158 = arith.constant 13 : i32
      %shift_left3A_3159 = vector.broadcast %shift_left3A_3158 : i32 to vector<16xi32>
      %shift_left3A_3160 = arith.shli %add3A_3156, %shift_left3A_3159 : vector<16xi32>
      %shift_right_logical3A_3161 = arith.constant 19 : i32
      %shift_right_logical3A_3162 = vector.broadcast %shift_right_logical3A_3161 : i32 to vector<16xi32>
      %shift_right_logical3A_3163 = arith.shrui %add3A_3156, %shift_right_logical3A_3162 : vector<16xi32>
      %or3A_3164 = arith.ori %shift_left3A_3160, %shift_right_logical3A_3163 : vector<16xi32>
      %xor3A_3165 = arith.xori %add3A_3157, %or3A_3164 : vector<16xi32>
      %add3A_3166 = arith.addi %add3A_3157, %xor3A_3165 : vector<16xi32>
      %shift_left3A_3167 = arith.constant 15 : i32
      %shift_left3A_3168 = vector.broadcast %shift_left3A_3167 : i32 to vector<16xi32>
      %shift_left3A_3169 = arith.shli %xor3A_3165, %shift_left3A_3168 : vector<16xi32>
      %shift_right_logical3A_3170 = arith.constant 17 : i32
      %shift_right_logical3A_3171 = vector.broadcast %shift_right_logical3A_3170 : i32 to vector<16xi32>
      %shift_right_logical3A_3172 = arith.shrui %xor3A_3165, %shift_right_logical3A_3171 : vector<16xi32>
      %or3A_3173 = arith.ori %shift_left3A_3169, %shift_right_logical3A_3172 : vector<16xi32>
      %xor3A_3174 = arith.xori %add3A_3166, %or3A_3173 : vector<16xi32>
      %add3A_3175 = arith.addi %add3A_3166, %xor3A_3174 : vector<16xi32>
      %shift_left3A_3176 = arith.constant 26 : i32
      %shift_left3A_3177 = vector.broadcast %shift_left3A_3176 : i32 to vector<16xi32>
      %shift_left3A_3178 = arith.shli %xor3A_3174, %shift_left3A_3177 : vector<16xi32>
      %shift_right_logical3A_3179 = arith.constant 6 : i32
      %shift_right_logical3A_3180 = vector.broadcast %shift_right_logical3A_3179 : i32 to vector<16xi32>
      %shift_right_logical3A_3181 = arith.shrui %xor3A_3174, %shift_right_logical3A_3180 : vector<16xi32>
      %or3A_3182 = arith.ori %shift_left3A_3178, %shift_right_logical3A_3181 : vector<16xi32>
      %xor3A_3183 = arith.xori %add3A_3175, %or3A_3182 : vector<16xi32>
      %add3A_3184 = arith.addi %add3A_3175, %xor3A_3183 : vector<16xi32>
      %shift_left3A_3185 = arith.constant 6 : i32
      %shift_left3A_3186 = vector.broadcast %shift_left3A_3185 : i32 to vector<16xi32>
      %shift_left3A_3187 = arith.shli %xor3A_3183, %shift_left3A_3186 : vector<16xi32>
      %shift_right_logical3A_3188 = arith.constant 26 : i32
      %shift_right_logical3A_3189 = vector.broadcast %shift_right_logical3A_3188 : i32 to vector<16xi32>
      %shift_right_logical3A_3190 = arith.shrui %xor3A_3183, %shift_right_logical3A_3189 : vector<16xi32>
      %or3A_3191 = arith.ori %shift_left3A_3187, %shift_right_logical3A_3190 : vector<16xi32>
      %xor3A_3192 = arith.xori %add3A_3184, %or3A_3191 : vector<16xi32>
      %add3A_3193 = arith.constant -765416504 : i32
      %add3A_3194 = vector.broadcast %add3A_3193 : i32 to vector<16xi32>
      %add3A_3195 = arith.addi %add3A_3184, %add3A_3194 : vector<16xi32>
      %add3A_3196 = arith.constant -1944951124 : i32
      %add3A_3197 = vector.broadcast %add3A_3196 : i32 to vector<16xi32>
      %add3A_3198 = arith.addi %xor3A_3192, %add3A_3197 : vector<16xi32>
      %add3A_3199 = arith.constant 5 : i32
      %add3A_3200 = vector.broadcast %add3A_3199 : i32 to vector<16xi32>
      %add3A_3201 = arith.addi %add3A_3198, %add3A_3200 : vector<16xi32>
      %xor3A_3202 = arith.xori %add3A_3195, %add3A_3201 : vector<16xi32>
      %shift_right_logical3A_3203 = arith.constant 16 : i32
      %shift_right_logical3A_3204 = vector.broadcast %shift_right_logical3A_3203 : i32 to vector<16xi32>
      %shift_right_logical3A_3205 = arith.shrui %xor3A_2971, %shift_right_logical3A_3204 : vector<16xi32>
      %and3A_3206 = arith.constant 65535 : i32
      %and3A_3207 = vector.broadcast %and3A_3206 : i32 to vector<16xi32>
      %and3A_3208 = arith.andi %xor3A_2971, %and3A_3207 : vector<16xi32>
      %mul3A_3209 = arith.constant 4492 : i32
      %mul3A_3210 = vector.broadcast %mul3A_3209 : i32 to vector<16xi32>
      %mul3A_3211 = arith.muli %shift_right_logical3A_3205, %mul3A_3210 : vector<16xi32>
      %add3A_3212 = arith.addi %mul3A_3211, %and3A_3208 : vector<16xi32>
      %convert_element_type3A_3213 = arith.sitofp %add3A_3212 : vector<16xi32> to vector<16xf32>
      %mul3A_3214 = arith.constant 3.27632515E-5 : f32
      %mul3A_3215 = vector.broadcast %mul3A_3214 : f32 to vector<16xf32>
      %mul3A_3216 = arith.mulf %convert_element_type3A_3213, %mul3A_3215 : vector<16xf32>
      %convert_element_type3A_3217 = arith.fptosi %mul3A_3216 : vector<16xf32> to vector<16xi32>
      %mul3A_3218 = arith.constant 30522 : i32
      %mul3A_3219 = vector.broadcast %mul3A_3218 : i32 to vector<16xi32>
      %mul3A_3220 = arith.muli %convert_element_type3A_3217, %mul3A_3219 : vector<16xi32>
      %sub3A_3221 = arith.subi %add3A_3212, %mul3A_3220 : vector<16xi32>
      %lt3A_3222 = arith.constant 0 : i32
      %lt3A_3223 = vector.broadcast %lt3A_3222 : i32 to vector<16xi32>
      %lt3A_3224 = arith.cmpi slt, %sub3A_3221, %lt3A_3223 : vector<16xi32>
      %add3A_3225 = arith.constant 30522 : i32
      %add3A_3226 = vector.broadcast %add3A_3225 : i32 to vector<16xi32>
      %add3A_3227 = arith.addi %sub3A_3221, %add3A_3226 : vector<16xi32>
      %select_n3A_3228 = arith.select %lt3A_3224, %add3A_3227, %sub3A_3221 : vector<16xi1>, vector<16xi32>
      %ge3A_3229 = arith.constant 30522 : i32
      %ge3A_3230 = vector.broadcast %ge3A_3229 : i32 to vector<16xi32>
      %ge3A_3231 = arith.cmpi sge, %select_n3A_3228, %ge3A_3230 : vector<16xi32>
      %sub3A_3232 = arith.constant 30522 : i32
      %sub3A_3233 = vector.broadcast %sub3A_3232 : i32 to vector<16xi32>
      %sub3A_3234 = arith.subi %select_n3A_3228, %sub3A_3233 : vector<16xi32>
      %select_n3A_3235 = arith.select %ge3A_3231, %sub3A_3234, %select_n3A_3228 : vector<16xi1>, vector<16xi32>
      %mul3A_3236 = arith.constant 3022 : i32
      %mul3A_3237 = vector.broadcast %mul3A_3236 : i32 to vector<16xi32>
      %mul3A_3238 = arith.muli %select_n3A_3235, %mul3A_3237 : vector<16xi32>
      %shift_right_logical3A_3239 = arith.constant 16 : i32
      %shift_right_logical3A_3240 = vector.broadcast %shift_right_logical3A_3239 : i32 to vector<16xi32>
      %shift_right_logical3A_3241 = arith.shrui %xor3A_3202, %shift_right_logical3A_3240 : vector<16xi32>
      %and3A_3242 = arith.constant 65535 : i32
      %and3A_3243 = vector.broadcast %and3A_3242 : i32 to vector<16xi32>
      %and3A_3244 = arith.andi %xor3A_3202, %and3A_3243 : vector<16xi32>
      %mul3A_3245 = arith.constant 4492 : i32
      %mul3A_3246 = vector.broadcast %mul3A_3245 : i32 to vector<16xi32>
      %mul3A_3247 = arith.muli %shift_right_logical3A_3241, %mul3A_3246 : vector<16xi32>
      %add3A_3248 = arith.addi %mul3A_3247, %and3A_3244 : vector<16xi32>
      %convert_element_type3A_3249 = arith.sitofp %add3A_3248 : vector<16xi32> to vector<16xf32>
      %mul3A_3250 = arith.constant 3.27632515E-5 : f32
      %mul3A_3251 = vector.broadcast %mul3A_3250 : f32 to vector<16xf32>
      %mul3A_3252 = arith.mulf %convert_element_type3A_3249, %mul3A_3251 : vector<16xf32>
      %convert_element_type3A_3253 = arith.fptosi %mul3A_3252 : vector<16xf32> to vector<16xi32>
      %mul3A_3254 = arith.constant 30522 : i32
      %mul3A_3255 = vector.broadcast %mul3A_3254 : i32 to vector<16xi32>
      %mul3A_3256 = arith.muli %convert_element_type3A_3253, %mul3A_3255 : vector<16xi32>
      %sub3A_3257 = arith.subi %add3A_3248, %mul3A_3256 : vector<16xi32>
      %lt3A_3258 = arith.constant 0 : i32
      %lt3A_3259 = vector.broadcast %lt3A_3258 : i32 to vector<16xi32>
      %lt3A_3260 = arith.cmpi slt, %sub3A_3257, %lt3A_3259 : vector<16xi32>
      %add3A_3261 = arith.constant 30522 : i32
      %add3A_3262 = vector.broadcast %add3A_3261 : i32 to vector<16xi32>
      %add3A_3263 = arith.addi %sub3A_3257, %add3A_3262 : vector<16xi32>
      %select_n3A_3264 = arith.select %lt3A_3260, %add3A_3263, %sub3A_3257 : vector<16xi1>, vector<16xi32>
      %ge3A_3265 = arith.constant 30522 : i32
      %ge3A_3266 = vector.broadcast %ge3A_3265 : i32 to vector<16xi32>
      %ge3A_3267 = arith.cmpi sge, %select_n3A_3264, %ge3A_3266 : vector<16xi32>
      %sub3A_3268 = arith.constant 30522 : i32
      %sub3A_3269 = vector.broadcast %sub3A_3268 : i32 to vector<16xi32>
      %sub3A_3270 = arith.subi %select_n3A_3264, %sub3A_3269 : vector<16xi32>
      %select_n3A_3271 = arith.select %ge3A_3267, %sub3A_3270, %select_n3A_3264 : vector<16xi1>, vector<16xi32>
      %add3A_3272 = arith.addi %mul3A_3238, %select_n3A_3271 : vector<16xi32>
      %convert_element_type3A_3273 = arith.sitofp %add3A_3272 : vector<16xi32> to vector<16xf32>
      %mul3A_3274 = arith.constant 3.27632515E-5 : f32
      %mul3A_3275 = vector.broadcast %mul3A_3274 : f32 to vector<16xf32>
      %mul3A_3276 = arith.mulf %convert_element_type3A_3273, %mul3A_3275 : vector<16xf32>
      %convert_element_type3A_3277 = arith.fptosi %mul3A_3276 : vector<16xf32> to vector<16xi32>
      %mul3A_3278 = arith.constant 30522 : i32
      %mul3A_3279 = vector.broadcast %mul3A_3278 : i32 to vector<16xi32>
      %mul3A_3280 = arith.muli %convert_element_type3A_3277, %mul3A_3279 : vector<16xi32>
      %sub3A_3281 = arith.subi %add3A_3272, %mul3A_3280 : vector<16xi32>
      %lt3A_3282 = arith.constant 0 : i32
      %lt3A_3283 = vector.broadcast %lt3A_3282 : i32 to vector<16xi32>
      %lt3A_3284 = arith.cmpi slt, %sub3A_3281, %lt3A_3283 : vector<16xi32>
      %add3A_3285 = arith.constant 30522 : i32
      %add3A_3286 = vector.broadcast %add3A_3285 : i32 to vector<16xi32>
      %add3A_3287 = arith.addi %sub3A_3281, %add3A_3286 : vector<16xi32>
      %select_n3A_3288 = arith.select %lt3A_3284, %add3A_3287, %sub3A_3281 : vector<16xi1>, vector<16xi32>
      %ge3A_3289 = arith.constant 30522 : i32
      %ge3A_3290 = vector.broadcast %ge3A_3289 : i32 to vector<16xi32>
      %ge3A_3291 = arith.cmpi sge, %select_n3A_3288, %ge3A_3290 : vector<16xi32>
      %sub3A_3292 = arith.constant 30522 : i32
      %sub3A_3293 = vector.broadcast %sub3A_3292 : i32 to vector<16xi32>
      %sub3A_3294 = arith.subi %select_n3A_3288, %sub3A_3293 : vector<16xi32>
      %select_n3A_3295 = arith.select %ge3A_3291, %sub3A_3294, %select_n3A_3288 : vector<16xi1>, vector<16xi32>
      %select_n3A_3296 = arith.select %and3A_2730, %select_n3A_3295, %select_n3A_2733 : vector<16xi1>, vector<16xi32>
      %swap3A_3297 = arith.index_cast %mul3A_2477 : i32 to index
      %swap3A_3298 = tpu.vector_load %arg6[%swap3A_3297] {strides = array<i32>} : memref<1024xi32, #tpu.memory_space<vmem>>, vector<16xi32>,
      %swap3A_3299 = vector.shape_cast %swap3A_3298 : vector<16xi32> to vector<16xi32>
      %swap3A_3300 = vector.shape_cast %select_n3A_3296 : vector<16xi32> to vector<16xi32>
      tpu.vector_store %arg6[%swap3A_3297], %swap3A_3300 {strides = array<i32>} : memref<1024xi32, #tpu.memory_space<vmem>>, vector<16xi32>,
    }
    %scan3A_7 = arith.constant 64 : i32
    "tpu.region"() ({
      %run_scoped3A = tpu.sem_alloc : memref<!tpu.dma_semaphore, #tpu.memory_space<semaphore_mem>>
      %dma_start3A = tpu.memref_slice %arg3[%mul3A_2] : memref<32768xi32, #tpu.memory_space<hbm>> -> memref<1024xi32, #tpu.memory_space<hbm>>
      %dma_start3A_8 = tpu.memref_slice %arg3[%mul3A_2] : memref<32768xi32, #tpu.memory_space<hbm>> -> memref<1024xi32, #tpu.memory_space<hbm>>
      tpu.enqueue_dma source(%arg6 : memref<1024xi32, #tpu.memory_space<vmem>>) target(%dma_start3A_8 : memref<1024xi32, #tpu.memory_space<hbm>>) target_semaphore(%run_scoped3A : memref<!tpu.dma_semaphore, #tpu.memory_space<semaphore_mem>>)
      %dma_wait3A = tpu.memref_slice %arg3[%mul3A_2] : memref<32768xi32, #tpu.memory_space<hbm>> -> memref<1024xi32, #tpu.memory_space<hbm>>
      %dma_wait3A_9 = tpu.memref_slice %arg3[%mul3A_2] : memref<32768xi32, #tpu.memory_space<hbm>> -> memref<1024xi32, #tpu.memory_space<hbm>>
      tpu.wait_dma2 semaphore(%run_scoped3A : memref<!tpu.dma_semaphore, #tpu.memory_space<semaphore_mem>>) src(%arg6 : memref<1024xi32, #tpu.memory_space<vmem>>) dst(%dma_wait3A_9 : memref<1024xi32, #tpu.memory_space<hbm>>)
      tpu.yield
    }) : () -> ()
    "tpu.region"() ({
      %run_scoped3A = tpu.sem_alloc : memref<!tpu.dma_semaphore, #tpu.memory_space<semaphore_mem>>
      %dma_start3A = tpu.memref_slice %arg4[%mul3A_2] : memref<32768xi32, #tpu.memory_space<hbm>> -> memref<1024xi32, #tpu.memory_space<hbm>>
      %dma_start3A_8 = tpu.memref_slice %arg4[%mul3A_2] : memref<32768xi32, #tpu.memory_space<hbm>> -> memref<1024xi32, #tpu.memory_space<hbm>>
      tpu.enqueue_dma source(%arg7 : memref<1024xi32, #tpu.memory_space<vmem>>) target(%dma_start3A_8 : memref<1024xi32, #tpu.memory_space<hbm>>) target_semaphore(%run_scoped3A : memref<!tpu.dma_semaphore, #tpu.memory_space<semaphore_mem>>)
      %dma_wait3A = tpu.memref_slice %arg4[%mul3A_2] : memref<32768xi32, #tpu.memory_space<hbm>> -> memref<1024xi32, #tpu.memory_space<hbm>>
      %dma_wait3A_9 = tpu.memref_slice %arg4[%mul3A_2] : memref<32768xi32, #tpu.memory_space<hbm>> -> memref<1024xi32, #tpu.memory_space<hbm>>
      tpu.wait_dma2 semaphore(%run_scoped3A : memref<!tpu.dma_semaphore, #tpu.memory_space<semaphore_mem>>) src(%arg7 : memref<1024xi32, #tpu.memory_space<vmem>>) dst(%dma_wait3A_9 : memref<1024xi32, #tpu.memory_space<hbm>>)
      tpu.yield
    }) : () -> ()
    return
  }
}

</mosaic_0001>

<sc_bundles>
// kernel: kernel.3.cloned.1.call-start
scs
__scs_entry_jumppad:
0x0: {  	(pc) =	sbr.rel $0x88, $3  }
0x1: {  	(tag) =	ssettag $0x0;
	lr =	simm.s32 $0x1  }
0x2: {  	[smem:$0x3FA0] =	sst lr;
	_ =	strace $0xD0000000  }
0x3: {  	_ = 	snop  }
0x4: {  	_ = 	snop  }
0x5: {  	_ = 	snop  }
0x6: {  	_ = 	snop  }
0x7: {  	_ = 	snop  }
__scs_overlays_trampoline_lowered:
0x8: {  	[smem:$0x3FAF] =	sst s0  }
0x9: {  	[smem:$0x3FB0] =	sst s1  }
0xa: {  	[smem:$0x3FB1] =	sst s2  }
0xb: {  	[smem:$0x3FB2] =	sst s3  }
0xc: {  	[smem:$0x3FB3] =	sst s4  }
0xd: {  	[smem:$0x3FB4] =	sst s5  }
0xe: {  	[smem:$0x3FB5] =	sst s6  }
0xf: {  	[smem:$0x3FB6] =	sst s7  }
0x10: {  	[smem:$0x3FB7] =	sst s8  }
0x11: {  	[smem:$0x3FB8] =	sst s9;
	s0 =	simm.s32 @!p0 $0x0  }
0x12: {  	s1 =	sld [smem:$0x3F9E];
	s0 =	simm.s32 @p0 $0x1  }
0x13: {  	[smem:$0x3FB9] =	sst s0;
	s0 =	simm.s32 @!p1 $0x0  }
0x14: {  	s2 =	sld [smem:$0x3F9D];
	s0 =	simm.s32 @p1 $0x1  }
0x15: {  	[smem:$0x3FBA] =	sst s0;
	s0 =	simm.s32 @!p2 $0x0  }
0x16: {  	s3 =	sld [smem:$0x3FDB];
	s0 =	simm.s32 @p2 $0x1  }
0x17: {  	s4 =	simm.s32 $0x1BF5;
	[smem:$0x3FBC] =	sst s0  }
0x18: {  	s0 =	sld [smem:$0x3F9F];
	_ =	swait.ge [sflag:s4], $0x0  }
0x19: {  	s7 =	sld [smem:$0x3FA0]  }
0x1a: {  	s8 =	sadd.s32 $0xFFFFE003, lr  }
0x1b: {  	s9 =	sadd.s32 $0xFFFFFEF7, lr;
	s5 =	simm.s32 $0xFFFFFFFF;
	p2 =	slt.u32 s8, $0xFFFFF086  }
0x1c: {  	p1 =	slt.u32 s9, $0xF7A;
	s5 =	simm.s32 @!p2 $0x0  }
0x1d: {  	s5 =	simm.s32 @p1 $0x1;
	p0 =	seq.s32 s7, s2  }
0x1e: {  	s7 =	smul.u32 @!p0 $0xF7A, s2;
	p2 =	seq.s32 @!p0 s5, $0x0  }
0x1f: {  	s9 =	smul.u32 $0xF7A, s1;
	s8 =	simm.s32 @!p0 $0x1BF5;
	p2 =	por !p2, p0  }
0x20: {  	[sflag:s8] =	ssyncset.s32 @!p0 $0xFFFFF086;
	s6 =	sadd.s32 @!p0 s3, s7;
	s7 =	simm.s32 @!p0 $0x108  }
0x21: {  	s3 =	sadd.s32 s3, s9;
	s6 =	sadd.s32 @!p0 $0x88, s6;
	s7 =	simm.s32 @p2 $0x1082  }
0x22: {  	[simem:s7], [sflag:s8] =	dma.local @!p0 [hbm:s6], $0xF7A  }
0x23: {  	s9 =	sor.u32 $0xD0000000, s2;
	s6 =	simm.s32 $0x108;
	_ =	swait.ge @!p0 [sflag:s8], $0x0  }
0x24: {  	s3 =	sadd.s32 $0x88, s3;
	s6 =	simm.s32 @!p1 $0x1082;
	[sflag:s4] =	ssyncset.s32 $0xFFFFF086  }
0x25: {  	[simem:s6], [sflag:s4] =	dma.local [hbm:s3], $0xF7A  }
0x26: {  	[smem:$0x3FA0] =	sst s1;
	(tag) =	ssettag s2;
	_ =	strace s9  }
0x27: {  	s1 =	sld [smem:$0x3FB0]  }
0x28: {  	s2 =	sld [smem:$0x3FB1]  }
0x29: {  	s4 =	sld [smem:$0x3FB3]  }
0x2a: {  	p0 =	seq.s32 s5, $0x0;
	s5 =	sld [smem:$0x3FB4]  }
0x2b: {  	s6 =	sld [smem:$0x3FB5]  }
0x2c: {  	s7 =	sld [smem:$0x3FB6]  }
0x2d: {  	s3 =	simm.s32 $0x108;
	s8 =	sld [smem:$0x3FB7]  }
0x2e: {  	s3 =	simm.s32 @!p0 $0x1082;
	s9 =	sld [smem:$0x3FB8]  }
0x2f: {  	lr =	sadd.s32 s0, s3;
	s0 =	sld [smem:$0x3FAF]  }
0x30: {  	s3 =	sld [smem:$0x3FB2]  }
0x31: {  	[smem:$0x3FBB] =	sst s10  }
0x32: {  	s10 =	sld [smem:$0x3FB9];
	_ =	sdelay $0x3  }
0x33: {  	p0 =	seq.s32 s10, $0x1;
	s10 =	sld [smem:$0x3FBB];
	_ =	sdelay $0x3  }
0x34: {  	[smem:$0x3FBB] =	sst s10  }
0x35: {  	s10 =	sld [smem:$0x3FBA];
	_ =	sdelay $0x3  }
0x36: {  	p1 =	seq.s32 s10, $0x1;
	s10 =	sld [smem:$0x3FBB];
	_ =	sdelay $0x3  }
0x37: {  	[smem:$0x3FBB] =	sst s10  }
0x38: {  	s10 =	sld [smem:$0x3FBC]  }
0x39: {  	_ = 	snop;
	(pc) =	sbr.ind lr, $3  }
0x3a: {  	_ = 	snop  }
0x3b: {  	_ = 	snop  }
0x3c: {  	p2 =	seq.s32 s10, $0x1;
	s10 =	sld [smem:$0x3FBB]  }
0x3d: {  	_ =	shalt  }
0x3e: {  	_ =	shalt  }
0x3f: {  	_ =	shalt  }
0x40: {  	_ =	shalt  }
0x41: {  	_ =	shalt  }
0x42: {  	_ =	shalt  }
0x43: {  	_ =	shalt  }
0x44: {  	_ =	shalt  }
0x45: {  	_ =	shalt  }
0x46: {  	_ =	shalt  }
0x47: {  	_ =	shalt  }
0x48: {  	_ =	shalt  }
0x49: {  	_ =	shalt  }
0x4a: {  	_ =	shalt  }
0x4b: {  	_ =	shalt  }
0x4c: {  	_ =	shalt  }
0x4d: {  	_ =	shalt  }
0x4e: {  	_ =	shalt  }
0x4f: {  	_ =	shalt  }
0x50: {  	_ =	shalt  }
0x51: {  	_ =	shalt  }
0x52: {  	_ =	shalt  }
0x53: {  	_ =	shalt  }
0x54: {  	_ =	shalt  }
0x55: {  	_ =	shalt  }
0x56: {  	_ =	shalt  }
0x57: {  	_ =	shalt  }
0x58: {  	_ =	shalt  }
0x59: {  	_ =	shalt  }
0x5a: {  	_ =	shalt  }
0x5b: {  	_ =	shalt  }
0x5c: {  	_ =	shalt  }
0x5d: {  	_ =	shalt  }
0x5e: {  	_ =	shalt  }
0x5f: {  	_ =	shalt  }
0x60: {  	_ =	shalt  }
0x61: {  	_ =	shalt  }
0x62: {  	_ =	shalt  }
0x63: {  	_ =	shalt  }
0x64: {  	_ =	shalt  }
0x65: {  	_ =	shalt  }
0x66: {  	_ =	shalt  }
0x67: {  	_ =	shalt  }
0x68: {  	_ =	shalt  }
0x69: {  	_ =	shalt  }
0x6a: {  	_ =	shalt  }
0x6b: {  	_ =	shalt  }
0x6c: {  	_ =	shalt  }
0x6d: {  	_ =	shalt  }
0x6e: {  	_ =	shalt  }
0x6f: {  	_ =	shalt  }
0x70: {  	_ =	shalt  }
0x71: {  	_ =	shalt  }
0x72: {  	_ =	shalt  }
0x73: {  	_ =	shalt  }
0x74: {  	_ =	shalt  }
0x75: {  	_ =	shalt  }
0x76: {  	_ =	shalt  }
0x77: {  	_ =	shalt  }
0x78: {  	_ =	shalt  }
0x79: {  	_ =	shalt  }
0x7a: {  	_ =	shalt  }
0x7b: {  	_ =	shalt  }
0x7c: {  	_ =	shalt  }
0x7d: {  	_ =	shalt  }
0x7e: {  	_ =	shalt  }
0x7f: {  	_ =	shalt  }
0x80: {  	_ =	shalt  }
0x81: {  	_ =	shalt  }
0x82: {  	_ =	shalt  }
0x83: {  	_ =	shalt  }
0x84: {  	_ =	shalt  }
0x85: {  	_ =	shalt  }
0x86: {  	_ =	shalt  }
0x87: {  	_ =	shalt  }
.Lfunc_end0:
.L_simem_size_0:
called_computation_lowered:
.L_overlay_start_0:
0x88: {  	s2 =	sld [smem:$0x3FD9]  }
0x89: {  	s3 =	sld [smem:$0x3FFE];
	_ =	sdelay $0x1  }
0x8a: {  	s1 =	srdreg.scid  }
0x8b: {  	s0 =	sand.u32 $0x1, s1  }
0x8c: {  	s14 =	sshll.u32 s0, $0xA;
	s2 =	sadd.s32 s3, s2  }
0x8d: {  	s2 =	sadd.s32 s2, s14  }
0x8e: {  	[smem:$0x3FC7] =	sst s2  }
0x8f: {  	_ = 	snop  }
0x90: {  	s2 =	sld [smem:$0x3FD0];
	_ =	sdelay $0x2  }
0x91: {  	s15 =	simm.s32 $0xA;
	s4 =	simm.s32 $0x10  }
0x92: {  	[smem:s4], [sflag:s15] =	dma.local [hbm:s2], $0x1  }
0x93: {  	_ =	swait.eq [sflag:s15], $0x1  }
0x94: {  	[sflag:s15] =	ssyncset.done $0x0  }
0x95: {  	[sflag:s15] =	ssyncadd.s32 $0xFFFFFFFF  }
0x96: {  	s16 =	sld [smem:$0x11];
	(tm) =	ssettm $0x1  }
0x97: {  	s17 =	sld [smem:$0x3FFB];
	_ =	sdelay $0x3  }
0x98: {  	_ =	strace s17  }
0x99: {  	s3 =	sld [smem:$0x3FFC];
	_ =	sdelay $0x3  }
0x9a: {  	_ =	strace s3  }
0x9b: {  	s3 =	sld [smem:$0x3FFD];
	_ =	sdelay $0x3  }
0x9c: {  	_ =	strace s3  }
0x9d: {  	_ =	strace $0x8FFFFFFF  }
0x9e: {  	s18 =	sld [smem:$0x3FDB];
	_ =	sdelay $0x1  }
0x9f: {  	s19 =	simm.s32 $_scs_section_size  }
0xa0: {  	s5 =	simm.s32 $_size__tile_overlayer_lowered;
	s6 =	simm.s32 $_tile_overlayer_lowered  }
0xa1: {  	s22 =	simm.s32 $0x1BFF;
	s21 =	sshll.u32 s6, $0x1;
	s3 =	sadd.s32 s19, s18  }
0xa2: {  	s7 =	simm.s32 $0x0;
	s20 =	sshll.u32 s5, $0x1;
	s5 =	sadd.s32 s21, s3  }
0xa3: {  	[timem:s7], [sflag:s22] =	dma.local [hbm:s5], s20  }
0xa4: {  	_ =	swait.ge [sflag:s22], s20  }
0xa5: {  	s4 =	ssub.s32 $0x0, s20;
	[sflag:s22] =	ssyncset.done $0x0  }
0xa6: {  	[sflag:s22] =	ssyncadd.s32 s4;
	_ =	sdelay $0x1  }
0xa7: {  	s23 =	simm.s32 $0x1B8B  }
0xa8: {  	_ =	swait.ge [sflag:s23], $0x1  }
0xa9: {  	[sflag:s23] =	ssyncset.done $0x0  }
0xaa: {  	s25 =	simm.s32 $0x1B8E;
	s24 =	sld [smem:$0x3FFE];
	[sflag:s23] =	ssyncadd.s32 $0xFFFFFFFF  }
0xab: {  	s26 =	simm.s32 $execute0_lowered;
	[smem:$0x3FD2] =	sst s25  }
0xac: {  	s5 =	sshll.u32 s26, $0x1;
	_ =	strace $0x80000046;
	[dreg:$0x1] =	wrdreg $0xFFFFFFFF  }
0xad: {  	s28 =	simm.s32 $_size_execute0_lowered;
	s3 =	sadd.s32 s3, s5;
	[dreg:$0x0] =	wrdreg $0x0  }
0xae: {  	s5 =	sshll.u32 s28, $0x1;
	[dreg:$0x2] =	wrdreg s3  }
0xaf: {  	[dreg:$0x3] =	wrdreg s5  }
0xb0: {  	[dreg:$0x4] =	wrdreg $0xC0  }
0xb1: {  	_ =	task [dreg:s7], $0x5FFFF  }
0xb2: {  	[dreg:$0x1] =	wrdreg $0xFFFFFFFF  }
0xb3: {  	[dreg:$0x0] =	wrdreg $0x60  }
0xb4: {  	[dreg:$0x2] =	wrdreg s16  }
0xb5: {  	[dreg:$0x3] =	wrdreg s24  }
0xb6: {  	[dreg:$0x4] =	wrdreg $0x9  }
0xb7: {  	_ =	task.clear_ibuf [dreg:s7], $0x5FFFF;
	_ =	strace $0x90000046  }
0xb8: {  	s29 =	simm.s32 $0x9;
	_ =	strace $0x80000048  }
0xb9: {  	_ =	swait.ge [sflag:s29], $0x1  }
0xba: {  	[sflag:s29] =	ssyncadd.s32 $0xFFFFFFFF  }
0xbb: {  	_ =	strace $0x90000048  }
0xbc: {  	_ =	sfence  }
0xbd: {  	s30 =	sld [smem:$0x0];
	_ =	sdelay $0x2  }
0xbe: {  	s31 =	sshll.u32 s1, $0xD;
	s1 =	sshrl.u32 s1, $0x2  }
0xbf: {  	s3 =	sand.u32 $0x4000, s31;
	s1 =	sadd.s32 s1, s30  }
0xc0: {  	s0 =	sor.u32 s3, s0;
	s1 =	sshll.u32 s1, $0x11  }
0xc1: {  	s0 =	sor.u32 s1, s0  }
0xc2: {  	s0 =	sadd.s32 $0x8F2B, s0  }
0xc3: {  	[sflag:s0] =	ssyncadd.remote.s32 $0x1  }
0xc4: {  	_ =	sfence.sel $0xFFFF  }
0xc5: {  	[dreg:$0x0] =	wrdreg $0xFFFFFFFF;
	(pc) =	sbr.abs _section_cstart, $3  }
0xc6: {  	[dreg:$0x1] =	wrdreg $0xFFFFFFFF  }
0xc7: {  	_ =	task.clear_ibuf [dreg:s7], $0x2FFFF;
	_ =	strace $0x9FFFFFFF  }
0xc8: {  	(tm) =	ssettm $0x7FFFFFFF  }
0xc9: {  	_ =	shalt  }
tec
execute0_lowered:
.L_overlay_start_1:
0x0: {  	(tag) =	ssettag $0x1  }
0x1: {  	s3 =	rddreg [dreg:$0x0];
	s0 =	srdreg.scid  }
0x2: {  	s4 =	rddreg [dreg:$0x1];
	s1 =	stileid.u32;
	s2 =	simm.s32 $0x0  }
0x3: {  	s10 =	simm.s32 $0x800;
	s11 =	simm.s32 $0x0;
	s5 =	sand.u32 $0x1, s0  }
0x4: {  	s0 =	rddreg [dreg:$0x2];
	s6 =	sshll.u32 s1, $0xB;
	s7 =	sshll.u32 s5, $0xA  }
0x5: {  	[smem:$0x7FF] =	sst s2;
	s5 =	ssub.s32 $0x2, s5;
	s7 =	sor.u32 s7, s6  }
0x6: {  	v5 =	vlaneseq.u32;
	_ =	strace $0x80000047;
	s8 =	sshrl.u32 s5, $0x1;
	s6 =	sshrl.u32 s7, $0x3  }
0x7: {  	v0 =	vadd.s32 $0x1022172D, v5;
	v1 =	vadd.s32 $0x7D601BBC, v5;
	s8 =	ssub.s32 s5, s8;
	s7 =	sor.u32 $0x30, s7;
	s9 =	sadd.s32 s6, s4  }
0x8: {  	v2 =	vadd.s32 $0x7B3B635, v5;
	v3 =	vadd.s32 $0xC5AF3926, v5;
	v4 =	vadd.s32 $0x45A3D6BE, v5;
	s3 =	sadd.s32 s3, s6;
	s6 =	smax.u32 s8, $0x1;
	s8 =	simm.s32 $0x1  }
0x9: {  	v5 =	vadd.s32 $0xD1B63D6A, v5;
	s4 =	sadd.s32 $0xA00, s9;
	s5 =	sadd.s32 $0x1A00, s9;
	s9 =	simm.s32 $0x400  }
.LBB2_1:
0xa: {  	[tilespmem:s2], [sflag:$0x1] =	stream.linear.gather [hbm4b:s3+s2], $0x400, $0x38;
	[tilespmem:$0xC00] =	vst v63  }
0xb: {  	s12 =	simm.s32 $0xFFFFFFFC;
	_ =	swait.ge [sflag:s8], $0x400  }
0xc: {  	s13 =	simm.s32 $0x420;
	s14 =	simm.s32 $0x20;
	[sflag:s8] =	ssyncset.done $0x0  }
0xd: {  	s15 =	simm.s32 $0x820;
	s16 =	smov.u32 s7;
	[sflag:s8] =	ssyncadd.s32 $0xFFFFFC00  }
.LBB2_2:
0xe: {  	s17 =	sadd.s32 $0xFFFFFFD0, s16  }
0xf: {  	v6 =	vadd.s32 s17, v0  }
0x10: {  	v7 =	vshrl.u32 v6, $0x13;
	v6 =	vshll.u32 v6, $0xD  }
0x11: {  	v8 =	vadd.s32 s17, v1;
	v6 =	vor.u32 v7, v6  }
0x12: {  	v14 =	vadd.s32 s17, v2;
	v15 =	vadd.s32 s17, v3;
	v6 =	vxor.u32 v8, v6  }
0x13: {  	v39 =	vadd.s32 s17, v4;
	v7 =	vshrl.u32 v6, $0x11;
	v9 =	vshll.u32 v6, $0xF  }
0x14: {  	v41 =	vadd.s32 s17, v5;
	v6 =	vadd.s32 v8, v6;
	v7 =	vor.u32 v7, v9  }
0x15: {  	v10 =	vshrl.u32 v14, $0x13;
	v9 =	vshll.u32 v14, $0xD;
	v7 =	vxor.u32 v7, v6  }
0x16: {  	v40 =	vshrl.u32 v39, $0x13;
	v9 =	vor.u32 v10, v9;
	v49 =	vshrl.u32 v7, $0x6  }
0x17: {  	v50 =	vshll.u32 v7, $0x1A;
	v6 =	vadd.s32 v6, v7;
	v9 =	vxor.u32 v15, v9  }
0x18: {  	v7 =	vor.u32 v49, v50;
	v16 =	vshrl.u32 v9, $0x11;
	v11 =	vshll.u32 v9, $0xF  }
0x19: {  	v8 =	vadd.s32 v15, v9;
	v7 =	vxor.u32 v7, v6;
	v17 =	vor.u32 v16, v11  }
0x1a: {  	v11 =	vshll.u32 v39, $0xD;
	v51 =	vshrl.u32 v7, $0x1A;
	v52 =	vshll.u32 v7, $0x6  }
0x1b: {  	s30 =	sadd.s32 $0xFFFFFFE0, s16;
	v6 =	vadd.s32 v6, v7;
	v9 =	vxor.u32 v17, v8;
	v11 =	vor.u32 v40, v11  }
0x1c: {  	v17 =	vadd.s32 s30, v0;
	v7 =	vor.u32 v51, v52;
	v11 =	vxor.u32 v41, v11  }
0x1d: {  	v7 =	vxor.u32 v7, v6;
	v43 =	vshrl.u32 v11, $0x11;
	v14 =	vshll.u32 v11, $0xF  }
0x1e: {  	v10 =	vadd.s32 v41, v11;
	v7 =	vadd.s32 $0x66CD0879, v7;
	v44 =	vor.u32 v43, v14  }
0x1f: {  	v6 =	vadd.s32 v7, v6;
	v53 =	vshrl.u32 v7, $0xF;
	v7 =	vshll.u32 v7, $0x11  }
0x20: {  	v11 =	vxor.u32 v44, v10;
	v6 =	vadd.s32 $0x1022172D, v6;
	v7 =	vor.u32 v53, v7  }
0x21: {  	v46 =	vshrl.u32 v11, $0x6;
	v47 =	vshll.u32 v11, $0x1A;
	v7 =	vxor.u32 v7, v6  }
0x22: {  	v10 =	vadd.s32 v10, v11;
	v48 =	vor.u32 v46, v47;
	v54 =	vshrl.u32 v7, $0x3  }
0x23: {  	v55 =	vshll.u32 v7, $0x1D;
	v6 =	vadd.s32 v6, v7;
	v11 =	vxor.u32 v48, v10  }
0x24: {  	v7 =	vor.u32 v54, v55;
	v50 =	vshrl.u32 v11, $0x1A;
	v51 =	vshll.u32 v11, $0x6  }
0x25: {  	v10 =	vadd.s32 v10, v11;
	v7 =	vxor.u32 v7, v6;
	v52 =	vor.u32 v50, v51  }
0x26: {  	v56 =	vshrl.u32 v7, $0x10;
	v57 =	vshll.u32 v7, $0x10;
	v11 =	vxor.u32 v52, v10  }
0x27: {  	v6 =	vadd.s32 v6, v7;
	v7 =	vor.u32 v56, v57;
	v11 =	vadd.s32 $0xD260ABC9, v11  }
0x28: {  	v19 =	vshrl.u32 v9, $0x6;
	v7 =	vxor.u32 v7, v6;
	v10 =	vadd.s32 v11, v10  }
0x29: {  	v55 =	vshrl.u32 v11, $0xF;
	v58 =	vshrl.u32 v7, $0x8;
	v59 =	vshll.u32 v7, $0x18  }
0x2a: {  	v11 =	vshll.u32 v11, $0x11;
	v6 =	vadd.s32 v6, v7;
	v7 =	vor.u32 v58, v59  }
0x2b: {  	v10 =	vadd.s32 $0x45A3D6BE, v10;
	v11 =	vor.u32 v55, v11;
	v7 =	vxor.u32 v7, v6  }
0x2c: {  	v8 =	vadd.s32 v8, v9;
	v11 =	vxor.u32 v11, v10;
	v7 =	vadd.s32 $0x6D3E0491, v7  }
0x2d: {  	v6 =	vadd.s32 v7, v6;
	v60 =	vshrl.u32 v7, $0x13;
	v7 =	vshll.u32 v7, $0xD  }
0x2e: {  	v56 =	vshrl.u32 v11, $0x3;
	v6 =	vadd.s32 $0x66CD0878, v6;
	v7 =	vor.u32 v60, v7  }
0x2f: {  	v57 =	vshll.u32 v11, $0x1D;
	v10 =	vadd.s32 v10, v11;
	v7 =	vxor.u32 v7, v6  }
0x30: {  	v58 =	vor.u32 v56, v57;
	v61 =	vshrl.u32 v7, $0x11;
	v62 =	vshll.u32 v7, $0xF  }
0x31: {  	v11 =	vxor.u32 v58, v10;
	v6 =	vadd.s32 v6, v7;
	v7 =	vor.u32 v61, v62  }
0x32: {  	v60 =	vshrl.u32 v11, $0x10;
	v10 =	vadd.s32 v10, v11;
	v7 =	vxor.u32 v7, v6  }
0x33: {  	v61 =	vshll.u32 v11, $0x10;
	v63 =	vshrl.u32 v7, $0x6;
	v12 =	vshll.u32 v7, $0x1A  }
0x34: {  	v62 =	vor.u32 v60, v61;
	v6 =	vadd.s32 v6, v7;
	v7 =	vor.u32 v63, v12  }
0x35: {  	v11 =	vxor.u32 v62, v10;
	v12 =	vshll.u32 v9, $0x1A;
	v7 =	vxor.u32 v7, v6  }
0x36: {  	v10 =	vadd.s32 v10, v11;
	v20 =	vor.u32 v19, v12;
	v6 =	vadd.s32 v6, v7  }
0x37: {  	v13 =	vshrl.u32 v7, $0x1A;
	v7 =	vshll.u32 v7, $0x6;
	v9 =	vxor.u32 v20, v8  }
0x38: {  	v7 =	vor.u32 v13, v7;
	v22 =	vshrl.u32 v9, $0x1A;
	v23 =	vshll.u32 v9, $0x6  }
0x39: {  	v8 =	vadd.s32 v8, v9;
	v7 =	vxor.u32 v7, v6;
	v24 =	vor.u32 v22, v23  }
0x3a: {  	v19 =	vshll.u32 v11, $0x18;
	v7 =	vadd.s32 $0x10221730, v7;
	v9 =	vxor.u32 v24, v8  }
0x3b: {  	v6 =	vadd.s32 v7, v6;
	v18 =	vshrl.u32 v7, $0xF;
	v7 =	vshll.u32 v7, $0x11  }
0x3c: {  	v9 =	vadd.s32 $0xA1992F1F, v9;
	v6 =	vadd.s32 $0x6D3E048F, v6;
	v7 =	vor.u32 v18, v7  }
0x3d: {  	v8 =	vadd.s32 v9, v8;
	v25 =	vshrl.u32 v9, $0xF;
	v9 =	vshll.u32 v9, $0x11  }
0x3e: {  	v18 =	vshrl.u32 v11, $0x8;
	v7 =	vxor.u32 v7, v6;
	v8 =	vadd.s32 $0x7B3B635, v8  }
0x3f: {  	v9 =	vor.u32 v25, v9;
	v21 =	vshrl.u32 v7, $0x3;
	v13 =	vshll.u32 v7, $0x1D  }
0x40: {  	v6 =	vadd.s32 v6, v7;
	v9 =	vxor.u32 v9, v8;
	v7 =	vor.u32 v21, v13  }
0x41: {  	v27 =	vshrl.u32 v9, $0x3;
	v28 =	vshll.u32 v9, $0x1D;
	v8 =	vadd.s32 v8, v9  }
0x42: {  	v21 =	vor.u32 v18, v19;
	v18 =	vshrl.u32 v17, $0x13;
	v7 =	vxor.u32 v7, v6  }
0x43: {  	v29 =	vor.u32 v27, v28;
	v11 =	vxor.u32 v21, v10;
	v6 =	vadd.s32 v6, v7  }
0x44: {  	v26 =	vshrl.u32 v7, $0x10;
	v7 =	vshll.u32 v7, $0x10;
	v9 =	vxor.u32 v29, v8  }
0x45: {  	v11 =	vadd.s32 $0x8C1266AE, v11;
	v7 =	vor.u32 v26, v7;
	v31 =	vshrl.u32 v9, $0x10  }
0x46: {  	v32 =	vshll.u32 v9, $0x10;
	v8 =	vadd.s32 v8, v9;
	v10 =	vadd.s32 v11, v10  }
0x47: {  	v23 =	vshrl.u32 v11, $0x13;
	v11 =	vshll.u32 v11, $0xD;
	v7 =	vxor.u32 v7, v6  }
0x48: {  	v33 =	vor.u32 v31, v32;
	v10 =	vadd.s32 $0xD260ABC8, v10;
	v11 =	vor.u32 v23, v11  }
0x49: {  	v6 =	vadd.s32 v6, v7;
	v30 =	vshrl.u32 v7, $0x8;
	v7 =	vshll.u32 v7, $0x18  }
0x4a: {  	v9 =	vxor.u32 v33, v8;
	v11 =	vxor.u32 v11, v10;
	v7 =	vor.u32 v30, v7  }
0x4b: {  	v34 =	vshrl.u32 v9, $0x8;
	v35 =	vshll.u32 v9, $0x18;
	v8 =	vadd.s32 v8, v9  }
0x4c: {  	v25 =	vshrl.u32 v11, $0x11;
	v26 =	vshll.u32 v11, $0xF;
	v10 =	vadd.s32 v10, v11  }
0x4d: {  	v7 =	vxor.u32 v7, v6;
	v36 =	vor.u32 v34, v35;
	v27 =	vor.u32 v25, v26  }
0x4e: {  	v7 =	vadd.s32 $0x66CD087C, v7;
	v9 =	vxor.u32 v36, v8;
	v11 =	vxor.u32 v27, v10  }
0x4f: {  	v6 =	vadd.s32 v7, v6;
	v37 =	vshrl.u32 v7, $0x13;
	v7 =	vshll.u32 v7, $0xD  }
0x50: {  	v9 =	vadd.s32 $0xBDFB82F3, v9;
	v29 =	vshrl.u32 v11, $0x6;
	v30 =	vshll.u32 v11, $0x1A  }
0x51: {  	v10 =	vadd.s32 v10, v11;
	v6 =	vadd.s32 $0x1022172D, v6;
	v7 =	vor.u32 v37, v7  }
0x52: {  	v8 =	vadd.s32 v9, v8;
	v38 =	vshrl.u32 v9, $0x13;
	v9 =	vshll.u32 v9, $0xD  }
0x53: {  	v31 =	vor.u32 v29, v30;
	v7 =	vxor.u32 v7, v6;
	v8 =	vadd.s32 $0xA1992F1E, v8  }
0x54: {  	v9 =	vor.u32 v38, v9;
	v11 =	vxor.u32 v31, v10;
	v6 =	vadd.s32 v6, v7  }
0x55: {  	v9 =	vxor.u32 v9, v8;
	v53 =	vshrl.u32 v7, $0x11;
	v7 =	vshll.u32 v7, $0xF  }
0x56: {  	v32 =	vshrl.u32 v11, $0x1A;
	v33 =	vshll.u32 v11, $0x6;
	v10 =	vadd.s32 v10, v11  }
0x57: {  	v42 =	vshrl.u32 v9, $0x11;
	v15 =	vshll.u32 v9, $0xF;
	v8 =	vadd.s32 v8, v9  }
0x58: {  	v7 =	vor.u32 v53, v7;
	v34 =	vor.u32 v32, v33;
	v45 =	vor.u32 v42, v15  }
0x59: {  	v7 =	vxor.u32 v7, v6;
	v11 =	vxor.u32 v34, v10;
	v9 =	vxor.u32 v45, v8  }
0x5a: {  	v6 =	vadd.s32 v6, v7;
	v35 =	vshrl.u32 v7, $0x6;
	v11 =	vadd.s32 $0x45A3D6C1, v11  }
0x5b: {  	v7 =	vshll.u32 v7, $0x1A;
	v8 =	vadd.s32 v8, v9;
	v49 =	vshrl.u32 v9, $0x6  }
0x5c: {  	v9 =	vshll.u32 v9, $0x1A;
	v10 =	vadd.s32 v11, v10;
	v37 =	vshrl.u32 v11, $0xF  }
0x5d: {  	v11 =	vshll.u32 v11, $0x11;
	v7 =	vor.u32 v35, v7;
	v9 =	vor.u32 v49, v9  }
0x5e: {  	v10 =	vadd.s32 $0x8C1266AC, v10;
	v11 =	vor.u32 v37, v11;
	v9 =	vxor.u32 v9, v8  }
0x5f: {  	v8 =	vadd.s32 v8, v9;
	v54 =	vshrl.u32 v9, $0x1A;
	v9 =	vshll.u32 v9, $0x6  }
0x60: {  	v7 =	vxor.u32 v7, v6;
	v11 =	vxor.u32 v11, v10;
	v9 =	vor.u32 v54, v9  }
0x61: {  	v39 =	vshrl.u32 v11, $0x3;
	v40 =	vshll.u32 v11, $0x1D;
	v9 =	vxor.u32 v9, v8  }
0x62: {  	v10 =	vadd.s32 v10, v11;
	v41 =	vor.u32 v39, v40;
	v9 =	vadd.s32 $0x7B3B638, v9  }
0x63: {  	v8 =	vadd.s32 v9, v8;
	v59 =	vshrl.u32 v9, $0xF;
	v9 =	vshll.u32 v9, $0x11  }
0x64: {  	v11 =	vxor.u32 v41, v10;
	v8 =	vadd.s32 $0xBDFB82F1, v8;
	v9 =	vor.u32 v59, v9  }
0x65: {  	v43 =	vshrl.u32 v11, $0x10;
	v44 =	vshll.u32 v11, $0x10;
	v9 =	vxor.u32 v9, v8  }
0x66: {  	v10 =	vadd.s32 v10, v11;
	v63 =	vshrl.u32 v9, $0x3;
	v20 =	vshll.u32 v9, $0x1D  }
0x67: {  	v45 =	vor.u32 v43, v44;
	v8 =	vadd.s32 v8, v9;
	v22 =	vor.u32 v63, v20  }
0x68: {  	v6 =	vadd.s32 v6, v7;
	v11 =	vxor.u32 v45, v10;
	v9 =	vxor.u32 v22, v8  }
0x69: {  	v8 =	vadd.s32 v8, v9;
	v24 =	vshrl.u32 v9, $0x10;
	v9 =	vshll.u32 v9, $0x10  }
0x6a: {  	v47 =	vshrl.u32 v11, $0x8;
	v48 =	vshll.u32 v11, $0x18;
	v9 =	vor.u32 v24, v9  }
0x6b: {  	v10 =	vadd.s32 v10, v11;
	v49 =	vor.u32 v47, v48;
	v9 =	vxor.u32 v9, v8  }
0x6c: {  	v8 =	vadd.s32 v8, v9;
	v28 =	vshrl.u32 v9, $0x8;
	v9 =	vshll.u32 v9, $0x18  }
0x6d: {  	v11 =	vxor.u32 v49, v10;
	v63 =	vshrl.u32 v7, $0x1A;
	v9 =	vor.u32 v28, v9  }
0x6e: {  	v7 =	vshll.u32 v7, $0x6;
	v20 =	vadd.s32 s30, v1;
	v9 =	vxor.u32 v9, v8  }
0x6f: {  	v11 =	vadd.s32 $0xD260ABCC, v11;
	v7 =	vor.u32 v63, v7;
	v9 =	vadd.s32 $0xA1992F22, v9  }
0x70: {  	v8 =	vadd.s32 v9, v8;
	v36 =	vshrl.u32 v9, $0x13;
	v9 =	vshll.u32 v9, $0xD  }
0x71: {  	v10 =	vadd.s32 v11, v10;
	v8 =	vadd.s32 $0x7B3B635, v8;
	v9 =	vor.u32 v36, v9  }
0x72: {  	v51 =	vshrl.u32 v11, $0x13;
	v11 =	vshll.u32 v11, $0xD;
	v9 =	vxor.u32 v9, v8  }
0x73: {  	v7 =	vxor.u32 v7, v6;
	v38 =	vshrl.u32 v9, $0x11;
	v16 =	vshll.u32 v9, $0xF  }
0x74: {  	v6 =	vadd.s32 $0x66CD0878, v6;
	v8 =	vadd.s32 v8, v9;
	v42 =	vor.u32 v38, v16  }
0x75: {  	v10 =	vadd.s32 $0x45A3D6BE, v10;
	v11 =	vor.u32 v51, v11;
	v9 =	vxor.u32 v42, v8  }
0x76: {  	v8 =	vadd.s32 v8, v9;
	v46 =	vshrl.u32 v9, $0x6;
	v9 =	vshll.u32 v9, $0x1A  }
0x77: {  	v7 =	vadd.s32 $0x6D3E0494, v7;
	v11 =	vxor.u32 v11, v10;
	v9 =	vor.u32 v46, v9  }
0x78: {  	v6 =	vxor.u32 v6, v7;
	v52 =	vshrl.u32 v11, $0x11;
	v9 =	vxor.u32 v9, v8  }
0x79: {  	v8 =	vadd.s32 v8, v9;
	v50 =	vshrl.u32 v9, $0x1A;
	v9 =	vshll.u32 v9, $0x6  }
0x7a: {  	v53 =	vshll.u32 v11, $0xF;
	v54 =	vadd.s32 v10, v11;
	v9 =	vor.u32 v50, v9  }
0x7b: {  	vm1 =	vlt.u32 v6, $0x26666800;
	v55 =	vor.u32 v52, v53;
	v9 =	vxor.u32 v9, v8  }
0x7c: {  	v10 =	vxor.u32 v55, v54;
	v8 =	vadd.s32 $0xA1992F1E, v8;
	v9 =	vadd.s32 $0xBDFB82F6, v9  }
0x7d: {  	v57 =	vshrl.u32 v10, $0x6;
	v58 =	vshll.u32 v10, $0x1A;
	v8 =	vxor.u32 v8, v9  }
0x7e: {  	v59 =	vor.u32 v57, v58;
	v9 =	vadd.s32 v54, v10;
	v56 =	vshrl.u32 v8, $0x10  }
0x7f: {  	vm2 =	vlt.u32 v6, $0x1EB85200;
	v10 =	vxor.u32 v59, v9;
	v11 =	vmul.u32 $0x118C, v56  }
0x80: {  	v8 =	vand.u32 $0xFFFF, v8;
	v60 =	vshrl.u32 v10, $0x1A;
	v61 =	vshll.u32 v10, $0x6  }
0x81: {  	v9 =	vadd.s32 v9, v10;
	v12 =	vor.u32 v60, v61;
	v8 =	vadd.s32 v8, v11  }
0x82: {  	v6 =	vadd.s32 $0xE147AE00, v6;
	v10 =	vxor.u32 v12, v9;
	v62 =	vcvt.s32.f32 v8  }
0x83: {  	v9 =	vadd.s32 $0xD260ABC8, v9;
	v11 =	vshll.u32 v17, $0xD;
	v10 =	vadd.s32 $0x8C1266B1, v10  }
0x84: {  	v11 =	vor.u32 v18, v11;
	v9 =	vxor.u32 v9, v10;
	v15 =	vmul.f32 $3.276325150e-05, v62  }
0x85: {  	vm6 =	vlt.u32 v6, $0x3D70C00;
	v11 =	vxor.u32 v20, v11;
	v19 =	vshrl.u32 v9, $0x10  }
0x86: {  	v9 =	vand.u32 $0xFFFF, v9;
	v21 =	vmul.u32 $0x118C, v19;
	v16 =	vtrunc.f32 v15  }
0x87: {  	v22 =	vshrl.u32 v11, $0x11;
	v23 =	vshll.u32 v11, $0xF;
	v10 =	vcvt.f32.s32 v16  }
0x88: {  	v11 =	vadd.s32 v20, v11;
	v24 =	vor.u32 v22, v23;
	v9 =	vadd.s32 v9, v21  }
0x89: {  	v12 =	vxor.u32 v24, v11;
	v25 =	vcvt.s32.f32 v9;
	v10 =	vmul.u32 $0xFFFF88C6, v10  }
0x8a: {  	v53 =	vadd.s32 s30, v2;
	v55 =	vadd.s32 s30, v3;
	v26 =	vshrl.u32 v12, $0x6  }
0x8b: {  	v27 =	vshll.u32 v12, $0x1A;
	v13 =	vmul.f32 $3.276325150e-05, v25;
	v8 =	vadd.s32 v8, v10  }
0x8c: {  	v11 =	vadd.s32 v11, v12;
	v10 =	vor.u32 v26, v27;
	vm0 =	vlt.s32 v8, $0x0  }
0x8d: {  	v28 =	vadd.s32 $0x773A, v8;
	v10 =	vxor.u32 v10, v11;
	v13 =	vtrunc.f32 v13  }
0x8e: {  	v29 =	vshrl.u32 v10, $0x1A;
	v30 =	vshll.u32 v10, $0x6;
	v13 =	vcvt.f32.s32 v13  }
0x8f: {  	v10 =	vadd.s32 v11, v10;
	v8 =	vsel vm0, v28, v8;
	v31 =	vor.u32 v29, v30  }
0x90: {  	vm0 =	vgt.s32 v8, $0x7739;
	v34 =	vadd.s32 $0xFFFF88C6, v8;
	v11 =	vxor.u32 v31, v10  }
0x91: {  	v32 =	vmul.u32 $0xFFFF88C6, v13;
	v8 =	vsel vm0, v34, v8;
	v11 =	vadd.s32 $0x66CD0879, v11  }
0x92: {  	v10 =	vadd.s32 v11, v10;
	v33 =	vshrl.u32 v11, $0xF;
	v11 =	vshll.u32 v11, $0x11  }
0x93: {  	v46 =	vld [tilespmem:s14+$0xFFFFFFE0];
	v9 =	vadd.s32 v9, v32;
	v10 =	vadd.s32 $0x1022172D, v10;
	v11 =	vor.u32 v33, v11  }
0x94: {  	vm5 =	vlt.s32 v9, $0x0;
	v37 =	vadd.s32 $0x773A, v9;
	v11 =	vxor.u32 v11, v10  }
0x95: {  	v8 =	vmul.u32 $0xBCE, v8;
	v9 =	vsel vm5, v37, v9;
	v35 =	vshrl.u32 v11, $0x3  }
0x96: {  	v36 =	vshll.u32 v11, $0x1D;
	vm0 =	vgt.s32 v9, $0x7739;
	v14 =	vadd.s32 $0xFFFF88C6, v9  }
0x97: {  	v10 =	vadd.s32 v10, v11;
	v38 =	vor.u32 v35, v36;
	v9 =	vsel vm0, v14, v9  }
0x98: {  	v6 =	vnsel vm1, $0xFFFFFF9C, v46;
	v11 =	vxor.u32 v38, v10;
	v8 =	vadd.s32 v9, v8  }
0x99: {  	v39 =	vshrl.u32 v11, $0x10;
	v40 =	vshll.u32 v11, $0x10;
	v44 =	vcvt.s32.f32 v8  }
0x9a: {  	v54 =	vshrl.u32 v53, $0x13;
	v10 =	vadd.s32 v10, v11;
	v41 =	vor.u32 v39, v40  }
0x9b: {  	v39 =	vadd.s32 s30, v4;
	v11 =	vxor.u32 v41, v10;
	v45 =	vmul.f32 $3.276325150e-05, v44  }
0x9c: {  	v40 =	vshrl.u32 v39, $0x13;
	v14 =	vshll.u32 v39, $0xD;
	v41 =	vadd.s32 s30, v5  }
0x9d: {  	v42 =	vshrl.u32 v11, $0x8;
	v43 =	vshll.u32 v11, $0x18;
	v14 =	vor.u32 v40, v14  }
0x9e: {  	v10 =	vadd.s32 v10, v11;
	v9 =	vor.u32 v42, v43;
	v14 =	vxor.u32 v41, v14  }
0x9f: {  	v7 =	vxor.u32 v9, v10;
	v9 =	vtrunc.f32 v45;
	v43 =	vshrl.u32 v14, $0x11  }
0xa0: {  	v17 =	vshll.u32 v14, $0xF;
	v7 =	vadd.s32 $0x6D3E0491, v7;
	v9 =	vcvt.f32.s32 v9  }
0xa1: {  	v10 =	vadd.s32 v7, v10;
	v47 =	vshrl.u32 v7, $0x13;
	v7 =	vshll.u32 v7, $0xD  }
0xa2: {  	v13 =	vadd.s32 v41, v14;
	v10 =	vadd.s32 $0x66CD0878, v10;
	v7 =	vor.u32 v47, v7  }
0xa3: {  	v16 =	vor.u32 v43, v17;
	v9 =	vmul.u32 $0xFFFF88C6, v9;
	v7 =	vxor.u32 v7, v10  }
0xa4: {  	v48 =	vshrl.u32 v7, $0x11;
	v49 =	vshll.u32 v7, $0xF;
	v10 =	vadd.s32 v10, v7  }
0xa5: {  	v7 =	vsel vm2, $0x67, v46;
	v8 =	vadd.s32 v8, v9;
	v46 =	vxor.u32 v16, v13  }
0xa6: {  	v12 =	vor.u32 v48, v49;
	vm7 =	vlt.s32 v8, $0x0;
	v21 =	vadd.s32 $0x773A, v8  }
0xa7: {  	v47 =	vshrl.u32 v46, $0x6;
	v16 =	vshll.u32 v46, $0x1A;
	v13 =	vadd.s32 v13, v46  }
0xa8: {  	v12 =	vxor.u32 v12, v10;
	v8 =	vsel vm7, v21, v8;
	v48 =	vor.u32 v47, v16  }
0xa9: {  	v50 =	vadd.s32 v10, v12;
	v51 =	vshrl.u32 v12, $0x6;
	v52 =	vshll.u32 v12, $0x1A  }
0xaa: {  	v12 =	vshll.u32 v53, $0xD;
	vm1 =	vgt.s32 v8, $0x7739;
	v37 =	vadd.s32 $0xFFFF88C6, v8  }
0xab: {  	v14 =	vxor.u32 v48, v13;
	v10 =	vor.u32 v51, v52;
	v11 =	vor.u32 v54, v12  }
0xac: {  	v8 =	vsel vm1, v37, v8;
	v51 =	vshll.u32 v14, $0x6;
	v13 =	vadd.s32 v13, v14  }
0xad: {  	v10 =	vxor.u32 v10, v50;
	v11 =	vxor.u32 v55, v11;
	v7 =	vsel vm6, v8, v7  }
0xae: {  	v9 =	vadd.s32 v50, v10;
	v56 =	vshrl.u32 v10, $0x1A;
	v10 =	vshll.u32 v10, $0x6  }
0xaf: {  	v57 =	vshrl.u32 v11, $0x11;
	v58 =	vshll.u32 v11, $0xF;
	v11 =	vadd.s32 v55, v11  }
0xb0: {  	v50 =	vshrl.u32 v14, $0x1A;
	v10 =	vor.u32 v56, v10;
	v59 =	vor.u32 v57, v58  }
0xb1: {  	v52 =	vor.u32 v50, v51;
	v10 =	vxor.u32 v10, v9;
	v12 =	vxor.u32 v59, v11  }
0xb2: {  	v14 =	vxor.u32 v52, v13;
	v10 =	vadd.s32 $0x10221730, v10;
	v60 =	vshrl.u32 v12, $0x6  }
0xb3: {  	v61 =	vshll.u32 v12, $0x1A;
	v11 =	vadd.s32 v11, v12;
	v14 =	vadd.s32 $0xD260ABC9, v14  }
0xb4: {  	v9 =	vadd.s32 v10, v9;
	v62 =	vor.u32 v60, v61;
	v63 =	vshrl.u32 v10, $0xF  }
0xb5: {  	v10 =	vshll.u32 v10, $0x11;
	v13 =	vadd.s32 v14, v13;
	v55 =	vshrl.u32 v14, $0xF  }
0xb6: {  	v14 =	vshll.u32 v14, $0x11;
	v9 =	vadd.s32 $0x6D3E048F, v9;
	v12 =	vxor.u32 v62, v11  }
0xb7: {  	v10 =	vor.u32 v63, v10;
	v13 =	vadd.s32 $0x45A3D6BE, v13;
	v14 =	vor.u32 v55, v14  }
0xb8: {  	v18 =	vshrl.u32 v12, $0x1A;
	v19 =	vshll.u32 v12, $0x6;
	v11 =	vadd.s32 v11, v12  }
0xb9: {  	v10 =	vxor.u32 v10, v9;
	v14 =	vxor.u32 v14, v13;
	v20 =	vor.u32 v18, v19  }
0xba: {  	v22 =	vshrl.u32 v10, $0x3;
	v24 =	vshll.u32 v10, $0x1D;
	v9 =	vadd.s32 v9, v10  }
0xbb: {  	v56 =	vshrl.u32 v14, $0x3;
	v57 =	vshll.u32 v14, $0x1D;
	v13 =	vadd.s32 v13, v14  }
0xbc: {  	v12 =	vxor.u32 v20, v11;
	v25 =	vor.u32 v22, v24;
	v58 =	vor.u32 v56, v57  }
0xbd: {  	v12 =	vadd.s32 $0xA1992F1F, v12;
	v10 =	vxor.u32 v25, v9;
	v14 =	vxor.u32 v58, v13  }
0xbe: {  	v11 =	vadd.s32 v12, v11;
	v23 =	vshrl.u32 v12, $0xF;
	v12 =	vshll.u32 v12, $0x11  }
0xbf: {  	v9 =	vadd.s32 v9, v10;
	v29 =	vshrl.u32 v10, $0x10;
	v10 =	vshll.u32 v10, $0x10  }
0xc0: {  	v60 =	vshrl.u32 v14, $0x10;
	v61 =	vshll.u32 v14, $0x10;
	v13 =	vadd.s32 v13, v14  }
0xc1: {  	v11 =	vadd.s32 $0x7B3B635, v11;
	v12 =	vor.u32 v23, v12;
	v10 =	vor.u32 v29, v10  }
0xc2: {  	v62 =	vor.u32 v60, v61;
	v12 =	vxor.u32 v12, v11;
	v10 =	vxor.u32 v10, v9  }
0xc3: {  	v14 =	vxor.u32 v62, v13;
	v26 =	vshrl.u32 v12, $0x3;
	v27 =	vshll.u32 v12, $0x1D  }
0xc4: {  	v11 =	vadd.s32 v11, v12;
	v9 =	vadd.s32 v9, v10;
	v33 =	vshrl.u32 v10, $0x8  }
0xc5: {  	v10 =	vshll.u32 v10, $0x18;
	v20 =	vshrl.u32 v14, $0x8;
	v21 =	vshll.u32 v14, $0x18  }
0xc6: {  	v13 =	vadd.s32 v13, v14;
	v28 =	vor.u32 v26, v27;
	v10 =	vor.u32 v33, v10  }
0xc7: {  	v16 =	vor.u32 v20, v21;
	v12 =	vxor.u32 v28, v11;
	v10 =	vxor.u32 v10, v9  }
0xc8: {  	v24 =	vxor.u32 v16, v13;
	v30 =	vshrl.u32 v12, $0x10;
	v31 =	vshll.u32 v12, $0x10  }
0xc9: {  	v11 =	vadd.s32 v11, v12;
	v10 =	vadd.s32 $0x66CD087C, v10;
	v14 =	vadd.s32 $0x8C1266AE, v24  }
0xca: {  	v32 =	vor.u32 v30, v31;
	v9 =	vadd.s32 v10, v9;
	v53 =	vshrl.u32 v10, $0x13  }
0xcb: {  	v10 =	vshll.u32 v10, $0xD;
	v13 =	vadd.s32 v14, v13;
	v25 =	vshrl.u32 v14, $0x13  }
0xcc: {  	v14 =	vshll.u32 v14, $0xD;
	v12 =	vxor.u32 v32, v11;
	v9 =	vadd.s32 $0x1022172D, v9  }
0xcd: {  	v10 =	vor.u32 v53, v10;
	v13 =	vadd.s32 $0xD260ABC8, v13;
	v14 =	vor.u32 v25, v14  }
0xce: {  	v34 =	vshrl.u32 v12, $0x8;
	v35 =	vshll.u32 v12, $0x18;
	v11 =	vadd.s32 v11, v12  }
0xcf: {  	v10 =	vxor.u32 v10, v9;
	v14 =	vxor.u32 v14, v13;
	v36 =	vor.u32 v34, v35  }
0xd0: {  	v27 =	vshrl.u32 v14, $0x11;
	v28 =	vshll.u32 v14, $0xF;
	v13 =	vadd.s32 v13, v14  }
0xd1: {  	v9 =	vadd.s32 v9, v10;
	v37 =	vshrl.u32 v10, $0x11;
	v10 =	vshll.u32 v10, $0xF  }
0xd2: {  	v12 =	vxor.u32 v36, v11;
	v29 =	vor.u32 v27, v28;
	v10 =	vor.u32 v37, v10  }
0xd3: {  	v12 =	vadd.s32 $0xBDFB82F3, v12;
	v14 =	vxor.u32 v29, v13;
	v10 =	vxor.u32 v10, v9  }
0xd4: {  	v11 =	vadd.s32 v12, v11;
	v38 =	vshrl.u32 v12, $0x13;
	v12 =	vshll.u32 v12, $0xD  }
0xd5: {  	v31 =	vshrl.u32 v14, $0x6;
	v32 =	vshll.u32 v14, $0x1A;
	v13 =	vadd.s32 v13, v14  }
0xd6: {  	v56 =	vshrl.u32 v10, $0x6;
	v11 =	vadd.s32 $0xA1992F1E, v11;
	v12 =	vor.u32 v38, v12  }
0xd7: {  	v62 =	vshll.u32 v10, $0x1A;
	v33 =	vor.u32 v31, v32;
	v12 =	vxor.u32 v12, v11  }
0xd8: {  	v14 =	vxor.u32 v33, v13;
	v42 =	vshrl.u32 v12, $0x11;
	v44 =	vshll.u32 v12, $0xF  }
0xd9: {  	v11 =	vadd.s32 v11, v12;
	v34 =	vshrl.u32 v14, $0x1A;
	v35 =	vshll.u32 v14, $0x6  }
0xda: {  	v13 =	vadd.s32 v13, v14;
	v45 =	vor.u32 v42, v44;
	v36 =	vor.u32 v34, v35  }
0xdb: {  	v9 =	vadd.s32 v9, v10;
	v12 =	vxor.u32 v45, v11;
	v14 =	vxor.u32 v36, v13  }
0xdc: {  	v11 =	vadd.s32 v11, v12;
	v49 =	vshrl.u32 v12, $0x6;
	v12 =	vshll.u32 v12, $0x1A  }
0xdd: {  	s31 =	sadd.s32 $0xFFFFFFF0, s16;
	v21 =	vor.u32 v56, v62;
	v14 =	vadd.s32 $0x45A3D6C1, v14;
	v12 =	vor.u32 v49, v12  }
0xde: {  	v31 =	vadd.s32 s31, v0;
	v13 =	vadd.s32 v14, v13;
	v12 =	vxor.u32 v12, v11  }
0xdf: {  	v11 =	vadd.s32 v11, v12;
	v54 =	vshrl.u32 v12, $0x1A;
	v12 =	vshll.u32 v12, $0x6  }
0xe0: {  	v39 =	vshrl.u32 v14, $0xF;
	v14 =	vshll.u32 v14, $0x11;
	v12 =	vor.u32 v54, v12  }
0xe1: {  	v13 =	vadd.s32 $0x8C1266AC, v13;
	v14 =	vor.u32 v39, v14;
	v12 =	vxor.u32 v12, v11  }
0xe2: {  	v32 =	vshrl.u32 v31, $0x13;
	v14 =	vxor.u32 v14, v13;
	v12 =	vadd.s32 $0x7B3B638, v12  }
0xe3: {  	v11 =	vadd.s32 v12, v11;
	v59 =	vshrl.u32 v12, $0xF;
	v12 =	vshll.u32 v12, $0x11  }
0xe4: {  	v13 =	vadd.s32 v13, v14;
	v12 =	vor.u32 v59, v12;
	v11 =	vadd.s32 $0xBDFB82F1, v11  }
0xe5: {  	v40 =	vshrl.u32 v14, $0x3;
	v14 =	vshll.u32 v14, $0x1D;
	v12 =	vxor.u32 v12, v11  }
0xe6: {  	v14 =	vor.u32 v40, v14;
	v63 =	vshrl.u32 v12, $0x3;
	v22 =	vshll.u32 v12, $0x1D  }
0xe7: {  	v14 =	vxor.u32 v14, v13;
	v11 =	vadd.s32 v11, v12;
	v23 =	vor.u32 v63, v22  }
0xe8: {  	v44 =	vshrl.u32 v14, $0x10;
	v45 =	vshll.u32 v14, $0x10;
	v12 =	vxor.u32 v23, v11  }
0xe9: {  	v11 =	vadd.s32 v11, v12;
	v26 =	vshrl.u32 v12, $0x10;
	v12 =	vshll.u32 v12, $0x10  }
0xea: {  	v13 =	vadd.s32 v13, v14;
	v46 =	vor.u32 v44, v45;
	v12 =	vor.u32 v26, v12  }
0xeb: {  	v33 =	vadd.s32 s31, v1;
	v14 =	vxor.u32 v46, v13;
	v12 =	vxor.u32 v12, v11  }
0xec: {  	v11 =	vadd.s32 v11, v12;
	v30 =	vshrl.u32 v12, $0x8;
	v12 =	vshll.u32 v12, $0x18  }
0xed: {  	v48 =	vshrl.u32 v14, $0x8;
	v49 =	vshll.u32 v14, $0x18;
	v12 =	vor.u32 v30, v12  }
0xee: {  	v13 =	vadd.s32 v13, v14;
	v50 =	vor.u32 v48, v49;
	v12 =	vxor.u32 v12, v11  }
0xef: {  	v22 =	vxor.u32 v21, v9;
	v14 =	vxor.u32 v50, v13;
	v12 =	vadd.s32 $0xA1992F22, v12  }
0xf0: {  	v11 =	vadd.s32 v12, v11;
	v38 =	vshrl.u32 v12, $0x13;
	v12 =	vshll.u32 v12, $0xD  }
0xf1: {  	v24 =	vshrl.u32 v22, $0x1A;
	v11 =	vadd.s32 $0x7B3B635, v11;
	v12 =	vor.u32 v38, v12  }
0xf2: {  	v27 =	vshll.u32 v22, $0x6;
	v8 =	vadd.s32 v9, v22;
	v12 =	vxor.u32 v12, v11  }
0xf3: {  	v14 =	vadd.s32 $0xD260ABCC, v14;
	v41 =	vshrl.u32 v12, $0x11;
	v42 =	vshll.u32 v12, $0xF  }
0xf4: {  	v13 =	vadd.s32 v14, v13;
	v11 =	vadd.s32 v11, v12;
	v43 =	vor.u32 v41, v42  }
0xf5: {  	v52 =	vshrl.u32 v14, $0x13;
	v14 =	vshll.u32 v14, $0xD;
	v12 =	vxor.u32 v43, v11  }
0xf6: {  	v11 =	vadd.s32 v11, v12;
	v47 =	vshrl.u32 v12, $0x6;
	v12 =	vshll.u32 v12, $0x1A  }
0xf7: {  	v13 =	vadd.s32 $0x45A3D6BE, v13;
	v14 =	vor.u32 v52, v14;
	v12 =	vor.u32 v47, v12  }
0xf8: {  	v28 =	vor.u32 v24, v27;
	v14 =	vxor.u32 v14, v13;
	v12 =	vxor.u32 v12, v11  }
0xf9: {  	v11 =	vadd.s32 v11, v12;
	v51 =	vshrl.u32 v12, $0x1A;
	v12 =	vshll.u32 v12, $0x6  }
0xfa: {  	v53 =	vshrl.u32 v14, $0x11;
	v54 =	vshll.u32 v14, $0xF;
	v12 =	vor.u32 v51, v12  }
0xfb: {  	v13 =	vadd.s32 v13, v14;
	v55 =	vor.u32 v53, v54;
	v12 =	vxor.u32 v12, v11  }
0xfc: {  	v57 =	vxor.u32 v55, v13;
	v11 =	vadd.s32 $0xA1992F1E, v11;
	v12 =	vadd.s32 $0xBDFB82F6, v12  }
0xfd: {  	v14 =	vshrl.u32 v57, $0x6;
	v58 =	vshll.u32 v57, $0x1A;
	v11 =	vxor.u32 v11, v12  }
0xfe: {  	v60 =	vor.u32 v14, v58;
	v12 =	vadd.s32 v13, v57;
	v59 =	vshrl.u32 v11, $0x10  }
0xff: {  	v9 =	vxor.u32 v28, v8;
	v13 =	vxor.u32 v60, v12;
	v61 =	vmul.u32 $0x118C, v59  }
0x100: {  	v11 =	vand.u32 $0xFFFF, v11;
	v63 =	vshrl.u32 v13, $0x1A;
	v18 =	vshll.u32 v13, $0x6  }
0x101: {  	v12 =	vadd.s32 v12, v13;
	v19 =	vor.u32 v63, v18;
	v11 =	vadd.s32 v11, v61  }
0x102: {  	v8 =	vadd.s32 $0x66CD0878, v8;
	v13 =	vxor.u32 v19, v12;
	v20 =	vcvt.s32.f32 v11  }
0x103: {  	v9 =	vadd.s32 $0x6D3E0494, v9;
	v12 =	vadd.s32 $0xD260ABC8, v12;
	v13 =	vadd.s32 $0x8C1266B1, v13  }
0x104: {  	v8 =	vxor.u32 v8, v9;
	v23 =	vxor.u32 v12, v13;
	v14 =	vmul.f32 $3.276325150e-05, v20  }
0x105: {  	vm11 =	vlt.u32 v8, $0x26666800;
	vm12 =	vlt.u32 v8, $0x1EB85200;
	v26 =	vshrl.u32 v23, $0x10  }
0x106: {  	v8 =	vadd.s32 $0xE147AE00, v8;
	v25 =	vtrunc.f32 v14;
	v14 =	vmul.u32 $0x118C, v26  }
0x107: {  	vm13 =	vlt.u32 v8, $0x3D70C00;
	v10 =	vand.u32 $0xFFFF, v23;
	v13 =	vcvt.f32.s32 v25  }
0x108: {  	v57 =	vadd.s32 s31, v2;
	v10 =	vadd.s32 v10, v14;
	v14 =	vshll.u32 v31, $0xD  }
0x109: {  	v29 =	vmul.u32 $0xFFFF88C6, v13;
	v30 =	vcvt.s32.f32 v10;
	v12 =	vor.u32 v32, v14  }
0x10a: {  	v58 =	vshrl.u32 v57, $0x13;
	v59 =	vadd.s32 s31, v3;
	v12 =	vxor.u32 v33, v12  }
0x10b: {  	v11 =	vadd.s32 v11, v29;
	v13 =	vmul.f32 $3.276325150e-05, v30;
	v35 =	vshrl.u32 v12, $0x11  }
0x10c: {  	v36 =	vshll.u32 v12, $0xF;
	v12 =	vadd.s32 v33, v12;
	vm8 =	vlt.s32 v11, $0x0  }
0x10d: {  	v34 =	vadd.s32 $0x773A, v11;
	v37 =	vor.u32 v35, v36;
	v13 =	vtrunc.f32 v13  }
0x10e: {  	v11 =	vsel vm8, v34, v11;
	v38 =	vxor.u32 v37, v12;
	v13 =	vcvt.f32.s32 v13  }
0x10f: {  	v15 =	vshrl.u32 v38, $0x6;
	v39 =	vshll.u32 v38, $0x1A;
	vm0 =	vgt.s32 v11, $0x7739  }
0x110: {  	v12 =	vadd.s32 v12, v38;
	v41 =	vadd.s32 $0xFFFF88C6, v11;
	v40 =	vor.u32 v15, v39  }
0x111: {  	v11 =	vsel vm0, v41, v11;
	v13 =	vmul.u32 $0xFFFF88C6, v13;
	v42 =	vxor.u32 v40, v12  }
0x112: {  	v11 =	vmul.u32 $0xBCE, v11;
	v14 =	vshrl.u32 v42, $0x1A;
	v43 =	vshll.u32 v42, $0x6  }
0x113: {  	v12 =	vadd.s32 v12, v42;
	v10 =	vadd.s32 v10, v13;
	v14 =	vor.u32 v14, v43  }
0x114: {  	vm9 =	vlt.s32 v10, $0x0;
	v44 =	vadd.s32 $0x773A, v10;
	v45 =	vxor.u32 v14, v12  }
0x115: {  	v43 =	vadd.s32 s31, v4;
	v10 =	vsel vm9, v44, v10;
	v13 =	vadd.s32 $0x66CD0879, v45  }
0x116: {  	v44 =	vshrl.u32 v43, $0x13;
	vm10 =	vgt.s32 v10, $0x7739;
	v12 =	vadd.s32 v13, v12  }
0x117: {  	v46 =	vshrl.u32 v13, $0xF;
	v13 =	vshll.u32 v13, $0x11;
	v47 =	vadd.s32 $0xFFFF88C6, v10  }
0x118: {  	[tilespmem:s15+$0xFFFFFFE0] =	vst v6;
	v12 =	vadd.s32 $0x1022172D, v12;
	v13 =	vor.u32 v46, v13;
	v6 =	vsel vm10, v47, v10  }
0x119: {  	v48 =	vxor.u32 v13, v12;
	v10 =	vadd.s32 v6, v11;
	v13 =	vshll.u32 v57, $0xD  }
0x11a: {  	[tilespmem:s13+$0xFFFFFFE0] =	vst v7;
	v7 =	vshrl.u32 v48, $0x3;
	v49 =	vshll.u32 v48, $0x1D;
	v50 =	vcvt.s32.f32 v10  }
0x11b: {  	v9 =	vadd.s32 v12, v48;
	v12 =	vor.u32 v58, v13;
	v7 =	vor.u32 v7, v49  }
0x11c: {  	v45 =	vadd.s32 s31, v5;
	v6 =	vld [tilespmem:s14+$0xFFFFFFF0];
	v12 =	vxor.u32 v59, v12;
	v7 =	vxor.u32 v7, v9  }
0x11d: {  	v51 =	vmul.f32 $3.276325150e-05, v50;
	v60 =	vshrl.u32 v12, $0x11;
	v61 =	vshll.u32 v12, $0xF  }
0x11e: {  	v12 =	vadd.s32 v59, v12;
	v52 =	vshrl.u32 v7, $0x10;
	v53 =	vshll.u32 v7, $0x10  }
0x11f: {  	v9 =	vadd.s32 v9, v7;
	v13 =	vor.u32 v60, v61;
	v7 =	vor.u32 v52, v53  }
0x120: {  	v54 =	vtrunc.f32 v51;
	v13 =	vxor.u32 v13, v12;
	v55 =	vxor.u32 v7, v9  }
0x121: {  	v7 =	vsel vm12, $0x67, v6;
	v8 =	vcvt.f32.s32 v54;
	v63 =	vshrl.u32 v13, $0x6  }
0x122: {  	v18 =	vshll.u32 v13, $0x1A;
	v12 =	vadd.s32 v12, v13;
	v6 =	vnsel vm11, $0xFFFFFF9C, v6  }
0x123: {  	v56 =	vshrl.u32 v55, $0x8;
	v11 =	vshll.u32 v55, $0x18;
	v19 =	vor.u32 v63, v18  }
0x124: {  	v9 =	vadd.s32 v9, v55;
	v11 =	vor.u32 v56, v11;
	v13 =	vxor.u32 v19, v12  }
0x125: {  	v8 =	vmul.u32 $0xFFFF88C6, v8;
	v11 =	vxor.u32 v11, v9;
	v21 =	vshrl.u32 v13, $0x1A  }
0x126: {  	v22 =	vshll.u32 v13, $0x6;
	v12 =	vadd.s32 v12, v13;
	v13 =	vshll.u32 v43, $0xD  }
0x127: {  	v11 =	vadd.s32 $0x6D3E0491, v11;
	v23 =	vor.u32 v21, v22;
	v8 =	vadd.s32 v10, v8  }
0x128: {  	v13 =	vor.u32 v44, v13;
	v9 =	vadd.s32 v11, v9;
	v62 =	vshrl.u32 v11, $0x13  }
0x129: {  	v11 =	vshll.u32 v11, $0xD;
	v25 =	vxor.u32 v23, v12;
	vm14 =	vlt.s32 v8, $0x0  }
0x12a: {  	v36 =	vadd.s32 $0x773A, v8;
	v13 =	vxor.u32 v45, v13;
	v9 =	vadd.s32 $0x66CD0878, v9  }
0x12b: {  	v11 =	vor.u32 v62, v11;
	v8 =	vsel vm14, v36, v8;
	v47 =	vshrl.u32 v13, $0x11  }
0x12c: {  	v48 =	vshll.u32 v13, $0xF;
	v13 =	vadd.s32 v45, v13;
	v11 =	vxor.u32 v11, v9  }
0x12d: {  	v14 =	vor.u32 v47, v48;
	vm2 =	vgt.s32 v8, $0x7739;
	v9 =	vadd.s32 v9, v11  }
0x12e: {  	v20 =	vshrl.u32 v11, $0x11;
	v11 =	vshll.u32 v11, $0xF;
	v14 =	vxor.u32 v14, v13  }
0x12f: {  	v11 =	vor.u32 v20, v11;
	v13 =	vadd.s32 v13, v14;
	v49 =	vshrl.u32 v14, $0x6  }
0x130: {  	v14 =	vshll.u32 v14, $0x1A;
	v24 =	vxor.u32 v11, v9;
	v11 =	vadd.s32 $0xA1992F1F, v25  }
0x131: {  	v14 =	vor.u32 v49, v14;
	v26 =	vshrl.u32 v24, $0x6;
	v12 =	vadd.s32 v11, v12  }
0x132: {  	v27 =	vshrl.u32 v11, $0xF;
	v11 =	vshll.u32 v11, $0x11;
	v28 =	vshll.u32 v24, $0x1A  }
0x133: {  	v9 =	vadd.s32 v9, v24;
	v14 =	vxor.u32 v14, v13;
	v12 =	vadd.s32 $0x7B3B635, v12  }
0x134: {  	v11 =	vor.u32 v27, v11;
	v29 =	vor.u32 v26, v28;
	v13 =	vadd.s32 v13, v14  }
0x135: {  	v53 =	vshrl.u32 v14, $0x1A;
	v14 =	vshll.u32 v14, $0x6;
	v11 =	vxor.u32 v11, v12  }
0x136: {  	v10 =	vxor.u32 v29, v9;
	v14 =	vor.u32 v53, v14;
	v30 =	vshrl.u32 v11, $0x3  }
0x137: {  	v31 =	vshll.u32 v11, $0x1D;
	v9 =	vadd.s32 v9, v10;
	v11 =	vadd.s32 v12, v11  }
0x138: {  	v33 =	vshrl.u32 v10, $0x1A;
	v10 =	vshll.u32 v10, $0x6;
	v14 =	vxor.u32 v14, v13  }
0x139: {  	v32 =	vor.u32 v30, v31;
	v10 =	vor.u32 v33, v10;
	v14 =	vadd.s32 $0xD260ABC9, v14  }
0x13a: {  	v12 =	vxor.u32 v32, v11;
	v10 =	vxor.u32 v10, v9;
	v13 =	vadd.s32 v14, v13  }
0x13b: {  	v56 =	vshrl.u32 v14, $0xF;
	v14 =	vshll.u32 v14, $0x11;
	v34 =	vshrl.u32 v12, $0x10  }
0x13c: {  	v35 =	vshll.u32 v12, $0x10;
	v11 =	vadd.s32 v11, v12;
	v10 =	vadd.s32 $0x10221730, v10  }
0x13d: {  	v14 =	vor.u32 v56, v14;
	v13 =	vadd.s32 $0x45A3D6BE, v13;
	v37 =	vor.u32 v34, v35  }
0x13e: {  	v9 =	vadd.s32 v10, v9;
	v41 =	vshrl.u32 v10, $0xF;
	v10 =	vshll.u32 v10, $0x11  }
0x13f: {  	v14 =	vxor.u32 v14, v13;
	v12 =	vxor.u32 v37, v11;
	v9 =	vadd.s32 $0x6D3E048F, v9  }
0x140: {  	v10 =	vor.u32 v41, v10;
	v59 =	vshrl.u32 v14, $0x3;
	v60 =	vshll.u32 v14, $0x1D  }
0x141: {  	v13 =	vadd.s32 v13, v14;
	v38 =	vshrl.u32 v12, $0x8;
	v39 =	vshll.u32 v12, $0x18  }
0x142: {  	v11 =	vadd.s32 v11, v12;
	v10 =	vxor.u32 v10, v9;
	v61 =	vor.u32 v59, v60  }
0x143: {  	v40 =	vor.u32 v38, v39;
	v9 =	vadd.s32 v9, v10;
	v54 =	vshrl.u32 v10, $0x3  }
0x144: {  	v10 =	vshll.u32 v10, $0x1D;
	v14 =	vxor.u32 v61, v13;
	v12 =	vxor.u32 v40, v11  }
0x145: {  	v10 =	vor.u32 v54, v10;
	v13 =	vadd.s32 v13, v14;
	v62 =	vshrl.u32 v14, $0x10  }
0x146: {  	v14 =	vshll.u32 v14, $0x10;
	v12 =	vadd.s32 $0xBDFB82F3, v12;
	v10 =	vxor.u32 v10, v9  }
0x147: {  	v14 =	vor.u32 v62, v14;
	v11 =	vadd.s32 v12, v11;
	v42 =	vshrl.u32 v12, $0x13  }
0x148: {  	v12 =	vshll.u32 v12, $0xD;
	v9 =	vadd.s32 v9, v10;
	v20 =	vshrl.u32 v10, $0x10  }
0x149: {  	v14 =	vxor.u32 v14, v13;
	v10 =	vshll.u32 v10, $0x10;
	v11 =	vadd.s32 $0xA1992F1E, v11  }
0x14a: {  	v12 =	vor.u32 v42, v12;
	v13 =	vadd.s32 v13, v14;
	v21 =	vshrl.u32 v14, $0x8  }
0x14b: {  	v14 =	vshll.u32 v14, $0x18;
	v10 =	vor.u32 v20, v10;
	v12 =	vxor.u32 v12, v11  }
0x14c: {  	v14 =	vor.u32 v21, v14;
	v10 =	vxor.u32 v10, v9;
	v11 =	vadd.s32 v11, v12  }
0x14d: {  	v46 =	vshrl.u32 v12, $0x11;
	v12 =	vshll.u32 v12, $0xF;
	v14 =	vxor.u32 v14, v13  }
0x14e: {  	v9 =	vadd.s32 v9, v10;
	v35 =	vshrl.u32 v10, $0x8;
	v10 =	vshll.u32 v10, $0x18  }
0x14f: {  	v12 =	vor.u32 v46, v12;
	v14 =	vadd.s32 $0x8C1266AE, v14;
	v10 =	vor.u32 v35, v10  }
0x150: {  	v12 =	vxor.u32 v12, v11;
	v13 =	vadd.s32 v14, v13;
	v23 =	vshrl.u32 v14, $0x13  }
0x151: {  	v14 =	vshll.u32 v14, $0xD;
	v10 =	vxor.u32 v10, v9;
	v50 =	vshrl.u32 v12, $0x6  }
0x152: {  	v51 =	vshll.u32 v12, $0x1A;
	v11 =	vadd.s32 v11, v12;
	v14 =	vor.u32 v23, v14  }
0x153: {  	v13 =	vadd.s32 $0xD260ABC8, v13;
	v10 =	vadd.s32 $0x66CD087C, v10;
	v52 =	vor.u32 v50, v51  }
0x154: {  	v14 =	vxor.u32 v14, v13;
	v9 =	vadd.s32 v10, v9;
	v53 =	vshrl.u32 v10, $0x13  }
0x155: {  	v10 =	vshll.u32 v10, $0xD;
	v12 =	vxor.u32 v52, v11;
	v26 =	vshrl.u32 v14, $0x11  }
0x156: {  	v27 =	vshll.u32 v14, $0xF;
	v13 =	vadd.s32 v13, v14;
	v10 =	vor.u32 v53, v10  }
0x157: {  	v9 =	vadd.s32 $0x1022172D, v9;
	v55 =	vshrl.u32 v12, $0x1A;
	v57 =	vshll.u32 v12, $0x6  }
0x158: {  	v11 =	vadd.s32 v11, v12;
	v28 =	vor.u32 v26, v27;
	v10 =	vxor.u32 v10, v9  }
0x159: {  	v58 =	vor.u32 v55, v57;
	v14 =	vxor.u32 v28, v13;
	v9 =	vadd.s32 v9, v10  }
0x15a: {  	v12 =	vxor.u32 v58, v11;
	v30 =	vshrl.u32 v14, $0x6;
	v31 =	vshll.u32 v14, $0x1A  }
0x15b: {  	v13 =	vadd.s32 v13, v14;
	v12 =	vadd.s32 $0x7B3B638, v12;
	v32 =	vor.u32 v30, v31  }
0x15c: {  	v11 =	vadd.s32 v12, v11;
	v63 =	vshrl.u32 v12, $0xF;
	v12 =	vshll.u32 v12, $0x11  }
0x15d: {  	v14 =	vxor.u32 v32, v13;
	v12 =	vor.u32 v63, v12;
	v11 =	vadd.s32 $0xBDFB82F1, v11  }
0x15e: {  	v13 =	vadd.s32 v13, v14;
	v33 =	vshrl.u32 v14, $0x1A;
	v14 =	vshll.u32 v14, $0x6  }
0x15f: {  	v59 =	vshrl.u32 v10, $0x11;
	v12 =	vxor.u32 v12, v11;
	v14 =	vor.u32 v33, v14  }
0x160: {  	v22 =	vshrl.u32 v12, $0x3;
	v24 =	vshll.u32 v12, $0x1D;
	v14 =	vxor.u32 v14, v13  }
0x161: {  	v11 =	vadd.s32 v11, v12;
	v25 =	vor.u32 v22, v24;
	v14 =	vadd.s32 $0x45A3D6C1, v14  }
0x162: {  	v12 =	vxor.u32 v25, v11;
	v13 =	vadd.s32 v14, v13;
	v36 =	vshrl.u32 v14, $0xF  }
0x163: {  	v14 =	vshll.u32 v14, $0x11;
	v11 =	vadd.s32 v11, v12;
	v29 =	vshrl.u32 v12, $0x10  }
0x164: {  	v12 =	vshll.u32 v12, $0x10;
	v13 =	vadd.s32 $0x8C1266AC, v13;
	v14 =	vor.u32 v36, v14  }
0x165: {  	v10 =	vshll.u32 v10, $0xF;
	v12 =	vor.u32 v29, v12;
	v14 =	vxor.u32 v14, v13  }
0x166: {  	v58 =	vadd.s32 $0xFFFF88C6, v8;
	v12 =	vxor.u32 v12, v11;
	v13 =	vadd.s32 v13, v14  }
0x167: {  	v37 =	vshrl.u32 v14, $0x3;
	v14 =	vshll.u32 v14, $0x1D;
	v11 =	vadd.s32 v11, v12  }
0x168: {  	v34 =	vshrl.u32 v12, $0x8;
	v12 =	vshll.u32 v12, $0x18;
	v14 =	vor.u32 v37, v14  }
0x169: {  	v10 =	vor.u32 v59, v10;
	v12 =	vor.u32 v34, v12;
	v14 =	vxor.u32 v14, v13  }
0x16a: {  	v8 =	vsel vm2, v58, v8;
	v12 =	vxor.u32 v12, v11;
	v39 =	vshrl.u32 v14, $0x10  }
0x16b: {  	v40 =	vshll.u32 v14, $0x10;
	v13 =	vadd.s32 v13, v14;
	v12 =	vadd.s32 $0xA1992F22, v12  }
0x16c: {  	v41 =	vor.u32 v39, v40;
	v11 =	vadd.s32 v12, v11;
	v38 =	vshrl.u32 v12, $0x13  }
0x16d: {  	v12 =	vshll.u32 v12, $0xD;
	v14 =	vxor.u32 v41, v13;
	v11 =	vadd.s32 $0x7B3B635, v11  }
0x16e: {  	v12 =	vor.u32 v38, v12;
	v43 =	vshrl.u32 v14, $0x8;
	v44 =	vshll.u32 v14, $0x18  }
0x16f: {  	v13 =	vadd.s32 v13, v14;
	v12 =	vxor.u32 v12, v11;
	v45 =	vor.u32 v43, v44  }
0x170: {  	v11 =	vadd.s32 v11, v12;
	v42 =	vshrl.u32 v12, $0x11;
	v12 =	vshll.u32 v12, $0xF  }
0x171: {  	v10 =	vxor.u32 v10, v9;
	v14 =	vxor.u32 v45, v13;
	v12 =	vor.u32 v42, v12  }
0x172: {  	v62 =	vshrl.u32 v10, $0x6;
	v14 =	vadd.s32 $0xD260ABCC, v14;
	v12 =	vxor.u32 v12, v11  }
0x173: {  	v13 =	vadd.s32 v14, v13;
	v47 =	vshrl.u32 v14, $0x13;
	v14 =	vshll.u32 v14, $0xD  }
0x174: {  	v11 =	vadd.s32 v11, v12;
	v46 =	vshrl.u32 v12, $0x6;
	v12 =	vshll.u32 v12, $0x1A  }
0x175: {  	v13 =	vadd.s32 $0x45A3D6BE, v13;
	v14 =	vor.u32 v47, v14;
	v12 =	vor.u32 v46, v12  }
0x176: {  	v9 =	vadd.s32 v9, v10;
	v14 =	vxor.u32 v14, v13;
	v12 =	vxor.u32 v12, v11  }
0x177: {  	v13 =	vadd.s32 v13, v14;
	v48 =	vshrl.u32 v14, $0x11;
	v14 =	vshll.u32 v14, $0xF  }
0x178: {  	v49 =	vshrl.u32 v12, $0x1A;
	v14 =	vor.u32 v48, v14;
	v50 =	vshll.u32 v12, $0x6  }
0x179: {  	v11 =	vadd.s32 v11, v12;
	v51 =	vor.u32 v49, v50;
	v14 =	vxor.u32 v14, v13  }
0x17a: {  	v13 =	vadd.s32 v13, v14;
	v52 =	vshrl.u32 v14, $0x6;
	v14 =	vshll.u32 v14, $0x1A  }
0x17b: {  	v7 =	vsel vm13, v8, v7;
	v12 =	vxor.u32 v51, v11;
	v14 =	vor.u32 v52, v14  }
0x17c: {  	v11 =	vadd.s32 $0xA1992F1E, v11;
	v12 =	vadd.s32 $0xBDFB82F6, v12;
	v14 =	vxor.u32 v14, v13  }
0x17d: {  	v63 =	vshll.u32 v10, $0x1A;
	v11 =	vxor.u32 v11, v12;
	v54 =	vadd.s32 v13, v14  }
0x17e: {  	v55 =	vshrl.u32 v14, $0x1A;
	v14 =	vshll.u32 v14, $0x6;
	v56 =	vshrl.u32 v11, $0x10  }
0x17f: {  	v18 =	vor.u32 v62, v63;
	v13 =	vor.u32 v55, v14;
	v57 =	vmul.u32 $0x118C, v56  }
0x180: {  	v19 =	vxor.u32 v18, v9;
	v11 =	vand.u32 $0xFFFF, v11;
	v13 =	vxor.u32 v13, v54  }
0x181: {  	v12 =	vadd.s32 $0xD260ABC8, v54;
	v11 =	vadd.s32 v11, v57;
	v13 =	vadd.s32 $0x8C1266B1, v13  }
0x182: {  	v21 =	vshrl.u32 v19, $0x1A;
	v14 =	vcvt.s32.f32 v11;
	v12 =	vxor.u32 v12, v13  }
0x183: {  	v22 =	vshll.u32 v19, $0x6;
	v8 =	vadd.s32 v9, v19;
	v61 =	vshrl.u32 v12, $0x10  }
0x184: {  	v23 =	vor.u32 v21, v22;
	v60 =	vmul.f32 $3.276325150e-05, v14;
	v14 =	vmul.u32 $0x118C, v61  }
0x185: {  	v27 =	vadd.s32 s16, v0;
	v9 =	vxor.u32 v23, v8;
	v12 =	vand.u32 $0xFFFF, v12  }
0x186: {  	v8 =	vadd.s32 $0x66CD0878, v8;
	v13 =	vtrunc.f32 v60;
	v12 =	vadd.s32 v12, v14  }
0x187: {  	v9 =	vadd.s32 $0x6D3E0494, v9;
	v13 =	vcvt.f32.s32 v13;
	v14 =	vcvt.s32.f32 v12  }
0x188: {  	v28 =	vshrl.u32 v27, $0x13;
	v29 =	vadd.s32 s16, v1;
	v8 =	vxor.u32 v8, v9  }
0x189: {  	v40 =	vadd.s32 s16, v2;
	v20 =	vmul.u32 $0xFFFF88C6, v13;
	v14 =	vmul.f32 $3.276325150e-05, v14  }
0x18a: {  	vm9 =	vlt.u32 v8, $0x1EB85200;
	v41 =	vshrl.u32 v40, $0x13;
	v42 =	vadd.s32 s16, v3  }
0x18b: {  	v10 =	vadd.s32 v11, v20;
	v24 =	vtrunc.f32 v14;
	v14 =	vshll.u32 v27, $0xD  }
0x18c: {  	v27 =	vadd.s32 s16, v4;
	vm15 =	vlt.s32 v10, $0x0;
	v11 =	vadd.s32 $0x773A, v10  }
0x18d: {  	v25 =	vcvt.f32.s32 v24;
	v13 =	vor.u32 v28, v14;
	v28 =	vshrl.u32 v27, $0x13  }
0x18e: {  	v15 =	vshll.u32 v27, $0xD;
	v10 =	vsel vm15, v11, v10;
	v13 =	vxor.u32 v29, v13  }
0x18f: {  	v15 =	vor.u32 v28, v15;
	vm1 =	vgt.s32 v10, $0x7739;
	v11 =	vmul.u32 $0xFFFF88C6, v25  }
0x190: {  	v26 =	vadd.s32 $0xFFFF88C6, v10;
	v31 =	vshrl.u32 v13, $0x11;
	v32 =	vshll.u32 v13, $0xF  }
0x191: {  	v10 =	vsel vm1, v26, v10;
	v33 =	vor.u32 v31, v32;
	v11 =	vadd.s32 v12, v11  }
0x192: {  	v10 =	vmul.u32 $0xBCE, v10;
	v12 =	vadd.s32 v29, v13;
	v29 =	vadd.s32 s16, v5  }
0x193: {  	vm4 =	vlt.s32 v11, $0x0;
	v30 =	vadd.s32 $0x773A, v11;
	v13 =	vxor.u32 v33, v12  }
0x194: {  	v15 =	vxor.u32 v29, v15;
	v11 =	vsel vm4, v30, v11;
	v34 =	vshrl.u32 v13, $0x6  }
0x195: {  	v35 =	vshll.u32 v13, $0x1A;
	vm1 =	vgt.s32 v11, $0x7739;
	v14 =	vadd.s32 $0xFFFF88C6, v11  }
0x196: {  	v36 =	vadd.s32 v12, v13;
	v37 =	vor.u32 v34, v35;
	v11 =	vsel vm1, v14, v11  }
0x197: {  	v12 =	vxor.u32 v37, v36;
	v14 =	vshll.u32 v40, $0xD;
	v10 =	vadd.s32 v11, v10  }
0x198: {  	v11 =	vadd.s32 v36, v12;
	v39 =	vshrl.u32 v12, $0x1A;
	v12 =	vshll.u32 v12, $0x6  }
0x199: {  	v30 =	vshrl.u32 v15, $0x11;
	v14 =	vor.u32 v41, v14;
	v12 =	vor.u32 v39, v12  }
0x19a: {  	v38 =	vcvt.s32.f32 v10;
	v14 =	vxor.u32 v42, v14;
	v12 =	vxor.u32 v12, v11  }
0x19b: {  	v43 =	vshrl.u32 v14, $0x11;
	v44 =	vshll.u32 v14, $0xF;
	v12 =	vadd.s32 $0x66CD0879, v12  }
0x19c: {  	v13 =	vadd.s32 v42, v14;
	v45 =	vor.u32 v43, v44;
	v11 =	vadd.s32 v12, v11  }
0x19d: {  	v46 =	vshrl.u32 v12, $0xF;
	v14 =	vxor.u32 v45, v13;
	v12 =	vshll.u32 v12, $0x11  }
0x19e: {  	v11 =	vadd.s32 $0x1022172D, v11;
	v47 =	vshrl.u32 v14, $0x6;
	v48 =	vshll.u32 v14, $0x1A  }
0x19f: {  	v12 =	vor.u32 v46, v12;
	v13 =	vadd.s32 v13, v14;
	v49 =	vor.u32 v47, v48  }
0x1a0: {  	v9 =	vmul.f32 $3.276325150e-05, v38;
	v12 =	vxor.u32 v12, v11;
	v14 =	vxor.u32 v49, v13  }
0x1a1: {  	v50 =	vshrl.u32 v12, $0x3;
	v53 =	vshll.u32 v12, $0x1D;
	v11 =	vadd.s32 v11, v12  }
0x1a2: {  	v51 =	vshrl.u32 v14, $0x1A;
	v52 =	vshll.u32 v14, $0x6;
	v54 =	vor.u32 v50, v53  }
0x1a3: {  	v13 =	vadd.s32 v13, v14;
	v16 =	vor.u32 v51, v52;
	v12 =	vxor.u32 v54, v11  }
0x1a4: {  	v9 =	vtrunc.f32 v9;
	v55 =	vxor.u32 v16, v13;
	v11 =	vadd.s32 v11, v12  }
0x1a5: {  	v57 =	vshrl.u32 v12, $0x10;
	v12 =	vshll.u32 v12, $0x10;
	v14 =	vadd.s32 $0xA1992F1F, v55  }
0x1a6: {  	v9 =	vcvt.f32.s32 v9;
	v12 =	vor.u32 v57, v12;
	v13 =	vadd.s32 v14, v13  }
0x1a7: {  	v56 =	vshrl.u32 v14, $0xF;
	v14 =	vshll.u32 v14, $0x11;
	v12 =	vxor.u32 v12, v11  }
0x1a8: {  	v13 =	vadd.s32 $0x7B3B635, v13;
	v14 =	vor.u32 v56, v14;
	v11 =	vadd.s32 v11, v12  }
0x1a9: {  	v61 =	vshrl.u32 v12, $0x8;
	v12 =	vshll.u32 v12, $0x18;
	v14 =	vxor.u32 v14, v13  }
0x1aa: {  	v12 =	vor.u32 v61, v12;
	v58 =	vshrl.u32 v14, $0x3;
	v59 =	vshll.u32 v14, $0x1D  }
0x1ab: {  	v13 =	vadd.s32 v13, v14;
	v12 =	vxor.u32 v12, v11;
	v60 =	vor.u32 v58, v59  }
0x1ac: {  	v9 =	vmul.u32 $0xFFFF88C6, v9;
	v12 =	vadd.s32 $0x6D3E0491, v12;
	v14 =	vxor.u32 v60, v13  }
0x1ad: {  	v11 =	vadd.s32 v12, v11;
	v62 =	vshrl.u32 v14, $0x10;
	v63 =	vshll.u32 v14, $0x10  }
0x1ae: {  	v23 =	vshrl.u32 v12, $0x13;
	v13 =	vadd.s32 v13, v14;
	v19 =	vor.u32 v62, v63  }
0x1af: {  	v12 =	vshll.u32 v12, $0xD;
	v11 =	vadd.s32 $0x66CD0878, v11;
	v14 =	vxor.u32 v19, v13  }
0x1b0: {  	v12 =	vor.u32 v23, v12;
	v20 =	vshrl.u32 v14, $0x8;
	v21 =	vshll.u32 v14, $0x18  }
0x1b1: {  	v24 =	vxor.u32 v12, v11;
	v13 =	vadd.s32 v13, v14;
	v22 =	vor.u32 v20, v21  }
0x1b2: {  	v9 =	vadd.s32 v10, v9;
	v11 =	vadd.s32 v11, v24;
	v14 =	vxor.u32 v22, v13  }
0x1b3: {  	v35 =	vshrl.u32 v24, $0x11;
	v10 =	vshll.u32 v24, $0xF;
	v14 =	vadd.s32 $0xBDFB82F3, v14  }
0x1b4: {  	v25 =	vadd.s32 v14, v13;
	v26 =	vshrl.u32 v14, $0x13;
	v14 =	vshll.u32 v14, $0xD  }
0x1b5: {  	v10 =	vor.u32 v35, v10;
	v12 =	vadd.s32 $0xA1992F1E, v25;
	v13 =	vor.u32 v26, v14  }
0x1b6: {  	v14 =	vadd.s32 v29, v15;
	v15 =	vshll.u32 v15, $0xF;
	v13 =	vxor.u32 v13, v12  }
0x1b7: {  	v15 =	vor.u32 v30, v15;
	v31 =	vshrl.u32 v13, $0x11;
	v32 =	vshll.u32 v13, $0xF  }
0x1b8: {  	v12 =	vadd.s32 v12, v13;
	v15 =	vxor.u32 v15, v14;
	v33 =	vor.u32 v31, v32  }
0x1b9: {  	v14 =	vadd.s32 v14, v15;
	v34 =	vshrl.u32 v15, $0x6;
	v15 =	vshll.u32 v15, $0x1A  }
0x1ba: {  	v10 =	vxor.u32 v10, v11;
	v15 =	vor.u32 v34, v15;
	v13 =	vxor.u32 v33, v12  }
0x1bb: {  	v11 =	vadd.s32 v11, v10;
	v15 =	vxor.u32 v15, v14;
	v37 =	vshrl.u32 v13, $0x6  }
0x1bc: {  	v38 =	vshll.u32 v13, $0x1A;
	v12 =	vadd.s32 v12, v13;
	v14 =	vadd.s32 v14, v15  }
0x1bd: {  	v36 =	vshrl.u32 v15, $0x1A;
	v15 =	vshll.u32 v15, $0x6;
	v39 =	vor.u32 v37, v38  }
0x1be: {  	v45 =	vshrl.u32 v10, $0x6;
	v15 =	vor.u32 v36, v15;
	v13 =	vxor.u32 v39, v12  }
0x1bf: {  	v10 =	vshll.u32 v10, $0x1A;
	v15 =	vxor.u32 v15, v14;
	v12 =	vadd.s32 v12, v13  }
0x1c0: {  	v41 =	vshrl.u32 v13, $0x1A;
	v13 =	vshll.u32 v13, $0x6;
	v15 =	vadd.s32 $0xD260ABC9, v15  }
0x1c1: {  	v10 =	vor.u32 v45, v10;
	v13 =	vor.u32 v41, v13;
	v14 =	vadd.s32 v15, v14  }
0x1c2: {  	v40 =	vshrl.u32 v15, $0xF;
	v15 =	vshll.u32 v15, $0x11;
	v13 =	vxor.u32 v13, v12  }
0x1c3: {  	v14 =	vadd.s32 $0x45A3D6BE, v14;
	v15 =	vor.u32 v40, v15;
	v13 =	vadd.s32 $0x7B3B638, v13  }
0x1c4: {  	v10 =	vxor.u32 v10, v11;
	v15 =	vxor.u32 v15, v14;
	v12 =	vadd.s32 v13, v12  }
0x1c5: {  	v48 =	vshrl.u32 v13, $0xF;
	v42 =	vshrl.u32 v15, $0x3;
	v43 =	vshll.u32 v15, $0x1D  }
0x1c6: {  	v13 =	vshll.u32 v13, $0x11;
	v14 =	vadd.s32 v14, v15;
	v44 =	vor.u32 v42, v43  }
0x1c7: {  	v12 =	vadd.s32 $0xBDFB82F1, v12;
	v13 =	vor.u32 v48, v13;
	v15 =	vxor.u32 v44, v14  }
0x1c8: {  	v14 =	vadd.s32 v14, v15;
	v46 =	vshrl.u32 v15, $0x10;
	v15 =	vshll.u32 v15, $0x10  }
0x1c9: {  	v11 =	vadd.s32 v11, v10;
	v13 =	vxor.u32 v13, v12;
	v15 =	vor.u32 v46, v15  }
0x1ca: {  	v56 =	vshrl.u32 v10, $0x1A;
	v12 =	vadd.s32 v12, v13;
	v15 =	vxor.u32 v15, v14  }
0x1cb: {  	v14 =	vadd.s32 v14, v15;
	v47 =	vshrl.u32 v15, $0x8;
	v15 =	vshll.u32 v15, $0x18  }
0x1cc: {  	v50 =	vshrl.u32 v13, $0x3;
	v13 =	vshll.u32 v13, $0x1D;
	v15 =	vor.u32 v47, v15  }
0x1cd: {  	v10 =	vshll.u32 v10, $0x6;
	v13 =	vor.u32 v50, v13;
	v15 =	vxor.u32 v15, v14  }
0x1ce: {  	v10 =	vor.u32 v56, v10;
	v13 =	vxor.u32 v13, v12;
	v15 =	vadd.s32 $0x8C1266AE, v15  }
0x1cf: {  	v14 =	vadd.s32 v15, v14;
	v49 =	vshrl.u32 v15, $0x13;
	v15 =	vshll.u32 v15, $0xD  }
0x1d0: {  	v12 =	vadd.s32 v12, v13;
	v14 =	vadd.s32 $0xD260ABC8, v14;
	v15 =	vor.u32 v49, v15  }
0x1d1: {  	v55 =	vshrl.u32 v13, $0x10;
	v13 =	vshll.u32 v13, $0x10;
	v15 =	vxor.u32 v15, v14  }
0x1d2: {  	v13 =	vor.u32 v55, v13;
	v51 =	vshrl.u32 v15, $0x11;
	v52 =	vshll.u32 v15, $0xF  }
0x1d3: {  	v13 =	vxor.u32 v13, v12;
	v14 =	vadd.s32 v14, v15;
	v53 =	vor.u32 v51, v52  }
0x1d4: {  	v10 =	vxor.u32 v10, v11;
	v12 =	vadd.s32 v12, v13;
	v15 =	vxor.u32 v53, v14  }
0x1d5: {  	v14 =	vadd.s32 v14, v15;
	v54 =	vshrl.u32 v15, $0x6;
	v15 =	vshll.u32 v15, $0x1A  }
0x1d6: {  	v58 =	vshrl.u32 v13, $0x8;
	v13 =	vshll.u32 v13, $0x18;
	v15 =	vor.u32 v54, v15  }
0x1d7: {  	v10 =	vadd.s32 $0x10221730, v10;
	v13 =	vor.u32 v58, v13;
	v15 =	vxor.u32 v15, v14  }
0x1d8: {  	v14 =	vadd.s32 v14, v15;
	v57 =	vshrl.u32 v15, $0x1A;
	v15 =	vshll.u32 v15, $0x6  }
0x1d9: {  	v11 =	vadd.s32 v10, v11;
	v13 =	vxor.u32 v13, v12;
	v15 =	vor.u32 v57, v15  }
0x1da: {  	v32 =	vshrl.u32 v10, $0xF;
	v13 =	vadd.s32 $0xA1992F22, v13;
	v15 =	vxor.u32 v15, v14  }
0x1db: {  	v12 =	vadd.s32 v13, v12;
	v63 =	vshrl.u32 v13, $0x13;
	v15 =	vadd.s32 $0x45A3D6C1, v15  }
0x1dc: {  	v14 =	vadd.s32 v15, v14;
	v59 =	vshrl.u32 v15, $0xF;
	v15 =	vshll.u32 v15, $0x11  }
0x1dd: {  	v13 =	vshll.u32 v13, $0xD;
	v14 =	vadd.s32 $0x8C1266AC, v14;
	v15 =	vor.u32 v59, v15  }
0x1de: {  	v10 =	vshll.u32 v10, $0x11;
	v13 =	vor.u32 v63, v13;
	v15 =	vxor.u32 v15, v14  }
0x1df: {  	v12 =	vadd.s32 $0x7B3B635, v12;
	v60 =	vshrl.u32 v15, $0x3;
	v61 =	vshll.u32 v15, $0x1D  }
0x1e0: {  	v13 =	vxor.u32 v13, v12;
	v14 =	vadd.s32 v14, v15;
	v62 =	vor.u32 v60, v61  }
0x1e1: {  	v24 =	vshrl.u32 v13, $0x11;
	v25 =	vshll.u32 v13, $0xF;
	v15 =	vxor.u32 v62, v14  }
0x1e2: {  	v12 =	vadd.s32 v12, v13;
	v20 =	vshrl.u32 v15, $0x10;
	v21 =	vshll.u32 v15, $0x10  }
0x1e3: {  	v26 =	vor.u32 v24, v25;
	v14 =	vadd.s32 v14, v15;
	v22 =	vor.u32 v20, v21  }
0x1e4: {  	v11 =	vadd.s32 $0x6D3E048F, v11;
	v13 =	vxor.u32 v26, v12;
	v15 =	vxor.u32 v22, v14  }
0x1e5: {  	v14 =	vadd.s32 v14, v15;
	v23 =	vshrl.u32 v15, $0x8;
	v15 =	vshll.u32 v15, $0x18  }
0x1e6: {  	v10 =	vor.u32 v32, v10;
	v12 =	vadd.s32 v12, v13;
	v15 =	vor.u32 v23, v15  }
0x1e7: {  	v28 =	vshrl.u32 v13, $0x6;
	v13 =	vshll.u32 v13, $0x1A;
	v15 =	vxor.u32 v15, v14  }
0x1e8: {  	v10 =	vxor.u32 v10, v11;
	v13 =	vor.u32 v28, v13;
	v15 =	vadd.s32 $0xD260ABCC, v15  }
0x1e9: {  	v14 =	vadd.s32 v15, v14;
	v27 =	vshrl.u32 v15, $0x13;
	v15 =	vshll.u32 v15, $0xD  }
0x1ea: {  	v13 =	vxor.u32 v13, v12;
	v14 =	vadd.s32 $0x45A3D6BE, v14;
	v15 =	vor.u32 v27, v15  }
0x1eb: {  	v11 =	vadd.s32 v11, v10;
	v12 =	vadd.s32 v12, v13;
	v15 =	vxor.u32 v15, v14  }
0x1ec: {  	v34 =	vshrl.u32 v13, $0x1A;
	v29 =	vshrl.u32 v15, $0x11;
	v30 =	vshll.u32 v15, $0xF  }
0x1ed: {  	v13 =	vshll.u32 v13, $0x6;
	v14 =	vadd.s32 v14, v15;
	v31 =	vor.u32 v29, v30  }
0x1ee: {  	v36 =	vshrl.u32 v10, $0x3;
	v13 =	vor.u32 v34, v13;
	v15 =	vxor.u32 v31, v14  }
0x1ef: {  	v14 =	vadd.s32 v14, v15;
	v33 =	vshrl.u32 v15, $0x6;
	v15 =	vshll.u32 v15, $0x1A  }
0x1f0: {  	v10 =	vshll.u32 v10, $0x1D;
	v13 =	vxor.u32 v13, v12;
	v15 =	vor.u32 v33, v15  }
0x1f1: {  	v12 =	vadd.s32 $0xA1992F1E, v12;
	v13 =	vadd.s32 $0xBDFB82F6, v13;
	v15 =	vxor.u32 v15, v14  }
0x1f2: {  	v14 =	vadd.s32 v14, v15;
	v35 =	vshrl.u32 v15, $0x1A;
	v15 =	vshll.u32 v15, $0x6  }
0x1f3: {  	v10 =	vor.u32 v36, v10;
	v12 =	vxor.u32 v12, v13;
	v15 =	vor.u32 v35, v15  }
0x1f4: {  	v10 =	vxor.u32 v10, v11;
	v39 =	vshrl.u32 v12, $0x10;
	v15 =	vxor.u32 v15, v14  }
0x1f5: {  	v37 =	vadd.s32 $0xD260ABC8, v14;
	v14 =	vmul.u32 $0x118C, v39;
	v38 =	vadd.s32 $0x8C1266B1, v15  }
0x1f6: {  	v11 =	vadd.s32 v11, v10;
	v12 =	vand.u32 $0xFFFF, v12;
	v13 =	vxor.u32 v37, v38  }
0x1f7: {  	v41 =	vshrl.u32 v10, $0x10;
	v12 =	vadd.s32 v12, v14;
	v40 =	vshrl.u32 v13, $0x10  }
0x1f8: {  	v10 =	vshll.u32 v10, $0x10;
	v14 =	vcvt.s32.f32 v12;
	v15 =	vmul.u32 $0x118C, v40  }
0x1f9: {  	vm5 =	vlt.s32 v9, $0x0;
	v10 =	vor.u32 v41, v10;
	v13 =	vand.u32 $0xFFFF, v13  }
0x1fa: {  	v10 =	vxor.u32 v10, v11;
	v14 =	vmul.f32 $3.276325150e-05, v14;
	v13 =	vadd.s32 v13, v15  }
0x1fb: {  	v11 =	vadd.s32 v11, v10;
	v45 =	vshrl.u32 v10, $0x8;
	v43 =	vcvt.s32.f32 v13  }
0x1fc: {  	v10 =	vshll.u32 v10, $0x18;
	v42 =	vadd.s32 $0x773A, v9;
	v14 =	vtrunc.f32 v14  }
0x1fd: {  	v10 =	vor.u32 v45, v10;
	v14 =	vcvt.f32.s32 v14;
	v44 =	vmul.f32 $3.276325150e-05, v43  }
0x1fe: {  	vm11 =	vlt.u32 v8, $0x26666800;
	v9 =	vsel vm5, v42, v9;
	v10 =	vxor.u32 v10, v11  }
0x1ff: {  	v10 =	vadd.s32 $0x66CD087C, v10;
	v14 =	vmul.u32 $0xFFFF88C6, v14;
	v15 =	vtrunc.f32 v44  }
0x200: {  	vm1 =	vgt.s32 v9, $0x7739;
	v11 =	vadd.s32 v10, v11;
	v15 =	vcvt.f32.s32 v15  }
0x201: {  	v46 =	vadd.s32 $0xFFFF88C6, v9;
	v11 =	vadd.s32 $0x1022172D, v11;
	v12 =	vadd.s32 v12, v14  }
0x202: {  	vm6 =	vlt.s32 v12, $0x0;
	v48 =	vadd.s32 $0x773A, v12;
	v15 =	vmul.u32 $0xFFFF88C6, v15  }
0x203: {  	[tilespmem:s15+$0xFFFFFFF0] =	vst v6;
	v47 =	vshrl.u32 v10, $0x13;
	v10 =	vshll.u32 v10, $0xD;
	v6 =	vsel vm6, v48, v12  }
0x204: {  	v10 =	vor.u32 v47, v10;
	vm8 =	vgt.s32 v6, $0x7739;
	v13 =	vadd.s32 v13, v15  }
0x205: {  	[tilespmem:s13+$0xFFFFFFF0] =	vst v7;
	v50 =	vadd.s32 $0xFFFF88C6, v6;
	vm7 =	vlt.s32 v13, $0x0;
	v49 =	vadd.s32 $0x773A, v13  }
0x206: {  	v10 =	vxor.u32 v10, v11;
	v51 =	vld [tilespmem:s14+$0x0];
	v6 =	vsel vm8, v50, v6;
	v7 =	vsel vm7, v49, v13  }
0x207: {  	v6 =	vmul.u32 $0xBCE, v6;
	vm0 =	vgt.s32 v7, $0x7739;
	v52 =	vadd.s32 $0xFFFF88C6, v7  }
0x208: {  	v9 =	vsel vm1, v46, v9;
	v11 =	vadd.s32 v11, v10;
	v7 =	vsel vm0, v52, v7  }
0x209: {  	v6 =	vadd.s32 v7, v6;
	v7 =	vshrl.u32 v10, $0x11;
	v10 =	vshll.u32 v10, $0xF  }
0x20a: {  	v53 =	vadd.s32 $0xE147AE00, v8;
	v7 =	vor.u32 v7, v10;
	v55 =	vcvt.s32.f32 v6  }
0x20b: {  	vm10 =	vlt.u32 v53, $0x3D70C00;
	v54 =	vsel vm9, $0x67, v51;
	v7 =	vxor.u32 v7, v11  }
0x20c: {  	v56 =	vshrl.u32 v7, $0x6;
	v57 =	vshll.u32 v7, $0x1A;
	v10 =	vmul.f32 $3.276325150e-05, v55  }
0x20d: {  	v8 =	vnsel vm11, $0xFFFFFF9C, v51;
	v7 =	vadd.s32 v11, v7;
	v58 =	vor.u32 v56, v57  }
0x20e: {  	v9 =	vsel vm10, v9, v54;
	v11 =	vxor.u32 v58, v7;
	v10 =	vtrunc.f32 v10  }
0x20f: {  	[tilespmem:s15+$0x0] =	vst v8;
	v59 =	vshrl.u32 v11, $0x1A;
	v60 =	vshll.u32 v11, $0x6;
	v10 =	vcvt.f32.s32 v10  }
0x210: {  	[tilespmem:s13+$0x0] =	vst v9;
	v7 =	vadd.s32 v7, v11;
	v8 =	vor.u32 v59, v60  }
0x211: {  	v9 =	vld [tilespmem:s14+$0x10];
	v8 =	vxor.u32 v8, v7;
	v10 =	vmul.u32 $0xFFFF88C6, v10  }
0x212: {  	v7 =	vadd.s32 $0x66CD0878, v7;
	v8 =	vadd.s32 $0x6D3E0494, v8  }
0x213: {  	s12 =	sadd.s32 $0x4, s12;
	v7 =	vxor.u32 v7, v8;
	v6 =	vadd.s32 v6, v10  }
0x214: {  	p0 =	slt.u32 s12, $0x3C;
	vm12 =	vlt.u32 v7, $0x26666800;
	vm13 =	vlt.s32 v6, $0x0;
	v61 =	vadd.s32 $0x773A, v6  }
.Ltmp0:
0x215: {  	vm14 =	vlt.u32 v7, $0x1EB85200;
	v7 =	vadd.s32 $0xE147AE00, v7;
	v6 =	vsel vm13, v61, v6;
	(pc) =	sbr.rel @p0 .LBB2_2-.Ltmp0, $4  }
0x216: {  	v62 =	vsel vm14, $0x67, v9;
	vm1 =	vgt.s32 v6, $0x7739;
	v63 =	vadd.s32 $0xFFFF88C6, v6  }
0x217: {  	v9 =	vnsel vm12, $0xFFFFFF9C, v9;
	vm15 =	vlt.u32 v7, $0x3D70C00;
	v6 =	vsel vm1, v63, v6  }
0x218: {  	s16 =	sadd.s32 $0x40, s16;
	[tilespmem:s15+$0x10] =	vst v9;
	v6 =	vsel vm15, v6, v62  }
0x219: {  	s14 =	sadd.s32 $0x40, s14;
	s15 =	sadd.s32 $0x40, s15;
	[tilespmem:s13+$0x10] =	vst v6;
	s13 =	sadd.s32 $0x40, s13  }
0x21a: {  	[hbm4b:s4+s2] =	stream.linear.scatter [tilespmem:s9], [sflag:$0x1], $0x400, $0x38;
	[tilespmem:$0xC00] =	vst v63  }
0x21b: {  	s11 =	sadd.s32 $0x1, s11;
	_ =	swait.ge [sflag:s8], $0x400  }
0x21c: {  	p0 =	sne.s32 s11, s6;
	[sflag:s8] =	ssyncset.done $0x0  }
.Ltmp1:
0x21d: {  	[sflag:s8] =	ssyncadd.s32 $0xFFFFFC00;
	(pc) =	sbr.rel @p0 .LBB2_1-.Ltmp1, $4  }
0x21e: {  	[hbm4b:s5+s2] =	stream.linear.scatter [tilespmem:s10], [sflag:$0x1], $0x400, $0x38;
	[tilespmem:$0xC00] =	vst v63  }
0x21f: {  	_ =	swait.ge [sflag:s8], $0x400  }
0x220: {  	[sflag:s8] =	ssyncset.done $0x0  }
0x221: {  	[sflag:s8] =	ssyncadd.s32 $0xFFFFFC00  }
0x222: {  	_ =	sfence.sel $0x180000  }
0x223: {  	[bflag:$0x0] =	sbarrier.arrive $0xFFFF  }
0x224: {  	p0 =	sne.s32 s1, $0x0;
	_ =	strace $0x90000047  }
0x225: {  	s0 =	sadd.s32 @!p0 $0x100000, s0;
	[bflag:$0x2] =	sbarrier.arrive $0xFFFF  }
0x226: {  	[sflag:s0] =	ssyncadd.tile.s32 @!p0 $0x1;
	_ =	shalt  }
.Lfunc_end2:
_tile_overlayer_lowered:
.L_overlay_start_2:
0x227: {  	(tag) =	ssettag $0x2  }
0x228: {  	s0 =	rddreg [dreg:$0x0];
	s2 =	stileid.u32  }
0x229: {  	s1 =	rddreg [dreg:$0x1];
	p0 =	sne.s32 s2, $0x0  }
0x22a: {  	s3 =	rddreg [dreg:$0x2];
	[bflag:$0x3] =	sbarrier.arrive $0xFFFF;
	s2 =	simm.s32 @!p0 $0x1C01  }
0x22b: {  	[timem:s3], [sflag:s2] =	dma.local @!p0 [hbm:s0], s1  }
0x22c: {  	s0 =	simm.s32 @!p0 $0x1  }
0x22d: {  	_ =	swait.ge @!p0 [sflag:s0], s1  }
0x22e: {  	s1 =	ssub.s32 @!p0 $0x0, s1;
	[sflag:s0] =	ssyncset.done @!p0 $0x0  }
0x22f: {  	[sflag:s0] =	ssyncadd.s32 @!p0 s1  }
0x230: {  	[bflag:$0x3] =	sbarrier.arrive $0xFFFF  }
0x231: {  	_ =	shalt  }

</sc_bundles>
